<compile_context>
chip_gen: v7x
topology: tpu7x:2x2x1
jax: 0.10.2.dev20260603
libtpu: 0.0.44.dev20260713+nightly
codegen_flags: <defaults>
</compile_context>

<pallas_src>
import functools

import jax
import jax.numpy as jnp
from jax import lax
from jax.experimental import pallas as pl
from jax.experimental.pallas import tpu as pltpu
from jax.experimental.pallas import tpu_sc as plsc

B, N, DIM, C, K = 32, 49, 128, 32, 128
TAU, TAU_STU = 0.04, 0.1
R = C * K



def _argmax_first(x, size):
    m = jnp.max(x, axis=1, keepdims=True)
    ii = lax.broadcasted_iota(jnp.int32, x.shape, 1)
    return jnp.min(jnp.where(x == m, ii, size), axis=1, keepdims=True)


def _route_body(c_ref, ptr_ref, g2_ref, u_ref, gB_ref, q2d_ref, tcls_ref,
                r2_ref, val_ref, ridx_ref, nptr_ref, scv_ref, rb_ref):
    cpt = c_ref[...]
    ptrf = ptr_ref[...]

    cpt2 = jnp.concatenate([cpt, cpt], axis=0)
    mask2 = jnp.sum(cpt2, axis=1, keepdims=True) == 0
    logits2 = jnp.log(cpt2 + mask2.astype(jnp.float32) + 1e-12) + g2_ref[...]
    cs2 = _argmax_first(logits2, C)
    oh2 = (cs2 == lax.broadcasted_iota(jnp.int32, (2 * B, C), 1)).astype(jnp.float32)
    p2 = jnp.dot(oh2, ptrf, preferred_element_type=jnp.float32)
    size2 = jnp.clip(p2[:, 1:2], 0.0, float(K))
    pos2 = jnp.minimum(
        jnp.floor(u_ref[...] * jnp.maximum(size2, 1.0)).astype(jnp.int32), K - 1)
    valid = (size2 != 0.0) & jnp.logical_not(mask2)
    r2_ref[...] = cs2 * K + pos2
    val_ref[...] = valid.astype(jnp.int32)

    maskB = jnp.sum(cpt, axis=1, keepdims=True) == 0
    logitsB = jnp.log(cpt + maskB.astype(jnp.float32) + 1e-12) + gB_ref[...]
    csB = _argmax_first(logitsB, C)
    ohB = (csB == lax.broadcasted_iota(jnp.int32, (B, C), 1)).astype(jnp.float32)
    pB = jnp.dot(ohB, ptrf, preferred_element_type=jnp.float32)
    ptrB0 = pB[:, 0:1].astype(jnp.int32)
    ptrB1f = pB[:, 1:2]
    posB = lax.rem(ptrB0 + 1, K)
    do = jnp.logical_not(maskB)
    rB = csB * K + posB

    S = (lax.broadcasted_iota(jnp.int32, (B, B), 0)
         < lax.broadcasted_iota(jnp.int32, (B, B), 1)).astype(jnp.float32)
    ohR = (rB == lax.broadcasted_iota(jnp.int32, (B, R), 1)).astype(jnp.float32)
    later = jnp.dot(S, ohR, preferred_element_type=jnp.float32)
    eff = do & (jnp.sum(ohR * later, axis=1, keepdims=True) == 0)
    laterB = jnp.dot(S, ohB, preferred_element_type=jnp.float32)
    effp = do & (jnp.sum(ohB * laterB, axis=1, keepdims=True) == 0)
    ridx_ref[...] = jnp.where(eff, rB, -1)
    rb_ref[...] = rB

    dn = (((1,), (1,)), ((), ()))

    M = lax.dot_general(ohR, ohR, dn, preferred_element_type=jnp.float32)
    E = lax.dot_general(jnp.ones((B, 1), jnp.float32), eff.astype(jnp.float32),
                        dn, preferred_element_type=jnp.float32)
    Wfin = M * E
    valsW = jnp.dot(Wfin, tcls_ref[...], preferred_element_type=jnp.float32)
    rowhas = jnp.sum(Wfin, axis=1, keepdims=True)
    orig = jnp.dot(ohR, q2d_ref[...], preferred_element_type=jnp.float32)
    scv_ref[...] = valsW + (1.0 - rowhas) * orig

    dn0 = (((0,), (0,)), ((), ()))
    w = ohB * effp.astype(jnp.float32)
    hit = lax.dot_general(w, jnp.ones((B, 1), jnp.float32), dn0,
                          preferred_element_type=jnp.float32)
    n0 = lax.dot_general(w, posB.astype(jnp.float32), dn0,
                         preferred_element_type=jnp.float32)
    v1 = jnp.clip(ptrB1f + 1.0, 0.0, float(K))
    n1 = lax.dot_general(w, v1, dn0, preferred_element_type=jnp.float32)
    new0 = jnp.where(hit > 0, n0, ptrf[:, 0:1])
    new1 = jnp.where(hit > 0, n1, ptrf[:, 1:2])
    nptr_ref[...] = jnp.concatenate([new0, new1], axis=1).astype(jnp.int32)


def _route(concept, queue_ptr, g2, u, gB, q2d, tclsB):
    return pl.pallas_call(
        _route_body,
        out_shape=[
            jax.ShapeDtypeStruct((2 * B, 1), jnp.int32),
            jax.ShapeDtypeStruct((2 * B, 1), jnp.int32),
            jax.ShapeDtypeStruct((B, 1), jnp.int32),
            jax.ShapeDtypeStruct((C, 2), jnp.int32),
            jax.ShapeDtypeStruct((B, DIM), jnp.float32),
            jax.ShapeDtypeStruct((B, 1), jnp.int32),
        ],
    )(concept, queue_ptr.astype(jnp.float32), g2, u[:, None], gB, q2d, tclsB)



def _sc_queue(q2d, scvals, rb):
    info = plsc.get_sparse_core_info()
    nsub = info.num_subcores
    rows_per = R // nsub

    @functools.partial(
        pl.kernel,
        mesh=plsc.VectorSubcoreMesh(core_axis_name="c", subcore_axis_name="s"),
        out_type=jax.ShapeDtypeStruct((R, DIM), jnp.float32),
        scratch_types=[
            pltpu.VMEM((rows_per, DIM), jnp.float32),
            pltpu.VMEM((B,), jnp.int32),
            pltpu.VMEM((B, DIM), jnp.float32),
            pltpu.SemaphoreType.DMA,
        ],
    )
    def qk(q_ref, vals_ref, idx_ref, out_ref, rows_v, idx_v, vals_v, sem):
        cid = lax.axis_index("c")
        sid = lax.axis_index("s")

        @pl.when(cid == 0)
        def _():
            base = sid * rows_per
            pltpu.sync_copy(q_ref.at[pl.ds(base, rows_per)], rows_v)
            pltpu.sync_copy(rows_v, out_ref.at[pl.ds(base, rows_per)])
            plsc.subcore_barrier()

            @pl.when(sid == 0)
            def _():
                pltpu.sync_copy(idx_ref, idx_v)
                pltpu.sync_copy(vals_ref, vals_v)
                pltpu.async_copy(vals_v, out_ref.at[idx_v], sem).wait()

    return qk(q2d, scvals, rb)



def _bigcopy_body(ridx_ref, r2_ref, qg_ref, gs_ref, og_ref, q2a_ref, q2b_ref):
    og_ref[...] = qg_ref[...]
    base = pl.program_id(0) * K
    for i in range(B):
        r = ridx_ref[i]

        @pl.when((r >= base) & (r < base + K))
        def _(i=i, r=r):
            og_ref[0, :, pl.ds(r - base, 1), :] = gs_ref[:, i, :][:, None, :]

    for j in range(2 * B):
        rj = r2_ref[j]

        @pl.when((rj >= base) & (rj < base + K))
        def _(j=j, rj=rj):
            v = qg_ref[0, :, pl.ds(rj - base, 1), :].reshape(2 * N, DIM)
            q2a_ref[j] = v[:N]
            q2b_ref[j] = v[N:]


def _bigcopy(ridx, r2, qgT, gsT):
    grid_spec = pltpu.PrefetchScalarGridSpec(
        num_scalar_prefetch=2,
        grid=(C,),
        in_specs=[
            pl.BlockSpec((1, 2 * N, K, DIM), lambda g, s1, s2: (g, 0, 0, 0)),
            pl.BlockSpec((2 * N, B, DIM), lambda g, s1, s2: (0, 0, 0)),
        ],
        out_specs=[
            pl.BlockSpec((1, 2 * N, K, DIM), lambda g, s1, s2: (g, 0, 0, 0)),
            pl.BlockSpec((2 * B, N, DIM), lambda g, s1, s2: (0, 0, 0)),
            pl.BlockSpec((2 * B, N, DIM), lambda g, s1, s2: (0, 0, 0)),
        ],
    )
    return pl.pallas_call(
        _bigcopy_body,
        grid_spec=grid_spec,
        out_shape=[
            jax.ShapeDtypeStruct((C, 2 * N, K, DIM), jnp.float32),
            jax.ShapeDtypeStruct((2 * B, N, DIM), jnp.float32),
            jax.ShapeDtypeStruct((2 * B, N, DIM), jnp.float32),
        ],
    )(ridx, r2, qgT, gsT)



def _loss_body(q2a_ref, q2b_ref, tr_ref, tf_ref, sr_ref, sf_ref, vf_ref,
               cg_ref, out_ref, acc_ref):
    t = pl.program_id(0)

    @pl.when(t == 0)
    def _():
        acc_ref[0] = 0.0

    vm = (vf_ref[...] != 0.0)[:, :, None]
    ret2 = jnp.where(vm, q2a_ref[...], tr_ref[...])
    ret3 = jnp.where(vm, q2b_ref[...], tf_ref[...])

    x = (ret2 - cg_ref[...]) / TAU
    x = x - jnp.max(x, axis=-1, keepdims=True)
    e = jnp.exp(x)
    t_region = e / jnp.sum(e, axis=-1, keepdims=True)

    tn = ret3 / jnp.maximum(
        jnp.sqrt(jnp.sum(ret3 * ret3, axis=-1, keepdims=True)), 1e-12)
    sfv = sf_ref[...]
    sn = sfv / jnp.maximum(
        jnp.sqrt(jnp.sum(sfv * sfv, axis=-1, keepdims=True)), 1e-12)

    s = sr_ref[...] / TAU_STU
    ls = s - jnp.max(s, axis=-1, keepdims=True)
    ls = ls - jnp.log(jnp.sum(jnp.exp(ls), axis=-1, keepdims=True))

    total = 0.0
    for i in range(B):
        sim = lax.dot_general(sn[i], tn[i], (((1,), (1,)), ((), ())),
                              preferred_element_type=jnp.float32)
        mx = jnp.max(sim, axis=1, keepdims=True)
        ii = lax.broadcasted_iota(jnp.int32, sim.shape, 1)
        ind = jnp.min(jnp.where(sim == mx, ii, N), axis=1, keepdims=True)
        oh = (ind == lax.broadcasted_iota(jnp.int32, (N, N), 1)).astype(jnp.float32)
        t_indexed = jnp.dot(oh, t_region[i], preferred_element_type=jnp.float32)
        total = total + jnp.mean(jnp.sum(-t_indexed * ls[i], axis=-1))
    acc_ref[0] += 0.5 * total

    @pl.when(t == pl.num_programs(0) - 1)
    def _():
        out_ref[...] = jnp.full((1, 1), acc_ref[0] / (2.0 * B), jnp.float32)


def _loss(validf, q2a, q2b, t_region_out, t_fea, s_region_out, s_fea,
          center_grid):
    trow = pl.BlockSpec((B, N, DIM), lambda t: (t, 0, 0))
    srow = pl.BlockSpec((B, N, DIM), lambda t: (1 - t, 0, 0))
    grid_spec = pltpu.PrefetchScalarGridSpec(
        num_scalar_prefetch=0,
        grid=(2,),
        in_specs=[
            trow, trow, trow, trow, srow, srow,
            pl.BlockSpec((B, 1), lambda t: (t, 0)),
            pl.BlockSpec((1, DIM), lambda t: (0, 0)),
        ],
        out_specs=pl.BlockSpec((1, 1), lambda t: (0, 0)),
        scratch_shapes=[pltpu.SMEM((1,), jnp.float32)],
    )
    out = pl.pallas_call(
        _loss_body,
        grid_spec=grid_spec,
        out_shape=jax.ShapeDtypeStruct((1, 1), jnp.float32),
    )(q2a, q2b, t_region_out, t_fea, s_region_out, s_fea, validf, center_grid)
    return out[0, 0]



def kernel(t_cls_out, t_region_out, t_fea, s_cls_out, s_region_out, s_fea,
           concept, queue, queue_grid, queue_ptr, center, center_grid):
    key = jax.random.key(42)
    k1, k2, k3 = jax.random.split(key, 3)
    g2 = jax.random.gumbel(k1, (2 * B, C), jnp.float32)
    u = jax.random.uniform(k2, (2 * B,))
    gB = jax.random.gumbel(k3, (B, C), jnp.float32)

    q2d = queue.reshape(R, DIM)
    r2, valid, ridx, new_ptr, scvals, rb = _route(
        concept, queue_ptr, g2, u, gB, q2d, t_cls_out[:B])

    new_q = _sc_queue(q2d, scvals, rb.reshape(B))

    qgT = queue_grid.transpose(0, 2, 1, 3)
    gsT = jnp.concatenate([t_region_out[:B].transpose(1, 0, 2),
                           t_fea[:B].transpose(1, 0, 2)], axis=0)

    new_qgT, q2a, q2b = _bigcopy(ridx.reshape(B), r2.reshape(2 * B), qgT, gsT)

    total_loss = _loss(valid.astype(jnp.float32), q2a, q2b,
                       t_region_out, t_fea, s_region_out, s_fea, center_grid)

    return (total_loss,
            new_q.reshape(C, K, DIM),
            new_qgT.transpose(0, 2, 1, 3),
            new_ptr)

# --- scband reference (transcript-rebuilt; emitter-appended) ---
"""Pipeline reference for scband-mo-co-86397562126951 (READ-ONLY COPY).

The authoritative reference and input builder live on the scoring server;
editing this copy changes nothing except your own understanding.
"""

import jax, jax.numpy as jnp
import numpy as np

B, N, DIM, C, K = 32, 49, 128, 32, 128
TAU, TAU_STU, LOCAL_ONLY = 0.04, 0.1, 1


def setup_inputs(seed: int = 0):
    key = jax.random.key(seed)
    ks = jax.random.split(key, 10)
    return {
        "t_cls_out": jax.random.normal(ks[0], (2 * B, DIM), jnp.float32),
        "t_region_out": jax.random.normal(ks[1], (2 * B, N, DIM), jnp.float32),
        "t_fea": jax.random.normal(ks[2], (2 * B, N, DIM), jnp.float32),
        "s_cls_out": jax.random.normal(ks[3], (2 * B, DIM), jnp.float32),
        "s_region_out": jax.random.normal(ks[4], (2 * B, N, DIM), jnp.float32),
        "s_fea": jax.random.normal(ks[5], (2 * B, N, DIM), jnp.float32),
        "concept": jax.random.uniform(ks[6], (B, C), jnp.float32),
        "queue": jax.random.uniform(ks[7], (C, K, DIM), jnp.float32),
        "queue_grid": jax.random.uniform(ks[8], (C, K, 2 * N, DIM), jnp.float32),
        "queue_ptr": jax.random.randint(ks[9], (C, 2), 0, K).astype(jnp.int32),
        "center": jnp.zeros((1, DIM), jnp.float32),
        "center_grid": jnp.zeros((1, DIM), jnp.float32),
    }


def _l2norm(x):
    return x / jnp.maximum(jnp.linalg.norm(x, axis=-1, keepdims=True), 1e-12)


def _esvit_loss(t_cls_out, t_region_flat, t_fea_flat, s_cls_out, s_region_flat, s_fea_flat, center, center_grid):
    Bfull = s_cls_out.shape[0]
    Bh = Bfull // 2
    half = t_region_flat.shape[0] // 2
    Nn = half // Bh
    t_cls_all = jax.lax.stop_gradient(jax.nn.softmax((t_cls_out - center) / TAU, axis=-1))
    t_cls = (t_cls_all[:Bh], t_cls_all[Bh:])
    t_region_all = jax.lax.stop_gradient(jax.nn.softmax((t_region_flat - center_grid) / TAU, axis=-1))
    t_region = (t_region_all[:half], t_region_all[half:])
    t_fea = (t_fea_flat[:half], t_fea_flat[half:])
    s_cls_all = s_cls_out / TAU
    s_cls = (s_cls_all[:Bh], s_cls_all[Bh:])
    s_region_all = s_region_flat / TAU_STU
    s_region = (s_region_all[:half], s_region_all[half:])
    s_fea_sp = (s_fea_flat[:half], s_fea_flat[half:])
    total_loss = 0.0
    n_terms = 0
    for iq in range(2):
        for v in range(2):
            if v == iq:
                continue
            loss = 0.5 * jnp.sum(-t_cls[iq] * jax.nn.log_softmax(s_cls[v], axis=-1), axis=-1)
            if LOCAL_ONLY == 1:
                loss = loss * 0.0
            s_region_cur = s_region[v].reshape(Bh, Nn, -1)
            s_fea_cur = s_fea_sp[v].reshape(Bh, Nn, -1)
            t_region_cur = t_region[iq].reshape(Bh, Nn, -1)
            t_fea_cur = t_fea[iq].reshape(Bh, Nn, -1)
            sim = jnp.matmul(_l2norm(s_fea_cur), jnp.transpose(_l2norm(t_fea_cur), (0, 2, 1)))
            ind = jnp.argmax(sim, axis=2)
            t_indexed = jnp.take_along_axis(t_region_cur, ind[:, :, None], axis=1)
            loss_grid = jnp.sum(-t_indexed * jax.nn.log_softmax(s_region_cur, axis=-1), axis=-1).mean(-1)
            loss = loss + 0.5 * loss_grid
            total_loss = total_loss + loss.mean()
            n_terms += 1
    return total_loss / n_terms


def reference(t_cls_out, t_region_out, t_fea, s_cls_out, s_region_out, s_fea, concept, queue, queue_grid, queue_ptr, center, center_grid):
    key = jax.random.key(42)
    k1, k2, k3 = jax.random.split(key, 3)
    # ---- dequeue_with_concept: sample concept per example, gather from ring buffers ----
    concept2 = jnp.concatenate([concept, concept], axis=0)
    mask2 = concept2.sum(axis=-1) == 0
    concept2 = concept2 + mask2[:, None].astype(concept2.dtype)
    cs2 = jax.random.categorical(k1, jnp.log(concept2 + 1e-12), axis=-1)
    ptr2 = queue_ptr[cs2]
    size2 = jnp.clip(ptr2[:, 1], 0, K)
    u = jax.random.uniform(k2, (2 * B,))
    pos2 = jnp.floor(u * jnp.maximum(size2, 1).astype(jnp.float32)).astype(jnp.int32)
    pos2 = jnp.minimum(pos2, K - 1)
    valid = (size2 != 0) & (~mask2)
    q_cls = queue[cs2, pos2]
    q_grid = queue_grid[cs2, pos2]
    ret1 = jnp.where(valid[:, None], q_cls, t_cls_out)
    ret2 = jnp.where(valid[:, None, None], q_grid[:, :N], t_region_out)
    ret3 = jnp.where(valid[:, None, None], q_grid[:, N:], t_fea)
    # ---- enqueue_with_concept: scatter-overwrite teacher feats into queues ----
    maskB = concept.sum(axis=-1) == 0
    conB = concept + maskB[:, None].astype(concept.dtype)
    csB = jax.random.categorical(k3, jnp.log(conB + 1e-12), axis=-1)
    ptrB = queue_ptr[csB]
    posB = (ptrB[:, 0] + 1) % K
    do = ~maskB
    cls_val = jnp.where(do[:, None], jax.lax.stop_gradient(t_cls_out[:B]), queue[csB, posB])
    grid_src = jnp.concatenate([t_region_out[:B], t_fea[:B]], axis=1)
    grid_val = jnp.where(do[:, None, None], jax.lax.stop_gradient(grid_src), queue_grid[csB, posB])
    new_queue = queue.at[csB, posB].set(cls_val)
    new_queue_grid = queue_grid.at[csB, posB].set(grid_val)
    new_ptr = queue_ptr.at[csB, 0].set(jnp.where(do, posB, ptrB[:, 0]).astype(queue_ptr.dtype))
    new_ptr = new_ptr.at[csB, 1].set(jnp.where(do, jnp.clip(ptrB[:, 1] + 1, 0, K), ptrB[:, 1]).astype(queue_ptr.dtype))
    # ---- token_level_esvit on dequeued target vs student ----
    t_region_flat = jnp.concatenate([ret2[:B].reshape(B * N, -1), ret2[B:].reshape(B * N, -1)])
    t_fea_flat = jnp.concatenate([ret3[:B].reshape(B * N, -1), ret3[B:].reshape(B * N, -1)])
    s_region_flat = jnp.concatenate([s_region_out[:B].reshape(B * N, -1), s_region_out[B:].reshape(B * N, -1)])
    s_fea_flat = jnp.concatenate([s_fea[:B].reshape(B * N, -1), s_fea[B:].reshape(B * N, -1)])
    total_loss = _esvit_loss(ret1, t_region_flat, t_fea_flat, s_cls_out, s_region_flat, s_fea_flat, center, center_grid)
    return (total_loss, new_queue, new_queue_grid, new_ptr)

if __name__ == "__main__":
    import jax
    _d = setup_inputs()
    print(jax.jit(kernel)(*tuple(_d.values())))

</pallas_src>

<mosaic_0001>
#map = affine_map<(d0, d1) -> (0, 0)>
#map1 = affine_map<(d0, d1) -> (0)>
module attributes {stable_mosaic.version = 14 : i64} {
  func.func @qk(%arg0: i32, %arg1: i32, %arg2: memref<4096x128xf32, #tpu.memory_space<hbm>>, %arg3: memref<32x128xf32, #tpu.memory_space<hbm>>, %arg4: memref<32xi32, #tpu.memory_space<hbm>>, %arg5: memref<4096x128xf32, #tpu.memory_space<hbm>>, %arg6: memref<256x128xf32, #tpu.memory_space<vmem>>, %arg7: memref<32xi32, #tpu.memory_space<vmem>>, %arg8: memref<32x128xf32, #tpu.memory_space<vmem>>, %arg9: memref<!tpu.dma_semaphore, #tpu.memory_space<semaphore_mem>>) attributes {dimension_semantics = [#tpu.dimension_semantics<core_parallel>, #tpu.dimension_semantics<subcore_parallel>], iteration_bounds = array<i64: 2, 16>, scalar_prefetch = 0 : i64, scratch_operands = 4 : i64, tpu.core_type = #tpu.core_type<sc_vector_subcore>, window_params = [{transform_indices = #map}, {transform_indices = #map}, {transform_indices = #map1}, {transform_indices = #map}]} {
    %eq3A = arith.constant 0 : i32
    %eq3A_0 = arith.cmpi eq, %arg0, %eq3A : i32
    %convert_element_type3A = arith.extui %eq3A_0 : i1 to i32
    %cond3A = arith.constant 0 : i32
    %cond3A_1 = arith.cmpi ne, %convert_element_type3A, %cond3A : i32
    scf.if %cond3A_1 {
      %mul3A = arith.constant 256 : i32
      %mul3A_2 = arith.muli %arg1, %mul3A : i32
      "tpu.region"() ({
        %run_scoped3A = tpu.sem_alloc : memref<!tpu.dma_semaphore, #tpu.memory_space<semaphore_mem>>
        %dma_start3A = arith.constant 0 : i32
        %dma_start3A_8 = tpu.memref_slice %arg2[%mul3A_2, %dma_start3A] : memref<4096x128xf32, #tpu.memory_space<hbm>> -> memref<256x128xf32, #tpu.memory_space<hbm>>
        %dma_start3A_9 = arith.constant 0 : i32
        %dma_start3A_10 = tpu.memref_slice %arg2[%mul3A_2, %dma_start3A_9] : memref<4096x128xf32, #tpu.memory_space<hbm>> -> memref<256x128xf32, #tpu.memory_space<hbm>>
        tpu.enqueue_dma source(%dma_start3A_10 : memref<256x128xf32, #tpu.memory_space<hbm>>) target(%arg6 : memref<256x128xf32, #tpu.memory_space<vmem>>) target_semaphore(%run_scoped3A : memref<!tpu.dma_semaphore, #tpu.memory_space<semaphore_mem>>)
        %dma_wait3A = arith.constant 0 : i32
        %dma_wait3A_11 = tpu.memref_slice %arg2[%mul3A_2, %dma_wait3A] : memref<4096x128xf32, #tpu.memory_space<hbm>> -> memref<256x128xf32, #tpu.memory_space<hbm>>
        %dma_wait3A_12 = arith.constant 0 : i32
        %dma_wait3A_13 = tpu.memref_slice %arg2[%mul3A_2, %dma_wait3A_12] : memref<4096x128xf32, #tpu.memory_space<hbm>> -> memref<256x128xf32, #tpu.memory_space<hbm>>
        tpu.wait_dma2 semaphore(%run_scoped3A : memref<!tpu.dma_semaphore, #tpu.memory_space<semaphore_mem>>) src(%dma_wait3A_13 : memref<256x128xf32, #tpu.memory_space<hbm>>) dst(%arg6 : memref<256x128xf32, #tpu.memory_space<vmem>>)
        tpu.yield
      }) : () -> ()
      "tpu.region"() ({
        %run_scoped3A = tpu.sem_alloc : memref<!tpu.dma_semaphore, #tpu.memory_space<semaphore_mem>>
        %dma_start3A = arith.constant 0 : i32
        %dma_start3A_8 = tpu.memref_slice %arg5[%mul3A_2, %dma_start3A] : memref<4096x128xf32, #tpu.memory_space<hbm>> -> memref<256x128xf32, #tpu.memory_space<hbm>>
        %dma_start3A_9 = arith.constant 0 : i32
        %dma_start3A_10 = tpu.memref_slice %arg5[%mul3A_2, %dma_start3A_9] : memref<4096x128xf32, #tpu.memory_space<hbm>> -> memref<256x128xf32, #tpu.memory_space<hbm>>
        tpu.enqueue_dma source(%arg6 : memref<256x128xf32, #tpu.memory_space<vmem>>) target(%dma_start3A_10 : memref<256x128xf32, #tpu.memory_space<hbm>>) target_semaphore(%run_scoped3A : memref<!tpu.dma_semaphore, #tpu.memory_space<semaphore_mem>>)
        %dma_wait3A = arith.constant 0 : i32
        %dma_wait3A_11 = tpu.memref_slice %arg5[%mul3A_2, %dma_wait3A] : memref<4096x128xf32, #tpu.memory_space<hbm>> -> memref<256x128xf32, #tpu.memory_space<hbm>>
        %dma_wait3A_12 = arith.constant 0 : i32
        %dma_wait3A_13 = tpu.memref_slice %arg5[%mul3A_2, %dma_wait3A_12] : memref<4096x128xf32, #tpu.memory_space<hbm>> -> memref<256x128xf32, #tpu.memory_space<hbm>>
        tpu.wait_dma2 semaphore(%run_scoped3A : memref<!tpu.dma_semaphore, #tpu.memory_space<semaphore_mem>>) src(%arg6 : memref<256x128xf32, #tpu.memory_space<vmem>>) dst(%dma_wait3A_13 : memref<256x128xf32, #tpu.memory_space<hbm>>)
        tpu.yield
      }) : () -> ()
      %barrier3A = arith.constant 0 : index
      tpu.barrier barrier_id(%barrier3A)
      %eq3A_3 = arith.constant 0 : i32
      %eq3A_4 = arith.cmpi eq, %arg1, %eq3A_3 : i32
      %convert_element_type3A_5 = arith.extui %eq3A_4 : i1 to i32
      %cond3A_6 = arith.constant 0 : i32
      %cond3A_7 = arith.cmpi ne, %convert_element_type3A_5, %cond3A_6 : i32
      scf.if %cond3A_7 {
        "tpu.region"() ({
          %run_scoped3A = tpu.sem_alloc : memref<!tpu.dma_semaphore, #tpu.memory_space<semaphore_mem>>
          tpu.enqueue_dma source(%arg4 : memref<32xi32, #tpu.memory_space<hbm>>) target(%arg7 : memref<32xi32, #tpu.memory_space<vmem>>) target_semaphore(%run_scoped3A : memref<!tpu.dma_semaphore, #tpu.memory_space<semaphore_mem>>)
          tpu.wait_dma2 semaphore(%run_scoped3A : memref<!tpu.dma_semaphore, #tpu.memory_space<semaphore_mem>>) src(%arg4 : memref<32xi32, #tpu.memory_space<hbm>>) dst(%arg7 : memref<32xi32, #tpu.memory_space<vmem>>)
          tpu.yield
        }) : () -> ()
        "tpu.region"() ({
          %run_scoped3A = tpu.sem_alloc : memref<!tpu.dma_semaphore, #tpu.memory_space<semaphore_mem>>
          tpu.enqueue_dma source(%arg3 : memref<32x128xf32, #tpu.memory_space<hbm>>) target(%arg8 : memref<32x128xf32, #tpu.memory_space<vmem>>) target_semaphore(%run_scoped3A : memref<!tpu.dma_semaphore, #tpu.memory_space<semaphore_mem>>)
          tpu.wait_dma2 semaphore(%run_scoped3A : memref<!tpu.dma_semaphore, #tpu.memory_space<semaphore_mem>>) src(%arg3 : memref<32x128xf32, #tpu.memory_space<hbm>>) dst(%arg8 : memref<32x128xf32, #tpu.memory_space<vmem>>)
          tpu.yield
        }) : () -> ()
        %dma_start3A = arith.constant 0 : i32
        %dma_start3A_8 = arith.constant 0 : i32
        %dma_start3A_9 = tpu.memref_slice %arg5[%dma_start3A, %dma_start3A_8] : memref<4096x128xf32, #tpu.memory_space<hbm>> -> memref<4096x128xf32, #tpu.memory_space<hbm>>
        tpu.enqueue_indirect_dma source(%arg8 : memref<32x128xf32, #tpu.memory_space<vmem>>) target(%dma_start3A_9 : memref<4096x128xf32, #tpu.memory_space<hbm>>) offsets(%arg7 : memref<32xi32, #tpu.memory_space<vmem>>) semaphore(%arg9 : memref<!tpu.dma_semaphore, #tpu.memory_space<semaphore_mem>>)
        %dma_wait3A = arith.constant 0 : i32
        %dma_wait3A_10 = arith.constant 0 : i32
        %dma_wait3A_11 = tpu.memref_slice %arg5[%dma_wait3A, %dma_wait3A_10] : memref<4096x128xf32, #tpu.memory_space<hbm>> -> memref<4096x128xf32, #tpu.memory_space<hbm>>
        tpu.wait_indirect_dma semaphore(%arg9 : memref<!tpu.dma_semaphore, #tpu.memory_space<semaphore_mem>>) src(%arg8 : memref<32x128xf32, #tpu.memory_space<vmem>>) dst(%dma_wait3A_11 : memref<4096x128xf32, #tpu.memory_space<hbm>>)
      } else {
      }
    } else {
    }
    return
  }
}

module attributes {stable_mosaic.version = 14 : i64} {
  func.func @_route_body(%arg0: memref<32x32xf32, #tpu.memory_space<vmem>>, %arg1: memref<32x2xf32, #tpu.memory_space<vmem>>, %arg2: memref<64x32xf32, #tpu.memory_space<vmem>>, %arg3: memref<64x1xf32, #tpu.memory_space<vmem>>, %arg4: memref<32x32xf32, #tpu.memory_space<vmem>>, %arg5: memref<4096x128xf32, #tpu.memory_space<vmem>>, %arg6: memref<32x128xf32, #tpu.memory_space<vmem>>, %arg7: memref<64x1xi32, #tpu.memory_space<vmem>>, %arg8: memref<64x1xi32, #tpu.memory_space<vmem>>, %arg9: memref<32x1xi32, #tpu.memory_space<vmem>>, %arg10: memref<32x2xi32, #tpu.memory_space<vmem>>, %arg11: memref<32x128xf32, #tpu.memory_space<vmem>>, %arg12: memref<32x1xi32, #tpu.memory_space<vmem>>) attributes {dimension_semantics = [], scalar_prefetch = 0 : i64, scratch_operands = 0 : i64, tpu.core_type = #tpu.core_type<tc>} {
    %get3A = arith.constant 0 : index
    %get3A_0 = arith.constant 0 : index
    %get3A_1 = vector.load %arg0[%get3A, %get3A_0] : memref<32x32xf32, #tpu.memory_space<vmem>>, vector<32x32xf32>
    %get3A_2 = arith.constant 0 : index
    %get3A_3 = arith.constant 0 : index
    %get3A_4 = vector.load %arg1[%get3A_2, %get3A_3] : memref<32x2xf32, #tpu.memory_space<vmem>>, vector<32x2xf32>
    %concatenate3A = tpu.concatenate %get3A_1, %get3A_1 in 0 : vector<32x32xf32>, vector<32x32xf32> -> vector<64x32xf32>
    %reduce_sum3A = arith.constant dense<0.000000e+00> : vector<64xf32>
    %reduce_sum3A_5 = vector.multi_reduction <add>, %concatenate3A, %reduce_sum3A [1] : vector<64x32xf32> to vector<64xf32>
    %broadcast_in_dim3A = vector.shape_cast %reduce_sum3A_5 : vector<64xf32> to vector<64x1xf32>
    %eq3A = arith.constant 0.000000e+00 : f32
    %eq3A_6 = vector.broadcast %eq3A : f32 to vector<64x1xf32>
    %eq3A_7 = arith.cmpf oeq, %broadcast_in_dim3A, %eq3A_6 : vector<64x1xf32>
    %convert_element_type3A = arith.extui %eq3A_7 : vector<64x1xi1> to vector<64x1xi32>
    %convert_element_type3A_8 = arith.sitofp %convert_element_type3A : vector<64x1xi32> to vector<64x1xf32>
    %add3A = vector.broadcast %convert_element_type3A_8 : vector<64x1xf32> to vector<64x32xf32>
    %add3A_9 = arith.addf %concatenate3A, %add3A : vector<64x32xf32>
    %add3A_10 = arith.constant 9.99999996E-13 : f32
    %add3A_11 = vector.broadcast %add3A_10 : f32 to vector<64x32xf32>
    %add3A_12 = arith.addf %add3A_9, %add3A_11 : vector<64x32xf32>
    %log3A = math.log %add3A_12 : vector<64x32xf32>
    %get3A_13 = arith.constant 0 : index
    %get3A_14 = arith.constant 0 : index
    %get3A_15 = vector.load %arg2[%get3A_13, %get3A_14] : memref<64x32xf32, #tpu.memory_space<vmem>>, vector<64x32xf32>
    %add3A_16 = arith.addf %log3A, %get3A_15 : vector<64x32xf32>
    %reduce_max3A = arith.constant dense<0xFF800000> : vector<64xf32>
    %reduce_max3A_17 = vector.multi_reduction <maximumf>, %add3A_16, %reduce_max3A [1] : vector<64x32xf32> to vector<64xf32>
    %broadcast_in_dim3A_18 = vector.shape_cast %reduce_max3A_17 : vector<64xf32> to vector<64x1xf32>
    %iota3A = tpu.iota {dimensions = array<i32: 1>} : vector<64x32xi32>
    %eq3A_19 = vector.broadcast %broadcast_in_dim3A_18 : vector<64x1xf32> to vector<64x32xf32>
    %eq3A_20 = arith.cmpf oeq, %add3A_16, %eq3A_19 : vector<64x32xf32>
    %jit3A = arith.constant 32 : i32
    %broadcast_in_dim3A_21 = vector.broadcast %jit3A : i32 to vector<64x32xi32>
    %select_n3A = arith.select %eq3A_20, %iota3A, %broadcast_in_dim3A_21 : vector<64x32xi1>, vector<64x32xi32>
    %reduce_min3A = arith.constant dense<2147483647> : vector<64xi32>
    %reduce_min3A_22 = vector.multi_reduction <minsi>, %select_n3A, %reduce_min3A [1] : vector<64x32xi32> to vector<64xi32>
    %broadcast_in_dim3A_23 = vector.shape_cast %reduce_min3A_22 : vector<64xi32> to vector<64x1xi32>
    %iota3A_24 = tpu.iota {dimensions = array<i32: 1>} : vector<64x32xi32>
    %eq3A_25 = vector.broadcast %broadcast_in_dim3A_23 : vector<64x1xi32> to vector<64x32xi32>
    %eq3A_26 = arith.cmpi eq, %eq3A_25, %iota3A_24 : vector<64x32xi32>
    %convert_element_type3A_27 = arith.extui %eq3A_26 : vector<64x32xi1> to vector<64x32xi32>
    %convert_element_type3A_28 = arith.sitofp %convert_element_type3A_27 : vector<64x32xi32> to vector<64x32xf32>
    %dot_general3A = arith.constant dense<0.000000e+00> : vector<64x2xf32>
    %dot_general3A_29 = tpu.matmul %convert_element_type3A_28, %get3A_4, %dot_general3A {dimension_numbers = #tpu.dot_dimension_numbers<[1], [0], [0], [1], [0, 0, 1, 1], [], []>, transpose_lhs_hint = false} : vector<64x32xf32>, vector<32x2xf32>, vector<64x2xf32> -> vector<64x2xf32>
    %slice3A = vector.extract_strided_slice %dot_general3A_29 {offsets = [0, 1], sizes = [64, 1], strides = [1, 1]} : vector<64x2xf32> to vector<64x1xf32>
    %jit3A_30 = arith.constant 0.000000e+00 : f32
    %jit3A_31 = arith.constant 1.280000e+02 : f32
    %max3A = vector.broadcast %jit3A_30 : f32 to vector<64x1xf32>
    %max3A_32 = arith.maximumf %max3A, %slice3A : vector<64x1xf32>
    %min3A = vector.broadcast %jit3A_31 : f32 to vector<64x1xf32>
    %min3A_33 = arith.minimumf %min3A, %max3A_32 : vector<64x1xf32>
    %get3A_34 = arith.constant 0 : index
    %get3A_35 = arith.constant 0 : index
    %get3A_36 = vector.load %arg3[%get3A_34, %get3A_35] : memref<64x1xf32, #tpu.memory_space<vmem>>, vector<64x1xf32>
    %max3A_37 = arith.constant 1.000000e+00 : f32
    %max3A_38 = vector.broadcast %max3A_37 : f32 to vector<64x1xf32>
    %max3A_39 = arith.maximumf %min3A_33, %max3A_38 : vector<64x1xf32>
    %mul3A = arith.mulf %get3A_36, %max3A_39 : vector<64x1xf32>
    %floor3A = math.floor %mul3A : vector<64x1xf32>
    %convert_element_type3A_40 = arith.fptosi %floor3A : vector<64x1xf32> to vector<64x1xi32>
    %min3A_41 = arith.constant 127 : i32
    %min3A_42 = vector.broadcast %min3A_41 : i32 to vector<64x1xi32>
    %min3A_43 = arith.minsi %convert_element_type3A_40, %min3A_42 : vector<64x1xi32>
    %ne3A = arith.constant 0.000000e+00 : f32
    %ne3A_44 = vector.broadcast %ne3A : f32 to vector<64x1xf32>
    %ne3A_45 = arith.cmpf one, %min3A_33, %ne3A_44 : vector<64x1xf32>
    %not3A = arith.constant dense<true> : vector<64x1xi1>
    %not3A_46 = arith.xori %eq3A_7, %not3A : vector<64x1xi1>
    %and3A = arith.andi %ne3A_45, %not3A_46 : vector<64x1xi1>
    %mul3A_47 = arith.constant 128 : i32
    %mul3A_48 = vector.broadcast %mul3A_47 : i32 to vector<64x1xi32>
    %mul3A_49 = arith.muli %broadcast_in_dim3A_23, %mul3A_48 : vector<64x1xi32>
    %add3A_50 = arith.addi %mul3A_49, %min3A_43 : vector<64x1xi32>
    %swap3A = arith.constant 0 : index
    %swap3A_51 = arith.constant 0 : index
    %swap3A_52 = vector.load %arg7[%swap3A, %swap3A_51] : memref<64x1xi32, #tpu.memory_space<vmem>>, vector<64x1xi32>
    tpu.vector_store %arg7[%swap3A, %swap3A_51], %add3A_50 {strides = array<i32>} : memref<64x1xi32, #tpu.memory_space<vmem>>, vector<64x1xi32>,
    %convert_element_type3A_53 = arith.extui %and3A : vector<64x1xi1> to vector<64x1xi32>
    %swap3A_54 = arith.constant 0 : index
    %swap3A_55 = arith.constant 0 : index
    %swap3A_56 = vector.load %arg8[%swap3A_54, %swap3A_55] : memref<64x1xi32, #tpu.memory_space<vmem>>, vector<64x1xi32>
    tpu.vector_store %arg8[%swap3A_54, %swap3A_55], %convert_element_type3A_53 {strides = array<i32>} : memref<64x1xi32, #tpu.memory_space<vmem>>, vector<64x1xi32>,
    %reduce_sum3A_57 = arith.constant dense<0.000000e+00> : vector<32xf32>
    %reduce_sum3A_58 = vector.multi_reduction <add>, %get3A_1, %reduce_sum3A_57 [1] : vector<32x32xf32> to vector<32xf32>
    %broadcast_in_dim3A_59 = vector.shape_cast %reduce_sum3A_58 : vector<32xf32> to vector<32x1xf32>
    %eq3A_60 = arith.constant 0.000000e+00 : f32
    %eq3A_61 = vector.broadcast %eq3A_60 : f32 to vector<32x1xf32>
    %eq3A_62 = arith.cmpf oeq, %broadcast_in_dim3A_59, %eq3A_61 : vector<32x1xf32>
    %convert_element_type3A_63 = arith.extui %eq3A_62 : vector<32x1xi1> to vector<32x1xi32>
    %convert_element_type3A_64 = arith.sitofp %convert_element_type3A_63 : vector<32x1xi32> to vector<32x1xf32>
    %add3A_65 = vector.broadcast %convert_element_type3A_64 : vector<32x1xf32> to vector<32x32xf32>
    %add3A_66 = arith.addf %get3A_1, %add3A_65 : vector<32x32xf32>
    %add3A_67 = arith.constant 9.99999996E-13 : f32
    %add3A_68 = vector.broadcast %add3A_67 : f32 to vector<32x32xf32>
    %add3A_69 = arith.addf %add3A_66, %add3A_68 : vector<32x32xf32>
    %log3A_70 = math.log %add3A_69 : vector<32x32xf32>
    %get3A_71 = arith.constant 0 : index
    %get3A_72 = arith.constant 0 : index
    %get3A_73 = vector.load %arg4[%get3A_71, %get3A_72] : memref<32x32xf32, #tpu.memory_space<vmem>>, vector<32x32xf32>
    %add3A_74 = arith.addf %log3A_70, %get3A_73 : vector<32x32xf32>
    %reduce_max3A_75 = arith.constant dense<0xFF800000> : vector<32xf32>
    %reduce_max3A_76 = vector.multi_reduction <maximumf>, %add3A_74, %reduce_max3A_75 [1] : vector<32x32xf32> to vector<32xf32>
    %broadcast_in_dim3A_77 = vector.shape_cast %reduce_max3A_76 : vector<32xf32> to vector<32x1xf32>
    %iota3A_78 = tpu.iota {dimensions = array<i32: 1>} : vector<32x32xi32>
    %eq3A_79 = vector.broadcast %broadcast_in_dim3A_77 : vector<32x1xf32> to vector<32x32xf32>
    %eq3A_80 = arith.cmpf oeq, %add3A_74, %eq3A_79 : vector<32x32xf32>
    %jit3A_81 = arith.constant 32 : i32
    %broadcast_in_dim3A_82 = vector.broadcast %jit3A_81 : i32 to vector<32x32xi32>
    %select_n3A_83 = arith.select %eq3A_80, %iota3A_78, %broadcast_in_dim3A_82 : vector<32x32xi1>, vector<32x32xi32>
    %reduce_min3A_84 = arith.constant dense<2147483647> : vector<32xi32>
    %reduce_min3A_85 = vector.multi_reduction <minsi>, %select_n3A_83, %reduce_min3A_84 [1] : vector<32x32xi32> to vector<32xi32>
    %broadcast_in_dim3A_86 = vector.shape_cast %reduce_min3A_85 : vector<32xi32> to vector<32x1xi32>
    %iota3A_87 = tpu.iota {dimensions = array<i32: 1>} : vector<32x32xi32>
    %eq3A_88 = vector.broadcast %broadcast_in_dim3A_86 : vector<32x1xi32> to vector<32x32xi32>
    %eq3A_89 = arith.cmpi eq, %eq3A_88, %iota3A_87 : vector<32x32xi32>
    %convert_element_type3A_90 = arith.extui %eq3A_89 : vector<32x32xi1> to vector<32x32xi32>
    %convert_element_type3A_91 = arith.sitofp %convert_element_type3A_90 : vector<32x32xi32> to vector<32x32xf32>
    %dot_general3A_92 = arith.constant dense<0.000000e+00> : vector<32x2xf32>
    %dot_general3A_93 = tpu.matmul %convert_element_type3A_91, %get3A_4, %dot_general3A_92 {dimension_numbers = #tpu.dot_dimension_numbers<[1], [0], [0], [1], [0, 0, 1, 1], [], []>, transpose_lhs_hint = false} : vector<32x32xf32>, vector<32x2xf32>, vector<32x2xf32> -> vector<32x2xf32>
    %slice3A_94 = vector.extract_strided_slice %dot_general3A_93 {offsets = [0, 0], sizes = [32, 1], strides = [1, 1]} : vector<32x2xf32> to vector<32x1xf32>
    %convert_element_type3A_95 = arith.fptosi %slice3A_94 : vector<32x1xf32> to vector<32x1xi32>
    %slice3A_96 = vector.extract_strided_slice %dot_general3A_93 {offsets = [0, 1], sizes = [32, 1], strides = [1, 1]} : vector<32x2xf32> to vector<32x1xf32>
    %add3A_97 = arith.constant 1 : i32
    %add3A_98 = vector.broadcast %add3A_97 : i32 to vector<32x1xi32>
    %add3A_99 = arith.addi %convert_element_type3A_95, %add3A_98 : vector<32x1xi32>
    %rem3A = arith.constant 128 : i32
    %rem3A_100 = vector.broadcast %rem3A : i32 to vector<32x1xi32>
    %rem3A_101 = arith.remsi %add3A_99, %rem3A_100 : vector<32x1xi32>
    %not3A_102 = arith.constant dense<true> : vector<32x1xi1>
    %not3A_103 = arith.xori %eq3A_62, %not3A_102 : vector<32x1xi1>
    %mul3A_104 = arith.constant 128 : i32
    %mul3A_105 = vector.broadcast %mul3A_104 : i32 to vector<32x1xi32>
    %mul3A_106 = arith.muli %broadcast_in_dim3A_86, %mul3A_105 : vector<32x1xi32>
    %add3A_107 = arith.addi %mul3A_106, %rem3A_101 : vector<32x1xi32>
    %iota3A_108 = tpu.iota {dimensions = array<i32: 0>} : vector<32x32xi32>
    %iota3A_109 = tpu.iota {dimensions = array<i32: 1>} : vector<32x32xi32>
    %lt3A = arith.cmpi slt, %iota3A_108, %iota3A_109 : vector<32x32xi32>
    %convert_element_type3A_110 = arith.extui %lt3A : vector<32x32xi1> to vector<32x32xi32>
    %convert_element_type3A_111 = arith.sitofp %convert_element_type3A_110 : vector<32x32xi32> to vector<32x32xf32>
    %iota3A_112 = tpu.iota {dimensions = array<i32: 1>} : vector<32x4096xi32>
    %eq3A_113 = vector.broadcast %add3A_107 : vector<32x1xi32> to vector<32x4096xi32>
    %eq3A_114 = arith.cmpi eq, %eq3A_113, %iota3A_112 : vector<32x4096xi32>
    %convert_element_type3A_115 = arith.extui %eq3A_114 : vector<32x4096xi1> to vector<32x4096xi32>
    %convert_element_type3A_116 = arith.sitofp %convert_element_type3A_115 : vector<32x4096xi32> to vector<32x4096xf32>
    %dot_general3A_117 = arith.constant dense<0.000000e+00> : vector<32x4096xf32>
    %dot_general3A_118 = tpu.matmul %convert_element_type3A_111, %convert_element_type3A_116, %dot_general3A_117 {dimension_numbers = #tpu.dot_dimension_numbers<[1], [0], [0], [1], [0, 0, 1, 1], [], []>, transpose_lhs_hint = false} : vector<32x32xf32>, vector<32x4096xf32>, vector<32x4096xf32> -> vector<32x4096xf32>
    %mul3A_119 = arith.mulf %convert_element_type3A_116, %dot_general3A_118 : vector<32x4096xf32>
    %reduce_sum3A_120 = arith.constant dense<0.000000e+00> : vector<32xf32>
    %reduce_sum3A_121 = vector.multi_reduction <add>, %mul3A_119, %reduce_sum3A_120 [1] : vector<32x4096xf32> to vector<32xf32>
    %broadcast_in_dim3A_122 = vector.shape_cast %reduce_sum3A_121 : vector<32xf32> to vector<32x1xf32>
    %eq3A_123 = arith.constant 0.000000e+00 : f32
    %eq3A_124 = vector.broadcast %eq3A_123 : f32 to vector<32x1xf32>
    %eq3A_125 = arith.cmpf oeq, %broadcast_in_dim3A_122, %eq3A_124 : vector<32x1xf32>
    %and3A_126 = arith.andi %not3A_103, %eq3A_125 : vector<32x1xi1>
    %dot_general3A_127 = arith.constant dense<0.000000e+00> : vector<32x32xf32>
    %dot_general3A_128 = tpu.matmul %convert_element_type3A_111, %convert_element_type3A_91, %dot_general3A_127 {dimension_numbers = #tpu.dot_dimension_numbers<[1], [0], [0], [1], [0, 0, 1, 1], [], []>, transpose_lhs_hint = false} : vector<32x32xf32>, vector<32x32xf32>, vector<32x32xf32> -> vector<32x32xf32>
    %mul3A_129 = arith.mulf %convert_element_type3A_91, %dot_general3A_128 : vector<32x32xf32>
    %reduce_sum3A_130 = arith.constant dense<0.000000e+00> : vector<32xf32>
    %reduce_sum3A_131 = vector.multi_reduction <add>, %mul3A_129, %reduce_sum3A_130 [1] : vector<32x32xf32> to vector<32xf32>
    %broadcast_in_dim3A_132 = vector.shape_cast %reduce_sum3A_131 : vector<32xf32> to vector<32x1xf32>
    %eq3A_133 = arith.constant 0.000000e+00 : f32
    %eq3A_134 = vector.broadcast %eq3A_133 : f32 to vector<32x1xf32>
    %eq3A_135 = arith.cmpf oeq, %broadcast_in_dim3A_132, %eq3A_134 : vector<32x1xf32>
    %and3A_136 = arith.andi %not3A_103, %eq3A_135 : vector<32x1xi1>
    %jit3A_137 = arith.constant -1 : i32
    %broadcast_in_dim3A_138 = vector.broadcast %jit3A_137 : i32 to vector<32x1xi32>
    %select_n3A_139 = arith.select %and3A_126, %add3A_107, %broadcast_in_dim3A_138 : vector<32x1xi1>, vector<32x1xi32>
    %swap3A_140 = arith.constant 0 : index
    %swap3A_141 = arith.constant 0 : index
    %swap3A_142 = vector.load %arg9[%swap3A_140, %swap3A_141] : memref<32x1xi32, #tpu.memory_space<vmem>>, vector<32x1xi32>
    tpu.vector_store %arg9[%swap3A_140, %swap3A_141], %select_n3A_139 {strides = array<i32>} : memref<32x1xi32, #tpu.memory_space<vmem>>, vector<32x1xi32>,
    %swap3A_143 = arith.constant 0 : index
    %swap3A_144 = arith.constant 0 : index
    %swap3A_145 = vector.load %arg12[%swap3A_143, %swap3A_144] : memref<32x1xi32, #tpu.memory_space<vmem>>, vector<32x1xi32>
    tpu.vector_store %arg12[%swap3A_143, %swap3A_144], %add3A_107 {strides = array<i32>} : memref<32x1xi32, #tpu.memory_space<vmem>>, vector<32x1xi32>,
    %dot_general3A_146 = arith.constant dense<0.000000e+00> : vector<32x32xf32>
    %dot_general3A_147 = tpu.matmul %convert_element_type3A_116, %convert_element_type3A_116, %dot_general3A_146 {dimension_numbers = #tpu.dot_dimension_numbers<[1], [1], [0], [0], [0, 0, 1, 0], [], []>, transpose_lhs_hint = false} : vector<32x4096xf32>, vector<32x4096xf32>, vector<32x32xf32> -> vector<32x32xf32>
    %broadcast_in_dim3A_148 = arith.constant 1.000000e+00 : f32
    %broadcast_in_dim3A_149 = vector.broadcast %broadcast_in_dim3A_148 : f32 to vector<32x1xf32>
    %convert_element_type3A_150 = arith.extui %and3A_126 : vector<32x1xi1> to vector<32x1xi32>
    %convert_element_type3A_151 = arith.sitofp %convert_element_type3A_150 : vector<32x1xi32> to vector<32x1xf32>
    %dot_general3A_152 = arith.constant dense<0.000000e+00> : vector<32x32xf32>
    %dot_general3A_153 = tpu.matmul %broadcast_in_dim3A_149, %convert_element_type3A_151, %dot_general3A_152 {dimension_numbers = #tpu.dot_dimension_numbers<[1], [1], [0], [0], [0, 0, 1, 0], [], []>, transpose_lhs_hint = false} : vector<32x1xf32>, vector<32x1xf32>, vector<32x32xf32> -> vector<32x32xf32>
    %mul3A_154 = arith.mulf %dot_general3A_147, %dot_general3A_153 : vector<32x32xf32>
    %get3A_155 = arith.constant 0 : index
    %get3A_156 = arith.constant 0 : index
    %get3A_157 = vector.load %arg6[%get3A_155, %get3A_156] : memref<32x128xf32, #tpu.memory_space<vmem>>, vector<32x128xf32>
    %dot_general3A_158 = arith.constant dense<0.000000e+00> : vector<32x128xf32>
    %dot_general3A_159 = tpu.matmul %mul3A_154, %get3A_157, %dot_general3A_158 {dimension_numbers = #tpu.dot_dimension_numbers<[1], [0], [0], [1], [0, 0, 1, 1], [], []>, transpose_lhs_hint = false} : vector<32x32xf32>, vector<32x128xf32>, vector<32x128xf32> -> vector<32x128xf32>
    %reduce_sum3A_160 = arith.constant dense<0.000000e+00> : vector<32xf32>
    %reduce_sum3A_161 = vector.multi_reduction <add>, %mul3A_154, %reduce_sum3A_160 [1] : vector<32x32xf32> to vector<32xf32>
    %broadcast_in_dim3A_162 = vector.shape_cast %reduce_sum3A_161 : vector<32xf32> to vector<32x1xf32>
    %get3A_163 = arith.constant 0 : index
    %get3A_164 = arith.constant 0 : index
    %get3A_165 = vector.load %arg5[%get3A_163, %get3A_164] : memref<4096x128xf32, #tpu.memory_space<vmem>>, vector<4096x128xf32>
    %dot_general3A_166 = arith.constant dense<0.000000e+00> : vector<32x128xf32>
    %dot_general3A_167 = tpu.matmul %convert_element_type3A_116, %get3A_165, %dot_general3A_166 {dimension_numbers = #tpu.dot_dimension_numbers<[1], [0], [0], [1], [0, 0, 1, 1], [], []>, transpose_lhs_hint = false} : vector<32x4096xf32>, vector<4096x128xf32>, vector<32x128xf32> -> vector<32x128xf32>
    %sub3A = arith.constant 1.000000e+00 : f32
    %sub3A_168 = vector.broadcast %sub3A : f32 to vector<32x1xf32>
    %sub3A_169 = arith.subf %sub3A_168, %broadcast_in_dim3A_162 : vector<32x1xf32>
    %mul3A_170 = vector.broadcast %sub3A_169 : vector<32x1xf32> to vector<32x128xf32>
    %mul3A_171 = arith.mulf %mul3A_170, %dot_general3A_167 : vector<32x128xf32>
    %add3A_172 = arith.addf %dot_general3A_159, %mul3A_171 : vector<32x128xf32>
    %swap3A_173 = arith.constant 0 : index
    %swap3A_174 = arith.constant 0 : index
    %swap3A_175 = vector.load %arg11[%swap3A_173, %swap3A_174] : memref<32x128xf32, #tpu.memory_space<vmem>>, vector<32x128xf32>
    tpu.vector_store %arg11[%swap3A_173, %swap3A_174], %add3A_172 {strides = array<i32>} : memref<32x128xf32, #tpu.memory_space<vmem>>, vector<32x128xf32>,
    %convert_element_type3A_176 = arith.extui %and3A_136 : vector<32x1xi1> to vector<32x1xi32>
    %convert_element_type3A_177 = arith.sitofp %convert_element_type3A_176 : vector<32x1xi32> to vector<32x1xf32>
    %mul3A_178 = vector.broadcast %convert_element_type3A_177 : vector<32x1xf32> to vector<32x32xf32>
    %mul3A_179 = arith.mulf %convert_element_type3A_91, %mul3A_178 : vector<32x32xf32>
    %broadcast_in_dim3A_180 = arith.constant 1.000000e+00 : f32
    %broadcast_in_dim3A_181 = vector.broadcast %broadcast_in_dim3A_180 : f32 to vector<32x1xf32>
    %dot_general3A_182 = arith.constant dense<0.000000e+00> : vector<32x1xf32>
    %dot_general3A_183 = tpu.matmul %mul3A_179, %broadcast_in_dim3A_181, %dot_general3A_182 {dimension_numbers = #tpu.dot_dimension_numbers<[0], [0], [1], [1], [0, 1, 1, 1], [], []>, transpose_lhs_hint = false} : vector<32x32xf32>, vector<32x1xf32>, vector<32x1xf32> -> vector<32x1xf32>
    %convert_element_type3A_184 = arith.sitofp %rem3A_101 : vector<32x1xi32> to vector<32x1xf32>
    %dot_general3A_185 = arith.constant dense<0.000000e+00> : vector<32x1xf32>
    %dot_general3A_186 = tpu.matmul %mul3A_179, %convert_element_type3A_184, %dot_general3A_185 {dimension_numbers = #tpu.dot_dimension_numbers<[0], [0], [1], [1], [0, 1, 1, 1], [], []>, transpose_lhs_hint = false} : vector<32x32xf32>, vector<32x1xf32>, vector<32x1xf32> -> vector<32x1xf32>
    %add3A_187 = arith.constant 1.000000e+00 : f32
    %add3A_188 = vector.broadcast %add3A_187 : f32 to vector<32x1xf32>
    %add3A_189 = arith.addf %slice3A_96, %add3A_188 : vector<32x1xf32>
    %jit3A_190 = arith.constant 0.000000e+00 : f32
    %jit3A_191 = arith.constant 1.280000e+02 : f32
    %max3A_192 = vector.broadcast %jit3A_190 : f32 to vector<32x1xf32>
    %max3A_193 = arith.maximumf %max3A_192, %add3A_189 : vector<32x1xf32>
    %min3A_194 = vector.broadcast %jit3A_191 : f32 to vector<32x1xf32>
    %min3A_195 = arith.minimumf %min3A_194, %max3A_193 : vector<32x1xf32>
    %dot_general3A_196 = arith.constant dense<0.000000e+00> : vector<32x1xf32>
    %dot_general3A_197 = tpu.matmul %mul3A_179, %min3A_195, %dot_general3A_196 {dimension_numbers = #tpu.dot_dimension_numbers<[0], [0], [1], [1], [0, 1, 1, 1], [], []>, transpose_lhs_hint = false} : vector<32x32xf32>, vector<32x1xf32>, vector<32x1xf32> -> vector<32x1xf32>
    %gt3A = arith.constant 0.000000e+00 : f32
    %gt3A_198 = vector.broadcast %gt3A : f32 to vector<32x1xf32>
    %gt3A_199 = arith.cmpf ogt, %dot_general3A_183, %gt3A_198 : vector<32x1xf32>
    %slice3A_200 = vector.extract_strided_slice %get3A_4 {offsets = [0, 0], sizes = [32, 1], strides = [1, 1]} : vector<32x2xf32> to vector<32x1xf32>
    %select_n3A_201 = arith.select %gt3A_199, %dot_general3A_186, %slice3A_200 : vector<32x1xi1>, vector<32x1xf32>
    %gt3A_202 = arith.constant 0.000000e+00 : f32
    %gt3A_203 = vector.broadcast %gt3A_202 : f32 to vector<32x1xf32>
    %gt3A_204 = arith.cmpf ogt, %dot_general3A_183, %gt3A_203 : vector<32x1xf32>
    %slice3A_205 = vector.extract_strided_slice %get3A_4 {offsets = [0, 1], sizes = [32, 1], strides = [1, 1]} : vector<32x2xf32> to vector<32x1xf32>
    %select_n3A_206 = arith.select %gt3A_204, %dot_general3A_197, %slice3A_205 : vector<32x1xi1>, vector<32x1xf32>
    %concatenate3A_207 = tpu.concatenate %select_n3A_201, %select_n3A_206 in 1 : vector<32x1xf32>, vector<32x1xf32> -> vector<32x2xf32>
    %convert_element_type3A_208 = arith.fptosi %concatenate3A_207 : vector<32x2xf32> to vector<32x2xi32>
    %swap3A_209 = arith.constant 0 : index
    %swap3A_210 = arith.constant 0 : index
    %swap3A_211 = vector.load %arg10[%swap3A_209, %swap3A_210] : memref<32x2xi32, #tpu.memory_space<vmem>>, vector<32x2xi32>
    tpu.vector_store %arg10[%swap3A_209, %swap3A_210], %convert_element_type3A_208 {strides = array<i32>} : memref<32x2xi32, #tpu.memory_space<vmem>>, vector<32x2xi32>,
    return
  }
}

module attributes {stable_mosaic.version = 14 : i64} {
  func.func @_bigcopy_body(%arg0: i32, %arg1: memref<32xi32, #tpu.memory_space<smem>>, %arg2: memref<64xi32, #tpu.memory_space<smem>>, %arg3: memref<1x98x128x128xf32, #tpu.memory_space<vmem>>, %arg4: memref<98x32x128xf32, #tpu.memory_space<vmem>>, %arg5: memref<1x98x128x128xf32, #tpu.memory_space<vmem>>, %arg6: memref<64x49x128xf32, #tpu.memory_space<vmem>>, %arg7: memref<64x49x128xf32, #tpu.memory_space<vmem>>) attributes {dimension_semantics = [#tpu.dimension_semantics<arbitrary>], iteration_bounds = array<i64: 32>, scalar_prefetch = 2 : i64, scratch_operands = 0 : i64, tpu.core_type = #tpu.core_type<tc>, window_params = [{transform_indices = @transform_0, window_bounds = array<i64: 1, 98, 128, 128>}, {pipeline_mode = #tpu.pipeline_mode<synchronous>, transform_indices = @transform_1, window_bounds = array<i64: 98, 32, 128>}, {transform_indices = @transform_2, window_bounds = array<i64: 1, 98, 128, 128>}, {pipeline_mode = #tpu.pipeline_mode<synchronous>, transform_indices = @transform_3, window_bounds = array<i64: 64, 49, 128>}, {pipeline_mode = #tpu.pipeline_mode<synchronous>, transform_indices = @transform_4, window_bounds = array<i64: 64, 49, 128>}]} {
    %get3A = arith.constant 0 : index
    %get3A_0 = arith.constant 0 : index
    %get3A_1 = arith.constant 0 : index
    %get3A_2 = arith.constant 0 : index
    %get3A_3 = vector.load %arg3[%get3A, %get3A_0, %get3A_1, %get3A_2] : memref<1x98x128x128xf32, #tpu.memory_space<vmem>>, vector<1x98x128x128xf32>
    %swap3A = arith.constant 0 : index
    %swap3A_4 = arith.constant 0 : index
    %swap3A_5 = arith.constant 0 : index
    %swap3A_6 = arith.constant 0 : index
    %swap3A_7 = vector.load %arg5[%swap3A, %swap3A_4, %swap3A_5, %swap3A_6] : memref<1x98x128x128xf32, #tpu.memory_space<vmem>>, vector<1x98x128x128xf32>
    tpu.vector_store %arg5[%swap3A, %swap3A_4, %swap3A_5, %swap3A_6], %get3A_3 {strides = array<i32>} : memref<1x98x128x128xf32, #tpu.memory_space<vmem>>, vector<1x98x128x128xf32>,
    %mul3A = arith.constant 128 : i32
    %mul3A_8 = arith.muli %arg0, %mul3A : i32
    %get3A_9 = arith.constant 0 : index
    %get3A_10 = memref.load %arg1[%get3A_9] : memref<32xi32, #tpu.memory_space<smem>>
    %ge3A = arith.cmpi sge, %get3A_10, %mul3A_8 : i32
    %add3A = arith.constant 128 : i32
    %add3A_11 = arith.addi %mul3A_8, %add3A : i32
    %lt3A = arith.cmpi slt, %get3A_10, %add3A_11 : i32
    %and3A = arith.andi %ge3A, %lt3A : i1
    %convert_element_type3A = arith.extui %and3A : i1 to i32
    %cond3A = arith.constant 0 : i32
    %cond3A_12 = arith.cmpi ne, %convert_element_type3A, %cond3A : i32
    scf.if %cond3A_12 {
      %get3A_963 = arith.constant 0 : index
      %get3A_964 = arith.constant 0 : index
      %get3A_965 = arith.constant 0 : index
      %get3A_966 = vector.load %arg4[%get3A_963, %get3A_964, %get3A_965] : memref<98x32x128xf32, #tpu.memory_space<vmem>>, vector<98x1x128xf32>
      %get3A_967 = vector.shape_cast %get3A_966 : vector<98x1x128xf32> to vector<98x128xf32>
      %broadcast_in_dim3A = vector.shape_cast %get3A_967 : vector<98x128xf32> to vector<98x1x128xf32>
      %sub3A = arith.subi %get3A_10, %mul3A_8 : i32
      %swap3A_968 = arith.constant 0 : index
      %swap3A_969 = arith.constant 0 : index
      %swap3A_970 = arith.index_cast %sub3A : i32 to index
      %swap3A_971 = arith.constant 0 : index
      %swap3A_972 = vector.load %arg5[%swap3A_968, %swap3A_969, %swap3A_970, %swap3A_971] : memref<1x98x128x128xf32, #tpu.memory_space<vmem>>, vector<1x98x1x128xf32>
      %swap3A_973 = vector.shape_cast %swap3A_972 : vector<1x98x1x128xf32> to vector<98x1x128xf32>
      %swap3A_974 = vector.shape_cast %broadcast_in_dim3A : vector<98x1x128xf32> to vector<1x98x1x128xf32>
      tpu.vector_store %arg5[%swap3A_968, %swap3A_969, %swap3A_970, %swap3A_971], %swap3A_974 {strides = array<i32>} : memref<1x98x128x128xf32, #tpu.memory_space<vmem>>, vector<1x98x1x128xf32>,
    } else {
    }
    %get3A_13 = arith.constant 1 : index
    %get3A_14 = memref.load %arg1[%get3A_13] : memref<32xi32, #tpu.memory_space<smem>>
    %ge3A_15 = arith.cmpi sge, %get3A_14, %mul3A_8 : i32
    %add3A_16 = arith.constant 128 : i32
    %add3A_17 = arith.addi %mul3A_8, %add3A_16 : i32
    %lt3A_18 = arith.cmpi slt, %get3A_14, %add3A_17 : i32
    %and3A_19 = arith.andi %ge3A_15, %lt3A_18 : i1
    %convert_element_type3A_20 = arith.extui %and3A_19 : i1 to i32
    %cond3A_21 = arith.constant 0 : i32
    %cond3A_22 = arith.cmpi ne, %convert_element_type3A_20, %cond3A_21 : i32
    scf.if %cond3A_22 {
      %get3A_963 = arith.constant 0 : index
      %get3A_964 = arith.constant 1 : index
      %get3A_965 = arith.constant 0 : index
      %get3A_966 = vector.load %arg4[%get3A_963, %get3A_964, %get3A_965] : memref<98x32x128xf32, #tpu.memory_space<vmem>>, vector<98x1x128xf32>
      %get3A_967 = vector.shape_cast %get3A_966 : vector<98x1x128xf32> to vector<98x128xf32>
      %broadcast_in_dim3A = vector.shape_cast %get3A_967 : vector<98x128xf32> to vector<98x1x128xf32>
      %sub3A = arith.subi %get3A_14, %mul3A_8 : i32
      %swap3A_968 = arith.constant 0 : index
      %swap3A_969 = arith.constant 0 : index
      %swap3A_970 = arith.index_cast %sub3A : i32 to index
      %swap3A_971 = arith.constant 0 : index
      %swap3A_972 = vector.load %arg5[%swap3A_968, %swap3A_969, %swap3A_970, %swap3A_971] : memref<1x98x128x128xf32, #tpu.memory_space<vmem>>, vector<1x98x1x128xf32>
      %swap3A_973 = vector.shape_cast %swap3A_972 : vector<1x98x1x128xf32> to vector<98x1x128xf32>
      %swap3A_974 = vector.shape_cast %broadcast_in_dim3A : vector<98x1x128xf32> to vector<1x98x1x128xf32>
      tpu.vector_store %arg5[%swap3A_968, %swap3A_969, %swap3A_970, %swap3A_971], %swap3A_974 {strides = array<i32>} : memref<1x98x128x128xf32, #tpu.memory_space<vmem>>, vector<1x98x1x128xf32>,
    } else {
    }
    %get3A_23 = arith.constant 2 : index
    %get3A_24 = memref.load %arg1[%get3A_23] : memref<32xi32, #tpu.memory_space<smem>>
    %ge3A_25 = arith.cmpi sge, %get3A_24, %mul3A_8 : i32
    %add3A_26 = arith.constant 128 : i32
    %add3A_27 = arith.addi %mul3A_8, %add3A_26 : i32
    %lt3A_28 = arith.cmpi slt, %get3A_24, %add3A_27 : i32
    %and3A_29 = arith.andi %ge3A_25, %lt3A_28 : i1
    %convert_element_type3A_30 = arith.extui %and3A_29 : i1 to i32
    %cond3A_31 = arith.constant 0 : i32
    %cond3A_32 = arith.cmpi ne, %convert_element_type3A_30, %cond3A_31 : i32
    scf.if %cond3A_32 {
      %get3A_963 = arith.constant 0 : index
      %get3A_964 = arith.constant 2 : index
      %get3A_965 = arith.constant 0 : index
      %get3A_966 = vector.load %arg4[%get3A_963, %get3A_964, %get3A_965] : memref<98x32x128xf32, #tpu.memory_space<vmem>>, vector<98x1x128xf32>
      %get3A_967 = vector.shape_cast %get3A_966 : vector<98x1x128xf32> to vector<98x128xf32>
      %broadcast_in_dim3A = vector.shape_cast %get3A_967 : vector<98x128xf32> to vector<98x1x128xf32>
      %sub3A = arith.subi %get3A_24, %mul3A_8 : i32
      %swap3A_968 = arith.constant 0 : index
      %swap3A_969 = arith.constant 0 : index
      %swap3A_970 = arith.index_cast %sub3A : i32 to index
      %swap3A_971 = arith.constant 0 : index
      %swap3A_972 = vector.load %arg5[%swap3A_968, %swap3A_969, %swap3A_970, %swap3A_971] : memref<1x98x128x128xf32, #tpu.memory_space<vmem>>, vector<1x98x1x128xf32>
      %swap3A_973 = vector.shape_cast %swap3A_972 : vector<1x98x1x128xf32> to vector<98x1x128xf32>
      %swap3A_974 = vector.shape_cast %broadcast_in_dim3A : vector<98x1x128xf32> to vector<1x98x1x128xf32>
      tpu.vector_store %arg5[%swap3A_968, %swap3A_969, %swap3A_970, %swap3A_971], %swap3A_974 {strides = array<i32>} : memref<1x98x128x128xf32, #tpu.memory_space<vmem>>, vector<1x98x1x128xf32>,
    } else {
    }
    %get3A_33 = arith.constant 3 : index
    %get3A_34 = memref.load %arg1[%get3A_33] : memref<32xi32, #tpu.memory_space<smem>>
    %ge3A_35 = arith.cmpi sge, %get3A_34, %mul3A_8 : i32
    %add3A_36 = arith.constant 128 : i32
    %add3A_37 = arith.addi %mul3A_8, %add3A_36 : i32
    %lt3A_38 = arith.cmpi slt, %get3A_34, %add3A_37 : i32
    %and3A_39 = arith.andi %ge3A_35, %lt3A_38 : i1
    %convert_element_type3A_40 = arith.extui %and3A_39 : i1 to i32
    %cond3A_41 = arith.constant 0 : i32
    %cond3A_42 = arith.cmpi ne, %convert_element_type3A_40, %cond3A_41 : i32
    scf.if %cond3A_42 {
      %get3A_963 = arith.constant 0 : index
      %get3A_964 = arith.constant 3 : index
      %get3A_965 = arith.constant 0 : index
      %get3A_966 = vector.load %arg4[%get3A_963, %get3A_964, %get3A_965] : memref<98x32x128xf32, #tpu.memory_space<vmem>>, vector<98x1x128xf32>
      %get3A_967 = vector.shape_cast %get3A_966 : vector<98x1x128xf32> to vector<98x128xf32>
      %broadcast_in_dim3A = vector.shape_cast %get3A_967 : vector<98x128xf32> to vector<98x1x128xf32>
      %sub3A = arith.subi %get3A_34, %mul3A_8 : i32
      %swap3A_968 = arith.constant 0 : index
      %swap3A_969 = arith.constant 0 : index
      %swap3A_970 = arith.index_cast %sub3A : i32 to index
      %swap3A_971 = arith.constant 0 : index
      %swap3A_972 = vector.load %arg5[%swap3A_968, %swap3A_969, %swap3A_970, %swap3A_971] : memref<1x98x128x128xf32, #tpu.memory_space<vmem>>, vector<1x98x1x128xf32>
      %swap3A_973 = vector.shape_cast %swap3A_972 : vector<1x98x1x128xf32> to vector<98x1x128xf32>
      %swap3A_974 = vector.shape_cast %broadcast_in_dim3A : vector<98x1x128xf32> to vector<1x98x1x128xf32>
      tpu.vector_store %arg5[%swap3A_968, %swap3A_969, %swap3A_970, %swap3A_971], %swap3A_974 {strides = array<i32>} : memref<1x98x128x128xf32, #tpu.memory_space<vmem>>, vector<1x98x1x128xf32>,
    } else {
    }
    %get3A_43 = arith.constant 4 : index
    %get3A_44 = memref.load %arg1[%get3A_43] : memref<32xi32, #tpu.memory_space<smem>>
    %ge3A_45 = arith.cmpi sge, %get3A_44, %mul3A_8 : i32
    %add3A_46 = arith.constant 128 : i32
    %add3A_47 = arith.addi %mul3A_8, %add3A_46 : i32
    %lt3A_48 = arith.cmpi slt, %get3A_44, %add3A_47 : i32
    %and3A_49 = arith.andi %ge3A_45, %lt3A_48 : i1
    %convert_element_type3A_50 = arith.extui %and3A_49 : i1 to i32
    %cond3A_51 = arith.constant 0 : i32
    %cond3A_52 = arith.cmpi ne, %convert_element_type3A_50, %cond3A_51 : i32
    scf.if %cond3A_52 {
      %get3A_963 = arith.constant 0 : index
      %get3A_964 = arith.constant 4 : index
      %get3A_965 = arith.constant 0 : index
      %get3A_966 = vector.load %arg4[%get3A_963, %get3A_964, %get3A_965] : memref<98x32x128xf32, #tpu.memory_space<vmem>>, vector<98x1x128xf32>
      %get3A_967 = vector.shape_cast %get3A_966 : vector<98x1x128xf32> to vector<98x128xf32>
      %broadcast_in_dim3A = vector.shape_cast %get3A_967 : vector<98x128xf32> to vector<98x1x128xf32>
      %sub3A = arith.subi %get3A_44, %mul3A_8 : i32
      %swap3A_968 = arith.constant 0 : index
      %swap3A_969 = arith.constant 0 : index
      %swap3A_970 = arith.index_cast %sub3A : i32 to index
      %swap3A_971 = arith.constant 0 : index
      %swap3A_972 = vector.load %arg5[%swap3A_968, %swap3A_969, %swap3A_970, %swap3A_971] : memref<1x98x128x128xf32, #tpu.memory_space<vmem>>, vector<1x98x1x128xf32>
      %swap3A_973 = vector.shape_cast %swap3A_972 : vector<1x98x1x128xf32> to vector<98x1x128xf32>
      %swap3A_974 = vector.shape_cast %broadcast_in_dim3A : vector<98x1x128xf32> to vector<1x98x1x128xf32>
      tpu.vector_store %arg5[%swap3A_968, %swap3A_969, %swap3A_970, %swap3A_971], %swap3A_974 {strides = array<i32>} : memref<1x98x128x128xf32, #tpu.memory_space<vmem>>, vector<1x98x1x128xf32>,
    } else {
    }
    %get3A_53 = arith.constant 5 : index
    %get3A_54 = memref.load %arg1[%get3A_53] : memref<32xi32, #tpu.memory_space<smem>>
    %ge3A_55 = arith.cmpi sge, %get3A_54, %mul3A_8 : i32
    %add3A_56 = arith.constant 128 : i32
    %add3A_57 = arith.addi %mul3A_8, %add3A_56 : i32
    %lt3A_58 = arith.cmpi slt, %get3A_54, %add3A_57 : i32
    %and3A_59 = arith.andi %ge3A_55, %lt3A_58 : i1
    %convert_element_type3A_60 = arith.extui %and3A_59 : i1 to i32
    %cond3A_61 = arith.constant 0 : i32
    %cond3A_62 = arith.cmpi ne, %convert_element_type3A_60, %cond3A_61 : i32
    scf.if %cond3A_62 {
      %get3A_963 = arith.constant 0 : index
      %get3A_964 = arith.constant 5 : index
      %get3A_965 = arith.constant 0 : index
      %get3A_966 = vector.load %arg4[%get3A_963, %get3A_964, %get3A_965] : memref<98x32x128xf32, #tpu.memory_space<vmem>>, vector<98x1x128xf32>
      %get3A_967 = vector.shape_cast %get3A_966 : vector<98x1x128xf32> to vector<98x128xf32>
      %broadcast_in_dim3A = vector.shape_cast %get3A_967 : vector<98x128xf32> to vector<98x1x128xf32>
      %sub3A = arith.subi %get3A_54, %mul3A_8 : i32
      %swap3A_968 = arith.constant 0 : index
      %swap3A_969 = arith.constant 0 : index
      %swap3A_970 = arith.index_cast %sub3A : i32 to index
      %swap3A_971 = arith.constant 0 : index
      %swap3A_972 = vector.load %arg5[%swap3A_968, %swap3A_969, %swap3A_970, %swap3A_971] : memref<1x98x128x128xf32, #tpu.memory_space<vmem>>, vector<1x98x1x128xf32>
      %swap3A_973 = vector.shape_cast %swap3A_972 : vector<1x98x1x128xf32> to vector<98x1x128xf32>
      %swap3A_974 = vector.shape_cast %broadcast_in_dim3A : vector<98x1x128xf32> to vector<1x98x1x128xf32>
      tpu.vector_store %arg5[%swap3A_968, %swap3A_969, %swap3A_970, %swap3A_971], %swap3A_974 {strides = array<i32>} : memref<1x98x128x128xf32, #tpu.memory_space<vmem>>, vector<1x98x1x128xf32>,
    } else {
    }
    %get3A_63 = arith.constant 6 : index
    %get3A_64 = memref.load %arg1[%get3A_63] : memref<32xi32, #tpu.memory_space<smem>>
    %ge3A_65 = arith.cmpi sge, %get3A_64, %mul3A_8 : i32
    %add3A_66 = arith.constant 128 : i32
    %add3A_67 = arith.addi %mul3A_8, %add3A_66 : i32
    %lt3A_68 = arith.cmpi slt, %get3A_64, %add3A_67 : i32
    %and3A_69 = arith.andi %ge3A_65, %lt3A_68 : i1
    %convert_element_type3A_70 = arith.extui %and3A_69 : i1 to i32
    %cond3A_71 = arith.constant 0 : i32
    %cond3A_72 = arith.cmpi ne, %convert_element_type3A_70, %cond3A_71 : i32
    scf.if %cond3A_72 {
      %get3A_963 = arith.constant 0 : index
      %get3A_964 = arith.constant 6 : index
      %get3A_965 = arith.constant 0 : index
      %get3A_966 = vector.load %arg4[%get3A_963, %get3A_964, %get3A_965] : memref<98x32x128xf32, #tpu.memory_space<vmem>>, vector<98x1x128xf32>
      %get3A_967 = vector.shape_cast %get3A_966 : vector<98x1x128xf32> to vector<98x128xf32>
      %broadcast_in_dim3A = vector.shape_cast %get3A_967 : vector<98x128xf32> to vector<98x1x128xf32>
      %sub3A = arith.subi %get3A_64, %mul3A_8 : i32
      %swap3A_968 = arith.constant 0 : index
      %swap3A_969 = arith.constant 0 : index
      %swap3A_970 = arith.index_cast %sub3A : i32 to index
      %swap3A_971 = arith.constant 0 : index
      %swap3A_972 = vector.load %arg5[%swap3A_968, %swap3A_969, %swap3A_970, %swap3A_971] : memref<1x98x128x128xf32, #tpu.memory_space<vmem>>, vector<1x98x1x128xf32>
      %swap3A_973 = vector.shape_cast %swap3A_972 : vector<1x98x1x128xf32> to vector<98x1x128xf32>
      %swap3A_974 = vector.shape_cast %broadcast_in_dim3A : vector<98x1x128xf32> to vector<1x98x1x128xf32>
      tpu.vector_store %arg5[%swap3A_968, %swap3A_969, %swap3A_970, %swap3A_971], %swap3A_974 {strides = array<i32>} : memref<1x98x128x128xf32, #tpu.memory_space<vmem>>, vector<1x98x1x128xf32>,
    } else {
    }
    %get3A_73 = arith.constant 7 : index
    %get3A_74 = memref.load %arg1[%get3A_73] : memref<32xi32, #tpu.memory_space<smem>>
    %ge3A_75 = arith.cmpi sge, %get3A_74, %mul3A_8 : i32
    %add3A_76 = arith.constant 128 : i32
    %add3A_77 = arith.addi %mul3A_8, %add3A_76 : i32
    %lt3A_78 = arith.cmpi slt, %get3A_74, %add3A_77 : i32
    %and3A_79 = arith.andi %ge3A_75, %lt3A_78 : i1
    %convert_element_type3A_80 = arith.extui %and3A_79 : i1 to i32
    %cond3A_81 = arith.constant 0 : i32
    %cond3A_82 = arith.cmpi ne, %convert_element_type3A_80, %cond3A_81 : i32
    scf.if %cond3A_82 {
      %get3A_963 = arith.constant 0 : index
      %get3A_964 = arith.constant 7 : index
      %get3A_965 = arith.constant 0 : index
      %get3A_966 = vector.load %arg4[%get3A_963, %get3A_964, %get3A_965] : memref<98x32x128xf32, #tpu.memory_space<vmem>>, vector<98x1x128xf32>
      %get3A_967 = vector.shape_cast %get3A_966 : vector<98x1x128xf32> to vector<98x128xf32>
      %broadcast_in_dim3A = vector.shape_cast %get3A_967 : vector<98x128xf32> to vector<98x1x128xf32>
      %sub3A = arith.subi %get3A_74, %mul3A_8 : i32
      %swap3A_968 = arith.constant 0 : index
      %swap3A_969 = arith.constant 0 : index
      %swap3A_970 = arith.index_cast %sub3A : i32 to index
      %swap3A_971 = arith.constant 0 : index
      %swap3A_972 = vector.load %arg5[%swap3A_968, %swap3A_969, %swap3A_970, %swap3A_971] : memref<1x98x128x128xf32, #tpu.memory_space<vmem>>, vector<1x98x1x128xf32>
      %swap3A_973 = vector.shape_cast %swap3A_972 : vector<1x98x1x128xf32> to vector<98x1x128xf32>
      %swap3A_974 = vector.shape_cast %broadcast_in_dim3A : vector<98x1x128xf32> to vector<1x98x1x128xf32>
      tpu.vector_store %arg5[%swap3A_968, %swap3A_969, %swap3A_970, %swap3A_971], %swap3A_974 {strides = array<i32>} : memref<1x98x128x128xf32, #tpu.memory_space<vmem>>, vector<1x98x1x128xf32>,
    } else {
    }
    %get3A_83 = arith.constant 8 : index
    %get3A_84 = memref.load %arg1[%get3A_83] : memref<32xi32, #tpu.memory_space<smem>>
    %ge3A_85 = arith.cmpi sge, %get3A_84, %mul3A_8 : i32
    %add3A_86 = arith.constant 128 : i32
    %add3A_87 = arith.addi %mul3A_8, %add3A_86 : i32
    %lt3A_88 = arith.cmpi slt, %get3A_84, %add3A_87 : i32
    %and3A_89 = arith.andi %ge3A_85, %lt3A_88 : i1
    %convert_element_type3A_90 = arith.extui %and3A_89 : i1 to i32
    %cond3A_91 = arith.constant 0 : i32
    %cond3A_92 = arith.cmpi ne, %convert_element_type3A_90, %cond3A_91 : i32
    scf.if %cond3A_92 {
      %get3A_963 = arith.constant 0 : index
      %get3A_964 = arith.constant 8 : index
      %get3A_965 = arith.constant 0 : index
      %get3A_966 = vector.load %arg4[%get3A_963, %get3A_964, %get3A_965] : memref<98x32x128xf32, #tpu.memory_space<vmem>>, vector<98x1x128xf32>
      %get3A_967 = vector.shape_cast %get3A_966 : vector<98x1x128xf32> to vector<98x128xf32>
      %broadcast_in_dim3A = vector.shape_cast %get3A_967 : vector<98x128xf32> to vector<98x1x128xf32>
      %sub3A = arith.subi %get3A_84, %mul3A_8 : i32
      %swap3A_968 = arith.constant 0 : index
      %swap3A_969 = arith.constant 0 : index
      %swap3A_970 = arith.index_cast %sub3A : i32 to index
      %swap3A_971 = arith.constant 0 : index
      %swap3A_972 = vector.load %arg5[%swap3A_968, %swap3A_969, %swap3A_970, %swap3A_971] : memref<1x98x128x128xf32, #tpu.memory_space<vmem>>, vector<1x98x1x128xf32>
      %swap3A_973 = vector.shape_cast %swap3A_972 : vector<1x98x1x128xf32> to vector<98x1x128xf32>
      %swap3A_974 = vector.shape_cast %broadcast_in_dim3A : vector<98x1x128xf32> to vector<1x98x1x128xf32>
      tpu.vector_store %arg5[%swap3A_968, %swap3A_969, %swap3A_970, %swap3A_971], %swap3A_974 {strides = array<i32>} : memref<1x98x128x128xf32, #tpu.memory_space<vmem>>, vector<1x98x1x128xf32>,
    } else {
    }
    %get3A_93 = arith.constant 9 : index
    %get3A_94 = memref.load %arg1[%get3A_93] : memref<32xi32, #tpu.memory_space<smem>>
    %ge3A_95 = arith.cmpi sge, %get3A_94, %mul3A_8 : i32
    %add3A_96 = arith.constant 128 : i32
    %add3A_97 = arith.addi %mul3A_8, %add3A_96 : i32
    %lt3A_98 = arith.cmpi slt, %get3A_94, %add3A_97 : i32
    %and3A_99 = arith.andi %ge3A_95, %lt3A_98 : i1
    %convert_element_type3A_100 = arith.extui %and3A_99 : i1 to i32
    %cond3A_101 = arith.constant 0 : i32
    %cond3A_102 = arith.cmpi ne, %convert_element_type3A_100, %cond3A_101 : i32
    scf.if %cond3A_102 {
      %get3A_963 = arith.constant 0 : index
      %get3A_964 = arith.constant 9 : index
      %get3A_965 = arith.constant 0 : index
      %get3A_966 = vector.load %arg4[%get3A_963, %get3A_964, %get3A_965] : memref<98x32x128xf32, #tpu.memory_space<vmem>>, vector<98x1x128xf32>
      %get3A_967 = vector.shape_cast %get3A_966 : vector<98x1x128xf32> to vector<98x128xf32>
      %broadcast_in_dim3A = vector.shape_cast %get3A_967 : vector<98x128xf32> to vector<98x1x128xf32>
      %sub3A = arith.subi %get3A_94, %mul3A_8 : i32
      %swap3A_968 = arith.constant 0 : index
      %swap3A_969 = arith.constant 0 : index
      %swap3A_970 = arith.index_cast %sub3A : i32 to index
      %swap3A_971 = arith.constant 0 : index
      %swap3A_972 = vector.load %arg5[%swap3A_968, %swap3A_969, %swap3A_970, %swap3A_971] : memref<1x98x128x128xf32, #tpu.memory_space<vmem>>, vector<1x98x1x128xf32>
      %swap3A_973 = vector.shape_cast %swap3A_972 : vector<1x98x1x128xf32> to vector<98x1x128xf32>
      %swap3A_974 = vector.shape_cast %broadcast_in_dim3A : vector<98x1x128xf32> to vector<1x98x1x128xf32>
      tpu.vector_store %arg5[%swap3A_968, %swap3A_969, %swap3A_970, %swap3A_971], %swap3A_974 {strides = array<i32>} : memref<1x98x128x128xf32, #tpu.memory_space<vmem>>, vector<1x98x1x128xf32>,
    } else {
    }
    %get3A_103 = arith.constant 10 : index
    %get3A_104 = memref.load %arg1[%get3A_103] : memref<32xi32, #tpu.memory_space<smem>>
    %ge3A_105 = arith.cmpi sge, %get3A_104, %mul3A_8 : i32
    %add3A_106 = arith.constant 128 : i32
    %add3A_107 = arith.addi %mul3A_8, %add3A_106 : i32
    %lt3A_108 = arith.cmpi slt, %get3A_104, %add3A_107 : i32
    %and3A_109 = arith.andi %ge3A_105, %lt3A_108 : i1
    %convert_element_type3A_110 = arith.extui %and3A_109 : i1 to i32
    %cond3A_111 = arith.constant 0 : i32
    %cond3A_112 = arith.cmpi ne, %convert_element_type3A_110, %cond3A_111 : i32
    scf.if %cond3A_112 {
      %get3A_963 = arith.constant 0 : index
      %get3A_964 = arith.constant 10 : index
      %get3A_965 = arith.constant 0 : index
      %get3A_966 = vector.load %arg4[%get3A_963, %get3A_964, %get3A_965] : memref<98x32x128xf32, #tpu.memory_space<vmem>>, vector<98x1x128xf32>
      %get3A_967 = vector.shape_cast %get3A_966 : vector<98x1x128xf32> to vector<98x128xf32>
      %broadcast_in_dim3A = vector.shape_cast %get3A_967 : vector<98x128xf32> to vector<98x1x128xf32>
      %sub3A = arith.subi %get3A_104, %mul3A_8 : i32
      %swap3A_968 = arith.constant 0 : index
      %swap3A_969 = arith.constant 0 : index
      %swap3A_970 = arith.index_cast %sub3A : i32 to index
      %swap3A_971 = arith.constant 0 : index
      %swap3A_972 = vector.load %arg5[%swap3A_968, %swap3A_969, %swap3A_970, %swap3A_971] : memref<1x98x128x128xf32, #tpu.memory_space<vmem>>, vector<1x98x1x128xf32>
      %swap3A_973 = vector.shape_cast %swap3A_972 : vector<1x98x1x128xf32> to vector<98x1x128xf32>
      %swap3A_974 = vector.shape_cast %broadcast_in_dim3A : vector<98x1x128xf32> to vector<1x98x1x128xf32>
      tpu.vector_store %arg5[%swap3A_968, %swap3A_969, %swap3A_970, %swap3A_971], %swap3A_974 {strides = array<i32>} : memref<1x98x128x128xf32, #tpu.memory_space<vmem>>, vector<1x98x1x128xf32>,
    } else {
    }
    %get3A_113 = arith.constant 11 : index
    %get3A_114 = memref.load %arg1[%get3A_113] : memref<32xi32, #tpu.memory_space<smem>>
    %ge3A_115 = arith.cmpi sge, %get3A_114, %mul3A_8 : i32
    %add3A_116 = arith.constant 128 : i32
    %add3A_117 = arith.addi %mul3A_8, %add3A_116 : i32
    %lt3A_118 = arith.cmpi slt, %get3A_114, %add3A_117 : i32
    %and3A_119 = arith.andi %ge3A_115, %lt3A_118 : i1
    %convert_element_type3A_120 = arith.extui %and3A_119 : i1 to i32
    %cond3A_121 = arith.constant 0 : i32
    %cond3A_122 = arith.cmpi ne, %convert_element_type3A_120, %cond3A_121 : i32
    scf.if %cond3A_122 {
      %get3A_963 = arith.constant 0 : index
      %get3A_964 = arith.constant 11 : index
      %get3A_965 = arith.constant 0 : index
      %get3A_966 = vector.load %arg4[%get3A_963, %get3A_964, %get3A_965] : memref<98x32x128xf32, #tpu.memory_space<vmem>>, vector<98x1x128xf32>
      %get3A_967 = vector.shape_cast %get3A_966 : vector<98x1x128xf32> to vector<98x128xf32>
      %broadcast_in_dim3A = vector.shape_cast %get3A_967 : vector<98x128xf32> to vector<98x1x128xf32>
      %sub3A = arith.subi %get3A_114, %mul3A_8 : i32
      %swap3A_968 = arith.constant 0 : index
      %swap3A_969 = arith.constant 0 : index
      %swap3A_970 = arith.index_cast %sub3A : i32 to index
      %swap3A_971 = arith.constant 0 : index
      %swap3A_972 = vector.load %arg5[%swap3A_968, %swap3A_969, %swap3A_970, %swap3A_971] : memref<1x98x128x128xf32, #tpu.memory_space<vmem>>, vector<1x98x1x128xf32>
      %swap3A_973 = vector.shape_cast %swap3A_972 : vector<1x98x1x128xf32> to vector<98x1x128xf32>
      %swap3A_974 = vector.shape_cast %broadcast_in_dim3A : vector<98x1x128xf32> to vector<1x98x1x128xf32>
      tpu.vector_store %arg5[%swap3A_968, %swap3A_969, %swap3A_970, %swap3A_971], %swap3A_974 {strides = array<i32>} : memref<1x98x128x128xf32, #tpu.memory_space<vmem>>, vector<1x98x1x128xf32>,
    } else {
    }
    %get3A_123 = arith.constant 12 : index
    %get3A_124 = memref.load %arg1[%get3A_123] : memref<32xi32, #tpu.memory_space<smem>>
    %ge3A_125 = arith.cmpi sge, %get3A_124, %mul3A_8 : i32
    %add3A_126 = arith.constant 128 : i32
    %add3A_127 = arith.addi %mul3A_8, %add3A_126 : i32
    %lt3A_128 = arith.cmpi slt, %get3A_124, %add3A_127 : i32
    %and3A_129 = arith.andi %ge3A_125, %lt3A_128 : i1
    %convert_element_type3A_130 = arith.extui %and3A_129 : i1 to i32
    %cond3A_131 = arith.constant 0 : i32
    %cond3A_132 = arith.cmpi ne, %convert_element_type3A_130, %cond3A_131 : i32
    scf.if %cond3A_132 {
      %get3A_963 = arith.constant 0 : index
      %get3A_964 = arith.constant 12 : index
      %get3A_965 = arith.constant 0 : index
      %get3A_966 = vector.load %arg4[%get3A_963, %get3A_964, %get3A_965] : memref<98x32x128xf32, #tpu.memory_space<vmem>>, vector<98x1x128xf32>
      %get3A_967 = vector.shape_cast %get3A_966 : vector<98x1x128xf32> to vector<98x128xf32>
      %broadcast_in_dim3A = vector.shape_cast %get3A_967 : vector<98x128xf32> to vector<98x1x128xf32>
      %sub3A = arith.subi %get3A_124, %mul3A_8 : i32
      %swap3A_968 = arith.constant 0 : index
      %swap3A_969 = arith.constant 0 : index
      %swap3A_970 = arith.index_cast %sub3A : i32 to index
      %swap3A_971 = arith.constant 0 : index
      %swap3A_972 = vector.load %arg5[%swap3A_968, %swap3A_969, %swap3A_970, %swap3A_971] : memref<1x98x128x128xf32, #tpu.memory_space<vmem>>, vector<1x98x1x128xf32>
      %swap3A_973 = vector.shape_cast %swap3A_972 : vector<1x98x1x128xf32> to vector<98x1x128xf32>
      %swap3A_974 = vector.shape_cast %broadcast_in_dim3A : vector<98x1x128xf32> to vector<1x98x1x128xf32>
      tpu.vector_store %arg5[%swap3A_968, %swap3A_969, %swap3A_970, %swap3A_971], %swap3A_974 {strides = array<i32>} : memref<1x98x128x128xf32, #tpu.memory_space<vmem>>, vector<1x98x1x128xf32>,
    } else {
    }
    %get3A_133 = arith.constant 13 : index
    %get3A_134 = memref.load %arg1[%get3A_133] : memref<32xi32, #tpu.memory_space<smem>>
    %ge3A_135 = arith.cmpi sge, %get3A_134, %mul3A_8 : i32
    %add3A_136 = arith.constant 128 : i32
    %add3A_137 = arith.addi %mul3A_8, %add3A_136 : i32
    %lt3A_138 = arith.cmpi slt, %get3A_134, %add3A_137 : i32
    %and3A_139 = arith.andi %ge3A_135, %lt3A_138 : i1
    %convert_element_type3A_140 = arith.extui %and3A_139 : i1 to i32
    %cond3A_141 = arith.constant 0 : i32
    %cond3A_142 = arith.cmpi ne, %convert_element_type3A_140, %cond3A_141 : i32
    scf.if %cond3A_142 {
      %get3A_963 = arith.constant 0 : index
      %get3A_964 = arith.constant 13 : index
      %get3A_965 = arith.constant 0 : index
      %get3A_966 = vector.load %arg4[%get3A_963, %get3A_964, %get3A_965] : memref<98x32x128xf32, #tpu.memory_space<vmem>>, vector<98x1x128xf32>
      %get3A_967 = vector.shape_cast %get3A_966 : vector<98x1x128xf32> to vector<98x128xf32>
      %broadcast_in_dim3A = vector.shape_cast %get3A_967 : vector<98x128xf32> to vector<98x1x128xf32>
      %sub3A = arith.subi %get3A_134, %mul3A_8 : i32
      %swap3A_968 = arith.constant 0 : index
      %swap3A_969 = arith.constant 0 : index
      %swap3A_970 = arith.index_cast %sub3A : i32 to index
      %swap3A_971 = arith.constant 0 : index
      %swap3A_972 = vector.load %arg5[%swap3A_968, %swap3A_969, %swap3A_970, %swap3A_971] : memref<1x98x128x128xf32, #tpu.memory_space<vmem>>, vector<1x98x1x128xf32>
      %swap3A_973 = vector.shape_cast %swap3A_972 : vector<1x98x1x128xf32> to vector<98x1x128xf32>
      %swap3A_974 = vector.shape_cast %broadcast_in_dim3A : vector<98x1x128xf32> to vector<1x98x1x128xf32>
      tpu.vector_store %arg5[%swap3A_968, %swap3A_969, %swap3A_970, %swap3A_971], %swap3A_974 {strides = array<i32>} : memref<1x98x128x128xf32, #tpu.memory_space<vmem>>, vector<1x98x1x128xf32>,
    } else {
    }
    %get3A_143 = arith.constant 14 : index
    %get3A_144 = memref.load %arg1[%get3A_143] : memref<32xi32, #tpu.memory_space<smem>>
    %ge3A_145 = arith.cmpi sge, %get3A_144, %mul3A_8 : i32
    %add3A_146 = arith.constant 128 : i32
    %add3A_147 = arith.addi %mul3A_8, %add3A_146 : i32
    %lt3A_148 = arith.cmpi slt, %get3A_144, %add3A_147 : i32
    %and3A_149 = arith.andi %ge3A_145, %lt3A_148 : i1
    %convert_element_type3A_150 = arith.extui %and3A_149 : i1 to i32
    %cond3A_151 = arith.constant 0 : i32
    %cond3A_152 = arith.cmpi ne, %convert_element_type3A_150, %cond3A_151 : i32
    scf.if %cond3A_152 {
      %get3A_963 = arith.constant 0 : index
      %get3A_964 = arith.constant 14 : index
      %get3A_965 = arith.constant 0 : index
      %get3A_966 = vector.load %arg4[%get3A_963, %get3A_964, %get3A_965] : memref<98x32x128xf32, #tpu.memory_space<vmem>>, vector<98x1x128xf32>
      %get3A_967 = vector.shape_cast %get3A_966 : vector<98x1x128xf32> to vector<98x128xf32>
      %broadcast_in_dim3A = vector.shape_cast %get3A_967 : vector<98x128xf32> to vector<98x1x128xf32>
      %sub3A = arith.subi %get3A_144, %mul3A_8 : i32
      %swap3A_968 = arith.constant 0 : index
      %swap3A_969 = arith.constant 0 : index
      %swap3A_970 = arith.index_cast %sub3A : i32 to index
      %swap3A_971 = arith.constant 0 : index
      %swap3A_972 = vector.load %arg5[%swap3A_968, %swap3A_969, %swap3A_970, %swap3A_971] : memref<1x98x128x128xf32, #tpu.memory_space<vmem>>, vector<1x98x1x128xf32>
      %swap3A_973 = vector.shape_cast %swap3A_972 : vector<1x98x1x128xf32> to vector<98x1x128xf32>
      %swap3A_974 = vector.shape_cast %broadcast_in_dim3A : vector<98x1x128xf32> to vector<1x98x1x128xf32>
      tpu.vector_store %arg5[%swap3A_968, %swap3A_969, %swap3A_970, %swap3A_971], %swap3A_974 {strides = array<i32>} : memref<1x98x128x128xf32, #tpu.memory_space<vmem>>, vector<1x98x1x128xf32>,
    } else {
    }
    %get3A_153 = arith.constant 15 : index
    %get3A_154 = memref.load %arg1[%get3A_153] : memref<32xi32, #tpu.memory_space<smem>>
    %ge3A_155 = arith.cmpi sge, %get3A_154, %mul3A_8 : i32
    %add3A_156 = arith.constant 128 : i32
    %add3A_157 = arith.addi %mul3A_8, %add3A_156 : i32
    %lt3A_158 = arith.cmpi slt, %get3A_154, %add3A_157 : i32
    %and3A_159 = arith.andi %ge3A_155, %lt3A_158 : i1
    %convert_element_type3A_160 = arith.extui %and3A_159 : i1 to i32
    %cond3A_161 = arith.constant 0 : i32
    %cond3A_162 = arith.cmpi ne, %convert_element_type3A_160, %cond3A_161 : i32
    scf.if %cond3A_162 {
      %get3A_963 = arith.constant 0 : index
      %get3A_964 = arith.constant 15 : index
      %get3A_965 = arith.constant 0 : index
      %get3A_966 = vector.load %arg4[%get3A_963, %get3A_964, %get3A_965] : memref<98x32x128xf32, #tpu.memory_space<vmem>>, vector<98x1x128xf32>
      %get3A_967 = vector.shape_cast %get3A_966 : vector<98x1x128xf32> to vector<98x128xf32>
      %broadcast_in_dim3A = vector.shape_cast %get3A_967 : vector<98x128xf32> to vector<98x1x128xf32>
      %sub3A = arith.subi %get3A_154, %mul3A_8 : i32
      %swap3A_968 = arith.constant 0 : index
      %swap3A_969 = arith.constant 0 : index
      %swap3A_970 = arith.index_cast %sub3A : i32 to index
      %swap3A_971 = arith.constant 0 : index
      %swap3A_972 = vector.load %arg5[%swap3A_968, %swap3A_969, %swap3A_970, %swap3A_971] : memref<1x98x128x128xf32, #tpu.memory_space<vmem>>, vector<1x98x1x128xf32>
      %swap3A_973 = vector.shape_cast %swap3A_972 : vector<1x98x1x128xf32> to vector<98x1x128xf32>
      %swap3A_974 = vector.shape_cast %broadcast_in_dim3A : vector<98x1x128xf32> to vector<1x98x1x128xf32>
      tpu.vector_store %arg5[%swap3A_968, %swap3A_969, %swap3A_970, %swap3A_971], %swap3A_974 {strides = array<i32>} : memref<1x98x128x128xf32, #tpu.memory_space<vmem>>, vector<1x98x1x128xf32>,
    } else {
    }
    %get3A_163 = arith.constant 16 : index
    %get3A_164 = memref.load %arg1[%get3A_163] : memref<32xi32, #tpu.memory_space<smem>>
    %ge3A_165 = arith.cmpi sge, %get3A_164, %mul3A_8 : i32
    %add3A_166 = arith.constant 128 : i32
    %add3A_167 = arith.addi %mul3A_8, %add3A_166 : i32
    %lt3A_168 = arith.cmpi slt, %get3A_164, %add3A_167 : i32
    %and3A_169 = arith.andi %ge3A_165, %lt3A_168 : i1
    %convert_element_type3A_170 = arith.extui %and3A_169 : i1 to i32
    %cond3A_171 = arith.constant 0 : i32
    %cond3A_172 = arith.cmpi ne, %convert_element_type3A_170, %cond3A_171 : i32
    scf.if %cond3A_172 {
      %get3A_963 = arith.constant 0 : index
      %get3A_964 = arith.constant 16 : index
      %get3A_965 = arith.constant 0 : index
      %get3A_966 = vector.load %arg4[%get3A_963, %get3A_964, %get3A_965] : memref<98x32x128xf32, #tpu.memory_space<vmem>>, vector<98x1x128xf32>
      %get3A_967 = vector.shape_cast %get3A_966 : vector<98x1x128xf32> to vector<98x128xf32>
      %broadcast_in_dim3A = vector.shape_cast %get3A_967 : vector<98x128xf32> to vector<98x1x128xf32>
      %sub3A = arith.subi %get3A_164, %mul3A_8 : i32
      %swap3A_968 = arith.constant 0 : index
      %swap3A_969 = arith.constant 0 : index
      %swap3A_970 = arith.index_cast %sub3A : i32 to index
      %swap3A_971 = arith.constant 0 : index
      %swap3A_972 = vector.load %arg5[%swap3A_968, %swap3A_969, %swap3A_970, %swap3A_971] : memref<1x98x128x128xf32, #tpu.memory_space<vmem>>, vector<1x98x1x128xf32>
      %swap3A_973 = vector.shape_cast %swap3A_972 : vector<1x98x1x128xf32> to vector<98x1x128xf32>
      %swap3A_974 = vector.shape_cast %broadcast_in_dim3A : vector<98x1x128xf32> to vector<1x98x1x128xf32>
      tpu.vector_store %arg5[%swap3A_968, %swap3A_969, %swap3A_970, %swap3A_971], %swap3A_974 {strides = array<i32>} : memref<1x98x128x128xf32, #tpu.memory_space<vmem>>, vector<1x98x1x128xf32>,
    } else {
    }
    %get3A_173 = arith.constant 17 : index
    %get3A_174 = memref.load %arg1[%get3A_173] : memref<32xi32, #tpu.memory_space<smem>>
    %ge3A_175 = arith.cmpi sge, %get3A_174, %mul3A_8 : i32
    %add3A_176 = arith.constant 128 : i32
    %add3A_177 = arith.addi %mul3A_8, %add3A_176 : i32
    %lt3A_178 = arith.cmpi slt, %get3A_174, %add3A_177 : i32
    %and3A_179 = arith.andi %ge3A_175, %lt3A_178 : i1
    %convert_element_type3A_180 = arith.extui %and3A_179 : i1 to i32
    %cond3A_181 = arith.constant 0 : i32
    %cond3A_182 = arith.cmpi ne, %convert_element_type3A_180, %cond3A_181 : i32
    scf.if %cond3A_182 {
      %get3A_963 = arith.constant 0 : index
      %get3A_964 = arith.constant 17 : index
      %get3A_965 = arith.constant 0 : index
      %get3A_966 = vector.load %arg4[%get3A_963, %get3A_964, %get3A_965] : memref<98x32x128xf32, #tpu.memory_space<vmem>>, vector<98x1x128xf32>
      %get3A_967 = vector.shape_cast %get3A_966 : vector<98x1x128xf32> to vector<98x128xf32>
      %broadcast_in_dim3A = vector.shape_cast %get3A_967 : vector<98x128xf32> to vector<98x1x128xf32>
      %sub3A = arith.subi %get3A_174, %mul3A_8 : i32
      %swap3A_968 = arith.constant 0 : index
      %swap3A_969 = arith.constant 0 : index
      %swap3A_970 = arith.index_cast %sub3A : i32 to index
      %swap3A_971 = arith.constant 0 : index
      %swap3A_972 = vector.load %arg5[%swap3A_968, %swap3A_969, %swap3A_970, %swap3A_971] : memref<1x98x128x128xf32, #tpu.memory_space<vmem>>, vector<1x98x1x128xf32>
      %swap3A_973 = vector.shape_cast %swap3A_972 : vector<1x98x1x128xf32> to vector<98x1x128xf32>
      %swap3A_974 = vector.shape_cast %broadcast_in_dim3A : vector<98x1x128xf32> to vector<1x98x1x128xf32>
      tpu.vector_store %arg5[%swap3A_968, %swap3A_969, %swap3A_970, %swap3A_971], %swap3A_974 {strides = array<i32>} : memref<1x98x128x128xf32, #tpu.memory_space<vmem>>, vector<1x98x1x128xf32>,
    } else {
    }
    %get3A_183 = arith.constant 18 : index
    %get3A_184 = memref.load %arg1[%get3A_183] : memref<32xi32, #tpu.memory_space<smem>>
    %ge3A_185 = arith.cmpi sge, %get3A_184, %mul3A_8 : i32
    %add3A_186 = arith.constant 128 : i32
    %add3A_187 = arith.addi %mul3A_8, %add3A_186 : i32
    %lt3A_188 = arith.cmpi slt, %get3A_184, %add3A_187 : i32
    %and3A_189 = arith.andi %ge3A_185, %lt3A_188 : i1
    %convert_element_type3A_190 = arith.extui %and3A_189 : i1 to i32
    %cond3A_191 = arith.constant 0 : i32
    %cond3A_192 = arith.cmpi ne, %convert_element_type3A_190, %cond3A_191 : i32
    scf.if %cond3A_192 {
      %get3A_963 = arith.constant 0 : index
      %get3A_964 = arith.constant 18 : index
      %get3A_965 = arith.constant 0 : index
      %get3A_966 = vector.load %arg4[%get3A_963, %get3A_964, %get3A_965] : memref<98x32x128xf32, #tpu.memory_space<vmem>>, vector<98x1x128xf32>
      %get3A_967 = vector.shape_cast %get3A_966 : vector<98x1x128xf32> to vector<98x128xf32>
      %broadcast_in_dim3A = vector.shape_cast %get3A_967 : vector<98x128xf32> to vector<98x1x128xf32>
      %sub3A = arith.subi %get3A_184, %mul3A_8 : i32
      %swap3A_968 = arith.constant 0 : index
      %swap3A_969 = arith.constant 0 : index
      %swap3A_970 = arith.index_cast %sub3A : i32 to index
      %swap3A_971 = arith.constant 0 : index
      %swap3A_972 = vector.load %arg5[%swap3A_968, %swap3A_969, %swap3A_970, %swap3A_971] : memref<1x98x128x128xf32, #tpu.memory_space<vmem>>, vector<1x98x1x128xf32>
      %swap3A_973 = vector.shape_cast %swap3A_972 : vector<1x98x1x128xf32> to vector<98x1x128xf32>
      %swap3A_974 = vector.shape_cast %broadcast_in_dim3A : vector<98x1x128xf32> to vector<1x98x1x128xf32>
      tpu.vector_store %arg5[%swap3A_968, %swap3A_969, %swap3A_970, %swap3A_971], %swap3A_974 {strides = array<i32>} : memref<1x98x128x128xf32, #tpu.memory_space<vmem>>, vector<1x98x1x128xf32>,
    } else {
    }
    %get3A_193 = arith.constant 19 : index
    %get3A_194 = memref.load %arg1[%get3A_193] : memref<32xi32, #tpu.memory_space<smem>>
    %ge3A_195 = arith.cmpi sge, %get3A_194, %mul3A_8 : i32
    %add3A_196 = arith.constant 128 : i32
    %add3A_197 = arith.addi %mul3A_8, %add3A_196 : i32
    %lt3A_198 = arith.cmpi slt, %get3A_194, %add3A_197 : i32
    %and3A_199 = arith.andi %ge3A_195, %lt3A_198 : i1
    %convert_element_type3A_200 = arith.extui %and3A_199 : i1 to i32
    %cond3A_201 = arith.constant 0 : i32
    %cond3A_202 = arith.cmpi ne, %convert_element_type3A_200, %cond3A_201 : i32
    scf.if %cond3A_202 {
      %get3A_963 = arith.constant 0 : index
      %get3A_964 = arith.constant 19 : index
      %get3A_965 = arith.constant 0 : index
      %get3A_966 = vector.load %arg4[%get3A_963, %get3A_964, %get3A_965] : memref<98x32x128xf32, #tpu.memory_space<vmem>>, vector<98x1x128xf32>
      %get3A_967 = vector.shape_cast %get3A_966 : vector<98x1x128xf32> to vector<98x128xf32>
      %broadcast_in_dim3A = vector.shape_cast %get3A_967 : vector<98x128xf32> to vector<98x1x128xf32>
      %sub3A = arith.subi %get3A_194, %mul3A_8 : i32
      %swap3A_968 = arith.constant 0 : index
      %swap3A_969 = arith.constant 0 : index
      %swap3A_970 = arith.index_cast %sub3A : i32 to index
      %swap3A_971 = arith.constant 0 : index
      %swap3A_972 = vector.load %arg5[%swap3A_968, %swap3A_969, %swap3A_970, %swap3A_971] : memref<1x98x128x128xf32, #tpu.memory_space<vmem>>, vector<1x98x1x128xf32>
      %swap3A_973 = vector.shape_cast %swap3A_972 : vector<1x98x1x128xf32> to vector<98x1x128xf32>
      %swap3A_974 = vector.shape_cast %broadcast_in_dim3A : vector<98x1x128xf32> to vector<1x98x1x128xf32>
      tpu.vector_store %arg5[%swap3A_968, %swap3A_969, %swap3A_970, %swap3A_971], %swap3A_974 {strides = array<i32>} : memref<1x98x128x128xf32, #tpu.memory_space<vmem>>, vector<1x98x1x128xf32>,
    } else {
    }
    %get3A_203 = arith.constant 20 : index
    %get3A_204 = memref.load %arg1[%get3A_203] : memref<32xi32, #tpu.memory_space<smem>>
    %ge3A_205 = arith.cmpi sge, %get3A_204, %mul3A_8 : i32
    %add3A_206 = arith.constant 128 : i32
    %add3A_207 = arith.addi %mul3A_8, %add3A_206 : i32
    %lt3A_208 = arith.cmpi slt, %get3A_204, %add3A_207 : i32
    %and3A_209 = arith.andi %ge3A_205, %lt3A_208 : i1
    %convert_element_type3A_210 = arith.extui %and3A_209 : i1 to i32
    %cond3A_211 = arith.constant 0 : i32
    %cond3A_212 = arith.cmpi ne, %convert_element_type3A_210, %cond3A_211 : i32
    scf.if %cond3A_212 {
      %get3A_963 = arith.constant 0 : index
      %get3A_964 = arith.constant 20 : index
      %get3A_965 = arith.constant 0 : index
      %get3A_966 = vector.load %arg4[%get3A_963, %get3A_964, %get3A_965] : memref<98x32x128xf32, #tpu.memory_space<vmem>>, vector<98x1x128xf32>
      %get3A_967 = vector.shape_cast %get3A_966 : vector<98x1x128xf32> to vector<98x128xf32>
      %broadcast_in_dim3A = vector.shape_cast %get3A_967 : vector<98x128xf32> to vector<98x1x128xf32>
      %sub3A = arith.subi %get3A_204, %mul3A_8 : i32
      %swap3A_968 = arith.constant 0 : index
      %swap3A_969 = arith.constant 0 : index
      %swap3A_970 = arith.index_cast %sub3A : i32 to index
      %swap3A_971 = arith.constant 0 : index
      %swap3A_972 = vector.load %arg5[%swap3A_968, %swap3A_969, %swap3A_970, %swap3A_971] : memref<1x98x128x128xf32, #tpu.memory_space<vmem>>, vector<1x98x1x128xf32>
      %swap3A_973 = vector.shape_cast %swap3A_972 : vector<1x98x1x128xf32> to vector<98x1x128xf32>
      %swap3A_974 = vector.shape_cast %broadcast_in_dim3A : vector<98x1x128xf32> to vector<1x98x1x128xf32>
      tpu.vector_store %arg5[%swap3A_968, %swap3A_969, %swap3A_970, %swap3A_971], %swap3A_974 {strides = array<i32>} : memref<1x98x128x128xf32, #tpu.memory_space<vmem>>, vector<1x98x1x128xf32>,
    } else {
    }
    %get3A_213 = arith.constant 21 : index
    %get3A_214 = memref.load %arg1[%get3A_213] : memref<32xi32, #tpu.memory_space<smem>>
    %ge3A_215 = arith.cmpi sge, %get3A_214, %mul3A_8 : i32
    %add3A_216 = arith.constant 128 : i32
    %add3A_217 = arith.addi %mul3A_8, %add3A_216 : i32
    %lt3A_218 = arith.cmpi slt, %get3A_214, %add3A_217 : i32
    %and3A_219 = arith.andi %ge3A_215, %lt3A_218 : i1
    %convert_element_type3A_220 = arith.extui %and3A_219 : i1 to i32
    %cond3A_221 = arith.constant 0 : i32
    %cond3A_222 = arith.cmpi ne, %convert_element_type3A_220, %cond3A_221 : i32
    scf.if %cond3A_222 {
      %get3A_963 = arith.constant 0 : index
      %get3A_964 = arith.constant 21 : index
      %get3A_965 = arith.constant 0 : index
      %get3A_966 = vector.load %arg4[%get3A_963, %get3A_964, %get3A_965] : memref<98x32x128xf32, #tpu.memory_space<vmem>>, vector<98x1x128xf32>
      %get3A_967 = vector.shape_cast %get3A_966 : vector<98x1x128xf32> to vector<98x128xf32>
      %broadcast_in_dim3A = vector.shape_cast %get3A_967 : vector<98x128xf32> to vector<98x1x128xf32>
      %sub3A = arith.subi %get3A_214, %mul3A_8 : i32
      %swap3A_968 = arith.constant 0 : index
      %swap3A_969 = arith.constant 0 : index
      %swap3A_970 = arith.index_cast %sub3A : i32 to index
      %swap3A_971 = arith.constant 0 : index
      %swap3A_972 = vector.load %arg5[%swap3A_968, %swap3A_969, %swap3A_970, %swap3A_971] : memref<1x98x128x128xf32, #tpu.memory_space<vmem>>, vector<1x98x1x128xf32>
      %swap3A_973 = vector.shape_cast %swap3A_972 : vector<1x98x1x128xf32> to vector<98x1x128xf32>
      %swap3A_974 = vector.shape_cast %broadcast_in_dim3A : vector<98x1x128xf32> to vector<1x98x1x128xf32>
      tpu.vector_store %arg5[%swap3A_968, %swap3A_969, %swap3A_970, %swap3A_971], %swap3A_974 {strides = array<i32>} : memref<1x98x128x128xf32, #tpu.memory_space<vmem>>, vector<1x98x1x128xf32>,
    } else {
    }
    %get3A_223 = arith.constant 22 : index
    %get3A_224 = memref.load %arg1[%get3A_223] : memref<32xi32, #tpu.memory_space<smem>>
    %ge3A_225 = arith.cmpi sge, %get3A_224, %mul3A_8 : i32
    %add3A_226 = arith.constant 128 : i32
    %add3A_227 = arith.addi %mul3A_8, %add3A_226 : i32
    %lt3A_228 = arith.cmpi slt, %get3A_224, %add3A_227 : i32
    %and3A_229 = arith.andi %ge3A_225, %lt3A_228 : i1
    %convert_element_type3A_230 = arith.extui %and3A_229 : i1 to i32
    %cond3A_231 = arith.constant 0 : i32
    %cond3A_232 = arith.cmpi ne, %convert_element_type3A_230, %cond3A_231 : i32
    scf.if %cond3A_232 {
      %get3A_963 = arith.constant 0 : index
      %get3A_964 = arith.constant 22 : index
      %get3A_965 = arith.constant 0 : index
      %get3A_966 = vector.load %arg4[%get3A_963, %get3A_964, %get3A_965] : memref<98x32x128xf32, #tpu.memory_space<vmem>>, vector<98x1x128xf32>
      %get3A_967 = vector.shape_cast %get3A_966 : vector<98x1x128xf32> to vector<98x128xf32>
      %broadcast_in_dim3A = vector.shape_cast %get3A_967 : vector<98x128xf32> to vector<98x1x128xf32>
      %sub3A = arith.subi %get3A_224, %mul3A_8 : i32
      %swap3A_968 = arith.constant 0 : index
      %swap3A_969 = arith.constant 0 : index
      %swap3A_970 = arith.index_cast %sub3A : i32 to index
      %swap3A_971 = arith.constant 0 : index
      %swap3A_972 = vector.load %arg5[%swap3A_968, %swap3A_969, %swap3A_970, %swap3A_971] : memref<1x98x128x128xf32, #tpu.memory_space<vmem>>, vector<1x98x1x128xf32>
      %swap3A_973 = vector.shape_cast %swap3A_972 : vector<1x98x1x128xf32> to vector<98x1x128xf32>
      %swap3A_974 = vector.shape_cast %broadcast_in_dim3A : vector<98x1x128xf32> to vector<1x98x1x128xf32>
      tpu.vector_store %arg5[%swap3A_968, %swap3A_969, %swap3A_970, %swap3A_971], %swap3A_974 {strides = array<i32>} : memref<1x98x128x128xf32, #tpu.memory_space<vmem>>, vector<1x98x1x128xf32>,
    } else {
    }
    %get3A_233 = arith.constant 23 : index
    %get3A_234 = memref.load %arg1[%get3A_233] : memref<32xi32, #tpu.memory_space<smem>>
    %ge3A_235 = arith.cmpi sge, %get3A_234, %mul3A_8 : i32
    %add3A_236 = arith.constant 128 : i32
    %add3A_237 = arith.addi %mul3A_8, %add3A_236 : i32
    %lt3A_238 = arith.cmpi slt, %get3A_234, %add3A_237 : i32
    %and3A_239 = arith.andi %ge3A_235, %lt3A_238 : i1
    %convert_element_type3A_240 = arith.extui %and3A_239 : i1 to i32
    %cond3A_241 = arith.constant 0 : i32
    %cond3A_242 = arith.cmpi ne, %convert_element_type3A_240, %cond3A_241 : i32
    scf.if %cond3A_242 {
      %get3A_963 = arith.constant 0 : index
      %get3A_964 = arith.constant 23 : index
      %get3A_965 = arith.constant 0 : index
      %get3A_966 = vector.load %arg4[%get3A_963, %get3A_964, %get3A_965] : memref<98x32x128xf32, #tpu.memory_space<vmem>>, vector<98x1x128xf32>
      %get3A_967 = vector.shape_cast %get3A_966 : vector<98x1x128xf32> to vector<98x128xf32>
      %broadcast_in_dim3A = vector.shape_cast %get3A_967 : vector<98x128xf32> to vector<98x1x128xf32>
      %sub3A = arith.subi %get3A_234, %mul3A_8 : i32
      %swap3A_968 = arith.constant 0 : index
      %swap3A_969 = arith.constant 0 : index
      %swap3A_970 = arith.index_cast %sub3A : i32 to index
      %swap3A_971 = arith.constant 0 : index
      %swap3A_972 = vector.load %arg5[%swap3A_968, %swap3A_969, %swap3A_970, %swap3A_971] : memref<1x98x128x128xf32, #tpu.memory_space<vmem>>, vector<1x98x1x128xf32>
      %swap3A_973 = vector.shape_cast %swap3A_972 : vector<1x98x1x128xf32> to vector<98x1x128xf32>
      %swap3A_974 = vector.shape_cast %broadcast_in_dim3A : vector<98x1x128xf32> to vector<1x98x1x128xf32>
      tpu.vector_store %arg5[%swap3A_968, %swap3A_969, %swap3A_970, %swap3A_971], %swap3A_974 {strides = array<i32>} : memref<1x98x128x128xf32, #tpu.memory_space<vmem>>, vector<1x98x1x128xf32>,
    } else {
    }
    %get3A_243 = arith.constant 24 : index
    %get3A_244 = memref.load %arg1[%get3A_243] : memref<32xi32, #tpu.memory_space<smem>>
    %ge3A_245 = arith.cmpi sge, %get3A_244, %mul3A_8 : i32
    %add3A_246 = arith.constant 128 : i32
    %add3A_247 = arith.addi %mul3A_8, %add3A_246 : i32
    %lt3A_248 = arith.cmpi slt, %get3A_244, %add3A_247 : i32
    %and3A_249 = arith.andi %ge3A_245, %lt3A_248 : i1
    %convert_element_type3A_250 = arith.extui %and3A_249 : i1 to i32
    %cond3A_251 = arith.constant 0 : i32
    %cond3A_252 = arith.cmpi ne, %convert_element_type3A_250, %cond3A_251 : i32
    scf.if %cond3A_252 {
      %get3A_963 = arith.constant 0 : index
      %get3A_964 = arith.constant 24 : index
      %get3A_965 = arith.constant 0 : index
      %get3A_966 = vector.load %arg4[%get3A_963, %get3A_964, %get3A_965] : memref<98x32x128xf32, #tpu.memory_space<vmem>>, vector<98x1x128xf32>
      %get3A_967 = vector.shape_cast %get3A_966 : vector<98x1x128xf32> to vector<98x128xf32>
      %broadcast_in_dim3A = vector.shape_cast %get3A_967 : vector<98x128xf32> to vector<98x1x128xf32>
      %sub3A = arith.subi %get3A_244, %mul3A_8 : i32
      %swap3A_968 = arith.constant 0 : index
      %swap3A_969 = arith.constant 0 : index
      %swap3A_970 = arith.index_cast %sub3A : i32 to index
      %swap3A_971 = arith.constant 0 : index
      %swap3A_972 = vector.load %arg5[%swap3A_968, %swap3A_969, %swap3A_970, %swap3A_971] : memref<1x98x128x128xf32, #tpu.memory_space<vmem>>, vector<1x98x1x128xf32>
      %swap3A_973 = vector.shape_cast %swap3A_972 : vector<1x98x1x128xf32> to vector<98x1x128xf32>
      %swap3A_974 = vector.shape_cast %broadcast_in_dim3A : vector<98x1x128xf32> to vector<1x98x1x128xf32>
      tpu.vector_store %arg5[%swap3A_968, %swap3A_969, %swap3A_970, %swap3A_971], %swap3A_974 {strides = array<i32>} : memref<1x98x128x128xf32, #tpu.memory_space<vmem>>, vector<1x98x1x128xf32>,
    } else {
    }
    %get3A_253 = arith.constant 25 : index
    %get3A_254 = memref.load %arg1[%get3A_253] : memref<32xi32, #tpu.memory_space<smem>>
    %ge3A_255 = arith.cmpi sge, %get3A_254, %mul3A_8 : i32
    %add3A_256 = arith.constant 128 : i32
    %add3A_257 = arith.addi %mul3A_8, %add3A_256 : i32
    %lt3A_258 = arith.cmpi slt, %get3A_254, %add3A_257 : i32
    %and3A_259 = arith.andi %ge3A_255, %lt3A_258 : i1
    %convert_element_type3A_260 = arith.extui %and3A_259 : i1 to i32
    %cond3A_261 = arith.constant 0 : i32
    %cond3A_262 = arith.cmpi ne, %convert_element_type3A_260, %cond3A_261 : i32
    scf.if %cond3A_262 {
      %get3A_963 = arith.constant 0 : index
      %get3A_964 = arith.constant 25 : index
      %get3A_965 = arith.constant 0 : index
      %get3A_966 = vector.load %arg4[%get3A_963, %get3A_964, %get3A_965] : memref<98x32x128xf32, #tpu.memory_space<vmem>>, vector<98x1x128xf32>
      %get3A_967 = vector.shape_cast %get3A_966 : vector<98x1x128xf32> to vector<98x128xf32>
      %broadcast_in_dim3A = vector.shape_cast %get3A_967 : vector<98x128xf32> to vector<98x1x128xf32>
      %sub3A = arith.subi %get3A_254, %mul3A_8 : i32
      %swap3A_968 = arith.constant 0 : index
      %swap3A_969 = arith.constant 0 : index
      %swap3A_970 = arith.index_cast %sub3A : i32 to index
      %swap3A_971 = arith.constant 0 : index
      %swap3A_972 = vector.load %arg5[%swap3A_968, %swap3A_969, %swap3A_970, %swap3A_971] : memref<1x98x128x128xf32, #tpu.memory_space<vmem>>, vector<1x98x1x128xf32>
      %swap3A_973 = vector.shape_cast %swap3A_972 : vector<1x98x1x128xf32> to vector<98x1x128xf32>
      %swap3A_974 = vector.shape_cast %broadcast_in_dim3A : vector<98x1x128xf32> to vector<1x98x1x128xf32>
      tpu.vector_store %arg5[%swap3A_968, %swap3A_969, %swap3A_970, %swap3A_971], %swap3A_974 {strides = array<i32>} : memref<1x98x128x128xf32, #tpu.memory_space<vmem>>, vector<1x98x1x128xf32>,
    } else {
    }
    %get3A_263 = arith.constant 26 : index
    %get3A_264 = memref.load %arg1[%get3A_263] : memref<32xi32, #tpu.memory_space<smem>>
    %ge3A_265 = arith.cmpi sge, %get3A_264, %mul3A_8 : i32
    %add3A_266 = arith.constant 128 : i32
    %add3A_267 = arith.addi %mul3A_8, %add3A_266 : i32
    %lt3A_268 = arith.cmpi slt, %get3A_264, %add3A_267 : i32
    %and3A_269 = arith.andi %ge3A_265, %lt3A_268 : i1
    %convert_element_type3A_270 = arith.extui %and3A_269 : i1 to i32
    %cond3A_271 = arith.constant 0 : i32
    %cond3A_272 = arith.cmpi ne, %convert_element_type3A_270, %cond3A_271 : i32
    scf.if %cond3A_272 {
      %get3A_963 = arith.constant 0 : index
      %get3A_964 = arith.constant 26 : index
      %get3A_965 = arith.constant 0 : index
      %get3A_966 = vector.load %arg4[%get3A_963, %get3A_964, %get3A_965] : memref<98x32x128xf32, #tpu.memory_space<vmem>>, vector<98x1x128xf32>
      %get3A_967 = vector.shape_cast %get3A_966 : vector<98x1x128xf32> to vector<98x128xf32>
      %broadcast_in_dim3A = vector.shape_cast %get3A_967 : vector<98x128xf32> to vector<98x1x128xf32>
      %sub3A = arith.subi %get3A_264, %mul3A_8 : i32
      %swap3A_968 = arith.constant 0 : index
      %swap3A_969 = arith.constant 0 : index
      %swap3A_970 = arith.index_cast %sub3A : i32 to index
      %swap3A_971 = arith.constant 0 : index
      %swap3A_972 = vector.load %arg5[%swap3A_968, %swap3A_969, %swap3A_970, %swap3A_971] : memref<1x98x128x128xf32, #tpu.memory_space<vmem>>, vector<1x98x1x128xf32>
      %swap3A_973 = vector.shape_cast %swap3A_972 : vector<1x98x1x128xf32> to vector<98x1x128xf32>
      %swap3A_974 = vector.shape_cast %broadcast_in_dim3A : vector<98x1x128xf32> to vector<1x98x1x128xf32>
      tpu.vector_store %arg5[%swap3A_968, %swap3A_969, %swap3A_970, %swap3A_971], %swap3A_974 {strides = array<i32>} : memref<1x98x128x128xf32, #tpu.memory_space<vmem>>, vector<1x98x1x128xf32>,
    } else {
    }
    %get3A_273 = arith.constant 27 : index
    %get3A_274 = memref.load %arg1[%get3A_273] : memref<32xi32, #tpu.memory_space<smem>>
    %ge3A_275 = arith.cmpi sge, %get3A_274, %mul3A_8 : i32
    %add3A_276 = arith.constant 128 : i32
    %add3A_277 = arith.addi %mul3A_8, %add3A_276 : i32
    %lt3A_278 = arith.cmpi slt, %get3A_274, %add3A_277 : i32
    %and3A_279 = arith.andi %ge3A_275, %lt3A_278 : i1
    %convert_element_type3A_280 = arith.extui %and3A_279 : i1 to i32
    %cond3A_281 = arith.constant 0 : i32
    %cond3A_282 = arith.cmpi ne, %convert_element_type3A_280, %cond3A_281 : i32
    scf.if %cond3A_282 {
      %get3A_963 = arith.constant 0 : index
      %get3A_964 = arith.constant 27 : index
      %get3A_965 = arith.constant 0 : index
      %get3A_966 = vector.load %arg4[%get3A_963, %get3A_964, %get3A_965] : memref<98x32x128xf32, #tpu.memory_space<vmem>>, vector<98x1x128xf32>
      %get3A_967 = vector.shape_cast %get3A_966 : vector<98x1x128xf32> to vector<98x128xf32>
      %broadcast_in_dim3A = vector.shape_cast %get3A_967 : vector<98x128xf32> to vector<98x1x128xf32>
      %sub3A = arith.subi %get3A_274, %mul3A_8 : i32
      %swap3A_968 = arith.constant 0 : index
      %swap3A_969 = arith.constant 0 : index
      %swap3A_970 = arith.index_cast %sub3A : i32 to index
      %swap3A_971 = arith.constant 0 : index
      %swap3A_972 = vector.load %arg5[%swap3A_968, %swap3A_969, %swap3A_970, %swap3A_971] : memref<1x98x128x128xf32, #tpu.memory_space<vmem>>, vector<1x98x1x128xf32>
      %swap3A_973 = vector.shape_cast %swap3A_972 : vector<1x98x1x128xf32> to vector<98x1x128xf32>
      %swap3A_974 = vector.shape_cast %broadcast_in_dim3A : vector<98x1x128xf32> to vector<1x98x1x128xf32>
      tpu.vector_store %arg5[%swap3A_968, %swap3A_969, %swap3A_970, %swap3A_971], %swap3A_974 {strides = array<i32>} : memref<1x98x128x128xf32, #tpu.memory_space<vmem>>, vector<1x98x1x128xf32>,
    } else {
    }
    %get3A_283 = arith.constant 28 : index
    %get3A_284 = memref.load %arg1[%get3A_283] : memref<32xi32, #tpu.memory_space<smem>>
    %ge3A_285 = arith.cmpi sge, %get3A_284, %mul3A_8 : i32
    %add3A_286 = arith.constant 128 : i32
    %add3A_287 = arith.addi %mul3A_8, %add3A_286 : i32
    %lt3A_288 = arith.cmpi slt, %get3A_284, %add3A_287 : i32
    %and3A_289 = arith.andi %ge3A_285, %lt3A_288 : i1
    %convert_element_type3A_290 = arith.extui %and3A_289 : i1 to i32
    %cond3A_291 = arith.constant 0 : i32
    %cond3A_292 = arith.cmpi ne, %convert_element_type3A_290, %cond3A_291 : i32
    scf.if %cond3A_292 {
      %get3A_963 = arith.constant 0 : index
      %get3A_964 = arith.constant 28 : index
      %get3A_965 = arith.constant 0 : index
      %get3A_966 = vector.load %arg4[%get3A_963, %get3A_964, %get3A_965] : memref<98x32x128xf32, #tpu.memory_space<vmem>>, vector<98x1x128xf32>
      %get3A_967 = vector.shape_cast %get3A_966 : vector<98x1x128xf32> to vector<98x128xf32>
      %broadcast_in_dim3A = vector.shape_cast %get3A_967 : vector<98x128xf32> to vector<98x1x128xf32>
      %sub3A = arith.subi %get3A_284, %mul3A_8 : i32
      %swap3A_968 = arith.constant 0 : index
      %swap3A_969 = arith.constant 0 : index
      %swap3A_970 = arith.index_cast %sub3A : i32 to index
      %swap3A_971 = arith.constant 0 : index
      %swap3A_972 = vector.load %arg5[%swap3A_968, %swap3A_969, %swap3A_970, %swap3A_971] : memref<1x98x128x128xf32, #tpu.memory_space<vmem>>, vector<1x98x1x128xf32>
      %swap3A_973 = vector.shape_cast %swap3A_972 : vector<1x98x1x128xf32> to vector<98x1x128xf32>
      %swap3A_974 = vector.shape_cast %broadcast_in_dim3A : vector<98x1x128xf32> to vector<1x98x1x128xf32>
      tpu.vector_store %arg5[%swap3A_968, %swap3A_969, %swap3A_970, %swap3A_971], %swap3A_974 {strides = array<i32>} : memref<1x98x128x128xf32, #tpu.memory_space<vmem>>, vector<1x98x1x128xf32>,
    } else {
    }
    %get3A_293 = arith.constant 29 : index
    %get3A_294 = memref.load %arg1[%get3A_293] : memref<32xi32, #tpu.memory_space<smem>>
    %ge3A_295 = arith.cmpi sge, %get3A_294, %mul3A_8 : i32
    %add3A_296 = arith.constant 128 : i32
    %add3A_297 = arith.addi %mul3A_8, %add3A_296 : i32
    %lt3A_298 = arith.cmpi slt, %get3A_294, %add3A_297 : i32
    %and3A_299 = arith.andi %ge3A_295, %lt3A_298 : i1
    %convert_element_type3A_300 = arith.extui %and3A_299 : i1 to i32
    %cond3A_301 = arith.constant 0 : i32
    %cond3A_302 = arith.cmpi ne, %convert_element_type3A_300, %cond3A_301 : i32
    scf.if %cond3A_302 {
      %get3A_963 = arith.constant 0 : index
      %get3A_964 = arith.constant 29 : index
      %get3A_965 = arith.constant 0 : index
      %get3A_966 = vector.load %arg4[%get3A_963, %get3A_964, %get3A_965] : memref<98x32x128xf32, #tpu.memory_space<vmem>>, vector<98x1x128xf32>
      %get3A_967 = vector.shape_cast %get3A_966 : vector<98x1x128xf32> to vector<98x128xf32>
      %broadcast_in_dim3A = vector.shape_cast %get3A_967 : vector<98x128xf32> to vector<98x1x128xf32>
      %sub3A = arith.subi %get3A_294, %mul3A_8 : i32
      %swap3A_968 = arith.constant 0 : index
      %swap3A_969 = arith.constant 0 : index
      %swap3A_970 = arith.index_cast %sub3A : i32 to index
      %swap3A_971 = arith.constant 0 : index
      %swap3A_972 = vector.load %arg5[%swap3A_968, %swap3A_969, %swap3A_970, %swap3A_971] : memref<1x98x128x128xf32, #tpu.memory_space<vmem>>, vector<1x98x1x128xf32>
      %swap3A_973 = vector.shape_cast %swap3A_972 : vector<1x98x1x128xf32> to vector<98x1x128xf32>
      %swap3A_974 = vector.shape_cast %broadcast_in_dim3A : vector<98x1x128xf32> to vector<1x98x1x128xf32>
      tpu.vector_store %arg5[%swap3A_968, %swap3A_969, %swap3A_970, %swap3A_971], %swap3A_974 {strides = array<i32>} : memref<1x98x128x128xf32, #tpu.memory_space<vmem>>, vector<1x98x1x128xf32>,
    } else {
    }
    %get3A_303 = arith.constant 30 : index
    %get3A_304 = memref.load %arg1[%get3A_303] : memref<32xi32, #tpu.memory_space<smem>>
    %ge3A_305 = arith.cmpi sge, %get3A_304, %mul3A_8 : i32
    %add3A_306 = arith.constant 128 : i32
    %add3A_307 = arith.addi %mul3A_8, %add3A_306 : i32
    %lt3A_308 = arith.cmpi slt, %get3A_304, %add3A_307 : i32
    %and3A_309 = arith.andi %ge3A_305, %lt3A_308 : i1
    %convert_element_type3A_310 = arith.extui %and3A_309 : i1 to i32
    %cond3A_311 = arith.constant 0 : i32
    %cond3A_312 = arith.cmpi ne, %convert_element_type3A_310, %cond3A_311 : i32
    scf.if %cond3A_312 {
      %get3A_963 = arith.constant 0 : index
      %get3A_964 = arith.constant 30 : index
      %get3A_965 = arith.constant 0 : index
      %get3A_966 = vector.load %arg4[%get3A_963, %get3A_964, %get3A_965] : memref<98x32x128xf32, #tpu.memory_space<vmem>>, vector<98x1x128xf32>
      %get3A_967 = vector.shape_cast %get3A_966 : vector<98x1x128xf32> to vector<98x128xf32>
      %broadcast_in_dim3A = vector.shape_cast %get3A_967 : vector<98x128xf32> to vector<98x1x128xf32>
      %sub3A = arith.subi %get3A_304, %mul3A_8 : i32
      %swap3A_968 = arith.constant 0 : index
      %swap3A_969 = arith.constant 0 : index
      %swap3A_970 = arith.index_cast %sub3A : i32 to index
      %swap3A_971 = arith.constant 0 : index
      %swap3A_972 = vector.load %arg5[%swap3A_968, %swap3A_969, %swap3A_970, %swap3A_971] : memref<1x98x128x128xf32, #tpu.memory_space<vmem>>, vector<1x98x1x128xf32>
      %swap3A_973 = vector.shape_cast %swap3A_972 : vector<1x98x1x128xf32> to vector<98x1x128xf32>
      %swap3A_974 = vector.shape_cast %broadcast_in_dim3A : vector<98x1x128xf32> to vector<1x98x1x128xf32>
      tpu.vector_store %arg5[%swap3A_968, %swap3A_969, %swap3A_970, %swap3A_971], %swap3A_974 {strides = array<i32>} : memref<1x98x128x128xf32, #tpu.memory_space<vmem>>, vector<1x98x1x128xf32>,
    } else {
    }
    %get3A_313 = arith.constant 31 : index
    %get3A_314 = memref.load %arg1[%get3A_313] : memref<32xi32, #tpu.memory_space<smem>>
    %ge3A_315 = arith.cmpi sge, %get3A_314, %mul3A_8 : i32
    %add3A_316 = arith.constant 128 : i32
    %add3A_317 = arith.addi %mul3A_8, %add3A_316 : i32
    %lt3A_318 = arith.cmpi slt, %get3A_314, %add3A_317 : i32
    %and3A_319 = arith.andi %ge3A_315, %lt3A_318 : i1
    %convert_element_type3A_320 = arith.extui %and3A_319 : i1 to i32
    %cond3A_321 = arith.constant 0 : i32
    %cond3A_322 = arith.cmpi ne, %convert_element_type3A_320, %cond3A_321 : i32
    scf.if %cond3A_322 {
      %get3A_963 = arith.constant 0 : index
      %get3A_964 = arith.constant 31 : index
      %get3A_965 = arith.constant 0 : index
      %get3A_966 = vector.load %arg4[%get3A_963, %get3A_964, %get3A_965] : memref<98x32x128xf32, #tpu.memory_space<vmem>>, vector<98x1x128xf32>
      %get3A_967 = vector.shape_cast %get3A_966 : vector<98x1x128xf32> to vector<98x128xf32>
      %broadcast_in_dim3A = vector.shape_cast %get3A_967 : vector<98x128xf32> to vector<98x1x128xf32>
      %sub3A = arith.subi %get3A_314, %mul3A_8 : i32
      %swap3A_968 = arith.constant 0 : index
      %swap3A_969 = arith.constant 0 : index
      %swap3A_970 = arith.index_cast %sub3A : i32 to index
      %swap3A_971 = arith.constant 0 : index
      %swap3A_972 = vector.load %arg5[%swap3A_968, %swap3A_969, %swap3A_970, %swap3A_971] : memref<1x98x128x128xf32, #tpu.memory_space<vmem>>, vector<1x98x1x128xf32>
      %swap3A_973 = vector.shape_cast %swap3A_972 : vector<1x98x1x128xf32> to vector<98x1x128xf32>
      %swap3A_974 = vector.shape_cast %broadcast_in_dim3A : vector<98x1x128xf32> to vector<1x98x1x128xf32>
      tpu.vector_store %arg5[%swap3A_968, %swap3A_969, %swap3A_970, %swap3A_971], %swap3A_974 {strides = array<i32>} : memref<1x98x128x128xf32, #tpu.memory_space<vmem>>, vector<1x98x1x128xf32>,
    } else {
    }
    %get3A_323 = arith.constant 0 : index
    %get3A_324 = memref.load %arg2[%get3A_323] : memref<64xi32, #tpu.memory_space<smem>>
    %ge3A_325 = arith.cmpi sge, %get3A_324, %mul3A_8 : i32
    %add3A_326 = arith.constant 128 : i32
    %add3A_327 = arith.addi %mul3A_8, %add3A_326 : i32
    %lt3A_328 = arith.cmpi slt, %get3A_324, %add3A_327 : i32
    %and3A_329 = arith.andi %ge3A_325, %lt3A_328 : i1
    %convert_element_type3A_330 = arith.extui %and3A_329 : i1 to i32
    %cond3A_331 = arith.constant 0 : i32
    %cond3A_332 = arith.cmpi ne, %convert_element_type3A_330, %cond3A_331 : i32
    scf.if %cond3A_332 {
      %sub3A = arith.subi %get3A_324, %mul3A_8 : i32
      %get3A_963 = arith.constant 0 : index
      %get3A_964 = arith.constant 0 : index
      %get3A_965 = arith.index_cast %sub3A : i32 to index
      %get3A_966 = arith.constant 0 : index
      %get3A_967 = vector.load %arg3[%get3A_963, %get3A_964, %get3A_965, %get3A_966] : memref<1x98x128x128xf32, #tpu.memory_space<vmem>>, vector<1x98x1x128xf32>
      %get3A_968 = vector.shape_cast %get3A_967 : vector<1x98x1x128xf32> to vector<98x1x128xf32>
      %reshape3A = vector.shape_cast %get3A_968 : vector<98x1x128xf32> to vector<98x128xf32>
      %slice3A = vector.extract_strided_slice %reshape3A {offsets = [0, 0], sizes = [49, 128], strides = [1, 1]} : vector<98x128xf32> to vector<49x128xf32>
      %swap3A_969 = arith.constant 0 : index
      %swap3A_970 = arith.constant 0 : index
      %swap3A_971 = arith.constant 0 : index
      %swap3A_972 = vector.load %arg6[%swap3A_969, %swap3A_970, %swap3A_971] : memref<64x49x128xf32, #tpu.memory_space<vmem>>, vector<1x49x128xf32>
      %swap3A_973 = vector.shape_cast %swap3A_972 : vector<1x49x128xf32> to vector<49x128xf32>
      %swap3A_974 = vector.shape_cast %slice3A : vector<49x128xf32> to vector<1x49x128xf32>
      tpu.vector_store %arg6[%swap3A_969, %swap3A_970, %swap3A_971], %swap3A_974 {strides = array<i32>} : memref<64x49x128xf32, #tpu.memory_space<vmem>>, vector<1x49x128xf32>,
      %slice3A_975 = vector.extract_strided_slice %reshape3A {offsets = [49, 0], sizes = [49, 128], strides = [1, 1]} : vector<98x128xf32> to vector<49x128xf32>
      %swap3A_976 = arith.constant 0 : index
      %swap3A_977 = arith.constant 0 : index
      %swap3A_978 = arith.constant 0 : index
      %swap3A_979 = vector.load %arg7[%swap3A_976, %swap3A_977, %swap3A_978] : memref<64x49x128xf32, #tpu.memory_space<vmem>>, vector<1x49x128xf32>
      %swap3A_980 = vector.shape_cast %swap3A_979 : vector<1x49x128xf32> to vector<49x128xf32>
      %swap3A_981 = vector.shape_cast %slice3A_975 : vector<49x128xf32> to vector<1x49x128xf32>
      tpu.vector_store %arg7[%swap3A_976, %swap3A_977, %swap3A_978], %swap3A_981 {strides = array<i32>} : memref<64x49x128xf32, #tpu.memory_space<vmem>>, vector<1x49x128xf32>,
    } else {
    }
    %get3A_333 = arith.constant 1 : index
    %get3A_334 = memref.load %arg2[%get3A_333] : memref<64xi32, #tpu.memory_space<smem>>
    %ge3A_335 = arith.cmpi sge, %get3A_334, %mul3A_8 : i32
    %add3A_336 = arith.constant 128 : i32
    %add3A_337 = arith.addi %mul3A_8, %add3A_336 : i32
    %lt3A_338 = arith.cmpi slt, %get3A_334, %add3A_337 : i32
    %and3A_339 = arith.andi %ge3A_335, %lt3A_338 : i1
    %convert_element_type3A_340 = arith.extui %and3A_339 : i1 to i32
    %cond3A_341 = arith.constant 0 : i32
    %cond3A_342 = arith.cmpi ne, %convert_element_type3A_340, %cond3A_341 : i32
    scf.if %cond3A_342 {
      %sub3A = arith.subi %get3A_334, %mul3A_8 : i32
      %get3A_963 = arith.constant 0 : index
      %get3A_964 = arith.constant 0 : index
      %get3A_965 = arith.index_cast %sub3A : i32 to index
      %get3A_966 = arith.constant 0 : index
      %get3A_967 = vector.load %arg3[%get3A_963, %get3A_964, %get3A_965, %get3A_966] : memref<1x98x128x128xf32, #tpu.memory_space<vmem>>, vector<1x98x1x128xf32>
      %get3A_968 = vector.shape_cast %get3A_967 : vector<1x98x1x128xf32> to vector<98x1x128xf32>
      %reshape3A = vector.shape_cast %get3A_968 : vector<98x1x128xf32> to vector<98x128xf32>
      %slice3A = vector.extract_strided_slice %reshape3A {offsets = [0, 0], sizes = [49, 128], strides = [1, 1]} : vector<98x128xf32> to vector<49x128xf32>
      %swap3A_969 = arith.constant 1 : index
      %swap3A_970 = arith.constant 0 : index
      %swap3A_971 = arith.constant 0 : index
      %swap3A_972 = vector.load %arg6[%swap3A_969, %swap3A_970, %swap3A_971] : memref<64x49x128xf32, #tpu.memory_space<vmem>>, vector<1x49x128xf32>
      %swap3A_973 = vector.shape_cast %swap3A_972 : vector<1x49x128xf32> to vector<49x128xf32>
      %swap3A_974 = vector.shape_cast %slice3A : vector<49x128xf32> to vector<1x49x128xf32>
      tpu.vector_store %arg6[%swap3A_969, %swap3A_970, %swap3A_971], %swap3A_974 {strides = array<i32>} : memref<64x49x128xf32, #tpu.memory_space<vmem>>, vector<1x49x128xf32>,
      %slice3A_975 = vector.extract_strided_slice %reshape3A {offsets = [49, 0], sizes = [49, 128], strides = [1, 1]} : vector<98x128xf32> to vector<49x128xf32>
      %swap3A_976 = arith.constant 1 : index
      %swap3A_977 = arith.constant 0 : index
      %swap3A_978 = arith.constant 0 : index
      %swap3A_979 = vector.load %arg7[%swap3A_976, %swap3A_977, %swap3A_978] : memref<64x49x128xf32, #tpu.memory_space<vmem>>, vector<1x49x128xf32>
      %swap3A_980 = vector.shape_cast %swap3A_979 : vector<1x49x128xf32> to vector<49x128xf32>
      %swap3A_981 = vector.shape_cast %slice3A_975 : vector<49x128xf32> to vector<1x49x128xf32>
      tpu.vector_store %arg7[%swap3A_976, %swap3A_977, %swap3A_978], %swap3A_981 {strides = array<i32>} : memref<64x49x128xf32, #tpu.memory_space<vmem>>, vector<1x49x128xf32>,
    } else {
    }
    %get3A_343 = arith.constant 2 : index
    %get3A_344 = memref.load %arg2[%get3A_343] : memref<64xi32, #tpu.memory_space<smem>>
    %ge3A_345 = arith.cmpi sge, %get3A_344, %mul3A_8 : i32
    %add3A_346 = arith.constant 128 : i32
    %add3A_347 = arith.addi %mul3A_8, %add3A_346 : i32
    %lt3A_348 = arith.cmpi slt, %get3A_344, %add3A_347 : i32
    %and3A_349 = arith.andi %ge3A_345, %lt3A_348 : i1
    %convert_element_type3A_350 = arith.extui %and3A_349 : i1 to i32
    %cond3A_351 = arith.constant 0 : i32
    %cond3A_352 = arith.cmpi ne, %convert_element_type3A_350, %cond3A_351 : i32
    scf.if %cond3A_352 {
      %sub3A = arith.subi %get3A_344, %mul3A_8 : i32
      %get3A_963 = arith.constant 0 : index
      %get3A_964 = arith.constant 0 : index
      %get3A_965 = arith.index_cast %sub3A : i32 to index
      %get3A_966 = arith.constant 0 : index
      %get3A_967 = vector.load %arg3[%get3A_963, %get3A_964, %get3A_965, %get3A_966] : memref<1x98x128x128xf32, #tpu.memory_space<vmem>>, vector<1x98x1x128xf32>
      %get3A_968 = vector.shape_cast %get3A_967 : vector<1x98x1x128xf32> to vector<98x1x128xf32>
      %reshape3A = vector.shape_cast %get3A_968 : vector<98x1x128xf32> to vector<98x128xf32>
      %slice3A = vector.extract_strided_slice %reshape3A {offsets = [0, 0], sizes = [49, 128], strides = [1, 1]} : vector<98x128xf32> to vector<49x128xf32>
      %swap3A_969 = arith.constant 2 : index
      %swap3A_970 = arith.constant 0 : index
      %swap3A_971 = arith.constant 0 : index
      %swap3A_972 = vector.load %arg6[%swap3A_969, %swap3A_970, %swap3A_971] : memref<64x49x128xf32, #tpu.memory_space<vmem>>, vector<1x49x128xf32>
      %swap3A_973 = vector.shape_cast %swap3A_972 : vector<1x49x128xf32> to vector<49x128xf32>
      %swap3A_974 = vector.shape_cast %slice3A : vector<49x128xf32> to vector<1x49x128xf32>
      tpu.vector_store %arg6[%swap3A_969, %swap3A_970, %swap3A_971], %swap3A_974 {strides = array<i32>} : memref<64x49x128xf32, #tpu.memory_space<vmem>>, vector<1x49x128xf32>,
      %slice3A_975 = vector.extract_strided_slice %reshape3A {offsets = [49, 0], sizes = [49, 128], strides = [1, 1]} : vector<98x128xf32> to vector<49x128xf32>
      %swap3A_976 = arith.constant 2 : index
      %swap3A_977 = arith.constant 0 : index
      %swap3A_978 = arith.constant 0 : index
      %swap3A_979 = vector.load %arg7[%swap3A_976, %swap3A_977, %swap3A_978] : memref<64x49x128xf32, #tpu.memory_space<vmem>>, vector<1x49x128xf32>
      %swap3A_980 = vector.shape_cast %swap3A_979 : vector<1x49x128xf32> to vector<49x128xf32>
      %swap3A_981 = vector.shape_cast %slice3A_975 : vector<49x128xf32> to vector<1x49x128xf32>
      tpu.vector_store %arg7[%swap3A_976, %swap3A_977, %swap3A_978], %swap3A_981 {strides = array<i32>} : memref<64x49x128xf32, #tpu.memory_space<vmem>>, vector<1x49x128xf32>,
    } else {
    }
    %get3A_353 = arith.constant 3 : index
    %get3A_354 = memref.load %arg2[%get3A_353] : memref<64xi32, #tpu.memory_space<smem>>
    %ge3A_355 = arith.cmpi sge, %get3A_354, %mul3A_8 : i32
    %add3A_356 = arith.constant 128 : i32
    %add3A_357 = arith.addi %mul3A_8, %add3A_356 : i32
    %lt3A_358 = arith.cmpi slt, %get3A_354, %add3A_357 : i32
    %and3A_359 = arith.andi %ge3A_355, %lt3A_358 : i1
    %convert_element_type3A_360 = arith.extui %and3A_359 : i1 to i32
    %cond3A_361 = arith.constant 0 : i32
    %cond3A_362 = arith.cmpi ne, %convert_element_type3A_360, %cond3A_361 : i32
    scf.if %cond3A_362 {
      %sub3A = arith.subi %get3A_354, %mul3A_8 : i32
      %get3A_963 = arith.constant 0 : index
      %get3A_964 = arith.constant 0 : index
      %get3A_965 = arith.index_cast %sub3A : i32 to index
      %get3A_966 = arith.constant 0 : index
      %get3A_967 = vector.load %arg3[%get3A_963, %get3A_964, %get3A_965, %get3A_966] : memref<1x98x128x128xf32, #tpu.memory_space<vmem>>, vector<1x98x1x128xf32>
      %get3A_968 = vector.shape_cast %get3A_967 : vector<1x98x1x128xf32> to vector<98x1x128xf32>
      %reshape3A = vector.shape_cast %get3A_968 : vector<98x1x128xf32> to vector<98x128xf32>
      %slice3A = vector.extract_strided_slice %reshape3A {offsets = [0, 0], sizes = [49, 128], strides = [1, 1]} : vector<98x128xf32> to vector<49x128xf32>
      %swap3A_969 = arith.constant 3 : index
      %swap3A_970 = arith.constant 0 : index
      %swap3A_971 = arith.constant 0 : index
      %swap3A_972 = vector.load %arg6[%swap3A_969, %swap3A_970, %swap3A_971] : memref<64x49x128xf32, #tpu.memory_space<vmem>>, vector<1x49x128xf32>
      %swap3A_973 = vector.shape_cast %swap3A_972 : vector<1x49x128xf32> to vector<49x128xf32>
      %swap3A_974 = vector.shape_cast %slice3A : vector<49x128xf32> to vector<1x49x128xf32>
      tpu.vector_store %arg6[%swap3A_969, %swap3A_970, %swap3A_971], %swap3A_974 {strides = array<i32>} : memref<64x49x128xf32, #tpu.memory_space<vmem>>, vector<1x49x128xf32>,
      %slice3A_975 = vector.extract_strided_slice %reshape3A {offsets = [49, 0], sizes = [49, 128], strides = [1, 1]} : vector<98x128xf32> to vector<49x128xf32>
      %swap3A_976 = arith.constant 3 : index
      %swap3A_977 = arith.constant 0 : index
      %swap3A_978 = arith.constant 0 : index
      %swap3A_979 = vector.load %arg7[%swap3A_976, %swap3A_977, %swap3A_978] : memref<64x49x128xf32, #tpu.memory_space<vmem>>, vector<1x49x128xf32>
      %swap3A_980 = vector.shape_cast %swap3A_979 : vector<1x49x128xf32> to vector<49x128xf32>
      %swap3A_981 = vector.shape_cast %slice3A_975 : vector<49x128xf32> to vector<1x49x128xf32>
      tpu.vector_store %arg7[%swap3A_976, %swap3A_977, %swap3A_978], %swap3A_981 {strides = array<i32>} : memref<64x49x128xf32, #tpu.memory_space<vmem>>, vector<1x49x128xf32>,
    } else {
    }
    %get3A_363 = arith.constant 4 : index
    %get3A_364 = memref.load %arg2[%get3A_363] : memref<64xi32, #tpu.memory_space<smem>>
    %ge3A_365 = arith.cmpi sge, %get3A_364, %mul3A_8 : i32
    %add3A_366 = arith.constant 128 : i32
    %add3A_367 = arith.addi %mul3A_8, %add3A_366 : i32
    %lt3A_368 = arith.cmpi slt, %get3A_364, %add3A_367 : i32
    %and3A_369 = arith.andi %ge3A_365, %lt3A_368 : i1
    %convert_element_type3A_370 = arith.extui %and3A_369 : i1 to i32
    %cond3A_371 = arith.constant 0 : i32
    %cond3A_372 = arith.cmpi ne, %convert_element_type3A_370, %cond3A_371 : i32
    scf.if %cond3A_372 {
      %sub3A = arith.subi %get3A_364, %mul3A_8 : i32
      %get3A_963 = arith.constant 0 : index
      %get3A_964 = arith.constant 0 : index
      %get3A_965 = arith.index_cast %sub3A : i32 to index
      %get3A_966 = arith.constant 0 : index
      %get3A_967 = vector.load %arg3[%get3A_963, %get3A_964, %get3A_965, %get3A_966] : memref<1x98x128x128xf32, #tpu.memory_space<vmem>>, vector<1x98x1x128xf32>
      %get3A_968 = vector.shape_cast %get3A_967 : vector<1x98x1x128xf32> to vector<98x1x128xf32>
      %reshape3A = vector.shape_cast %get3A_968 : vector<98x1x128xf32> to vector<98x128xf32>
      %slice3A = vector.extract_strided_slice %reshape3A {offsets = [0, 0], sizes = [49, 128], strides = [1, 1]} : vector<98x128xf32> to vector<49x128xf32>
      %swap3A_969 = arith.constant 4 : index
      %swap3A_970 = arith.constant 0 : index
      %swap3A_971 = arith.constant 0 : index
      %swap3A_972 = vector.load %arg6[%swap3A_969, %swap3A_970, %swap3A_971] : memref<64x49x128xf32, #tpu.memory_space<vmem>>, vector<1x49x128xf32>
      %swap3A_973 = vector.shape_cast %swap3A_972 : vector<1x49x128xf32> to vector<49x128xf32>
      %swap3A_974 = vector.shape_cast %slice3A : vector<49x128xf32> to vector<1x49x128xf32>
      tpu.vector_store %arg6[%swap3A_969, %swap3A_970, %swap3A_971], %swap3A_974 {strides = array<i32>} : memref<64x49x128xf32, #tpu.memory_space<vmem>>, vector<1x49x128xf32>,
      %slice3A_975 = vector.extract_strided_slice %reshape3A {offsets = [49, 0], sizes = [49, 128], strides = [1, 1]} : vector<98x128xf32> to vector<49x128xf32>
      %swap3A_976 = arith.constant 4 : index
      %swap3A_977 = arith.constant 0 : index
      %swap3A_978 = arith.constant 0 : index
      %swap3A_979 = vector.load %arg7[%swap3A_976, %swap3A_977, %swap3A_978] : memref<64x49x128xf32, #tpu.memory_space<vmem>>, vector<1x49x128xf32>
      %swap3A_980 = vector.shape_cast %swap3A_979 : vector<1x49x128xf32> to vector<49x128xf32>
      %swap3A_981 = vector.shape_cast %slice3A_975 : vector<49x128xf32> to vector<1x49x128xf32>
      tpu.vector_store %arg7[%swap3A_976, %swap3A_977, %swap3A_978], %swap3A_981 {strides = array<i32>} : memref<64x49x128xf32, #tpu.memory_space<vmem>>, vector<1x49x128xf32>,
    } else {
    }
    %get3A_373 = arith.constant 5 : index
    %get3A_374 = memref.load %arg2[%get3A_373] : memref<64xi32, #tpu.memory_space<smem>>
    %ge3A_375 = arith.cmpi sge, %get3A_374, %mul3A_8 : i32
    %add3A_376 = arith.constant 128 : i32
    %add3A_377 = arith.addi %mul3A_8, %add3A_376 : i32
    %lt3A_378 = arith.cmpi slt, %get3A_374, %add3A_377 : i32
    %and3A_379 = arith.andi %ge3A_375, %lt3A_378 : i1
    %convert_element_type3A_380 = arith.extui %and3A_379 : i1 to i32
    %cond3A_381 = arith.constant 0 : i32
    %cond3A_382 = arith.cmpi ne, %convert_element_type3A_380, %cond3A_381 : i32
    scf.if %cond3A_382 {
      %sub3A = arith.subi %get3A_374, %mul3A_8 : i32
      %get3A_963 = arith.constant 0 : index
      %get3A_964 = arith.constant 0 : index
      %get3A_965 = arith.index_cast %sub3A : i32 to index
      %get3A_966 = arith.constant 0 : index
      %get3A_967 = vector.load %arg3[%get3A_963, %get3A_964, %get3A_965, %get3A_966] : memref<1x98x128x128xf32, #tpu.memory_space<vmem>>, vector<1x98x1x128xf32>
      %get3A_968 = vector.shape_cast %get3A_967 : vector<1x98x1x128xf32> to vector<98x1x128xf32>
      %reshape3A = vector.shape_cast %get3A_968 : vector<98x1x128xf32> to vector<98x128xf32>
      %slice3A = vector.extract_strided_slice %reshape3A {offsets = [0, 0], sizes = [49, 128], strides = [1, 1]} : vector<98x128xf32> to vector<49x128xf32>
      %swap3A_969 = arith.constant 5 : index
      %swap3A_970 = arith.constant 0 : index
      %swap3A_971 = arith.constant 0 : index
      %swap3A_972 = vector.load %arg6[%swap3A_969, %swap3A_970, %swap3A_971] : memref<64x49x128xf32, #tpu.memory_space<vmem>>, vector<1x49x128xf32>
      %swap3A_973 = vector.shape_cast %swap3A_972 : vector<1x49x128xf32> to vector<49x128xf32>
      %swap3A_974 = vector.shape_cast %slice3A : vector<49x128xf32> to vector<1x49x128xf32>
      tpu.vector_store %arg6[%swap3A_969, %swap3A_970, %swap3A_971], %swap3A_974 {strides = array<i32>} : memref<64x49x128xf32, #tpu.memory_space<vmem>>, vector<1x49x128xf32>,
      %slice3A_975 = vector.extract_strided_slice %reshape3A {offsets = [49, 0], sizes = [49, 128], strides = [1, 1]} : vector<98x128xf32> to vector<49x128xf32>
      %swap3A_976 = arith.constant 5 : index
      %swap3A_977 = arith.constant 0 : index
      %swap3A_978 = arith.constant 0 : index
      %swap3A_979 = vector.load %arg7[%swap3A_976, %swap3A_977, %swap3A_978] : memref<64x49x128xf32, #tpu.memory_space<vmem>>, vector<1x49x128xf32>
      %swap3A_980 = vector.shape_cast %swap3A_979 : vector<1x49x128xf32> to vector<49x128xf32>
      %swap3A_981 = vector.shape_cast %slice3A_975 : vector<49x128xf32> to vector<1x49x128xf32>
      tpu.vector_store %arg7[%swap3A_976, %swap3A_977, %swap3A_978], %swap3A_981 {strides = array<i32>} : memref<64x49x128xf32, #tpu.memory_space<vmem>>, vector<1x49x128xf32>,
    } else {
    }
    %get3A_383 = arith.constant 6 : index
    %get3A_384 = memref.load %arg2[%get3A_383] : memref<64xi32, #tpu.memory_space<smem>>
    %ge3A_385 = arith.cmpi sge, %get3A_384, %mul3A_8 : i32
    %add3A_386 = arith.constant 128 : i32
    %add3A_387 = arith.addi %mul3A_8, %add3A_386 : i32
    %lt3A_388 = arith.cmpi slt, %get3A_384, %add3A_387 : i32
    %and3A_389 = arith.andi %ge3A_385, %lt3A_388 : i1
    %convert_element_type3A_390 = arith.extui %and3A_389 : i1 to i32
    %cond3A_391 = arith.constant 0 : i32
    %cond3A_392 = arith.cmpi ne, %convert_element_type3A_390, %cond3A_391 : i32
    scf.if %cond3A_392 {
      %sub3A = arith.subi %get3A_384, %mul3A_8 : i32
      %get3A_963 = arith.constant 0 : index
      %get3A_964 = arith.constant 0 : index
      %get3A_965 = arith.index_cast %sub3A : i32 to index
      %get3A_966 = arith.constant 0 : index
      %get3A_967 = vector.load %arg3[%get3A_963, %get3A_964, %get3A_965, %get3A_966] : memref<1x98x128x128xf32, #tpu.memory_space<vmem>>, vector<1x98x1x128xf32>
      %get3A_968 = vector.shape_cast %get3A_967 : vector<1x98x1x128xf32> to vector<98x1x128xf32>
      %reshape3A = vector.shape_cast %get3A_968 : vector<98x1x128xf32> to vector<98x128xf32>
      %slice3A = vector.extract_strided_slice %reshape3A {offsets = [0, 0], sizes = [49, 128], strides = [1, 1]} : vector<98x128xf32> to vector<49x128xf32>
      %swap3A_969 = arith.constant 6 : index
      %swap3A_970 = arith.constant 0 : index
      %swap3A_971 = arith.constant 0 : index
      %swap3A_972 = vector.load %arg6[%swap3A_969, %swap3A_970, %swap3A_971] : memref<64x49x128xf32, #tpu.memory_space<vmem>>, vector<1x49x128xf32>
      %swap3A_973 = vector.shape_cast %swap3A_972 : vector<1x49x128xf32> to vector<49x128xf32>
      %swap3A_974 = vector.shape_cast %slice3A : vector<49x128xf32> to vector<1x49x128xf32>
      tpu.vector_store %arg6[%swap3A_969, %swap3A_970, %swap3A_971], %swap3A_974 {strides = array<i32>} : memref<64x49x128xf32, #tpu.memory_space<vmem>>, vector<1x49x128xf32>,
      %slice3A_975 = vector.extract_strided_slice %reshape3A {offsets = [49, 0], sizes = [49, 128], strides = [1, 1]} : vector<98x128xf32> to vector<49x128xf32>
      %swap3A_976 = arith.constant 6 : index
      %swap3A_977 = arith.constant 0 : index
      %swap3A_978 = arith.constant 0 : index
      %swap3A_979 = vector.load %arg7[%swap3A_976, %swap3A_977, %swap3A_978] : memref<64x49x128xf32, #tpu.memory_space<vmem>>, vector<1x49x128xf32>
      %swap3A_980 = vector.shape_cast %swap3A_979 : vector<1x49x128xf32> to vector<49x128xf32>
      %swap3A_981 = vector.shape_cast %slice3A_975 : vector<49x128xf32> to vector<1x49x128xf32>
      tpu.vector_store %arg7[%swap3A_976, %swap3A_977, %swap3A_978], %swap3A_981 {strides = array<i32>} : memref<64x49x128xf32, #tpu.memory_space<vmem>>, vector<1x49x128xf32>,
    } else {
    }
    %get3A_393 = arith.constant 7 : index
    %get3A_394 = memref.load %arg2[%get3A_393] : memref<64xi32, #tpu.memory_space<smem>>
    %ge3A_395 = arith.cmpi sge, %get3A_394, %mul3A_8 : i32
    %add3A_396 = arith.constant 128 : i32
    %add3A_397 = arith.addi %mul3A_8, %add3A_396 : i32
    %lt3A_398 = arith.cmpi slt, %get3A_394, %add3A_397 : i32
    %and3A_399 = arith.andi %ge3A_395, %lt3A_398 : i1
    %convert_element_type3A_400 = arith.extui %and3A_399 : i1 to i32
    %cond3A_401 = arith.constant 0 : i32
    %cond3A_402 = arith.cmpi ne, %convert_element_type3A_400, %cond3A_401 : i32
    scf.if %cond3A_402 {
      %sub3A = arith.subi %get3A_394, %mul3A_8 : i32
      %get3A_963 = arith.constant 0 : index
      %get3A_964 = arith.constant 0 : index
      %get3A_965 = arith.index_cast %sub3A : i32 to index
      %get3A_966 = arith.constant 0 : index
      %get3A_967 = vector.load %arg3[%get3A_963, %get3A_964, %get3A_965, %get3A_966] : memref<1x98x128x128xf32, #tpu.memory_space<vmem>>, vector<1x98x1x128xf32>
      %get3A_968 = vector.shape_cast %get3A_967 : vector<1x98x1x128xf32> to vector<98x1x128xf32>
      %reshape3A = vector.shape_cast %get3A_968 : vector<98x1x128xf32> to vector<98x128xf32>
      %slice3A = vector.extract_strided_slice %reshape3A {offsets = [0, 0], sizes = [49, 128], strides = [1, 1]} : vector<98x128xf32> to vector<49x128xf32>
      %swap3A_969 = arith.constant 7 : index
      %swap3A_970 = arith.constant 0 : index
      %swap3A_971 = arith.constant 0 : index
      %swap3A_972 = vector.load %arg6[%swap3A_969, %swap3A_970, %swap3A_971] : memref<64x49x128xf32, #tpu.memory_space<vmem>>, vector<1x49x128xf32>
      %swap3A_973 = vector.shape_cast %swap3A_972 : vector<1x49x128xf32> to vector<49x128xf32>
      %swap3A_974 = vector.shape_cast %slice3A : vector<49x128xf32> to vector<1x49x128xf32>
      tpu.vector_store %arg6[%swap3A_969, %swap3A_970, %swap3A_971], %swap3A_974 {strides = array<i32>} : memref<64x49x128xf32, #tpu.memory_space<vmem>>, vector<1x49x128xf32>,
      %slice3A_975 = vector.extract_strided_slice %reshape3A {offsets = [49, 0], sizes = [49, 128], strides = [1, 1]} : vector<98x128xf32> to vector<49x128xf32>
      %swap3A_976 = arith.constant 7 : index
      %swap3A_977 = arith.constant 0 : index
      %swap3A_978 = arith.constant 0 : index
      %swap3A_979 = vector.load %arg7[%swap3A_976, %swap3A_977, %swap3A_978] : memref<64x49x128xf32, #tpu.memory_space<vmem>>, vector<1x49x128xf32>
      %swap3A_980 = vector.shape_cast %swap3A_979 : vector<1x49x128xf32> to vector<49x128xf32>
      %swap3A_981 = vector.shape_cast %slice3A_975 : vector<49x128xf32> to vector<1x49x128xf32>
      tpu.vector_store %arg7[%swap3A_976, %swap3A_977, %swap3A_978], %swap3A_981 {strides = array<i32>} : memref<64x49x128xf32, #tpu.memory_space<vmem>>, vector<1x49x128xf32>,
    } else {
    }
    %get3A_403 = arith.constant 8 : index
    %get3A_404 = memref.load %arg2[%get3A_403] : memref<64xi32, #tpu.memory_space<smem>>
    %ge3A_405 = arith.cmpi sge, %get3A_404, %mul3A_8 : i32
    %add3A_406 = arith.constant 128 : i32
    %add3A_407 = arith.addi %mul3A_8, %add3A_406 : i32
    %lt3A_408 = arith.cmpi slt, %get3A_404, %add3A_407 : i32
    %and3A_409 = arith.andi %ge3A_405, %lt3A_408 : i1
    %convert_element_type3A_410 = arith.extui %and3A_409 : i1 to i32
    %cond3A_411 = arith.constant 0 : i32
    %cond3A_412 = arith.cmpi ne, %convert_element_type3A_410, %cond3A_411 : i32
    scf.if %cond3A_412 {
      %sub3A = arith.subi %get3A_404, %mul3A_8 : i32
      %get3A_963 = arith.constant 0 : index
      %get3A_964 = arith.constant 0 : index
      %get3A_965 = arith.index_cast %sub3A : i32 to index
      %get3A_966 = arith.constant 0 : index
      %get3A_967 = vector.load %arg3[%get3A_963, %get3A_964, %get3A_965, %get3A_966] : memref<1x98x128x128xf32, #tpu.memory_space<vmem>>, vector<1x98x1x128xf32>
      %get3A_968 = vector.shape_cast %get3A_967 : vector<1x98x1x128xf32> to vector<98x1x128xf32>
      %reshape3A = vector.shape_cast %get3A_968 : vector<98x1x128xf32> to vector<98x128xf32>
      %slice3A = vector.extract_strided_slice %reshape3A {offsets = [0, 0], sizes = [49, 128], strides = [1, 1]} : vector<98x128xf32> to vector<49x128xf32>
      %swap3A_969 = arith.constant 8 : index
      %swap3A_970 = arith.constant 0 : index
      %swap3A_971 = arith.constant 0 : index
      %swap3A_972 = vector.load %arg6[%swap3A_969, %swap3A_970, %swap3A_971] : memref<64x49x128xf32, #tpu.memory_space<vmem>>, vector<1x49x128xf32>
      %swap3A_973 = vector.shape_cast %swap3A_972 : vector<1x49x128xf32> to vector<49x128xf32>
      %swap3A_974 = vector.shape_cast %slice3A : vector<49x128xf32> to vector<1x49x128xf32>
      tpu.vector_store %arg6[%swap3A_969, %swap3A_970, %swap3A_971], %swap3A_974 {strides = array<i32>} : memref<64x49x128xf32, #tpu.memory_space<vmem>>, vector<1x49x128xf32>,
      %slice3A_975 = vector.extract_strided_slice %reshape3A {offsets = [49, 0], sizes = [49, 128], strides = [1, 1]} : vector<98x128xf32> to vector<49x128xf32>
      %swap3A_976 = arith.constant 8 : index
      %swap3A_977 = arith.constant 0 : index
      %swap3A_978 = arith.constant 0 : index
      %swap3A_979 = vector.load %arg7[%swap3A_976, %swap3A_977, %swap3A_978] : memref<64x49x128xf32, #tpu.memory_space<vmem>>, vector<1x49x128xf32>
      %swap3A_980 = vector.shape_cast %swap3A_979 : vector<1x49x128xf32> to vector<49x128xf32>
      %swap3A_981 = vector.shape_cast %slice3A_975 : vector<49x128xf32> to vector<1x49x128xf32>
      tpu.vector_store %arg7[%swap3A_976, %swap3A_977, %swap3A_978], %swap3A_981 {strides = array<i32>} : memref<64x49x128xf32, #tpu.memory_space<vmem>>, vector<1x49x128xf32>,
    } else {
    }
    %get3A_413 = arith.constant 9 : index
    %get3A_414 = memref.load %arg2[%get3A_413] : memref<64xi32, #tpu.memory_space<smem>>
    %ge3A_415 = arith.cmpi sge, %get3A_414, %mul3A_8 : i32
    %add3A_416 = arith.constant 128 : i32
    %add3A_417 = arith.addi %mul3A_8, %add3A_416 : i32
    %lt3A_418 = arith.cmpi slt, %get3A_414, %add3A_417 : i32
    %and3A_419 = arith.andi %ge3A_415, %lt3A_418 : i1
    %convert_element_type3A_420 = arith.extui %and3A_419 : i1 to i32
    %cond3A_421 = arith.constant 0 : i32
    %cond3A_422 = arith.cmpi ne, %convert_element_type3A_420, %cond3A_421 : i32
    scf.if %cond3A_422 {
      %sub3A = arith.subi %get3A_414, %mul3A_8 : i32
      %get3A_963 = arith.constant 0 : index
      %get3A_964 = arith.constant 0 : index
      %get3A_965 = arith.index_cast %sub3A : i32 to index
      %get3A_966 = arith.constant 0 : index
      %get3A_967 = vector.load %arg3[%get3A_963, %get3A_964, %get3A_965, %get3A_966] : memref<1x98x128x128xf32, #tpu.memory_space<vmem>>, vector<1x98x1x128xf32>
      %get3A_968 = vector.shape_cast %get3A_967 : vector<1x98x1x128xf32> to vector<98x1x128xf32>
      %reshape3A = vector.shape_cast %get3A_968 : vector<98x1x128xf32> to vector<98x128xf32>
      %slice3A = vector.extract_strided_slice %reshape3A {offsets = [0, 0], sizes = [49, 128], strides = [1, 1]} : vector<98x128xf32> to vector<49x128xf32>
      %swap3A_969 = arith.constant 9 : index
      %swap3A_970 = arith.constant 0 : index
      %swap3A_971 = arith.constant 0 : index
      %swap3A_972 = vector.load %arg6[%swap3A_969, %swap3A_970, %swap3A_971] : memref<64x49x128xf32, #tpu.memory_space<vmem>>, vector<1x49x128xf32>
      %swap3A_973 = vector.shape_cast %swap3A_972 : vector<1x49x128xf32> to vector<49x128xf32>
      %swap3A_974 = vector.shape_cast %slice3A : vector<49x128xf32> to vector<1x49x128xf32>
      tpu.vector_store %arg6[%swap3A_969, %swap3A_970, %swap3A_971], %swap3A_974 {strides = array<i32>} : memref<64x49x128xf32, #tpu.memory_space<vmem>>, vector<1x49x128xf32>,
      %slice3A_975 = vector.extract_strided_slice %reshape3A {offsets = [49, 0], sizes = [49, 128], strides = [1, 1]} : vector<98x128xf32> to vector<49x128xf32>
      %swap3A_976 = arith.constant 9 : index
      %swap3A_977 = arith.constant 0 : index
      %swap3A_978 = arith.constant 0 : index
      %swap3A_979 = vector.load %arg7[%swap3A_976, %swap3A_977, %swap3A_978] : memref<64x49x128xf32, #tpu.memory_space<vmem>>, vector<1x49x128xf32>
      %swap3A_980 = vector.shape_cast %swap3A_979 : vector<1x49x128xf32> to vector<49x128xf32>
      %swap3A_981 = vector.shape_cast %slice3A_975 : vector<49x128xf32> to vector<1x49x128xf32>
      tpu.vector_store %arg7[%swap3A_976, %swap3A_977, %swap3A_978], %swap3A_981 {strides = array<i32>} : memref<64x49x128xf32, #tpu.memory_space<vmem>>, vector<1x49x128xf32>,
    } else {
    }
    %get3A_423 = arith.constant 10 : index
    %get3A_424 = memref.load %arg2[%get3A_423] : memref<64xi32, #tpu.memory_space<smem>>
    %ge3A_425 = arith.cmpi sge, %get3A_424, %mul3A_8 : i32
    %add3A_426 = arith.constant 128 : i32
    %add3A_427 = arith.addi %mul3A_8, %add3A_426 : i32
    %lt3A_428 = arith.cmpi slt, %get3A_424, %add3A_427 : i32
    %and3A_429 = arith.andi %ge3A_425, %lt3A_428 : i1
    %convert_element_type3A_430 = arith.extui %and3A_429 : i1 to i32
    %cond3A_431 = arith.constant 0 : i32
    %cond3A_432 = arith.cmpi ne, %convert_element_type3A_430, %cond3A_431 : i32
    scf.if %cond3A_432 {
      %sub3A = arith.subi %get3A_424, %mul3A_8 : i32
      %get3A_963 = arith.constant 0 : index
      %get3A_964 = arith.constant 0 : index
      %get3A_965 = arith.index_cast %sub3A : i32 to index
      %get3A_966 = arith.constant 0 : index
      %get3A_967 = vector.load %arg3[%get3A_963, %get3A_964, %get3A_965, %get3A_966] : memref<1x98x128x128xf32, #tpu.memory_space<vmem>>, vector<1x98x1x128xf32>
      %get3A_968 = vector.shape_cast %get3A_967 : vector<1x98x1x128xf32> to vector<98x1x128xf32>
      %reshape3A = vector.shape_cast %get3A_968 : vector<98x1x128xf32> to vector<98x128xf32>
      %slice3A = vector.extract_strided_slice %reshape3A {offsets = [0, 0], sizes = [49, 128], strides = [1, 1]} : vector<98x128xf32> to vector<49x128xf32>
      %swap3A_969 = arith.constant 10 : index
      %swap3A_970 = arith.constant 0 : index
      %swap3A_971 = arith.constant 0 : index
      %swap3A_972 = vector.load %arg6[%swap3A_969, %swap3A_970, %swap3A_971] : memref<64x49x128xf32, #tpu.memory_space<vmem>>, vector<1x49x128xf32>
      %swap3A_973 = vector.shape_cast %swap3A_972 : vector<1x49x128xf32> to vector<49x128xf32>
      %swap3A_974 = vector.shape_cast %slice3A : vector<49x128xf32> to vector<1x49x128xf32>
      tpu.vector_store %arg6[%swap3A_969, %swap3A_970, %swap3A_971], %swap3A_974 {strides = array<i32>} : memref<64x49x128xf32, #tpu.memory_space<vmem>>, vector<1x49x128xf32>,
      %slice3A_975 = vector.extract_strided_slice %reshape3A {offsets = [49, 0], sizes = [49, 128], strides = [1, 1]} : vector<98x128xf32> to vector<49x128xf32>
      %swap3A_976 = arith.constant 10 : index
      %swap3A_977 = arith.constant 0 : index
      %swap3A_978 = arith.constant 0 : index
      %swap3A_979 = vector.load %arg7[%swap3A_976, %swap3A_977, %swap3A_978] : memref<64x49x128xf32, #tpu.memory_space<vmem>>, vector<1x49x128xf32>
      %swap3A_980 = vector.shape_cast %swap3A_979 : vector<1x49x128xf32> to vector<49x128xf32>
      %swap3A_981 = vector.shape_cast %slice3A_975 : vector<49x128xf32> to vector<1x49x128xf32>
      tpu.vector_store %arg7[%swap3A_976, %swap3A_977, %swap3A_978], %swap3A_981 {strides = array<i32>} : memref<64x49x128xf32, #tpu.memory_space<vmem>>, vector<1x49x128xf32>,
    } else {
    }
    %get3A_433 = arith.constant 11 : index
    %get3A_434 = memref.load %arg2[%get3A_433] : memref<64xi32, #tpu.memory_space<smem>>
    %ge3A_435 = arith.cmpi sge, %get3A_434, %mul3A_8 : i32
    %add3A_436 = arith.constant 128 : i32
    %add3A_437 = arith.addi %mul3A_8, %add3A_436 : i32
    %lt3A_438 = arith.cmpi slt, %get3A_434, %add3A_437 : i32
    %and3A_439 = arith.andi %ge3A_435, %lt3A_438 : i1
    %convert_element_type3A_440 = arith.extui %and3A_439 : i1 to i32
    %cond3A_441 = arith.constant 0 : i32
    %cond3A_442 = arith.cmpi ne, %convert_element_type3A_440, %cond3A_441 : i32
    scf.if %cond3A_442 {
      %sub3A = arith.subi %get3A_434, %mul3A_8 : i32
      %get3A_963 = arith.constant 0 : index
      %get3A_964 = arith.constant 0 : index
      %get3A_965 = arith.index_cast %sub3A : i32 to index
      %get3A_966 = arith.constant 0 : index
      %get3A_967 = vector.load %arg3[%get3A_963, %get3A_964, %get3A_965, %get3A_966] : memref<1x98x128x128xf32, #tpu.memory_space<vmem>>, vector<1x98x1x128xf32>
      %get3A_968 = vector.shape_cast %get3A_967 : vector<1x98x1x128xf32> to vector<98x1x128xf32>
      %reshape3A = vector.shape_cast %get3A_968 : vector<98x1x128xf32> to vector<98x128xf32>
      %slice3A = vector.extract_strided_slice %reshape3A {offsets = [0, 0], sizes = [49, 128], strides = [1, 1]} : vector<98x128xf32> to vector<49x128xf32>
      %swap3A_969 = arith.constant 11 : index
      %swap3A_970 = arith.constant 0 : index
      %swap3A_971 = arith.constant 0 : index
      %swap3A_972 = vector.load %arg6[%swap3A_969, %swap3A_970, %swap3A_971] : memref<64x49x128xf32, #tpu.memory_space<vmem>>, vector<1x49x128xf32>
      %swap3A_973 = vector.shape_cast %swap3A_972 : vector<1x49x128xf32> to vector<49x128xf32>
      %swap3A_974 = vector.shape_cast %slice3A : vector<49x128xf32> to vector<1x49x128xf32>
      tpu.vector_store %arg6[%swap3A_969, %swap3A_970, %swap3A_971], %swap3A_974 {strides = array<i32>} : memref<64x49x128xf32, #tpu.memory_space<vmem>>, vector<1x49x128xf32>,
      %slice3A_975 = vector.extract_strided_slice %reshape3A {offsets = [49, 0], sizes = [49, 128], strides = [1, 1]} : vector<98x128xf32> to vector<49x128xf32>
      %swap3A_976 = arith.constant 11 : index
      %swap3A_977 = arith.constant 0 : index
      %swap3A_978 = arith.constant 0 : index
      %swap3A_979 = vector.load %arg7[%swap3A_976, %swap3A_977, %swap3A_978] : memref<64x49x128xf32, #tpu.memory_space<vmem>>, vector<1x49x128xf32>
      %swap3A_980 = vector.shape_cast %swap3A_979 : vector<1x49x128xf32> to vector<49x128xf32>
      %swap3A_981 = vector.shape_cast %slice3A_975 : vector<49x128xf32> to vector<1x49x128xf32>
      tpu.vector_store %arg7[%swap3A_976, %swap3A_977, %swap3A_978], %swap3A_981 {strides = array<i32>} : memref<64x49x128xf32, #tpu.memory_space<vmem>>, vector<1x49x128xf32>,
    } else {
    }
    %get3A_443 = arith.constant 12 : index
    %get3A_444 = memref.load %arg2[%get3A_443] : memref<64xi32, #tpu.memory_space<smem>>
    %ge3A_445 = arith.cmpi sge, %get3A_444, %mul3A_8 : i32
    %add3A_446 = arith.constant 128 : i32
    %add3A_447 = arith.addi %mul3A_8, %add3A_446 : i32
    %lt3A_448 = arith.cmpi slt, %get3A_444, %add3A_447 : i32
    %and3A_449 = arith.andi %ge3A_445, %lt3A_448 : i1
    %convert_element_type3A_450 = arith.extui %and3A_449 : i1 to i32
    %cond3A_451 = arith.constant 0 : i32
    %cond3A_452 = arith.cmpi ne, %convert_element_type3A_450, %cond3A_451 : i32
    scf.if %cond3A_452 {
      %sub3A = arith.subi %get3A_444, %mul3A_8 : i32
      %get3A_963 = arith.constant 0 : index
      %get3A_964 = arith.constant 0 : index
      %get3A_965 = arith.index_cast %sub3A : i32 to index
      %get3A_966 = arith.constant 0 : index
      %get3A_967 = vector.load %arg3[%get3A_963, %get3A_964, %get3A_965, %get3A_966] : memref<1x98x128x128xf32, #tpu.memory_space<vmem>>, vector<1x98x1x128xf32>
      %get3A_968 = vector.shape_cast %get3A_967 : vector<1x98x1x128xf32> to vector<98x1x128xf32>
      %reshape3A = vector.shape_cast %get3A_968 : vector<98x1x128xf32> to vector<98x128xf32>
      %slice3A = vector.extract_strided_slice %reshape3A {offsets = [0, 0], sizes = [49, 128], strides = [1, 1]} : vector<98x128xf32> to vector<49x128xf32>
      %swap3A_969 = arith.constant 12 : index
      %swap3A_970 = arith.constant 0 : index
      %swap3A_971 = arith.constant 0 : index
      %swap3A_972 = vector.load %arg6[%swap3A_969, %swap3A_970, %swap3A_971] : memref<64x49x128xf32, #tpu.memory_space<vmem>>, vector<1x49x128xf32>
      %swap3A_973 = vector.shape_cast %swap3A_972 : vector<1x49x128xf32> to vector<49x128xf32>
      %swap3A_974 = vector.shape_cast %slice3A : vector<49x128xf32> to vector<1x49x128xf32>
      tpu.vector_store %arg6[%swap3A_969, %swap3A_970, %swap3A_971], %swap3A_974 {strides = array<i32>} : memref<64x49x128xf32, #tpu.memory_space<vmem>>, vector<1x49x128xf32>,
      %slice3A_975 = vector.extract_strided_slice %reshape3A {offsets = [49, 0], sizes = [49, 128], strides = [1, 1]} : vector<98x128xf32> to vector<49x128xf32>
      %swap3A_976 = arith.constant 12 : index
      %swap3A_977 = arith.constant 0 : index
      %swap3A_978 = arith.constant 0 : index
      %swap3A_979 = vector.load %arg7[%swap3A_976, %swap3A_977, %swap3A_978] : memref<64x49x128xf32, #tpu.memory_space<vmem>>, vector<1x49x128xf32>
      %swap3A_980 = vector.shape_cast %swap3A_979 : vector<1x49x128xf32> to vector<49x128xf32>
      %swap3A_981 = vector.shape_cast %slice3A_975 : vector<49x128xf32> to vector<1x49x128xf32>
      tpu.vector_store %arg7[%swap3A_976, %swap3A_977, %swap3A_978], %swap3A_981 {strides = array<i32>} : memref<64x49x128xf32, #tpu.memory_space<vmem>>, vector<1x49x128xf32>,
    } else {
    }
    %get3A_453 = arith.constant 13 : index
    %get3A_454 = memref.load %arg2[%get3A_453] : memref<64xi32, #tpu.memory_space<smem>>
    %ge3A_455 = arith.cmpi sge, %get3A_454, %mul3A_8 : i32
    %add3A_456 = arith.constant 128 : i32
    %add3A_457 = arith.addi %mul3A_8, %add3A_456 : i32
    %lt3A_458 = arith.cmpi slt, %get3A_454, %add3A_457 : i32
    %and3A_459 = arith.andi %ge3A_455, %lt3A_458 : i1
    %convert_element_type3A_460 = arith.extui %and3A_459 : i1 to i32
    %cond3A_461 = arith.constant 0 : i32
    %cond3A_462 = arith.cmpi ne, %convert_element_type3A_460, %cond3A_461 : i32
    scf.if %cond3A_462 {
      %sub3A = arith.subi %get3A_454, %mul3A_8 : i32
      %get3A_963 = arith.constant 0 : index
      %get3A_964 = arith.constant 0 : index
      %get3A_965 = arith.index_cast %sub3A : i32 to index
      %get3A_966 = arith.constant 0 : index
      %get3A_967 = vector.load %arg3[%get3A_963, %get3A_964, %get3A_965, %get3A_966] : memref<1x98x128x128xf32, #tpu.memory_space<vmem>>, vector<1x98x1x128xf32>
      %get3A_968 = vector.shape_cast %get3A_967 : vector<1x98x1x128xf32> to vector<98x1x128xf32>
      %reshape3A = vector.shape_cast %get3A_968 : vector<98x1x128xf32> to vector<98x128xf32>
      %slice3A = vector.extract_strided_slice %reshape3A {offsets = [0, 0], sizes = [49, 128], strides = [1, 1]} : vector<98x128xf32> to vector<49x128xf32>
      %swap3A_969 = arith.constant 13 : index
      %swap3A_970 = arith.constant 0 : index
      %swap3A_971 = arith.constant 0 : index
      %swap3A_972 = vector.load %arg6[%swap3A_969, %swap3A_970, %swap3A_971] : memref<64x49x128xf32, #tpu.memory_space<vmem>>, vector<1x49x128xf32>
      %swap3A_973 = vector.shape_cast %swap3A_972 : vector<1x49x128xf32> to vector<49x128xf32>
      %swap3A_974 = vector.shape_cast %slice3A : vector<49x128xf32> to vector<1x49x128xf32>
      tpu.vector_store %arg6[%swap3A_969, %swap3A_970, %swap3A_971], %swap3A_974 {strides = array<i32>} : memref<64x49x128xf32, #tpu.memory_space<vmem>>, vector<1x49x128xf32>,
      %slice3A_975 = vector.extract_strided_slice %reshape3A {offsets = [49, 0], sizes = [49, 128], strides = [1, 1]} : vector<98x128xf32> to vector<49x128xf32>
      %swap3A_976 = arith.constant 13 : index
      %swap3A_977 = arith.constant 0 : index
      %swap3A_978 = arith.constant 0 : index
      %swap3A_979 = vector.load %arg7[%swap3A_976, %swap3A_977, %swap3A_978] : memref<64x49x128xf32, #tpu.memory_space<vmem>>, vector<1x49x128xf32>
      %swap3A_980 = vector.shape_cast %swap3A_979 : vector<1x49x128xf32> to vector<49x128xf32>
      %swap3A_981 = vector.shape_cast %slice3A_975 : vector<49x128xf32> to vector<1x49x128xf32>
      tpu.vector_store %arg7[%swap3A_976, %swap3A_977, %swap3A_978], %swap3A_981 {strides = array<i32>} : memref<64x49x128xf32, #tpu.memory_space<vmem>>, vector<1x49x128xf32>,
    } else {
    }
    %get3A_463 = arith.constant 14 : index
    %get3A_464 = memref.load %arg2[%get3A_463] : memref<64xi32, #tpu.memory_space<smem>>
    %ge3A_465 = arith.cmpi sge, %get3A_464, %mul3A_8 : i32
    %add3A_466 = arith.constant 128 : i32
    %add3A_467 = arith.addi %mul3A_8, %add3A_466 : i32
    %lt3A_468 = arith.cmpi slt, %get3A_464, %add3A_467 : i32
    %and3A_469 = arith.andi %ge3A_465, %lt3A_468 : i1
    %convert_element_type3A_470 = arith.extui %and3A_469 : i1 to i32
    %cond3A_471 = arith.constant 0 : i32
    %cond3A_472 = arith.cmpi ne, %convert_element_type3A_470, %cond3A_471 : i32
    scf.if %cond3A_472 {
      %sub3A = arith.subi %get3A_464, %mul3A_8 : i32
      %get3A_963 = arith.constant 0 : index
      %get3A_964 = arith.constant 0 : index
      %get3A_965 = arith.index_cast %sub3A : i32 to index
      %get3A_966 = arith.constant 0 : index
      %get3A_967 = vector.load %arg3[%get3A_963, %get3A_964, %get3A_965, %get3A_966] : memref<1x98x128x128xf32, #tpu.memory_space<vmem>>, vector<1x98x1x128xf32>
      %get3A_968 = vector.shape_cast %get3A_967 : vector<1x98x1x128xf32> to vector<98x1x128xf32>
      %reshape3A = vector.shape_cast %get3A_968 : vector<98x1x128xf32> to vector<98x128xf32>
      %slice3A = vector.extract_strided_slice %reshape3A {offsets = [0, 0], sizes = [49, 128], strides = [1, 1]} : vector<98x128xf32> to vector<49x128xf32>
      %swap3A_969 = arith.constant 14 : index
      %swap3A_970 = arith.constant 0 : index
      %swap3A_971 = arith.constant 0 : index
      %swap3A_972 = vector.load %arg6[%swap3A_969, %swap3A_970, %swap3A_971] : memref<64x49x128xf32, #tpu.memory_space<vmem>>, vector<1x49x128xf32>
      %swap3A_973 = vector.shape_cast %swap3A_972 : vector<1x49x128xf32> to vector<49x128xf32>
      %swap3A_974 = vector.shape_cast %slice3A : vector<49x128xf32> to vector<1x49x128xf32>
      tpu.vector_store %arg6[%swap3A_969, %swap3A_970, %swap3A_971], %swap3A_974 {strides = array<i32>} : memref<64x49x128xf32, #tpu.memory_space<vmem>>, vector<1x49x128xf32>,
      %slice3A_975 = vector.extract_strided_slice %reshape3A {offsets = [49, 0], sizes = [49, 128], strides = [1, 1]} : vector<98x128xf32> to vector<49x128xf32>
      %swap3A_976 = arith.constant 14 : index
      %swap3A_977 = arith.constant 0 : index
      %swap3A_978 = arith.constant 0 : index
      %swap3A_979 = vector.load %arg7[%swap3A_976, %swap3A_977, %swap3A_978] : memref<64x49x128xf32, #tpu.memory_space<vmem>>, vector<1x49x128xf32>
      %swap3A_980 = vector.shape_cast %swap3A_979 : vector<1x49x128xf32> to vector<49x128xf32>
      %swap3A_981 = vector.shape_cast %slice3A_975 : vector<49x128xf32> to vector<1x49x128xf32>
      tpu.vector_store %arg7[%swap3A_976, %swap3A_977, %swap3A_978], %swap3A_981 {strides = array<i32>} : memref<64x49x128xf32, #tpu.memory_space<vmem>>, vector<1x49x128xf32>,
    } else {
    }
    %get3A_473 = arith.constant 15 : index
    %get3A_474 = memref.load %arg2[%get3A_473] : memref<64xi32, #tpu.memory_space<smem>>
    %ge3A_475 = arith.cmpi sge, %get3A_474, %mul3A_8 : i32
    %add3A_476 = arith.constant 128 : i32
    %add3A_477 = arith.addi %mul3A_8, %add3A_476 : i32
    %lt3A_478 = arith.cmpi slt, %get3A_474, %add3A_477 : i32
    %and3A_479 = arith.andi %ge3A_475, %lt3A_478 : i1
    %convert_element_type3A_480 = arith.extui %and3A_479 : i1 to i32
    %cond3A_481 = arith.constant 0 : i32
    %cond3A_482 = arith.cmpi ne, %convert_element_type3A_480, %cond3A_481 : i32
    scf.if %cond3A_482 {
      %sub3A = arith.subi %get3A_474, %mul3A_8 : i32
      %get3A_963 = arith.constant 0 : index
      %get3A_964 = arith.constant 0 : index
      %get3A_965 = arith.index_cast %sub3A : i32 to index
      %get3A_966 = arith.constant 0 : index
      %get3A_967 = vector.load %arg3[%get3A_963, %get3A_964, %get3A_965, %get3A_966] : memref<1x98x128x128xf32, #tpu.memory_space<vmem>>, vector<1x98x1x128xf32>
      %get3A_968 = vector.shape_cast %get3A_967 : vector<1x98x1x128xf32> to vector<98x1x128xf32>
      %reshape3A = vector.shape_cast %get3A_968 : vector<98x1x128xf32> to vector<98x128xf32>
      %slice3A = vector.extract_strided_slice %reshape3A {offsets = [0, 0], sizes = [49, 128], strides = [1, 1]} : vector<98x128xf32> to vector<49x128xf32>
      %swap3A_969 = arith.constant 15 : index
      %swap3A_970 = arith.constant 0 : index
      %swap3A_971 = arith.constant 0 : index
      %swap3A_972 = vector.load %arg6[%swap3A_969, %swap3A_970, %swap3A_971] : memref<64x49x128xf32, #tpu.memory_space<vmem>>, vector<1x49x128xf32>
      %swap3A_973 = vector.shape_cast %swap3A_972 : vector<1x49x128xf32> to vector<49x128xf32>
      %swap3A_974 = vector.shape_cast %slice3A : vector<49x128xf32> to vector<1x49x128xf32>
      tpu.vector_store %arg6[%swap3A_969, %swap3A_970, %swap3A_971], %swap3A_974 {strides = array<i32>} : memref<64x49x128xf32, #tpu.memory_space<vmem>>, vector<1x49x128xf32>,
      %slice3A_975 = vector.extract_strided_slice %reshape3A {offsets = [49, 0], sizes = [49, 128], strides = [1, 1]} : vector<98x128xf32> to vector<49x128xf32>
      %swap3A_976 = arith.constant 15 : index
      %swap3A_977 = arith.constant 0 : index
      %swap3A_978 = arith.constant 0 : index
      %swap3A_979 = vector.load %arg7[%swap3A_976, %swap3A_977, %swap3A_978] : memref<64x49x128xf32, #tpu.memory_space<vmem>>, vector<1x49x128xf32>
      %swap3A_980 = vector.shape_cast %swap3A_979 : vector<1x49x128xf32> to vector<49x128xf32>
      %swap3A_981 = vector.shape_cast %slice3A_975 : vector<49x128xf32> to vector<1x49x128xf32>
      tpu.vector_store %arg7[%swap3A_976, %swap3A_977, %swap3A_978], %swap3A_981 {strides = array<i32>} : memref<64x49x128xf32, #tpu.memory_space<vmem>>, vector<1x49x128xf32>,
    } else {
    }
    %get3A_483 = arith.constant 16 : index
    %get3A_484 = memref.load %arg2[%get3A_483] : memref<64xi32, #tpu.memory_space<smem>>
    %ge3A_485 = arith.cmpi sge, %get3A_484, %mul3A_8 : i32
    %add3A_486 = arith.constant 128 : i32
    %add3A_487 = arith.addi %mul3A_8, %add3A_486 : i32
    %lt3A_488 = arith.cmpi slt, %get3A_484, %add3A_487 : i32
    %and3A_489 = arith.andi %ge3A_485, %lt3A_488 : i1
    %convert_element_type3A_490 = arith.extui %and3A_489 : i1 to i32
    %cond3A_491 = arith.constant 0 : i32
    %cond3A_492 = arith.cmpi ne, %convert_element_type3A_490, %cond3A_491 : i32
    scf.if %cond3A_492 {
      %sub3A = arith.subi %get3A_484, %mul3A_8 : i32
      %get3A_963 = arith.constant 0 : index
      %get3A_964 = arith.constant 0 : index
      %get3A_965 = arith.index_cast %sub3A : i32 to index
      %get3A_966 = arith.constant 0 : index
      %get3A_967 = vector.load %arg3[%get3A_963, %get3A_964, %get3A_965, %get3A_966] : memref<1x98x128x128xf32, #tpu.memory_space<vmem>>, vector<1x98x1x128xf32>
      %get3A_968 = vector.shape_cast %get3A_967 : vector<1x98x1x128xf32> to vector<98x1x128xf32>
      %reshape3A = vector.shape_cast %get3A_968 : vector<98x1x128xf32> to vector<98x128xf32>
      %slice3A = vector.extract_strided_slice %reshape3A {offsets = [0, 0], sizes = [49, 128], strides = [1, 1]} : vector<98x128xf32> to vector<49x128xf32>
      %swap3A_969 = arith.constant 16 : index
      %swap3A_970 = arith.constant 0 : index
      %swap3A_971 = arith.constant 0 : index
      %swap3A_972 = vector.load %arg6[%swap3A_969, %swap3A_970, %swap3A_971] : memref<64x49x128xf32, #tpu.memory_space<vmem>>, vector<1x49x128xf32>
      %swap3A_973 = vector.shape_cast %swap3A_972 : vector<1x49x128xf32> to vector<49x128xf32>
      %swap3A_974 = vector.shape_cast %slice3A : vector<49x128xf32> to vector<1x49x128xf32>
      tpu.vector_store %arg6[%swap3A_969, %swap3A_970, %swap3A_971], %swap3A_974 {strides = array<i32>} : memref<64x49x128xf32, #tpu.memory_space<vmem>>, vector<1x49x128xf32>,
      %slice3A_975 = vector.extract_strided_slice %reshape3A {offsets = [49, 0], sizes = [49, 128], strides = [1, 1]} : vector<98x128xf32> to vector<49x128xf32>
      %swap3A_976 = arith.constant 16 : index
      %swap3A_977 = arith.constant 0 : index
      %swap3A_978 = arith.constant 0 : index
      %swap3A_979 = vector.load %arg7[%swap3A_976, %swap3A_977, %swap3A_978] : memref<64x49x128xf32, #tpu.memory_space<vmem>>, vector<1x49x128xf32>
      %swap3A_980 = vector.shape_cast %swap3A_979 : vector<1x49x128xf32> to vector<49x128xf32>
      %swap3A_981 = vector.shape_cast %slice3A_975 : vector<49x128xf32> to vector<1x49x128xf32>
      tpu.vector_store %arg7[%swap3A_976, %swap3A_977, %swap3A_978], %swap3A_981 {strides = array<i32>} : memref<64x49x128xf32, #tpu.memory_space<vmem>>, vector<1x49x128xf32>,
    } else {
    }
    %get3A_493 = arith.constant 17 : index
    %get3A_494 = memref.load %arg2[%get3A_493] : memref<64xi32, #tpu.memory_space<smem>>
    %ge3A_495 = arith.cmpi sge, %get3A_494, %mul3A_8 : i32
    %add3A_496 = arith.constant 128 : i32
    %add3A_497 = arith.addi %mul3A_8, %add3A_496 : i32
    %lt3A_498 = arith.cmpi slt, %get3A_494, %add3A_497 : i32
    %and3A_499 = arith.andi %ge3A_495, %lt3A_498 : i1
    %convert_element_type3A_500 = arith.extui %and3A_499 : i1 to i32
    %cond3A_501 = arith.constant 0 : i32
    %cond3A_502 = arith.cmpi ne, %convert_element_type3A_500, %cond3A_501 : i32
    scf.if %cond3A_502 {
      %sub3A = arith.subi %get3A_494, %mul3A_8 : i32
      %get3A_963 = arith.constant 0 : index
      %get3A_964 = arith.constant 0 : index
      %get3A_965 = arith.index_cast %sub3A : i32 to index
      %get3A_966 = arith.constant 0 : index
      %get3A_967 = vector.load %arg3[%get3A_963, %get3A_964, %get3A_965, %get3A_966] : memref<1x98x128x128xf32, #tpu.memory_space<vmem>>, vector<1x98x1x128xf32>
      %get3A_968 = vector.shape_cast %get3A_967 : vector<1x98x1x128xf32> to vector<98x1x128xf32>
      %reshape3A = vector.shape_cast %get3A_968 : vector<98x1x128xf32> to vector<98x128xf32>
      %slice3A = vector.extract_strided_slice %reshape3A {offsets = [0, 0], sizes = [49, 128], strides = [1, 1]} : vector<98x128xf32> to vector<49x128xf32>
      %swap3A_969 = arith.constant 17 : index
      %swap3A_970 = arith.constant 0 : index
      %swap3A_971 = arith.constant 0 : index
      %swap3A_972 = vector.load %arg6[%swap3A_969, %swap3A_970, %swap3A_971] : memref<64x49x128xf32, #tpu.memory_space<vmem>>, vector<1x49x128xf32>
      %swap3A_973 = vector.shape_cast %swap3A_972 : vector<1x49x128xf32> to vector<49x128xf32>
      %swap3A_974 = vector.shape_cast %slice3A : vector<49x128xf32> to vector<1x49x128xf32>
      tpu.vector_store %arg6[%swap3A_969, %swap3A_970, %swap3A_971], %swap3A_974 {strides = array<i32>} : memref<64x49x128xf32, #tpu.memory_space<vmem>>, vector<1x49x128xf32>,
      %slice3A_975 = vector.extract_strided_slice %reshape3A {offsets = [49, 0], sizes = [49, 128], strides = [1, 1]} : vector<98x128xf32> to vector<49x128xf32>
      %swap3A_976 = arith.constant 17 : index
      %swap3A_977 = arith.constant 0 : index
      %swap3A_978 = arith.constant 0 : index
      %swap3A_979 = vector.load %arg7[%swap3A_976, %swap3A_977, %swap3A_978] : memref<64x49x128xf32, #tpu.memory_space<vmem>>, vector<1x49x128xf32>
      %swap3A_980 = vector.shape_cast %swap3A_979 : vector<1x49x128xf32> to vector<49x128xf32>
      %swap3A_981 = vector.shape_cast %slice3A_975 : vector<49x128xf32> to vector<1x49x128xf32>
      tpu.vector_store %arg7[%swap3A_976, %swap3A_977, %swap3A_978], %swap3A_981 {strides = array<i32>} : memref<64x49x128xf32, #tpu.memory_space<vmem>>, vector<1x49x128xf32>,
    } else {
    }
    %get3A_503 = arith.constant 18 : index
    %get3A_504 = memref.load %arg2[%get3A_503] : memref<64xi32, #tpu.memory_space<smem>>
    %ge3A_505 = arith.cmpi sge, %get3A_504, %mul3A_8 : i32
    %add3A_506 = arith.constant 128 : i32
    %add3A_507 = arith.addi %mul3A_8, %add3A_506 : i32
    %lt3A_508 = arith.cmpi slt, %get3A_504, %add3A_507 : i32
    %and3A_509 = arith.andi %ge3A_505, %lt3A_508 : i1
    %convert_element_type3A_510 = arith.extui %and3A_509 : i1 to i32
    %cond3A_511 = arith.constant 0 : i32
    %cond3A_512 = arith.cmpi ne, %convert_element_type3A_510, %cond3A_511 : i32
    scf.if %cond3A_512 {
      %sub3A = arith.subi %get3A_504, %mul3A_8 : i32
      %get3A_963 = arith.constant 0 : index
      %get3A_964 = arith.constant 0 : index
      %get3A_965 = arith.index_cast %sub3A : i32 to index
      %get3A_966 = arith.constant 0 : index
      %get3A_967 = vector.load %arg3[%get3A_963, %get3A_964, %get3A_965, %get3A_966] : memref<1x98x128x128xf32, #tpu.memory_space<vmem>>, vector<1x98x1x128xf32>
      %get3A_968 = vector.shape_cast %get3A_967 : vector<1x98x1x128xf32> to vector<98x1x128xf32>
      %reshape3A = vector.shape_cast %get3A_968 : vector<98x1x128xf32> to vector<98x128xf32>
      %slice3A = vector.extract_strided_slice %reshape3A {offsets = [0, 0], sizes = [49, 128], strides = [1, 1]} : vector<98x128xf32> to vector<49x128xf32>
      %swap3A_969 = arith.constant 18 : index
      %swap3A_970 = arith.constant 0 : index
      %swap3A_971 = arith.constant 0 : index
      %swap3A_972 = vector.load %arg6[%swap3A_969, %swap3A_970, %swap3A_971] : memref<64x49x128xf32, #tpu.memory_space<vmem>>, vector<1x49x128xf32>
      %swap3A_973 = vector.shape_cast %swap3A_972 : vector<1x49x128xf32> to vector<49x128xf32>
      %swap3A_974 = vector.shape_cast %slice3A : vector<49x128xf32> to vector<1x49x128xf32>
      tpu.vector_store %arg6[%swap3A_969, %swap3A_970, %swap3A_971], %swap3A_974 {strides = array<i32>} : memref<64x49x128xf32, #tpu.memory_space<vmem>>, vector<1x49x128xf32>,
      %slice3A_975 = vector.extract_strided_slice %reshape3A {offsets = [49, 0], sizes = [49, 128], strides = [1, 1]} : vector<98x128xf32> to vector<49x128xf32>
      %swap3A_976 = arith.constant 18 : index
      %swap3A_977 = arith.constant 0 : index
      %swap3A_978 = arith.constant 0 : index
      %swap3A_979 = vector.load %arg7[%swap3A_976, %swap3A_977, %swap3A_978] : memref<64x49x128xf32, #tpu.memory_space<vmem>>, vector<1x49x128xf32>
      %swap3A_980 = vector.shape_cast %swap3A_979 : vector<1x49x128xf32> to vector<49x128xf32>
      %swap3A_981 = vector.shape_cast %slice3A_975 : vector<49x128xf32> to vector<1x49x128xf32>
      tpu.vector_store %arg7[%swap3A_976, %swap3A_977, %swap3A_978], %swap3A_981 {strides = array<i32>} : memref<64x49x128xf32, #tpu.memory_space<vmem>>, vector<1x49x128xf32>,
    } else {
    }
    %get3A_513 = arith.constant 19 : index
    %get3A_514 = memref.load %arg2[%get3A_513] : memref<64xi32, #tpu.memory_space<smem>>
    %ge3A_515 = arith.cmpi sge, %get3A_514, %mul3A_8 : i32
    %add3A_516 = arith.constant 128 : i32
    %add3A_517 = arith.addi %mul3A_8, %add3A_516 : i32
    %lt3A_518 = arith.cmpi slt, %get3A_514, %add3A_517 : i32
    %and3A_519 = arith.andi %ge3A_515, %lt3A_518 : i1
    %convert_element_type3A_520 = arith.extui %and3A_519 : i1 to i32
    %cond3A_521 = arith.constant 0 : i32
    %cond3A_522 = arith.cmpi ne, %convert_element_type3A_520, %cond3A_521 : i32
    scf.if %cond3A_522 {
      %sub3A = arith.subi %get3A_514, %mul3A_8 : i32
      %get3A_963 = arith.constant 0 : index
      %get3A_964 = arith.constant 0 : index
      %get3A_965 = arith.index_cast %sub3A : i32 to index
      %get3A_966 = arith.constant 0 : index
      %get3A_967 = vector.load %arg3[%get3A_963, %get3A_964, %get3A_965, %get3A_966] : memref<1x98x128x128xf32, #tpu.memory_space<vmem>>, vector<1x98x1x128xf32>
      %get3A_968 = vector.shape_cast %get3A_967 : vector<1x98x1x128xf32> to vector<98x1x128xf32>
      %reshape3A = vector.shape_cast %get3A_968 : vector<98x1x128xf32> to vector<98x128xf32>
      %slice3A = vector.extract_strided_slice %reshape3A {offsets = [0, 0], sizes = [49, 128], strides = [1, 1]} : vector<98x128xf32> to vector<49x128xf32>
      %swap3A_969 = arith.constant 19 : index
      %swap3A_970 = arith.constant 0 : index
      %swap3A_971 = arith.constant 0 : index
      %swap3A_972 = vector.load %arg6[%swap3A_969, %swap3A_970, %swap3A_971] : memref<64x49x128xf32, #tpu.memory_space<vmem>>, vector<1x49x128xf32>
      %swap3A_973 = vector.shape_cast %swap3A_972 : vector<1x49x128xf32> to vector<49x128xf32>
      %swap3A_974 = vector.shape_cast %slice3A : vector<49x128xf32> to vector<1x49x128xf32>
      tpu.vector_store %arg6[%swap3A_969, %swap3A_970, %swap3A_971], %swap3A_974 {strides = array<i32>} : memref<64x49x128xf32, #tpu.memory_space<vmem>>, vector<1x49x128xf32>,
      %slice3A_975 = vector.extract_strided_slice %reshape3A {offsets = [49, 0], sizes = [49, 128], strides = [1, 1]} : vector<98x128xf32> to vector<49x128xf32>
      %swap3A_976 = arith.constant 19 : index
      %swap3A_977 = arith.constant 0 : index
      %swap3A_978 = arith.constant 0 : index
      %swap3A_979 = vector.load %arg7[%swap3A_976, %swap3A_977, %swap3A_978] : memref<64x49x128xf32, #tpu.memory_space<vmem>>, vector<1x49x128xf32>
      %swap3A_980 = vector.shape_cast %swap3A_979 : vector<1x49x128xf32> to vector<49x128xf32>
      %swap3A_981 = vector.shape_cast %slice3A_975 : vector<49x128xf32> to vector<1x49x128xf32>
      tpu.vector_store %arg7[%swap3A_976, %swap3A_977, %swap3A_978], %swap3A_981 {strides = array<i32>} : memref<64x49x128xf32, #tpu.memory_space<vmem>>, vector<1x49x128xf32>,
    } else {
    }
    %get3A_523 = arith.constant 20 : index
    %get3A_524 = memref.load %arg2[%get3A_523] : memref<64xi32, #tpu.memory_space<smem>>
    %ge3A_525 = arith.cmpi sge, %get3A_524, %mul3A_8 : i32
    %add3A_526 = arith.constant 128 : i32
    %add3A_527 = arith.addi %mul3A_8, %add3A_526 : i32
    %lt3A_528 = arith.cmpi slt, %get3A_524, %add3A_527 : i32
    %and3A_529 = arith.andi %ge3A_525, %lt3A_528 : i1
    %convert_element_type3A_530 = arith.extui %and3A_529 : i1 to i32
    %cond3A_531 = arith.constant 0 : i32
    %cond3A_532 = arith.cmpi ne, %convert_element_type3A_530, %cond3A_531 : i32
    scf.if %cond3A_532 {
      %sub3A = arith.subi %get3A_524, %mul3A_8 : i32
      %get3A_963 = arith.constant 0 : index
      %get3A_964 = arith.constant 0 : index
      %get3A_965 = arith.index_cast %sub3A : i32 to index
      %get3A_966 = arith.constant 0 : index
      %get3A_967 = vector.load %arg3[%get3A_963, %get3A_964, %get3A_965, %get3A_966] : memref<1x98x128x128xf32, #tpu.memory_space<vmem>>, vector<1x98x1x128xf32>
      %get3A_968 = vector.shape_cast %get3A_967 : vector<1x98x1x128xf32> to vector<98x1x128xf32>
      %reshape3A = vector.shape_cast %get3A_968 : vector<98x1x128xf32> to vector<98x128xf32>
      %slice3A = vector.extract_strided_slice %reshape3A {offsets = [0, 0], sizes = [49, 128], strides = [1, 1]} : vector<98x128xf32> to vector<49x128xf32>
      %swap3A_969 = arith.constant 20 : index
      %swap3A_970 = arith.constant 0 : index
      %swap3A_971 = arith.constant 0 : index
      %swap3A_972 = vector.load %arg6[%swap3A_969, %swap3A_970, %swap3A_971] : memref<64x49x128xf32, #tpu.memory_space<vmem>>, vector<1x49x128xf32>
      %swap3A_973 = vector.shape_cast %swap3A_972 : vector<1x49x128xf32> to vector<49x128xf32>
      %swap3A_974 = vector.shape_cast %slice3A : vector<49x128xf32> to vector<1x49x128xf32>
      tpu.vector_store %arg6[%swap3A_969, %swap3A_970, %swap3A_971], %swap3A_974 {strides = array<i32>} : memref<64x49x128xf32, #tpu.memory_space<vmem>>, vector<1x49x128xf32>,
      %slice3A_975 = vector.extract_strided_slice %reshape3A {offsets = [49, 0], sizes = [49, 128], strides = [1, 1]} : vector<98x128xf32> to vector<49x128xf32>
      %swap3A_976 = arith.constant 20 : index
      %swap3A_977 = arith.constant 0 : index
      %swap3A_978 = arith.constant 0 : index
      %swap3A_979 = vector.load %arg7[%swap3A_976, %swap3A_977, %swap3A_978] : memref<64x49x128xf32, #tpu.memory_space<vmem>>, vector<1x49x128xf32>
      %swap3A_980 = vector.shape_cast %swap3A_979 : vector<1x49x128xf32> to vector<49x128xf32>
      %swap3A_981 = vector.shape_cast %slice3A_975 : vector<49x128xf32> to vector<1x49x128xf32>
      tpu.vector_store %arg7[%swap3A_976, %swap3A_977, %swap3A_978], %swap3A_981 {strides = array<i32>} : memref<64x49x128xf32, #tpu.memory_space<vmem>>, vector<1x49x128xf32>,
    } else {
    }
    %get3A_533 = arith.constant 21 : index
    %get3A_534 = memref.load %arg2[%get3A_533] : memref<64xi32, #tpu.memory_space<smem>>
    %ge3A_535 = arith.cmpi sge, %get3A_534, %mul3A_8 : i32
    %add3A_536 = arith.constant 128 : i32
    %add3A_537 = arith.addi %mul3A_8, %add3A_536 : i32
    %lt3A_538 = arith.cmpi slt, %get3A_534, %add3A_537 : i32
    %and3A_539 = arith.andi %ge3A_535, %lt3A_538 : i1
    %convert_element_type3A_540 = arith.extui %and3A_539 : i1 to i32
    %cond3A_541 = arith.constant 0 : i32
    %cond3A_542 = arith.cmpi ne, %convert_element_type3A_540, %cond3A_541 : i32
    scf.if %cond3A_542 {
      %sub3A = arith.subi %get3A_534, %mul3A_8 : i32
      %get3A_963 = arith.constant 0 : index
      %get3A_964 = arith.constant 0 : index
      %get3A_965 = arith.index_cast %sub3A : i32 to index
      %get3A_966 = arith.constant 0 : index
      %get3A_967 = vector.load %arg3[%get3A_963, %get3A_964, %get3A_965, %get3A_966] : memref<1x98x128x128xf32, #tpu.memory_space<vmem>>, vector<1x98x1x128xf32>
      %get3A_968 = vector.shape_cast %get3A_967 : vector<1x98x1x128xf32> to vector<98x1x128xf32>
      %reshape3A = vector.shape_cast %get3A_968 : vector<98x1x128xf32> to vector<98x128xf32>
      %slice3A = vector.extract_strided_slice %reshape3A {offsets = [0, 0], sizes = [49, 128], strides = [1, 1]} : vector<98x128xf32> to vector<49x128xf32>
      %swap3A_969 = arith.constant 21 : index
      %swap3A_970 = arith.constant 0 : index
      %swap3A_971 = arith.constant 0 : index
      %swap3A_972 = vector.load %arg6[%swap3A_969, %swap3A_970, %swap3A_971] : memref<64x49x128xf32, #tpu.memory_space<vmem>>, vector<1x49x128xf32>
      %swap3A_973 = vector.shape_cast %swap3A_972 : vector<1x49x128xf32> to vector<49x128xf32>
      %swap3A_974 = vector.shape_cast %slice3A : vector<49x128xf32> to vector<1x49x128xf32>
      tpu.vector_store %arg6[%swap3A_969, %swap3A_970, %swap3A_971], %swap3A_974 {strides = array<i32>} : memref<64x49x128xf32, #tpu.memory_space<vmem>>, vector<1x49x128xf32>,
      %slice3A_975 = vector.extract_strided_slice %reshape3A {offsets = [49, 0], sizes = [49, 128], strides = [1, 1]} : vector<98x128xf32> to vector<49x128xf32>
      %swap3A_976 = arith.constant 21 : index
      %swap3A_977 = arith.constant 0 : index
      %swap3A_978 = arith.constant 0 : index
      %swap3A_979 = vector.load %arg7[%swap3A_976, %swap3A_977, %swap3A_978] : memref<64x49x128xf32, #tpu.memory_space<vmem>>, vector<1x49x128xf32>
      %swap3A_980 = vector.shape_cast %swap3A_979 : vector<1x49x128xf32> to vector<49x128xf32>
      %swap3A_981 = vector.shape_cast %slice3A_975 : vector<49x128xf32> to vector<1x49x128xf32>
      tpu.vector_store %arg7[%swap3A_976, %swap3A_977, %swap3A_978], %swap3A_981 {strides = array<i32>} : memref<64x49x128xf32, #tpu.memory_space<vmem>>, vector<1x49x128xf32>,
    } else {
    }
    %get3A_543 = arith.constant 22 : index
    %get3A_544 = memref.load %arg2[%get3A_543] : memref<64xi32, #tpu.memory_space<smem>>
    %ge3A_545 = arith.cmpi sge, %get3A_544, %mul3A_8 : i32
    %add3A_546 = arith.constant 128 : i32
    %add3A_547 = arith.addi %mul3A_8, %add3A_546 : i32
    %lt3A_548 = arith.cmpi slt, %get3A_544, %add3A_547 : i32
    %and3A_549 = arith.andi %ge3A_545, %lt3A_548 : i1
    %convert_element_type3A_550 = arith.extui %and3A_549 : i1 to i32
    %cond3A_551 = arith.constant 0 : i32
    %cond3A_552 = arith.cmpi ne, %convert_element_type3A_550, %cond3A_551 : i32
    scf.if %cond3A_552 {
      %sub3A = arith.subi %get3A_544, %mul3A_8 : i32
      %get3A_963 = arith.constant 0 : index
      %get3A_964 = arith.constant 0 : index
      %get3A_965 = arith.index_cast %sub3A : i32 to index
      %get3A_966 = arith.constant 0 : index
      %get3A_967 = vector.load %arg3[%get3A_963, %get3A_964, %get3A_965, %get3A_966] : memref<1x98x128x128xf32, #tpu.memory_space<vmem>>, vector<1x98x1x128xf32>
      %get3A_968 = vector.shape_cast %get3A_967 : vector<1x98x1x128xf32> to vector<98x1x128xf32>
      %reshape3A = vector.shape_cast %get3A_968 : vector<98x1x128xf32> to vector<98x128xf32>
      %slice3A = vector.extract_strided_slice %reshape3A {offsets = [0, 0], sizes = [49, 128], strides = [1, 1]} : vector<98x128xf32> to vector<49x128xf32>
      %swap3A_969 = arith.constant 22 : index
      %swap3A_970 = arith.constant 0 : index
      %swap3A_971 = arith.constant 0 : index
      %swap3A_972 = vector.load %arg6[%swap3A_969, %swap3A_970, %swap3A_971] : memref<64x49x128xf32, #tpu.memory_space<vmem>>, vector<1x49x128xf32>
      %swap3A_973 = vector.shape_cast %swap3A_972 : vector<1x49x128xf32> to vector<49x128xf32>
      %swap3A_974 = vector.shape_cast %slice3A : vector<49x128xf32> to vector<1x49x128xf32>
      tpu.vector_store %arg6[%swap3A_969, %swap3A_970, %swap3A_971], %swap3A_974 {strides = array<i32>} : memref<64x49x128xf32, #tpu.memory_space<vmem>>, vector<1x49x128xf32>,
      %slice3A_975 = vector.extract_strided_slice %reshape3A {offsets = [49, 0], sizes = [49, 128], strides = [1, 1]} : vector<98x128xf32> to vector<49x128xf32>
      %swap3A_976 = arith.constant 22 : index
      %swap3A_977 = arith.constant 0 : index
      %swap3A_978 = arith.constant 0 : index
      %swap3A_979 = vector.load %arg7[%swap3A_976, %swap3A_977, %swap3A_978] : memref<64x49x128xf32, #tpu.memory_space<vmem>>, vector<1x49x128xf32>
      %swap3A_980 = vector.shape_cast %swap3A_979 : vector<1x49x128xf32> to vector<49x128xf32>
      %swap3A_981 = vector.shape_cast %slice3A_975 : vector<49x128xf32> to vector<1x49x128xf32>
      tpu.vector_store %arg7[%swap3A_976, %swap3A_977, %swap3A_978], %swap3A_981 {strides = array<i32>} : memref<64x49x128xf32, #tpu.memory_space<vmem>>, vector<1x49x128xf32>,
    } else {
    }
    %get3A_553 = arith.constant 23 : index
    %get3A_554 = memref.load %arg2[%get3A_553] : memref<64xi32, #tpu.memory_space<smem>>
    %ge3A_555 = arith.cmpi sge, %get3A_554, %mul3A_8 : i32
    %add3A_556 = arith.constant 128 : i32
    %add3A_557 = arith.addi %mul3A_8, %add3A_556 : i32
    %lt3A_558 = arith.cmpi slt, %get3A_554, %add3A_557 : i32
    %and3A_559 = arith.andi %ge3A_555, %lt3A_558 : i1
    %convert_element_type3A_560 = arith.extui %and3A_559 : i1 to i32
    %cond3A_561 = arith.constant 0 : i32
    %cond3A_562 = arith.cmpi ne, %convert_element_type3A_560, %cond3A_561 : i32
    scf.if %cond3A_562 {
      %sub3A = arith.subi %get3A_554, %mul3A_8 : i32
      %get3A_963 = arith.constant 0 : index
      %get3A_964 = arith.constant 0 : index
      %get3A_965 = arith.index_cast %sub3A : i32 to index
      %get3A_966 = arith.constant 0 : index
      %get3A_967 = vector.load %arg3[%get3A_963, %get3A_964, %get3A_965, %get3A_966] : memref<1x98x128x128xf32, #tpu.memory_space<vmem>>, vector<1x98x1x128xf32>
      %get3A_968 = vector.shape_cast %get3A_967 : vector<1x98x1x128xf32> to vector<98x1x128xf32>
      %reshape3A = vector.shape_cast %get3A_968 : vector<98x1x128xf32> to vector<98x128xf32>
      %slice3A = vector.extract_strided_slice %reshape3A {offsets = [0, 0], sizes = [49, 128], strides = [1, 1]} : vector<98x128xf32> to vector<49x128xf32>
      %swap3A_969 = arith.constant 23 : index
      %swap3A_970 = arith.constant 0 : index
      %swap3A_971 = arith.constant 0 : index
      %swap3A_972 = vector.load %arg6[%swap3A_969, %swap3A_970, %swap3A_971] : memref<64x49x128xf32, #tpu.memory_space<vmem>>, vector<1x49x128xf32>
      %swap3A_973 = vector.shape_cast %swap3A_972 : vector<1x49x128xf32> to vector<49x128xf32>
      %swap3A_974 = vector.shape_cast %slice3A : vector<49x128xf32> to vector<1x49x128xf32>
      tpu.vector_store %arg6[%swap3A_969, %swap3A_970, %swap3A_971], %swap3A_974 {strides = array<i32>} : memref<64x49x128xf32, #tpu.memory_space<vmem>>, vector<1x49x128xf32>,
      %slice3A_975 = vector.extract_strided_slice %reshape3A {offsets = [49, 0], sizes = [49, 128], strides = [1, 1]} : vector<98x128xf32> to vector<49x128xf32>
      %swap3A_976 = arith.constant 23 : index
      %swap3A_977 = arith.constant 0 : index
      %swap3A_978 = arith.constant 0 : index
      %swap3A_979 = vector.load %arg7[%swap3A_976, %swap3A_977, %swap3A_978] : memref<64x49x128xf32, #tpu.memory_space<vmem>>, vector<1x49x128xf32>
      %swap3A_980 = vector.shape_cast %swap3A_979 : vector<1x49x128xf32> to vector<49x128xf32>
      %swap3A_981 = vector.shape_cast %slice3A_975 : vector<49x128xf32> to vector<1x49x128xf32>
      tpu.vector_store %arg7[%swap3A_976, %swap3A_977, %swap3A_978], %swap3A_981 {strides = array<i32>} : memref<64x49x128xf32, #tpu.memory_space<vmem>>, vector<1x49x128xf32>,
    } else {
    }
    %get3A_563 = arith.constant 24 : index
    %get3A_564 = memref.load %arg2[%get3A_563] : memref<64xi32, #tpu.memory_space<smem>>
    %ge3A_565 = arith.cmpi sge, %get3A_564, %mul3A_8 : i32
    %add3A_566 = arith.constant 128 : i32
    %add3A_567 = arith.addi %mul3A_8, %add3A_566 : i32
    %lt3A_568 = arith.cmpi slt, %get3A_564, %add3A_567 : i32
    %and3A_569 = arith.andi %ge3A_565, %lt3A_568 : i1
    %convert_element_type3A_570 = arith.extui %and3A_569 : i1 to i32
    %cond3A_571 = arith.constant 0 : i32
    %cond3A_572 = arith.cmpi ne, %convert_element_type3A_570, %cond3A_571 : i32
    scf.if %cond3A_572 {
      %sub3A = arith.subi %get3A_564, %mul3A_8 : i32
      %get3A_963 = arith.constant 0 : index
      %get3A_964 = arith.constant 0 : index
      %get3A_965 = arith.index_cast %sub3A : i32 to index
      %get3A_966 = arith.constant 0 : index
      %get3A_967 = vector.load %arg3[%get3A_963, %get3A_964, %get3A_965, %get3A_966] : memref<1x98x128x128xf32, #tpu.memory_space<vmem>>, vector<1x98x1x128xf32>
      %get3A_968 = vector.shape_cast %get3A_967 : vector<1x98x1x128xf32> to vector<98x1x128xf32>
      %reshape3A = vector.shape_cast %get3A_968 : vector<98x1x128xf32> to vector<98x128xf32>
      %slice3A = vector.extract_strided_slice %reshape3A {offsets = [0, 0], sizes = [49, 128], strides = [1, 1]} : vector<98x128xf32> to vector<49x128xf32>
      %swap3A_969 = arith.constant 24 : index
      %swap3A_970 = arith.constant 0 : index
      %swap3A_971 = arith.constant 0 : index
      %swap3A_972 = vector.load %arg6[%swap3A_969, %swap3A_970, %swap3A_971] : memref<64x49x128xf32, #tpu.memory_space<vmem>>, vector<1x49x128xf32>
      %swap3A_973 = vector.shape_cast %swap3A_972 : vector<1x49x128xf32> to vector<49x128xf32>
      %swap3A_974 = vector.shape_cast %slice3A : vector<49x128xf32> to vector<1x49x128xf32>
      tpu.vector_store %arg6[%swap3A_969, %swap3A_970, %swap3A_971], %swap3A_974 {strides = array<i32>} : memref<64x49x128xf32, #tpu.memory_space<vmem>>, vector<1x49x128xf32>,
      %slice3A_975 = vector.extract_strided_slice %reshape3A {offsets = [49, 0], sizes = [49, 128], strides = [1, 1]} : vector<98x128xf32> to vector<49x128xf32>
      %swap3A_976 = arith.constant 24 : index
      %swap3A_977 = arith.constant 0 : index
      %swap3A_978 = arith.constant 0 : index
      %swap3A_979 = vector.load %arg7[%swap3A_976, %swap3A_977, %swap3A_978] : memref<64x49x128xf32, #tpu.memory_space<vmem>>, vector<1x49x128xf32>
      %swap3A_980 = vector.shape_cast %swap3A_979 : vector<1x49x128xf32> to vector<49x128xf32>
      %swap3A_981 = vector.shape_cast %slice3A_975 : vector<49x128xf32> to vector<1x49x128xf32>
      tpu.vector_store %arg7[%swap3A_976, %swap3A_977, %swap3A_978], %swap3A_981 {strides = array<i32>} : memref<64x49x128xf32, #tpu.memory_space<vmem>>, vector<1x49x128xf32>,
    } else {
    }
    %get3A_573 = arith.constant 25 : index
    %get3A_574 = memref.load %arg2[%get3A_573] : memref<64xi32, #tpu.memory_space<smem>>
    %ge3A_575 = arith.cmpi sge, %get3A_574, %mul3A_8 : i32
    %add3A_576 = arith.constant 128 : i32
    %add3A_577 = arith.addi %mul3A_8, %add3A_576 : i32
    %lt3A_578 = arith.cmpi slt, %get3A_574, %add3A_577 : i32
    %and3A_579 = arith.andi %ge3A_575, %lt3A_578 : i1
    %convert_element_type3A_580 = arith.extui %and3A_579 : i1 to i32
    %cond3A_581 = arith.constant 0 : i32
    %cond3A_582 = arith.cmpi ne, %convert_element_type3A_580, %cond3A_581 : i32
    scf.if %cond3A_582 {
      %sub3A = arith.subi %get3A_574, %mul3A_8 : i32
      %get3A_963 = arith.constant 0 : index
      %get3A_964 = arith.constant 0 : index
      %get3A_965 = arith.index_cast %sub3A : i32 to index
      %get3A_966 = arith.constant 0 : index
      %get3A_967 = vector.load %arg3[%get3A_963, %get3A_964, %get3A_965, %get3A_966] : memref<1x98x128x128xf32, #tpu.memory_space<vmem>>, vector<1x98x1x128xf32>
      %get3A_968 = vector.shape_cast %get3A_967 : vector<1x98x1x128xf32> to vector<98x1x128xf32>
      %reshape3A = vector.shape_cast %get3A_968 : vector<98x1x128xf32> to vector<98x128xf32>
      %slice3A = vector.extract_strided_slice %reshape3A {offsets = [0, 0], sizes = [49, 128], strides = [1, 1]} : vector<98x128xf32> to vector<49x128xf32>
      %swap3A_969 = arith.constant 25 : index
      %swap3A_970 = arith.constant 0 : index
      %swap3A_971 = arith.constant 0 : index
      %swap3A_972 = vector.load %arg6[%swap3A_969, %swap3A_970, %swap3A_971] : memref<64x49x128xf32, #tpu.memory_space<vmem>>, vector<1x49x128xf32>
      %swap3A_973 = vector.shape_cast %swap3A_972 : vector<1x49x128xf32> to vector<49x128xf32>
      %swap3A_974 = vector.shape_cast %slice3A : vector<49x128xf32> to vector<1x49x128xf32>
      tpu.vector_store %arg6[%swap3A_969, %swap3A_970, %swap3A_971], %swap3A_974 {strides = array<i32>} : memref<64x49x128xf32, #tpu.memory_space<vmem>>, vector<1x49x128xf32>,
      %slice3A_975 = vector.extract_strided_slice %reshape3A {offsets = [49, 0], sizes = [49, 128], strides = [1, 1]} : vector<98x128xf32> to vector<49x128xf32>
      %swap3A_976 = arith.constant 25 : index
      %swap3A_977 = arith.constant 0 : index
      %swap3A_978 = arith.constant 0 : index
      %swap3A_979 = vector.load %arg7[%swap3A_976, %swap3A_977, %swap3A_978] : memref<64x49x128xf32, #tpu.memory_space<vmem>>, vector<1x49x128xf32>
      %swap3A_980 = vector.shape_cast %swap3A_979 : vector<1x49x128xf32> to vector<49x128xf32>
      %swap3A_981 = vector.shape_cast %slice3A_975 : vector<49x128xf32> to vector<1x49x128xf32>
      tpu.vector_store %arg7[%swap3A_976, %swap3A_977, %swap3A_978], %swap3A_981 {strides = array<i32>} : memref<64x49x128xf32, #tpu.memory_space<vmem>>, vector<1x49x128xf32>,
    } else {
    }
    %get3A_583 = arith.constant 26 : index
    %get3A_584 = memref.load %arg2[%get3A_583] : memref<64xi32, #tpu.memory_space<smem>>
    %ge3A_585 = arith.cmpi sge, %get3A_584, %mul3A_8 : i32
    %add3A_586 = arith.constant 128 : i32
    %add3A_587 = arith.addi %mul3A_8, %add3A_586 : i32
    %lt3A_588 = arith.cmpi slt, %get3A_584, %add3A_587 : i32
    %and3A_589 = arith.andi %ge3A_585, %lt3A_588 : i1
    %convert_element_type3A_590 = arith.extui %and3A_589 : i1 to i32
    %cond3A_591 = arith.constant 0 : i32
    %cond3A_592 = arith.cmpi ne, %convert_element_type3A_590, %cond3A_591 : i32
    scf.if %cond3A_592 {
      %sub3A = arith.subi %get3A_584, %mul3A_8 : i32
      %get3A_963 = arith.constant 0 : index
      %get3A_964 = arith.constant 0 : index
      %get3A_965 = arith.index_cast %sub3A : i32 to index
      %get3A_966 = arith.constant 0 : index
      %get3A_967 = vector.load %arg3[%get3A_963, %get3A_964, %get3A_965, %get3A_966] : memref<1x98x128x128xf32, #tpu.memory_space<vmem>>, vector<1x98x1x128xf32>
      %get3A_968 = vector.shape_cast %get3A_967 : vector<1x98x1x128xf32> to vector<98x1x128xf32>
      %reshape3A = vector.shape_cast %get3A_968 : vector<98x1x128xf32> to vector<98x128xf32>
      %slice3A = vector.extract_strided_slice %reshape3A {offsets = [0, 0], sizes = [49, 128], strides = [1, 1]} : vector<98x128xf32> to vector<49x128xf32>
      %swap3A_969 = arith.constant 26 : index
      %swap3A_970 = arith.constant 0 : index
      %swap3A_971 = arith.constant 0 : index
      %swap3A_972 = vector.load %arg6[%swap3A_969, %swap3A_970, %swap3A_971] : memref<64x49x128xf32, #tpu.memory_space<vmem>>, vector<1x49x128xf32>
      %swap3A_973 = vector.shape_cast %swap3A_972 : vector<1x49x128xf32> to vector<49x128xf32>
      %swap3A_974 = vector.shape_cast %slice3A : vector<49x128xf32> to vector<1x49x128xf32>
      tpu.vector_store %arg6[%swap3A_969, %swap3A_970, %swap3A_971], %swap3A_974 {strides = array<i32>} : memref<64x49x128xf32, #tpu.memory_space<vmem>>, vector<1x49x128xf32>,
      %slice3A_975 = vector.extract_strided_slice %reshape3A {offsets = [49, 0], sizes = [49, 128], strides = [1, 1]} : vector<98x128xf32> to vector<49x128xf32>
      %swap3A_976 = arith.constant 26 : index
      %swap3A_977 = arith.constant 0 : index
      %swap3A_978 = arith.constant 0 : index
      %swap3A_979 = vector.load %arg7[%swap3A_976, %swap3A_977, %swap3A_978] : memref<64x49x128xf32, #tpu.memory_space<vmem>>, vector<1x49x128xf32>
      %swap3A_980 = vector.shape_cast %swap3A_979 : vector<1x49x128xf32> to vector<49x128xf32>
      %swap3A_981 = vector.shape_cast %slice3A_975 : vector<49x128xf32> to vector<1x49x128xf32>
      tpu.vector_store %arg7[%swap3A_976, %swap3A_977, %swap3A_978], %swap3A_981 {strides = array<i32>} : memref<64x49x128xf32, #tpu.memory_space<vmem>>, vector<1x49x128xf32>,
    } else {
    }
    %get3A_593 = arith.constant 27 : index
    %get3A_594 = memref.load %arg2[%get3A_593] : memref<64xi32, #tpu.memory_space<smem>>
    %ge3A_595 = arith.cmpi sge, %get3A_594, %mul3A_8 : i32
    %add3A_596 = arith.constant 128 : i32
    %add3A_597 = arith.addi %mul3A_8, %add3A_596 : i32
    %lt3A_598 = arith.cmpi slt, %get3A_594, %add3A_597 : i32
    %and3A_599 = arith.andi %ge3A_595, %lt3A_598 : i1
    %convert_element_type3A_600 = arith.extui %and3A_599 : i1 to i32
    %cond3A_601 = arith.constant 0 : i32
    %cond3A_602 = arith.cmpi ne, %convert_element_type3A_600, %cond3A_601 : i32
    scf.if %cond3A_602 {
      %sub3A = arith.subi %get3A_594, %mul3A_8 : i32
      %get3A_963 = arith.constant 0 : index
      %get3A_964 = arith.constant 0 : index
      %get3A_965 = arith.index_cast %sub3A : i32 to index
      %get3A_966 = arith.constant 0 : index
      %get3A_967 = vector.load %arg3[%get3A_963, %get3A_964, %get3A_965, %get3A_966] : memref<1x98x128x128xf32, #tpu.memory_space<vmem>>, vector<1x98x1x128xf32>
      %get3A_968 = vector.shape_cast %get3A_967 : vector<1x98x1x128xf32> to vector<98x1x128xf32>
      %reshape3A = vector.shape_cast %get3A_968 : vector<98x1x128xf32> to vector<98x128xf32>
      %slice3A = vector.extract_strided_slice %reshape3A {offsets = [0, 0], sizes = [49, 128], strides = [1, 1]} : vector<98x128xf32> to vector<49x128xf32>
      %swap3A_969 = arith.constant 27 : index
      %swap3A_970 = arith.constant 0 : index
      %swap3A_971 = arith.constant 0 : index
      %swap3A_972 = vector.load %arg6[%swap3A_969, %swap3A_970, %swap3A_971] : memref<64x49x128xf32, #tpu.memory_space<vmem>>, vector<1x49x128xf32>
      %swap3A_973 = vector.shape_cast %swap3A_972 : vector<1x49x128xf32> to vector<49x128xf32>
      %swap3A_974 = vector.shape_cast %slice3A : vector<49x128xf32> to vector<1x49x128xf32>
      tpu.vector_store %arg6[%swap3A_969, %swap3A_970, %swap3A_971], %swap3A_974 {strides = array<i32>} : memref<64x49x128xf32, #tpu.memory_space<vmem>>, vector<1x49x128xf32>,
      %slice3A_975 = vector.extract_strided_slice %reshape3A {offsets = [49, 0], sizes = [49, 128], strides = [1, 1]} : vector<98x128xf32> to vector<49x128xf32>
      %swap3A_976 = arith.constant 27 : index
      %swap3A_977 = arith.constant 0 : index
      %swap3A_978 = arith.constant 0 : index
      %swap3A_979 = vector.load %arg7[%swap3A_976, %swap3A_977, %swap3A_978] : memref<64x49x128xf32, #tpu.memory_space<vmem>>, vector<1x49x128xf32>
      %swap3A_980 = vector.shape_cast %swap3A_979 : vector<1x49x128xf32> to vector<49x128xf32>
      %swap3A_981 = vector.shape_cast %slice3A_975 : vector<49x128xf32> to vector<1x49x128xf32>
      tpu.vector_store %arg7[%swap3A_976, %swap3A_977, %swap3A_978], %swap3A_981 {strides = array<i32>} : memref<64x49x128xf32, #tpu.memory_space<vmem>>, vector<1x49x128xf32>,
    } else {
    }
    %get3A_603 = arith.constant 28 : index
    %get3A_604 = memref.load %arg2[%get3A_603] : memref<64xi32, #tpu.memory_space<smem>>
    %ge3A_605 = arith.cmpi sge, %get3A_604, %mul3A_8 : i32
    %add3A_606 = arith.constant 128 : i32
    %add3A_607 = arith.addi %mul3A_8, %add3A_606 : i32
    %lt3A_608 = arith.cmpi slt, %get3A_604, %add3A_607 : i32
    %and3A_609 = arith.andi %ge3A_605, %lt3A_608 : i1
    %convert_element_type3A_610 = arith.extui %and3A_609 : i1 to i32
    %cond3A_611 = arith.constant 0 : i32
    %cond3A_612 = arith.cmpi ne, %convert_element_type3A_610, %cond3A_611 : i32
    scf.if %cond3A_612 {
      %sub3A = arith.subi %get3A_604, %mul3A_8 : i32
      %get3A_963 = arith.constant 0 : index
      %get3A_964 = arith.constant 0 : index
      %get3A_965 = arith.index_cast %sub3A : i32 to index
      %get3A_966 = arith.constant 0 : index
      %get3A_967 = vector.load %arg3[%get3A_963, %get3A_964, %get3A_965, %get3A_966] : memref<1x98x128x128xf32, #tpu.memory_space<vmem>>, vector<1x98x1x128xf32>
      %get3A_968 = vector.shape_cast %get3A_967 : vector<1x98x1x128xf32> to vector<98x1x128xf32>
      %reshape3A = vector.shape_cast %get3A_968 : vector<98x1x128xf32> to vector<98x128xf32>
      %slice3A = vector.extract_strided_slice %reshape3A {offsets = [0, 0], sizes = [49, 128], strides = [1, 1]} : vector<98x128xf32> to vector<49x128xf32>
      %swap3A_969 = arith.constant 28 : index
      %swap3A_970 = arith.constant 0 : index
      %swap3A_971 = arith.constant 0 : index
      %swap3A_972 = vector.load %arg6[%swap3A_969, %swap3A_970, %swap3A_971] : memref<64x49x128xf32, #tpu.memory_space<vmem>>, vector<1x49x128xf32>
      %swap3A_973 = vector.shape_cast %swap3A_972 : vector<1x49x128xf32> to vector<49x128xf32>
      %swap3A_974 = vector.shape_cast %slice3A : vector<49x128xf32> to vector<1x49x128xf32>
      tpu.vector_store %arg6[%swap3A_969, %swap3A_970, %swap3A_971], %swap3A_974 {strides = array<i32>} : memref<64x49x128xf32, #tpu.memory_space<vmem>>, vector<1x49x128xf32>,
      %slice3A_975 = vector.extract_strided_slice %reshape3A {offsets = [49, 0], sizes = [49, 128], strides = [1, 1]} : vector<98x128xf32> to vector<49x128xf32>
      %swap3A_976 = arith.constant 28 : index
      %swap3A_977 = arith.constant 0 : index
      %swap3A_978 = arith.constant 0 : index
      %swap3A_979 = vector.load %arg7[%swap3A_976, %swap3A_977, %swap3A_978] : memref<64x49x128xf32, #tpu.memory_space<vmem>>, vector<1x49x128xf32>
      %swap3A_980 = vector.shape_cast %swap3A_979 : vector<1x49x128xf32> to vector<49x128xf32>
      %swap3A_981 = vector.shape_cast %slice3A_975 : vector<49x128xf32> to vector<1x49x128xf32>
      tpu.vector_store %arg7[%swap3A_976, %swap3A_977, %swap3A_978], %swap3A_981 {strides = array<i32>} : memref<64x49x128xf32, #tpu.memory_space<vmem>>, vector<1x49x128xf32>,
    } else {
    }
    %get3A_613 = arith.constant 29 : index
    %get3A_614 = memref.load %arg2[%get3A_613] : memref<64xi32, #tpu.memory_space<smem>>
    %ge3A_615 = arith.cmpi sge, %get3A_614, %mul3A_8 : i32
    %add3A_616 = arith.constant 128 : i32
    %add3A_617 = arith.addi %mul3A_8, %add3A_616 : i32
    %lt3A_618 = arith.cmpi slt, %get3A_614, %add3A_617 : i32
    %and3A_619 = arith.andi %ge3A_615, %lt3A_618 : i1
    %convert_element_type3A_620 = arith.extui %and3A_619 : i1 to i32
    %cond3A_621 = arith.constant 0 : i32
    %cond3A_622 = arith.cmpi ne, %convert_element_type3A_620, %cond3A_621 : i32
    scf.if %cond3A_622 {
      %sub3A = arith.subi %get3A_614, %mul3A_8 : i32
      %get3A_963 = arith.constant 0 : index
      %get3A_964 = arith.constant 0 : index
      %get3A_965 = arith.index_cast %sub3A : i32 to index
      %get3A_966 = arith.constant 0 : index
      %get3A_967 = vector.load %arg3[%get3A_963, %get3A_964, %get3A_965, %get3A_966] : memref<1x98x128x128xf32, #tpu.memory_space<vmem>>, vector<1x98x1x128xf32>
      %get3A_968 = vector.shape_cast %get3A_967 : vector<1x98x1x128xf32> to vector<98x1x128xf32>
      %reshape3A = vector.shape_cast %get3A_968 : vector<98x1x128xf32> to vector<98x128xf32>
      %slice3A = vector.extract_strided_slice %reshape3A {offsets = [0, 0], sizes = [49, 128], strides = [1, 1]} : vector<98x128xf32> to vector<49x128xf32>
      %swap3A_969 = arith.constant 29 : index
      %swap3A_970 = arith.constant 0 : index
      %swap3A_971 = arith.constant 0 : index
      %swap3A_972 = vector.load %arg6[%swap3A_969, %swap3A_970, %swap3A_971] : memref<64x49x128xf32, #tpu.memory_space<vmem>>, vector<1x49x128xf32>
      %swap3A_973 = vector.shape_cast %swap3A_972 : vector<1x49x128xf32> to vector<49x128xf32>
      %swap3A_974 = vector.shape_cast %slice3A : vector<49x128xf32> to vector<1x49x128xf32>
      tpu.vector_store %arg6[%swap3A_969, %swap3A_970, %swap3A_971], %swap3A_974 {strides = array<i32>} : memref<64x49x128xf32, #tpu.memory_space<vmem>>, vector<1x49x128xf32>,
      %slice3A_975 = vector.extract_strided_slice %reshape3A {offsets = [49, 0], sizes = [49, 128], strides = [1, 1]} : vector<98x128xf32> to vector<49x128xf32>
      %swap3A_976 = arith.constant 29 : index
      %swap3A_977 = arith.constant 0 : index
      %swap3A_978 = arith.constant 0 : index
      %swap3A_979 = vector.load %arg7[%swap3A_976, %swap3A_977, %swap3A_978] : memref<64x49x128xf32, #tpu.memory_space<vmem>>, vector<1x49x128xf32>
      %swap3A_980 = vector.shape_cast %swap3A_979 : vector<1x49x128xf32> to vector<49x128xf32>
      %swap3A_981 = vector.shape_cast %slice3A_975 : vector<49x128xf32> to vector<1x49x128xf32>
      tpu.vector_store %arg7[%swap3A_976, %swap3A_977, %swap3A_978], %swap3A_981 {strides = array<i32>} : memref<64x49x128xf32, #tpu.memory_space<vmem>>, vector<1x49x128xf32>,
    } else {
    }
    %get3A_623 = arith.constant 30 : index
    %get3A_624 = memref.load %arg2[%get3A_623] : memref<64xi32, #tpu.memory_space<smem>>
    %ge3A_625 = arith.cmpi sge, %get3A_624, %mul3A_8 : i32
    %add3A_626 = arith.constant 128 : i32
    %add3A_627 = arith.addi %mul3A_8, %add3A_626 : i32
    %lt3A_628 = arith.cmpi slt, %get3A_624, %add3A_627 : i32
    %and3A_629 = arith.andi %ge3A_625, %lt3A_628 : i1
    %convert_element_type3A_630 = arith.extui %and3A_629 : i1 to i32
    %cond3A_631 = arith.constant 0 : i32
    %cond3A_632 = arith.cmpi ne, %convert_element_type3A_630, %cond3A_631 : i32
    scf.if %cond3A_632 {
      %sub3A = arith.subi %get3A_624, %mul3A_8 : i32
      %get3A_963 = arith.constant 0 : index
      %get3A_964 = arith.constant 0 : index
      %get3A_965 = arith.index_cast %sub3A : i32 to index
      %get3A_966 = arith.constant 0 : index
      %get3A_967 = vector.load %arg3[%get3A_963, %get3A_964, %get3A_965, %get3A_966] : memref<1x98x128x128xf32, #tpu.memory_space<vmem>>, vector<1x98x1x128xf32>
      %get3A_968 = vector.shape_cast %get3A_967 : vector<1x98x1x128xf32> to vector<98x1x128xf32>
      %reshape3A = vector.shape_cast %get3A_968 : vector<98x1x128xf32> to vector<98x128xf32>
      %slice3A = vector.extract_strided_slice %reshape3A {offsets = [0, 0], sizes = [49, 128], strides = [1, 1]} : vector<98x128xf32> to vector<49x128xf32>
      %swap3A_969 = arith.constant 30 : index
      %swap3A_970 = arith.constant 0 : index
      %swap3A_971 = arith.constant 0 : index
      %swap3A_972 = vector.load %arg6[%swap3A_969, %swap3A_970, %swap3A_971] : memref<64x49x128xf32, #tpu.memory_space<vmem>>, vector<1x49x128xf32>
      %swap3A_973 = vector.shape_cast %swap3A_972 : vector<1x49x128xf32> to vector<49x128xf32>
      %swap3A_974 = vector.shape_cast %slice3A : vector<49x128xf32> to vector<1x49x128xf32>
      tpu.vector_store %arg6[%swap3A_969, %swap3A_970, %swap3A_971], %swap3A_974 {strides = array<i32>} : memref<64x49x128xf32, #tpu.memory_space<vmem>>, vector<1x49x128xf32>,
      %slice3A_975 = vector.extract_strided_slice %reshape3A {offsets = [49, 0], sizes = [49, 128], strides = [1, 1]} : vector<98x128xf32> to vector<49x128xf32>
      %swap3A_976 = arith.constant 30 : index
      %swap3A_977 = arith.constant 0 : index
      %swap3A_978 = arith.constant 0 : index
      %swap3A_979 = vector.load %arg7[%swap3A_976, %swap3A_977, %swap3A_978] : memref<64x49x128xf32, #tpu.memory_space<vmem>>, vector<1x49x128xf32>
      %swap3A_980 = vector.shape_cast %swap3A_979 : vector<1x49x128xf32> to vector<49x128xf32>
      %swap3A_981 = vector.shape_cast %slice3A_975 : vector<49x128xf32> to vector<1x49x128xf32>
      tpu.vector_store %arg7[%swap3A_976, %swap3A_977, %swap3A_978], %swap3A_981 {strides = array<i32>} : memref<64x49x128xf32, #tpu.memory_space<vmem>>, vector<1x49x128xf32>,
    } else {
    }
    %get3A_633 = arith.constant 31 : index
    %get3A_634 = memref.load %arg2[%get3A_633] : memref<64xi32, #tpu.memory_space<smem>>
    %ge3A_635 = arith.cmpi sge, %get3A_634, %mul3A_8 : i32
    %add3A_636 = arith.constant 128 : i32
    %add3A_637 = arith.addi %mul3A_8, %add3A_636 : i32
    %lt3A_638 = arith.cmpi slt, %get3A_634, %add3A_637 : i32
    %and3A_639 = arith.andi %ge3A_635, %lt3A_638 : i1
    %convert_element_type3A_640 = arith.extui %and3A_639 : i1 to i32
    %cond3A_641 = arith.constant 0 : i32
    %cond3A_642 = arith.cmpi ne, %convert_element_type3A_640, %cond3A_641 : i32
    scf.if %cond3A_642 {
      %sub3A = arith.subi %get3A_634, %mul3A_8 : i32
      %get3A_963 = arith.constant 0 : index
      %get3A_964 = arith.constant 0 : index
      %get3A_965 = arith.index_cast %sub3A : i32 to index
      %get3A_966 = arith.constant 0 : index
      %get3A_967 = vector.load %arg3[%get3A_963, %get3A_964, %get3A_965, %get3A_966] : memref<1x98x128x128xf32, #tpu.memory_space<vmem>>, vector<1x98x1x128xf32>
      %get3A_968 = vector.shape_cast %get3A_967 : vector<1x98x1x128xf32> to vector<98x1x128xf32>
      %reshape3A = vector.shape_cast %get3A_968 : vector<98x1x128xf32> to vector<98x128xf32>
      %slice3A = vector.extract_strided_slice %reshape3A {offsets = [0, 0], sizes = [49, 128], strides = [1, 1]} : vector<98x128xf32> to vector<49x128xf32>
      %swap3A_969 = arith.constant 31 : index
      %swap3A_970 = arith.constant 0 : index
      %swap3A_971 = arith.constant 0 : index
      %swap3A_972 = vector.load %arg6[%swap3A_969, %swap3A_970, %swap3A_971] : memref<64x49x128xf32, #tpu.memory_space<vmem>>, vector<1x49x128xf32>
      %swap3A_973 = vector.shape_cast %swap3A_972 : vector<1x49x128xf32> to vector<49x128xf32>
      %swap3A_974 = vector.shape_cast %slice3A : vector<49x128xf32> to vector<1x49x128xf32>
      tpu.vector_store %arg6[%swap3A_969, %swap3A_970, %swap3A_971], %swap3A_974 {strides = array<i32>} : memref<64x49x128xf32, #tpu.memory_space<vmem>>, vector<1x49x128xf32>,
      %slice3A_975 = vector.extract_strided_slice %reshape3A {offsets = [49, 0], sizes = [49, 128], strides = [1, 1]} : vector<98x128xf32> to vector<49x128xf32>
      %swap3A_976 = arith.constant 31 : index
      %swap3A_977 = arith.constant 0 : index
      %swap3A_978 = arith.constant 0 : index
      %swap3A_979 = vector.load %arg7[%swap3A_976, %swap3A_977, %swap3A_978] : memref<64x49x128xf32, #tpu.memory_space<vmem>>, vector<1x49x128xf32>
      %swap3A_980 = vector.shape_cast %swap3A_979 : vector<1x49x128xf32> to vector<49x128xf32>
      %swap3A_981 = vector.shape_cast %slice3A_975 : vector<49x128xf32> to vector<1x49x128xf32>
      tpu.vector_store %arg7[%swap3A_976, %swap3A_977, %swap3A_978], %swap3A_981 {strides = array<i32>} : memref<64x49x128xf32, #tpu.memory_space<vmem>>, vector<1x49x128xf32>,
    } else {
    }
    %get3A_643 = arith.constant 32 : index
    %get3A_644 = memref.load %arg2[%get3A_643] : memref<64xi32, #tpu.memory_space<smem>>
    %ge3A_645 = arith.cmpi sge, %get3A_644, %mul3A_8 : i32
    %add3A_646 = arith.constant 128 : i32
    %add3A_647 = arith.addi %mul3A_8, %add3A_646 : i32
    %lt3A_648 = arith.cmpi slt, %get3A_644, %add3A_647 : i32
    %and3A_649 = arith.andi %ge3A_645, %lt3A_648 : i1
    %convert_element_type3A_650 = arith.extui %and3A_649 : i1 to i32
    %cond3A_651 = arith.constant 0 : i32
    %cond3A_652 = arith.cmpi ne, %convert_element_type3A_650, %cond3A_651 : i32
    scf.if %cond3A_652 {
      %sub3A = arith.subi %get3A_644, %mul3A_8 : i32
      %get3A_963 = arith.constant 0 : index
      %get3A_964 = arith.constant 0 : index
      %get3A_965 = arith.index_cast %sub3A : i32 to index
      %get3A_966 = arith.constant 0 : index
      %get3A_967 = vector.load %arg3[%get3A_963, %get3A_964, %get3A_965, %get3A_966] : memref<1x98x128x128xf32, #tpu.memory_space<vmem>>, vector<1x98x1x128xf32>
      %get3A_968 = vector.shape_cast %get3A_967 : vector<1x98x1x128xf32> to vector<98x1x128xf32>
      %reshape3A = vector.shape_cast %get3A_968 : vector<98x1x128xf32> to vector<98x128xf32>
      %slice3A = vector.extract_strided_slice %reshape3A {offsets = [0, 0], sizes = [49, 128], strides = [1, 1]} : vector<98x128xf32> to vector<49x128xf32>
      %swap3A_969 = arith.constant 32 : index
      %swap3A_970 = arith.constant 0 : index
      %swap3A_971 = arith.constant 0 : index
      %swap3A_972 = vector.load %arg6[%swap3A_969, %swap3A_970, %swap3A_971] : memref<64x49x128xf32, #tpu.memory_space<vmem>>, vector<1x49x128xf32>
      %swap3A_973 = vector.shape_cast %swap3A_972 : vector<1x49x128xf32> to vector<49x128xf32>
      %swap3A_974 = vector.shape_cast %slice3A : vector<49x128xf32> to vector<1x49x128xf32>
      tpu.vector_store %arg6[%swap3A_969, %swap3A_970, %swap3A_971], %swap3A_974 {strides = array<i32>} : memref<64x49x128xf32, #tpu.memory_space<vmem>>, vector<1x49x128xf32>,
      %slice3A_975 = vector.extract_strided_slice %reshape3A {offsets = [49, 0], sizes = [49, 128], strides = [1, 1]} : vector<98x128xf32> to vector<49x128xf32>
      %swap3A_976 = arith.constant 32 : index
      %swap3A_977 = arith.constant 0 : index
      %swap3A_978 = arith.constant 0 : index
      %swap3A_979 = vector.load %arg7[%swap3A_976, %swap3A_977, %swap3A_978] : memref<64x49x128xf32, #tpu.memory_space<vmem>>, vector<1x49x128xf32>
      %swap3A_980 = vector.shape_cast %swap3A_979 : vector<1x49x128xf32> to vector<49x128xf32>
      %swap3A_981 = vector.shape_cast %slice3A_975 : vector<49x128xf32> to vector<1x49x128xf32>
      tpu.vector_store %arg7[%swap3A_976, %swap3A_977, %swap3A_978], %swap3A_981 {strides = array<i32>} : memref<64x49x128xf32, #tpu.memory_space<vmem>>, vector<1x49x128xf32>,
    } else {
    }
    %get3A_653 = arith.constant 33 : index
    %get3A_654 = memref.load %arg2[%get3A_653] : memref<64xi32, #tpu.memory_space<smem>>
    %ge3A_655 = arith.cmpi sge, %get3A_654, %mul3A_8 : i32
    %add3A_656 = arith.constant 128 : i32
    %add3A_657 = arith.addi %mul3A_8, %add3A_656 : i32
    %lt3A_658 = arith.cmpi slt, %get3A_654, %add3A_657 : i32
    %and3A_659 = arith.andi %ge3A_655, %lt3A_658 : i1
    %convert_element_type3A_660 = arith.extui %and3A_659 : i1 to i32
    %cond3A_661 = arith.constant 0 : i32
    %cond3A_662 = arith.cmpi ne, %convert_element_type3A_660, %cond3A_661 : i32
    scf.if %cond3A_662 {
      %sub3A = arith.subi %get3A_654, %mul3A_8 : i32
      %get3A_963 = arith.constant 0 : index
      %get3A_964 = arith.constant 0 : index
      %get3A_965 = arith.index_cast %sub3A : i32 to index
      %get3A_966 = arith.constant 0 : index
      %get3A_967 = vector.load %arg3[%get3A_963, %get3A_964, %get3A_965, %get3A_966] : memref<1x98x128x128xf32, #tpu.memory_space<vmem>>, vector<1x98x1x128xf32>
      %get3A_968 = vector.shape_cast %get3A_967 : vector<1x98x1x128xf32> to vector<98x1x128xf32>
      %reshape3A = vector.shape_cast %get3A_968 : vector<98x1x128xf32> to vector<98x128xf32>
      %slice3A = vector.extract_strided_slice %reshape3A {offsets = [0, 0], sizes = [49, 128], strides = [1, 1]} : vector<98x128xf32> to vector<49x128xf32>
      %swap3A_969 = arith.constant 33 : index
      %swap3A_970 = arith.constant 0 : index
      %swap3A_971 = arith.constant 0 : index
      %swap3A_972 = vector.load %arg6[%swap3A_969, %swap3A_970, %swap3A_971] : memref<64x49x128xf32, #tpu.memory_space<vmem>>, vector<1x49x128xf32>
      %swap3A_973 = vector.shape_cast %swap3A_972 : vector<1x49x128xf32> to vector<49x128xf32>
      %swap3A_974 = vector.shape_cast %slice3A : vector<49x128xf32> to vector<1x49x128xf32>
      tpu.vector_store %arg6[%swap3A_969, %swap3A_970, %swap3A_971], %swap3A_974 {strides = array<i32>} : memref<64x49x128xf32, #tpu.memory_space<vmem>>, vector<1x49x128xf32>,
      %slice3A_975 = vector.extract_strided_slice %reshape3A {offsets = [49, 0], sizes = [49, 128], strides = [1, 1]} : vector<98x128xf32> to vector<49x128xf32>
      %swap3A_976 = arith.constant 33 : index
      %swap3A_977 = arith.constant 0 : index
      %swap3A_978 = arith.constant 0 : index
      %swap3A_979 = vector.load %arg7[%swap3A_976, %swap3A_977, %swap3A_978] : memref<64x49x128xf32, #tpu.memory_space<vmem>>, vector<1x49x128xf32>
      %swap3A_980 = vector.shape_cast %swap3A_979 : vector<1x49x128xf32> to vector<49x128xf32>
      %swap3A_981 = vector.shape_cast %slice3A_975 : vector<49x128xf32> to vector<1x49x128xf32>
      tpu.vector_store %arg7[%swap3A_976, %swap3A_977, %swap3A_978], %swap3A_981 {strides = array<i32>} : memref<64x49x128xf32, #tpu.memory_space<vmem>>, vector<1x49x128xf32>,
    } else {
    }
    %get3A_663 = arith.constant 34 : index
    %get3A_664 = memref.load %arg2[%get3A_663] : memref<64xi32, #tpu.memory_space<smem>>
    %ge3A_665 = arith.cmpi sge, %get3A_664, %mul3A_8 : i32
    %add3A_666 = arith.constant 128 : i32
    %add3A_667 = arith.addi %mul3A_8, %add3A_666 : i32
    %lt3A_668 = arith.cmpi slt, %get3A_664, %add3A_667 : i32
    %and3A_669 = arith.andi %ge3A_665, %lt3A_668 : i1
    %convert_element_type3A_670 = arith.extui %and3A_669 : i1 to i32
    %cond3A_671 = arith.constant 0 : i32
    %cond3A_672 = arith.cmpi ne, %convert_element_type3A_670, %cond3A_671 : i32
    scf.if %cond3A_672 {
      %sub3A = arith.subi %get3A_664, %mul3A_8 : i32
      %get3A_963 = arith.constant 0 : index
      %get3A_964 = arith.constant 0 : index
      %get3A_965 = arith.index_cast %sub3A : i32 to index
      %get3A_966 = arith.constant 0 : index
      %get3A_967 = vector.load %arg3[%get3A_963, %get3A_964, %get3A_965, %get3A_966] : memref<1x98x128x128xf32, #tpu.memory_space<vmem>>, vector<1x98x1x128xf32>
      %get3A_968 = vector.shape_cast %get3A_967 : vector<1x98x1x128xf32> to vector<98x1x128xf32>
      %reshape3A = vector.shape_cast %get3A_968 : vector<98x1x128xf32> to vector<98x128xf32>
      %slice3A = vector.extract_strided_slice %reshape3A {offsets = [0, 0], sizes = [49, 128], strides = [1, 1]} : vector<98x128xf32> to vector<49x128xf32>
      %swap3A_969 = arith.constant 34 : index
      %swap3A_970 = arith.constant 0 : index
      %swap3A_971 = arith.constant 0 : index
      %swap3A_972 = vector.load %arg6[%swap3A_969, %swap3A_970, %swap3A_971] : memref<64x49x128xf32, #tpu.memory_space<vmem>>, vector<1x49x128xf32>
      %swap3A_973 = vector.shape_cast %swap3A_972 : vector<1x49x128xf32> to vector<49x128xf32>
      %swap3A_974 = vector.shape_cast %slice3A : vector<49x128xf32> to vector<1x49x128xf32>
      tpu.vector_store %arg6[%swap3A_969, %swap3A_970, %swap3A_971], %swap3A_974 {strides = array<i32>} : memref<64x49x128xf32, #tpu.memory_space<vmem>>, vector<1x49x128xf32>,
      %slice3A_975 = vector.extract_strided_slice %reshape3A {offsets = [49, 0], sizes = [49, 128], strides = [1, 1]} : vector<98x128xf32> to vector<49x128xf32>
      %swap3A_976 = arith.constant 34 : index
      %swap3A_977 = arith.constant 0 : index
      %swap3A_978 = arith.constant 0 : index
      %swap3A_979 = vector.load %arg7[%swap3A_976, %swap3A_977, %swap3A_978] : memref<64x49x128xf32, #tpu.memory_space<vmem>>, vector<1x49x128xf32>
      %swap3A_980 = vector.shape_cast %swap3A_979 : vector<1x49x128xf32> to vector<49x128xf32>
      %swap3A_981 = vector.shape_cast %slice3A_975 : vector<49x128xf32> to vector<1x49x128xf32>
      tpu.vector_store %arg7[%swap3A_976, %swap3A_977, %swap3A_978], %swap3A_981 {strides = array<i32>} : memref<64x49x128xf32, #tpu.memory_space<vmem>>, vector<1x49x128xf32>,
    } else {
    }
    %get3A_673 = arith.constant 35 : index
    %get3A_674 = memref.load %arg2[%get3A_673] : memref<64xi32, #tpu.memory_space<smem>>
    %ge3A_675 = arith.cmpi sge, %get3A_674, %mul3A_8 : i32
    %add3A_676 = arith.constant 128 : i32
    %add3A_677 = arith.addi %mul3A_8, %add3A_676 : i32
    %lt3A_678 = arith.cmpi slt, %get3A_674, %add3A_677 : i32
    %and3A_679 = arith.andi %ge3A_675, %lt3A_678 : i1
    %convert_element_type3A_680 = arith.extui %and3A_679 : i1 to i32
    %cond3A_681 = arith.constant 0 : i32
    %cond3A_682 = arith.cmpi ne, %convert_element_type3A_680, %cond3A_681 : i32
    scf.if %cond3A_682 {
      %sub3A = arith.subi %get3A_674, %mul3A_8 : i32
      %get3A_963 = arith.constant 0 : index
      %get3A_964 = arith.constant 0 : index
      %get3A_965 = arith.index_cast %sub3A : i32 to index
      %get3A_966 = arith.constant 0 : index
      %get3A_967 = vector.load %arg3[%get3A_963, %get3A_964, %get3A_965, %get3A_966] : memref<1x98x128x128xf32, #tpu.memory_space<vmem>>, vector<1x98x1x128xf32>
      %get3A_968 = vector.shape_cast %get3A_967 : vector<1x98x1x128xf32> to vector<98x1x128xf32>
      %reshape3A = vector.shape_cast %get3A_968 : vector<98x1x128xf32> to vector<98x128xf32>
      %slice3A = vector.extract_strided_slice %reshape3A {offsets = [0, 0], sizes = [49, 128], strides = [1, 1]} : vector<98x128xf32> to vector<49x128xf32>
      %swap3A_969 = arith.constant 35 : index
      %swap3A_970 = arith.constant 0 : index
      %swap3A_971 = arith.constant 0 : index
      %swap3A_972 = vector.load %arg6[%swap3A_969, %swap3A_970, %swap3A_971] : memref<64x49x128xf32, #tpu.memory_space<vmem>>, vector<1x49x128xf32>
      %swap3A_973 = vector.shape_cast %swap3A_972 : vector<1x49x128xf32> to vector<49x128xf32>
      %swap3A_974 = vector.shape_cast %slice3A : vector<49x128xf32> to vector<1x49x128xf32>
      tpu.vector_store %arg6[%swap3A_969, %swap3A_970, %swap3A_971], %swap3A_974 {strides = array<i32>} : memref<64x49x128xf32, #tpu.memory_space<vmem>>, vector<1x49x128xf32>,
      %slice3A_975 = vector.extract_strided_slice %reshape3A {offsets = [49, 0], sizes = [49, 128], strides = [1, 1]} : vector<98x128xf32> to vector<49x128xf32>
      %swap3A_976 = arith.constant 35 : index
      %swap3A_977 = arith.constant 0 : index
      %swap3A_978 = arith.constant 0 : index
      %swap3A_979 = vector.load %arg7[%swap3A_976, %swap3A_977, %swap3A_978] : memref<64x49x128xf32, #tpu.memory_space<vmem>>, vector<1x49x128xf32>
      %swap3A_980 = vector.shape_cast %swap3A_979 : vector<1x49x128xf32> to vector<49x128xf32>
      %swap3A_981 = vector.shape_cast %slice3A_975 : vector<49x128xf32> to vector<1x49x128xf32>
      tpu.vector_store %arg7[%swap3A_976, %swap3A_977, %swap3A_978], %swap3A_981 {strides = array<i32>} : memref<64x49x128xf32, #tpu.memory_space<vmem>>, vector<1x49x128xf32>,
    } else {
    }
    %get3A_683 = arith.constant 36 : index
    %get3A_684 = memref.load %arg2[%get3A_683] : memref<64xi32, #tpu.memory_space<smem>>
    %ge3A_685 = arith.cmpi sge, %get3A_684, %mul3A_8 : i32
    %add3A_686 = arith.constant 128 : i32
    %add3A_687 = arith.addi %mul3A_8, %add3A_686 : i32
    %lt3A_688 = arith.cmpi slt, %get3A_684, %add3A_687 : i32
    %and3A_689 = arith.andi %ge3A_685, %lt3A_688 : i1
    %convert_element_type3A_690 = arith.extui %and3A_689 : i1 to i32
    %cond3A_691 = arith.constant 0 : i32
    %cond3A_692 = arith.cmpi ne, %convert_element_type3A_690, %cond3A_691 : i32
    scf.if %cond3A_692 {
      %sub3A = arith.subi %get3A_684, %mul3A_8 : i32
      %get3A_963 = arith.constant 0 : index
      %get3A_964 = arith.constant 0 : index
      %get3A_965 = arith.index_cast %sub3A : i32 to index
      %get3A_966 = arith.constant 0 : index
      %get3A_967 = vector.load %arg3[%get3A_963, %get3A_964, %get3A_965, %get3A_966] : memref<1x98x128x128xf32, #tpu.memory_space<vmem>>, vector<1x98x1x128xf32>
      %get3A_968 = vector.shape_cast %get3A_967 : vector<1x98x1x128xf32> to vector<98x1x128xf32>
      %reshape3A = vector.shape_cast %get3A_968 : vector<98x1x128xf32> to vector<98x128xf32>
      %slice3A = vector.extract_strided_slice %reshape3A {offsets = [0, 0], sizes = [49, 128], strides = [1, 1]} : vector<98x128xf32> to vector<49x128xf32>
      %swap3A_969 = arith.constant 36 : index
      %swap3A_970 = arith.constant 0 : index
      %swap3A_971 = arith.constant 0 : index
      %swap3A_972 = vector.load %arg6[%swap3A_969, %swap3A_970, %swap3A_971] : memref<64x49x128xf32, #tpu.memory_space<vmem>>, vector<1x49x128xf32>
      %swap3A_973 = vector.shape_cast %swap3A_972 : vector<1x49x128xf32> to vector<49x128xf32>
      %swap3A_974 = vector.shape_cast %slice3A : vector<49x128xf32> to vector<1x49x128xf32>
      tpu.vector_store %arg6[%swap3A_969, %swap3A_970, %swap3A_971], %swap3A_974 {strides = array<i32>} : memref<64x49x128xf32, #tpu.memory_space<vmem>>, vector<1x49x128xf32>,
      %slice3A_975 = vector.extract_strided_slice %reshape3A {offsets = [49, 0], sizes = [49, 128], strides = [1, 1]} : vector<98x128xf32> to vector<49x128xf32>
      %swap3A_976 = arith.constant 36 : index
      %swap3A_977 = arith.constant 0 : index
      %swap3A_978 = arith.constant 0 : index
      %swap3A_979 = vector.load %arg7[%swap3A_976, %swap3A_977, %swap3A_978] : memref<64x49x128xf32, #tpu.memory_space<vmem>>, vector<1x49x128xf32>
      %swap3A_980 = vector.shape_cast %swap3A_979 : vector<1x49x128xf32> to vector<49x128xf32>
      %swap3A_981 = vector.shape_cast %slice3A_975 : vector<49x128xf32> to vector<1x49x128xf32>
      tpu.vector_store %arg7[%swap3A_976, %swap3A_977, %swap3A_978], %swap3A_981 {strides = array<i32>} : memref<64x49x128xf32, #tpu.memory_space<vmem>>, vector<1x49x128xf32>,
    } else {
    }
    %get3A_693 = arith.constant 37 : index
    %get3A_694 = memref.load %arg2[%get3A_693] : memref<64xi32, #tpu.memory_space<smem>>
    %ge3A_695 = arith.cmpi sge, %get3A_694, %mul3A_8 : i32
    %add3A_696 = arith.constant 128 : i32
    %add3A_697 = arith.addi %mul3A_8, %add3A_696 : i32
    %lt3A_698 = arith.cmpi slt, %get3A_694, %add3A_697 : i32
    %and3A_699 = arith.andi %ge3A_695, %lt3A_698 : i1
    %convert_element_type3A_700 = arith.extui %and3A_699 : i1 to i32
    %cond3A_701 = arith.constant 0 : i32
    %cond3A_702 = arith.cmpi ne, %convert_element_type3A_700, %cond3A_701 : i32
    scf.if %cond3A_702 {
      %sub3A = arith.subi %get3A_694, %mul3A_8 : i32
      %get3A_963 = arith.constant 0 : index
      %get3A_964 = arith.constant 0 : index
      %get3A_965 = arith.index_cast %sub3A : i32 to index
      %get3A_966 = arith.constant 0 : index
      %get3A_967 = vector.load %arg3[%get3A_963, %get3A_964, %get3A_965, %get3A_966] : memref<1x98x128x128xf32, #tpu.memory_space<vmem>>, vector<1x98x1x128xf32>
      %get3A_968 = vector.shape_cast %get3A_967 : vector<1x98x1x128xf32> to vector<98x1x128xf32>
      %reshape3A = vector.shape_cast %get3A_968 : vector<98x1x128xf32> to vector<98x128xf32>
      %slice3A = vector.extract_strided_slice %reshape3A {offsets = [0, 0], sizes = [49, 128], strides = [1, 1]} : vector<98x128xf32> to vector<49x128xf32>
      %swap3A_969 = arith.constant 37 : index
      %swap3A_970 = arith.constant 0 : index
      %swap3A_971 = arith.constant 0 : index
      %swap3A_972 = vector.load %arg6[%swap3A_969, %swap3A_970, %swap3A_971] : memref<64x49x128xf32, #tpu.memory_space<vmem>>, vector<1x49x128xf32>
      %swap3A_973 = vector.shape_cast %swap3A_972 : vector<1x49x128xf32> to vector<49x128xf32>
      %swap3A_974 = vector.shape_cast %slice3A : vector<49x128xf32> to vector<1x49x128xf32>
      tpu.vector_store %arg6[%swap3A_969, %swap3A_970, %swap3A_971], %swap3A_974 {strides = array<i32>} : memref<64x49x128xf32, #tpu.memory_space<vmem>>, vector<1x49x128xf32>,
      %slice3A_975 = vector.extract_strided_slice %reshape3A {offsets = [49, 0], sizes = [49, 128], strides = [1, 1]} : vector<98x128xf32> to vector<49x128xf32>
      %swap3A_976 = arith.constant 37 : index
      %swap3A_977 = arith.constant 0 : index
      %swap3A_978 = arith.constant 0 : index
      %swap3A_979 = vector.load %arg7[%swap3A_976, %swap3A_977, %swap3A_978] : memref<64x49x128xf32, #tpu.memory_space<vmem>>, vector<1x49x128xf32>
      %swap3A_980 = vector.shape_cast %swap3A_979 : vector<1x49x128xf32> to vector<49x128xf32>
      %swap3A_981 = vector.shape_cast %slice3A_975 : vector<49x128xf32> to vector<1x49x128xf32>
      tpu.vector_store %arg7[%swap3A_976, %swap3A_977, %swap3A_978], %swap3A_981 {strides = array<i32>} : memref<64x49x128xf32, #tpu.memory_space<vmem>>, vector<1x49x128xf32>,
    } else {
    }
    %get3A_703 = arith.constant 38 : index
    %get3A_704 = memref.load %arg2[%get3A_703] : memref<64xi32, #tpu.memory_space<smem>>
    %ge3A_705 = arith.cmpi sge, %get3A_704, %mul3A_8 : i32
    %add3A_706 = arith.constant 128 : i32
    %add3A_707 = arith.addi %mul3A_8, %add3A_706 : i32
    %lt3A_708 = arith.cmpi slt, %get3A_704, %add3A_707 : i32
    %and3A_709 = arith.andi %ge3A_705, %lt3A_708 : i1
    %convert_element_type3A_710 = arith.extui %and3A_709 : i1 to i32
    %cond3A_711 = arith.constant 0 : i32
    %cond3A_712 = arith.cmpi ne, %convert_element_type3A_710, %cond3A_711 : i32
    scf.if %cond3A_712 {
      %sub3A = arith.subi %get3A_704, %mul3A_8 : i32
      %get3A_963 = arith.constant 0 : index
      %get3A_964 = arith.constant 0 : index
      %get3A_965 = arith.index_cast %sub3A : i32 to index
      %get3A_966 = arith.constant 0 : index
      %get3A_967 = vector.load %arg3[%get3A_963, %get3A_964, %get3A_965, %get3A_966] : memref<1x98x128x128xf32, #tpu.memory_space<vmem>>, vector<1x98x1x128xf32>
      %get3A_968 = vector.shape_cast %get3A_967 : vector<1x98x1x128xf32> to vector<98x1x128xf32>
      %reshape3A = vector.shape_cast %get3A_968 : vector<98x1x128xf32> to vector<98x128xf32>
      %slice3A = vector.extract_strided_slice %reshape3A {offsets = [0, 0], sizes = [49, 128], strides = [1, 1]} : vector<98x128xf32> to vector<49x128xf32>
      %swap3A_969 = arith.constant 38 : index
      %swap3A_970 = arith.constant 0 : index
      %swap3A_971 = arith.constant 0 : index
      %swap3A_972 = vector.load %arg6[%swap3A_969, %swap3A_970, %swap3A_971] : memref<64x49x128xf32, #tpu.memory_space<vmem>>, vector<1x49x128xf32>
      %swap3A_973 = vector.shape_cast %swap3A_972 : vector<1x49x128xf32> to vector<49x128xf32>
      %swap3A_974 = vector.shape_cast %slice3A : vector<49x128xf32> to vector<1x49x128xf32>
      tpu.vector_store %arg6[%swap3A_969, %swap3A_970, %swap3A_971], %swap3A_974 {strides = array<i32>} : memref<64x49x128xf32, #tpu.memory_space<vmem>>, vector<1x49x128xf32>,
      %slice3A_975 = vector.extract_strided_slice %reshape3A {offsets = [49, 0], sizes = [49, 128], strides = [1, 1]} : vector<98x128xf32> to vector<49x128xf32>
      %swap3A_976 = arith.constant 38 : index
      %swap3A_977 = arith.constant 0 : index
      %swap3A_978 = arith.constant 0 : index
      %swap3A_979 = vector.load %arg7[%swap3A_976, %swap3A_977, %swap3A_978] : memref<64x49x128xf32, #tpu.memory_space<vmem>>, vector<1x49x128xf32>
      %swap3A_980 = vector.shape_cast %swap3A_979 : vector<1x49x128xf32> to vector<49x128xf32>
      %swap3A_981 = vector.shape_cast %slice3A_975 : vector<49x128xf32> to vector<1x49x128xf32>
      tpu.vector_store %arg7[%swap3A_976, %swap3A_977, %swap3A_978], %swap3A_981 {strides = array<i32>} : memref<64x49x128xf32, #tpu.memory_space<vmem>>, vector<1x49x128xf32>,
    } else {
    }
    %get3A_713 = arith.constant 39 : index
    %get3A_714 = memref.load %arg2[%get3A_713] : memref<64xi32, #tpu.memory_space<smem>>
    %ge3A_715 = arith.cmpi sge, %get3A_714, %mul3A_8 : i32
    %add3A_716 = arith.constant 128 : i32
    %add3A_717 = arith.addi %mul3A_8, %add3A_716 : i32
    %lt3A_718 = arith.cmpi slt, %get3A_714, %add3A_717 : i32
    %and3A_719 = arith.andi %ge3A_715, %lt3A_718 : i1
    %convert_element_type3A_720 = arith.extui %and3A_719 : i1 to i32
    %cond3A_721 = arith.constant 0 : i32
    %cond3A_722 = arith.cmpi ne, %convert_element_type3A_720, %cond3A_721 : i32
    scf.if %cond3A_722 {
      %sub3A = arith.subi %get3A_714, %mul3A_8 : i32
      %get3A_963 = arith.constant 0 : index
      %get3A_964 = arith.constant 0 : index
      %get3A_965 = arith.index_cast %sub3A : i32 to index
      %get3A_966 = arith.constant 0 : index
      %get3A_967 = vector.load %arg3[%get3A_963, %get3A_964, %get3A_965, %get3A_966] : memref<1x98x128x128xf32, #tpu.memory_space<vmem>>, vector<1x98x1x128xf32>
      %get3A_968 = vector.shape_cast %get3A_967 : vector<1x98x1x128xf32> to vector<98x1x128xf32>
      %reshape3A = vector.shape_cast %get3A_968 : vector<98x1x128xf32> to vector<98x128xf32>
      %slice3A = vector.extract_strided_slice %reshape3A {offsets = [0, 0], sizes = [49, 128], strides = [1, 1]} : vector<98x128xf32> to vector<49x128xf32>
      %swap3A_969 = arith.constant 39 : index
      %swap3A_970 = arith.constant 0 : index
      %swap3A_971 = arith.constant 0 : index
      %swap3A_972 = vector.load %arg6[%swap3A_969, %swap3A_970, %swap3A_971] : memref<64x49x128xf32, #tpu.memory_space<vmem>>, vector<1x49x128xf32>
      %swap3A_973 = vector.shape_cast %swap3A_972 : vector<1x49x128xf32> to vector<49x128xf32>
      %swap3A_974 = vector.shape_cast %slice3A : vector<49x128xf32> to vector<1x49x128xf32>
      tpu.vector_store %arg6[%swap3A_969, %swap3A_970, %swap3A_971], %swap3A_974 {strides = array<i32>} : memref<64x49x128xf32, #tpu.memory_space<vmem>>, vector<1x49x128xf32>,
      %slice3A_975 = vector.extract_strided_slice %reshape3A {offsets = [49, 0], sizes = [49, 128], strides = [1, 1]} : vector<98x128xf32> to vector<49x128xf32>
      %swap3A_976 = arith.constant 39 : index
      %swap3A_977 = arith.constant 0 : index
      %swap3A_978 = arith.constant 0 : index
      %swap3A_979 = vector.load %arg7[%swap3A_976, %swap3A_977, %swap3A_978] : memref<64x49x128xf32, #tpu.memory_space<vmem>>, vector<1x49x128xf32>
      %swap3A_980 = vector.shape_cast %swap3A_979 : vector<1x49x128xf32> to vector<49x128xf32>
      %swap3A_981 = vector.shape_cast %slice3A_975 : vector<49x128xf32> to vector<1x49x128xf32>
      tpu.vector_store %arg7[%swap3A_976, %swap3A_977, %swap3A_978], %swap3A_981 {strides = array<i32>} : memref<64x49x128xf32, #tpu.memory_space<vmem>>, vector<1x49x128xf32>,
    } else {
    }
    %get3A_723 = arith.constant 40 : index
    %get3A_724 = memref.load %arg2[%get3A_723] : memref<64xi32, #tpu.memory_space<smem>>
    %ge3A_725 = arith.cmpi sge, %get3A_724, %mul3A_8 : i32
    %add3A_726 = arith.constant 128 : i32
    %add3A_727 = arith.addi %mul3A_8, %add3A_726 : i32
    %lt3A_728 = arith.cmpi slt, %get3A_724, %add3A_727 : i32
    %and3A_729 = arith.andi %ge3A_725, %lt3A_728 : i1
    %convert_element_type3A_730 = arith.extui %and3A_729 : i1 to i32
    %cond3A_731 = arith.constant 0 : i32
    %cond3A_732 = arith.cmpi ne, %convert_element_type3A_730, %cond3A_731 : i32
    scf.if %cond3A_732 {
      %sub3A = arith.subi %get3A_724, %mul3A_8 : i32
      %get3A_963 = arith.constant 0 : index
      %get3A_964 = arith.constant 0 : index
      %get3A_965 = arith.index_cast %sub3A : i32 to index
      %get3A_966 = arith.constant 0 : index
      %get3A_967 = vector.load %arg3[%get3A_963, %get3A_964, %get3A_965, %get3A_966] : memref<1x98x128x128xf32, #tpu.memory_space<vmem>>, vector<1x98x1x128xf32>
      %get3A_968 = vector.shape_cast %get3A_967 : vector<1x98x1x128xf32> to vector<98x1x128xf32>
      %reshape3A = vector.shape_cast %get3A_968 : vector<98x1x128xf32> to vector<98x128xf32>
      %slice3A = vector.extract_strided_slice %reshape3A {offsets = [0, 0], sizes = [49, 128], strides = [1, 1]} : vector<98x128xf32> to vector<49x128xf32>
      %swap3A_969 = arith.constant 40 : index
      %swap3A_970 = arith.constant 0 : index
      %swap3A_971 = arith.constant 0 : index
      %swap3A_972 = vector.load %arg6[%swap3A_969, %swap3A_970, %swap3A_971] : memref<64x49x128xf32, #tpu.memory_space<vmem>>, vector<1x49x128xf32>
      %swap3A_973 = vector.shape_cast %swap3A_972 : vector<1x49x128xf32> to vector<49x128xf32>
      %swap3A_974 = vector.shape_cast %slice3A : vector<49x128xf32> to vector<1x49x128xf32>
      tpu.vector_store %arg6[%swap3A_969, %swap3A_970, %swap3A_971], %swap3A_974 {strides = array<i32>} : memref<64x49x128xf32, #tpu.memory_space<vmem>>, vector<1x49x128xf32>,
      %slice3A_975 = vector.extract_strided_slice %reshape3A {offsets = [49, 0], sizes = [49, 128], strides = [1, 1]} : vector<98x128xf32> to vector<49x128xf32>
      %swap3A_976 = arith.constant 40 : index
      %swap3A_977 = arith.constant 0 : index
      %swap3A_978 = arith.constant 0 : index
      %swap3A_979 = vector.load %arg7[%swap3A_976, %swap3A_977, %swap3A_978] : memref<64x49x128xf32, #tpu.memory_space<vmem>>, vector<1x49x128xf32>
      %swap3A_980 = vector.shape_cast %swap3A_979 : vector<1x49x128xf32> to vector<49x128xf32>
      %swap3A_981 = vector.shape_cast %slice3A_975 : vector<49x128xf32> to vector<1x49x128xf32>
      tpu.vector_store %arg7[%swap3A_976, %swap3A_977, %swap3A_978], %swap3A_981 {strides = array<i32>} : memref<64x49x128xf32, #tpu.memory_space<vmem>>, vector<1x49x128xf32>,
    } else {
    }
    %get3A_733 = arith.constant 41 : index
    %get3A_734 = memref.load %arg2[%get3A_733] : memref<64xi32, #tpu.memory_space<smem>>
    %ge3A_735 = arith.cmpi sge, %get3A_734, %mul3A_8 : i32
    %add3A_736 = arith.constant 128 : i32
    %add3A_737 = arith.addi %mul3A_8, %add3A_736 : i32
    %lt3A_738 = arith.cmpi slt, %get3A_734, %add3A_737 : i32
    %and3A_739 = arith.andi %ge3A_735, %lt3A_738 : i1
    %convert_element_type3A_740 = arith.extui %and3A_739 : i1 to i32
    %cond3A_741 = arith.constant 0 : i32
    %cond3A_742 = arith.cmpi ne, %convert_element_type3A_740, %cond3A_741 : i32
    scf.if %cond3A_742 {
      %sub3A = arith.subi %get3A_734, %mul3A_8 : i32
      %get3A_963 = arith.constant 0 : index
      %get3A_964 = arith.constant 0 : index
      %get3A_965 = arith.index_cast %sub3A : i32 to index
      %get3A_966 = arith.constant 0 : index
      %get3A_967 = vector.load %arg3[%get3A_963, %get3A_964, %get3A_965, %get3A_966] : memref<1x98x128x128xf32, #tpu.memory_space<vmem>>, vector<1x98x1x128xf32>
      %get3A_968 = vector.shape_cast %get3A_967 : vector<1x98x1x128xf32> to vector<98x1x128xf32>
      %reshape3A = vector.shape_cast %get3A_968 : vector<98x1x128xf32> to vector<98x128xf32>
      %slice3A = vector.extract_strided_slice %reshape3A {offsets = [0, 0], sizes = [49, 128], strides = [1, 1]} : vector<98x128xf32> to vector<49x128xf32>
      %swap3A_969 = arith.constant 41 : index
      %swap3A_970 = arith.constant 0 : index
      %swap3A_971 = arith.constant 0 : index
      %swap3A_972 = vector.load %arg6[%swap3A_969, %swap3A_970, %swap3A_971] : memref<64x49x128xf32, #tpu.memory_space<vmem>>, vector<1x49x128xf32>
      %swap3A_973 = vector.shape_cast %swap3A_972 : vector<1x49x128xf32> to vector<49x128xf32>
      %swap3A_974 = vector.shape_cast %slice3A : vector<49x128xf32> to vector<1x49x128xf32>
      tpu.vector_store %arg6[%swap3A_969, %swap3A_970, %swap3A_971], %swap3A_974 {strides = array<i32>} : memref<64x49x128xf32, #tpu.memory_space<vmem>>, vector<1x49x128xf32>,
      %slice3A_975 = vector.extract_strided_slice %reshape3A {offsets = [49, 0], sizes = [49, 128], strides = [1, 1]} : vector<98x128xf32> to vector<49x128xf32>
      %swap3A_976 = arith.constant 41 : index
      %swap3A_977 = arith.constant 0 : index
      %swap3A_978 = arith.constant 0 : index
      %swap3A_979 = vector.load %arg7[%swap3A_976, %swap3A_977, %swap3A_978] : memref<64x49x128xf32, #tpu.memory_space<vmem>>, vector<1x49x128xf32>
      %swap3A_980 = vector.shape_cast %swap3A_979 : vector<1x49x128xf32> to vector<49x128xf32>
      %swap3A_981 = vector.shape_cast %slice3A_975 : vector<49x128xf32> to vector<1x49x128xf32>
      tpu.vector_store %arg7[%swap3A_976, %swap3A_977, %swap3A_978], %swap3A_981 {strides = array<i32>} : memref<64x49x128xf32, #tpu.memory_space<vmem>>, vector<1x49x128xf32>,
    } else {
    }
    %get3A_743 = arith.constant 42 : index
    %get3A_744 = memref.load %arg2[%get3A_743] : memref<64xi32, #tpu.memory_space<smem>>
    %ge3A_745 = arith.cmpi sge, %get3A_744, %mul3A_8 : i32
    %add3A_746 = arith.constant 128 : i32
    %add3A_747 = arith.addi %mul3A_8, %add3A_746 : i32
    %lt3A_748 = arith.cmpi slt, %get3A_744, %add3A_747 : i32
    %and3A_749 = arith.andi %ge3A_745, %lt3A_748 : i1
    %convert_element_type3A_750 = arith.extui %and3A_749 : i1 to i32
    %cond3A_751 = arith.constant 0 : i32
    %cond3A_752 = arith.cmpi ne, %convert_element_type3A_750, %cond3A_751 : i32
    scf.if %cond3A_752 {
      %sub3A = arith.subi %get3A_744, %mul3A_8 : i32
      %get3A_963 = arith.constant 0 : index
      %get3A_964 = arith.constant 0 : index
      %get3A_965 = arith.index_cast %sub3A : i32 to index
      %get3A_966 = arith.constant 0 : index
      %get3A_967 = vector.load %arg3[%get3A_963, %get3A_964, %get3A_965, %get3A_966] : memref<1x98x128x128xf32, #tpu.memory_space<vmem>>, vector<1x98x1x128xf32>
      %get3A_968 = vector.shape_cast %get3A_967 : vector<1x98x1x128xf32> to vector<98x1x128xf32>
      %reshape3A = vector.shape_cast %get3A_968 : vector<98x1x128xf32> to vector<98x128xf32>
      %slice3A = vector.extract_strided_slice %reshape3A {offsets = [0, 0], sizes = [49, 128], strides = [1, 1]} : vector<98x128xf32> to vector<49x128xf32>
      %swap3A_969 = arith.constant 42 : index
      %swap3A_970 = arith.constant 0 : index
      %swap3A_971 = arith.constant 0 : index
      %swap3A_972 = vector.load %arg6[%swap3A_969, %swap3A_970, %swap3A_971] : memref<64x49x128xf32, #tpu.memory_space<vmem>>, vector<1x49x128xf32>
      %swap3A_973 = vector.shape_cast %swap3A_972 : vector<1x49x128xf32> to vector<49x128xf32>
      %swap3A_974 = vector.shape_cast %slice3A : vector<49x128xf32> to vector<1x49x128xf32>
      tpu.vector_store %arg6[%swap3A_969, %swap3A_970, %swap3A_971], %swap3A_974 {strides = array<i32>} : memref<64x49x128xf32, #tpu.memory_space<vmem>>, vector<1x49x128xf32>,
      %slice3A_975 = vector.extract_strided_slice %reshape3A {offsets = [49, 0], sizes = [49, 128], strides = [1, 1]} : vector<98x128xf32> to vector<49x128xf32>
      %swap3A_976 = arith.constant 42 : index
      %swap3A_977 = arith.constant 0 : index
      %swap3A_978 = arith.constant 0 : index
      %swap3A_979 = vector.load %arg7[%swap3A_976, %swap3A_977, %swap3A_978] : memref<64x49x128xf32, #tpu.memory_space<vmem>>, vector<1x49x128xf32>
      %swap3A_980 = vector.shape_cast %swap3A_979 : vector<1x49x128xf32> to vector<49x128xf32>
      %swap3A_981 = vector.shape_cast %slice3A_975 : vector<49x128xf32> to vector<1x49x128xf32>
      tpu.vector_store %arg7[%swap3A_976, %swap3A_977, %swap3A_978], %swap3A_981 {strides = array<i32>} : memref<64x49x128xf32, #tpu.memory_space<vmem>>, vector<1x49x128xf32>,
    } else {
    }
    %get3A_753 = arith.constant 43 : index
    %get3A_754 = memref.load %arg2[%get3A_753] : memref<64xi32, #tpu.memory_space<smem>>
    %ge3A_755 = arith.cmpi sge, %get3A_754, %mul3A_8 : i32
    %add3A_756 = arith.constant 128 : i32
    %add3A_757 = arith.addi %mul3A_8, %add3A_756 : i32
    %lt3A_758 = arith.cmpi slt, %get3A_754, %add3A_757 : i32
    %and3A_759 = arith.andi %ge3A_755, %lt3A_758 : i1
    %convert_element_type3A_760 = arith.extui %and3A_759 : i1 to i32
    %cond3A_761 = arith.constant 0 : i32
    %cond3A_762 = arith.cmpi ne, %convert_element_type3A_760, %cond3A_761 : i32
    scf.if %cond3A_762 {
      %sub3A = arith.subi %get3A_754, %mul3A_8 : i32
      %get3A_963 = arith.constant 0 : index
      %get3A_964 = arith.constant 0 : index
      %get3A_965 = arith.index_cast %sub3A : i32 to index
      %get3A_966 = arith.constant 0 : index
      %get3A_967 = vector.load %arg3[%get3A_963, %get3A_964, %get3A_965, %get3A_966] : memref<1x98x128x128xf32, #tpu.memory_space<vmem>>, vector<1x98x1x128xf32>
      %get3A_968 = vector.shape_cast %get3A_967 : vector<1x98x1x128xf32> to vector<98x1x128xf32>
      %reshape3A = vector.shape_cast %get3A_968 : vector<98x1x128xf32> to vector<98x128xf32>
      %slice3A = vector.extract_strided_slice %reshape3A {offsets = [0, 0], sizes = [49, 128], strides = [1, 1]} : vector<98x128xf32> to vector<49x128xf32>
      %swap3A_969 = arith.constant 43 : index
      %swap3A_970 = arith.constant 0 : index
      %swap3A_971 = arith.constant 0 : index
      %swap3A_972 = vector.load %arg6[%swap3A_969, %swap3A_970, %swap3A_971] : memref<64x49x128xf32, #tpu.memory_space<vmem>>, vector<1x49x128xf32>
      %swap3A_973 = vector.shape_cast %swap3A_972 : vector<1x49x128xf32> to vector<49x128xf32>
      %swap3A_974 = vector.shape_cast %slice3A : vector<49x128xf32> to vector<1x49x128xf32>
      tpu.vector_store %arg6[%swap3A_969, %swap3A_970, %swap3A_971], %swap3A_974 {strides = array<i32>} : memref<64x49x128xf32, #tpu.memory_space<vmem>>, vector<1x49x128xf32>,
      %slice3A_975 = vector.extract_strided_slice %reshape3A {offsets = [49, 0], sizes = [49, 128], strides = [1, 1]} : vector<98x128xf32> to vector<49x128xf32>
      %swap3A_976 = arith.constant 43 : index
      %swap3A_977 = arith.constant 0 : index
      %swap3A_978 = arith.constant 0 : index
      %swap3A_979 = vector.load %arg7[%swap3A_976, %swap3A_977, %swap3A_978] : memref<64x49x128xf32, #tpu.memory_space<vmem>>, vector<1x49x128xf32>
      %swap3A_980 = vector.shape_cast %swap3A_979 : vector<1x49x128xf32> to vector<49x128xf32>
      %swap3A_981 = vector.shape_cast %slice3A_975 : vector<49x128xf32> to vector<1x49x128xf32>
      tpu.vector_store %arg7[%swap3A_976, %swap3A_977, %swap3A_978], %swap3A_981 {strides = array<i32>} : memref<64x49x128xf32, #tpu.memory_space<vmem>>, vector<1x49x128xf32>,
    } else {
    }
    %get3A_763 = arith.constant 44 : index
    %get3A_764 = memref.load %arg2[%get3A_763] : memref<64xi32, #tpu.memory_space<smem>>
    %ge3A_765 = arith.cmpi sge, %get3A_764, %mul3A_8 : i32
    %add3A_766 = arith.constant 128 : i32
    %add3A_767 = arith.addi %mul3A_8, %add3A_766 : i32
    %lt3A_768 = arith.cmpi slt, %get3A_764, %add3A_767 : i32
    %and3A_769 = arith.andi %ge3A_765, %lt3A_768 : i1
    %convert_element_type3A_770 = arith.extui %and3A_769 : i1 to i32
    %cond3A_771 = arith.constant 0 : i32
    %cond3A_772 = arith.cmpi ne, %convert_element_type3A_770, %cond3A_771 : i32
    scf.if %cond3A_772 {
      %sub3A = arith.subi %get3A_764, %mul3A_8 : i32
      %get3A_963 = arith.constant 0 : index
      %get3A_964 = arith.constant 0 : index
      %get3A_965 = arith.index_cast %sub3A : i32 to index
      %get3A_966 = arith.constant 0 : index
      %get3A_967 = vector.load %arg3[%get3A_963, %get3A_964, %get3A_965, %get3A_966] : memref<1x98x128x128xf32, #tpu.memory_space<vmem>>, vector<1x98x1x128xf32>
      %get3A_968 = vector.shape_cast %get3A_967 : vector<1x98x1x128xf32> to vector<98x1x128xf32>
      %reshape3A = vector.shape_cast %get3A_968 : vector<98x1x128xf32> to vector<98x128xf32>
      %slice3A = vector.extract_strided_slice %reshape3A {offsets = [0, 0], sizes = [49, 128], strides = [1, 1]} : vector<98x128xf32> to vector<49x128xf32>
      %swap3A_969 = arith.constant 44 : index
      %swap3A_970 = arith.constant 0 : index
      %swap3A_971 = arith.constant 0 : index
      %swap3A_972 = vector.load %arg6[%swap3A_969, %swap3A_970, %swap3A_971] : memref<64x49x128xf32, #tpu.memory_space<vmem>>, vector<1x49x128xf32>
      %swap3A_973 = vector.shape_cast %swap3A_972 : vector<1x49x128xf32> to vector<49x128xf32>
      %swap3A_974 = vector.shape_cast %slice3A : vector<49x128xf32> to vector<1x49x128xf32>
      tpu.vector_store %arg6[%swap3A_969, %swap3A_970, %swap3A_971], %swap3A_974 {strides = array<i32>} : memref<64x49x128xf32, #tpu.memory_space<vmem>>, vector<1x49x128xf32>,
      %slice3A_975 = vector.extract_strided_slice %reshape3A {offsets = [49, 0], sizes = [49, 128], strides = [1, 1]} : vector<98x128xf32> to vector<49x128xf32>
      %swap3A_976 = arith.constant 44 : index
      %swap3A_977 = arith.constant 0 : index
      %swap3A_978 = arith.constant 0 : index
      %swap3A_979 = vector.load %arg7[%swap3A_976, %swap3A_977, %swap3A_978] : memref<64x49x128xf32, #tpu.memory_space<vmem>>, vector<1x49x128xf32>
      %swap3A_980 = vector.shape_cast %swap3A_979 : vector<1x49x128xf32> to vector<49x128xf32>
      %swap3A_981 = vector.shape_cast %slice3A_975 : vector<49x128xf32> to vector<1x49x128xf32>
      tpu.vector_store %arg7[%swap3A_976, %swap3A_977, %swap3A_978], %swap3A_981 {strides = array<i32>} : memref<64x49x128xf32, #tpu.memory_space<vmem>>, vector<1x49x128xf32>,
    } else {
    }
    %get3A_773 = arith.constant 45 : index
    %get3A_774 = memref.load %arg2[%get3A_773] : memref<64xi32, #tpu.memory_space<smem>>
    %ge3A_775 = arith.cmpi sge, %get3A_774, %mul3A_8 : i32
    %add3A_776 = arith.constant 128 : i32
    %add3A_777 = arith.addi %mul3A_8, %add3A_776 : i32
    %lt3A_778 = arith.cmpi slt, %get3A_774, %add3A_777 : i32
    %and3A_779 = arith.andi %ge3A_775, %lt3A_778 : i1
    %convert_element_type3A_780 = arith.extui %and3A_779 : i1 to i32
    %cond3A_781 = arith.constant 0 : i32
    %cond3A_782 = arith.cmpi ne, %convert_element_type3A_780, %cond3A_781 : i32
    scf.if %cond3A_782 {
      %sub3A = arith.subi %get3A_774, %mul3A_8 : i32
      %get3A_963 = arith.constant 0 : index
      %get3A_964 = arith.constant 0 : index
      %get3A_965 = arith.index_cast %sub3A : i32 to index
      %get3A_966 = arith.constant 0 : index
      %get3A_967 = vector.load %arg3[%get3A_963, %get3A_964, %get3A_965, %get3A_966] : memref<1x98x128x128xf32, #tpu.memory_space<vmem>>, vector<1x98x1x128xf32>
      %get3A_968 = vector.shape_cast %get3A_967 : vector<1x98x1x128xf32> to vector<98x1x128xf32>
      %reshape3A = vector.shape_cast %get3A_968 : vector<98x1x128xf32> to vector<98x128xf32>
      %slice3A = vector.extract_strided_slice %reshape3A {offsets = [0, 0], sizes = [49, 128], strides = [1, 1]} : vector<98x128xf32> to vector<49x128xf32>
      %swap3A_969 = arith.constant 45 : index
      %swap3A_970 = arith.constant 0 : index
      %swap3A_971 = arith.constant 0 : index
      %swap3A_972 = vector.load %arg6[%swap3A_969, %swap3A_970, %swap3A_971] : memref<64x49x128xf32, #tpu.memory_space<vmem>>, vector<1x49x128xf32>
      %swap3A_973 = vector.shape_cast %swap3A_972 : vector<1x49x128xf32> to vector<49x128xf32>
      %swap3A_974 = vector.shape_cast %slice3A : vector<49x128xf32> to vector<1x49x128xf32>
      tpu.vector_store %arg6[%swap3A_969, %swap3A_970, %swap3A_971], %swap3A_974 {strides = array<i32>} : memref<64x49x128xf32, #tpu.memory_space<vmem>>, vector<1x49x128xf32>,
      %slice3A_975 = vector.extract_strided_slice %reshape3A {offsets = [49, 0], sizes = [49, 128], strides = [1, 1]} : vector<98x128xf32> to vector<49x128xf32>
      %swap3A_976 = arith.constant 45 : index
      %swap3A_977 = arith.constant 0 : index
      %swap3A_978 = arith.constant 0 : index
      %swap3A_979 = vector.load %arg7[%swap3A_976, %swap3A_977, %swap3A_978] : memref<64x49x128xf32, #tpu.memory_space<vmem>>, vector<1x49x128xf32>
      %swap3A_980 = vector.shape_cast %swap3A_979 : vector<1x49x128xf32> to vector<49x128xf32>
      %swap3A_981 = vector.shape_cast %slice3A_975 : vector<49x128xf32> to vector<1x49x128xf32>
      tpu.vector_store %arg7[%swap3A_976, %swap3A_977, %swap3A_978], %swap3A_981 {strides = array<i32>} : memref<64x49x128xf32, #tpu.memory_space<vmem>>, vector<1x49x128xf32>,
    } else {
    }
    %get3A_783 = arith.constant 46 : index
    %get3A_784 = memref.load %arg2[%get3A_783] : memref<64xi32, #tpu.memory_space<smem>>
    %ge3A_785 = arith.cmpi sge, %get3A_784, %mul3A_8 : i32
    %add3A_786 = arith.constant 128 : i32
    %add3A_787 = arith.addi %mul3A_8, %add3A_786 : i32
    %lt3A_788 = arith.cmpi slt, %get3A_784, %add3A_787 : i32
    %and3A_789 = arith.andi %ge3A_785, %lt3A_788 : i1
    %convert_element_type3A_790 = arith.extui %and3A_789 : i1 to i32
    %cond3A_791 = arith.constant 0 : i32
    %cond3A_792 = arith.cmpi ne, %convert_element_type3A_790, %cond3A_791 : i32
    scf.if %cond3A_792 {
      %sub3A = arith.subi %get3A_784, %mul3A_8 : i32
      %get3A_963 = arith.constant 0 : index
      %get3A_964 = arith.constant 0 : index
      %get3A_965 = arith.index_cast %sub3A : i32 to index
      %get3A_966 = arith.constant 0 : index
      %get3A_967 = vector.load %arg3[%get3A_963, %get3A_964, %get3A_965, %get3A_966] : memref<1x98x128x128xf32, #tpu.memory_space<vmem>>, vector<1x98x1x128xf32>
      %get3A_968 = vector.shape_cast %get3A_967 : vector<1x98x1x128xf32> to vector<98x1x128xf32>
      %reshape3A = vector.shape_cast %get3A_968 : vector<98x1x128xf32> to vector<98x128xf32>
      %slice3A = vector.extract_strided_slice %reshape3A {offsets = [0, 0], sizes = [49, 128], strides = [1, 1]} : vector<98x128xf32> to vector<49x128xf32>
      %swap3A_969 = arith.constant 46 : index
      %swap3A_970 = arith.constant 0 : index
      %swap3A_971 = arith.constant 0 : index
      %swap3A_972 = vector.load %arg6[%swap3A_969, %swap3A_970, %swap3A_971] : memref<64x49x128xf32, #tpu.memory_space<vmem>>, vector<1x49x128xf32>
      %swap3A_973 = vector.shape_cast %swap3A_972 : vector<1x49x128xf32> to vector<49x128xf32>
      %swap3A_974 = vector.shape_cast %slice3A : vector<49x128xf32> to vector<1x49x128xf32>
      tpu.vector_store %arg6[%swap3A_969, %swap3A_970, %swap3A_971], %swap3A_974 {strides = array<i32>} : memref<64x49x128xf32, #tpu.memory_space<vmem>>, vector<1x49x128xf32>,
      %slice3A_975 = vector.extract_strided_slice %reshape3A {offsets = [49, 0], sizes = [49, 128], strides = [1, 1]} : vector<98x128xf32> to vector<49x128xf32>
      %swap3A_976 = arith.constant 46 : index
      %swap3A_977 = arith.constant 0 : index
      %swap3A_978 = arith.constant 0 : index
      %swap3A_979 = vector.load %arg7[%swap3A_976, %swap3A_977, %swap3A_978] : memref<64x49x128xf32, #tpu.memory_space<vmem>>, vector<1x49x128xf32>
      %swap3A_980 = vector.shape_cast %swap3A_979 : vector<1x49x128xf32> to vector<49x128xf32>
      %swap3A_981 = vector.shape_cast %slice3A_975 : vector<49x128xf32> to vector<1x49x128xf32>
      tpu.vector_store %arg7[%swap3A_976, %swap3A_977, %swap3A_978], %swap3A_981 {strides = array<i32>} : memref<64x49x128xf32, #tpu.memory_space<vmem>>, vector<1x49x128xf32>,
    } else {
    }
    %get3A_793 = arith.constant 47 : index
    %get3A_794 = memref.load %arg2[%get3A_793] : memref<64xi32, #tpu.memory_space<smem>>
    %ge3A_795 = arith.cmpi sge, %get3A_794, %mul3A_8 : i32
    %add3A_796 = arith.constant 128 : i32
    %add3A_797 = arith.addi %mul3A_8, %add3A_796 : i32
    %lt3A_798 = arith.cmpi slt, %get3A_794, %add3A_797 : i32
    %and3A_799 = arith.andi %ge3A_795, %lt3A_798 : i1
    %convert_element_type3A_800 = arith.extui %and3A_799 : i1 to i32
    %cond3A_801 = arith.constant 0 : i32
    %cond3A_802 = arith.cmpi ne, %convert_element_type3A_800, %cond3A_801 : i32
    scf.if %cond3A_802 {
      %sub3A = arith.subi %get3A_794, %mul3A_8 : i32
      %get3A_963 = arith.constant 0 : index
      %get3A_964 = arith.constant 0 : index
      %get3A_965 = arith.index_cast %sub3A : i32 to index
      %get3A_966 = arith.constant 0 : index
      %get3A_967 = vector.load %arg3[%get3A_963, %get3A_964, %get3A_965, %get3A_966] : memref<1x98x128x128xf32, #tpu.memory_space<vmem>>, vector<1x98x1x128xf32>
      %get3A_968 = vector.shape_cast %get3A_967 : vector<1x98x1x128xf32> to vector<98x1x128xf32>
      %reshape3A = vector.shape_cast %get3A_968 : vector<98x1x128xf32> to vector<98x128xf32>
      %slice3A = vector.extract_strided_slice %reshape3A {offsets = [0, 0], sizes = [49, 128], strides = [1, 1]} : vector<98x128xf32> to vector<49x128xf32>
      %swap3A_969 = arith.constant 47 : index
      %swap3A_970 = arith.constant 0 : index
      %swap3A_971 = arith.constant 0 : index
      %swap3A_972 = vector.load %arg6[%swap3A_969, %swap3A_970, %swap3A_971] : memref<64x49x128xf32, #tpu.memory_space<vmem>>, vector<1x49x128xf32>
      %swap3A_973 = vector.shape_cast %swap3A_972 : vector<1x49x128xf32> to vector<49x128xf32>
      %swap3A_974 = vector.shape_cast %slice3A : vector<49x128xf32> to vector<1x49x128xf32>
      tpu.vector_store %arg6[%swap3A_969, %swap3A_970, %swap3A_971], %swap3A_974 {strides = array<i32>} : memref<64x49x128xf32, #tpu.memory_space<vmem>>, vector<1x49x128xf32>,
      %slice3A_975 = vector.extract_strided_slice %reshape3A {offsets = [49, 0], sizes = [49, 128], strides = [1, 1]} : vector<98x128xf32> to vector<49x128xf32>
      %swap3A_976 = arith.constant 47 : index
      %swap3A_977 = arith.constant 0 : index
      %swap3A_978 = arith.constant 0 : index
      %swap3A_979 = vector.load %arg7[%swap3A_976, %swap3A_977, %swap3A_978] : memref<64x49x128xf32, #tpu.memory_space<vmem>>, vector<1x49x128xf32>
      %swap3A_980 = vector.shape_cast %swap3A_979 : vector<1x49x128xf32> to vector<49x128xf32>
      %swap3A_981 = vector.shape_cast %slice3A_975 : vector<49x128xf32> to vector<1x49x128xf32>
      tpu.vector_store %arg7[%swap3A_976, %swap3A_977, %swap3A_978], %swap3A_981 {strides = array<i32>} : memref<64x49x128xf32, #tpu.memory_space<vmem>>, vector<1x49x128xf32>,
    } else {
    }
    %get3A_803 = arith.constant 48 : index
    %get3A_804 = memref.load %arg2[%get3A_803] : memref<64xi32, #tpu.memory_space<smem>>
    %ge3A_805 = arith.cmpi sge, %get3A_804, %mul3A_8 : i32
    %add3A_806 = arith.constant 128 : i32
    %add3A_807 = arith.addi %mul3A_8, %add3A_806 : i32
    %lt3A_808 = arith.cmpi slt, %get3A_804, %add3A_807 : i32
    %and3A_809 = arith.andi %ge3A_805, %lt3A_808 : i1
    %convert_element_type3A_810 = arith.extui %and3A_809 : i1 to i32
    %cond3A_811 = arith.constant 0 : i32
    %cond3A_812 = arith.cmpi ne, %convert_element_type3A_810, %cond3A_811 : i32
    scf.if %cond3A_812 {
      %sub3A = arith.subi %get3A_804, %mul3A_8 : i32
      %get3A_963 = arith.constant 0 : index
      %get3A_964 = arith.constant 0 : index
      %get3A_965 = arith.index_cast %sub3A : i32 to index
      %get3A_966 = arith.constant 0 : index
      %get3A_967 = vector.load %arg3[%get3A_963, %get3A_964, %get3A_965, %get3A_966] : memref<1x98x128x128xf32, #tpu.memory_space<vmem>>, vector<1x98x1x128xf32>
      %get3A_968 = vector.shape_cast %get3A_967 : vector<1x98x1x128xf32> to vector<98x1x128xf32>
      %reshape3A = vector.shape_cast %get3A_968 : vector<98x1x128xf32> to vector<98x128xf32>
      %slice3A = vector.extract_strided_slice %reshape3A {offsets = [0, 0], sizes = [49, 128], strides = [1, 1]} : vector<98x128xf32> to vector<49x128xf32>
      %swap3A_969 = arith.constant 48 : index
      %swap3A_970 = arith.constant 0 : index
      %swap3A_971 = arith.constant 0 : index
      %swap3A_972 = vector.load %arg6[%swap3A_969, %swap3A_970, %swap3A_971] : memref<64x49x128xf32, #tpu.memory_space<vmem>>, vector<1x49x128xf32>
      %swap3A_973 = vector.shape_cast %swap3A_972 : vector<1x49x128xf32> to vector<49x128xf32>
      %swap3A_974 = vector.shape_cast %slice3A : vector<49x128xf32> to vector<1x49x128xf32>
      tpu.vector_store %arg6[%swap3A_969, %swap3A_970, %swap3A_971], %swap3A_974 {strides = array<i32>} : memref<64x49x128xf32, #tpu.memory_space<vmem>>, vector<1x49x128xf32>,
      %slice3A_975 = vector.extract_strided_slice %reshape3A {offsets = [49, 0], sizes = [49, 128], strides = [1, 1]} : vector<98x128xf32> to vector<49x128xf32>
      %swap3A_976 = arith.constant 48 : index
      %swap3A_977 = arith.constant 0 : index
      %swap3A_978 = arith.constant 0 : index
      %swap3A_979 = vector.load %arg7[%swap3A_976, %swap3A_977, %swap3A_978] : memref<64x49x128xf32, #tpu.memory_space<vmem>>, vector<1x49x128xf32>
      %swap3A_980 = vector.shape_cast %swap3A_979 : vector<1x49x128xf32> to vector<49x128xf32>
      %swap3A_981 = vector.shape_cast %slice3A_975 : vector<49x128xf32> to vector<1x49x128xf32>
      tpu.vector_store %arg7[%swap3A_976, %swap3A_977, %swap3A_978], %swap3A_981 {strides = array<i32>} : memref<64x49x128xf32, #tpu.memory_space<vmem>>, vector<1x49x128xf32>,
    } else {
    }
    %get3A_813 = arith.constant 49 : index
    %get3A_814 = memref.load %arg2[%get3A_813] : memref<64xi32, #tpu.memory_space<smem>>
    %ge3A_815 = arith.cmpi sge, %get3A_814, %mul3A_8 : i32
    %add3A_816 = arith.constant 128 : i32
    %add3A_817 = arith.addi %mul3A_8, %add3A_816 : i32
    %lt3A_818 = arith.cmpi slt, %get3A_814, %add3A_817 : i32
    %and3A_819 = arith.andi %ge3A_815, %lt3A_818 : i1
    %convert_element_type3A_820 = arith.extui %and3A_819 : i1 to i32
    %cond3A_821 = arith.constant 0 : i32
    %cond3A_822 = arith.cmpi ne, %convert_element_type3A_820, %cond3A_821 : i32
    scf.if %cond3A_822 {
      %sub3A = arith.subi %get3A_814, %mul3A_8 : i32
      %get3A_963 = arith.constant 0 : index
      %get3A_964 = arith.constant 0 : index
      %get3A_965 = arith.index_cast %sub3A : i32 to index
      %get3A_966 = arith.constant 0 : index
      %get3A_967 = vector.load %arg3[%get3A_963, %get3A_964, %get3A_965, %get3A_966] : memref<1x98x128x128xf32, #tpu.memory_space<vmem>>, vector<1x98x1x128xf32>
      %get3A_968 = vector.shape_cast %get3A_967 : vector<1x98x1x128xf32> to vector<98x1x128xf32>
      %reshape3A = vector.shape_cast %get3A_968 : vector<98x1x128xf32> to vector<98x128xf32>
      %slice3A = vector.extract_strided_slice %reshape3A {offsets = [0, 0], sizes = [49, 128], strides = [1, 1]} : vector<98x128xf32> to vector<49x128xf32>
      %swap3A_969 = arith.constant 49 : index
      %swap3A_970 = arith.constant 0 : index
      %swap3A_971 = arith.constant 0 : index
      %swap3A_972 = vector.load %arg6[%swap3A_969, %swap3A_970, %swap3A_971] : memref<64x49x128xf32, #tpu.memory_space<vmem>>, vector<1x49x128xf32>
      %swap3A_973 = vector.shape_cast %swap3A_972 : vector<1x49x128xf32> to vector<49x128xf32>
      %swap3A_974 = vector.shape_cast %slice3A : vector<49x128xf32> to vector<1x49x128xf32>
      tpu.vector_store %arg6[%swap3A_969, %swap3A_970, %swap3A_971], %swap3A_974 {strides = array<i32>} : memref<64x49x128xf32, #tpu.memory_space<vmem>>, vector<1x49x128xf32>,
      %slice3A_975 = vector.extract_strided_slice %reshape3A {offsets = [49, 0], sizes = [49, 128], strides = [1, 1]} : vector<98x128xf32> to vector<49x128xf32>
      %swap3A_976 = arith.constant 49 : index
      %swap3A_977 = arith.constant 0 : index
      %swap3A_978 = arith.constant 0 : index
      %swap3A_979 = vector.load %arg7[%swap3A_976, %swap3A_977, %swap3A_978] : memref<64x49x128xf32, #tpu.memory_space<vmem>>, vector<1x49x128xf32>
      %swap3A_980 = vector.shape_cast %swap3A_979 : vector<1x49x128xf32> to vector<49x128xf32>
      %swap3A_981 = vector.shape_cast %slice3A_975 : vector<49x128xf32> to vector<1x49x128xf32>
      tpu.vector_store %arg7[%swap3A_976, %swap3A_977, %swap3A_978], %swap3A_981 {strides = array<i32>} : memref<64x49x128xf32, #tpu.memory_space<vmem>>, vector<1x49x128xf32>,
    } else {
    }
    %get3A_823 = arith.constant 50 : index
    %get3A_824 = memref.load %arg2[%get3A_823] : memref<64xi32, #tpu.memory_space<smem>>
    %ge3A_825 = arith.cmpi sge, %get3A_824, %mul3A_8 : i32
    %add3A_826 = arith.constant 128 : i32
    %add3A_827 = arith.addi %mul3A_8, %add3A_826 : i32
    %lt3A_828 = arith.cmpi slt, %get3A_824, %add3A_827 : i32
    %and3A_829 = arith.andi %ge3A_825, %lt3A_828 : i1
    %convert_element_type3A_830 = arith.extui %and3A_829 : i1 to i32
    %cond3A_831 = arith.constant 0 : i32
    %cond3A_832 = arith.cmpi ne, %convert_element_type3A_830, %cond3A_831 : i32
    scf.if %cond3A_832 {
      %sub3A = arith.subi %get3A_824, %mul3A_8 : i32
      %get3A_963 = arith.constant 0 : index
      %get3A_964 = arith.constant 0 : index
      %get3A_965 = arith.index_cast %sub3A : i32 to index
      %get3A_966 = arith.constant 0 : index
      %get3A_967 = vector.load %arg3[%get3A_963, %get3A_964, %get3A_965, %get3A_966] : memref<1x98x128x128xf32, #tpu.memory_space<vmem>>, vector<1x98x1x128xf32>
      %get3A_968 = vector.shape_cast %get3A_967 : vector<1x98x1x128xf32> to vector<98x1x128xf32>
      %reshape3A = vector.shape_cast %get3A_968 : vector<98x1x128xf32> to vector<98x128xf32>
      %slice3A = vector.extract_strided_slice %reshape3A {offsets = [0, 0], sizes = [49, 128], strides = [1, 1]} : vector<98x128xf32> to vector<49x128xf32>
      %swap3A_969 = arith.constant 50 : index
      %swap3A_970 = arith.constant 0 : index
      %swap3A_971 = arith.constant 0 : index
      %swap3A_972 = vector.load %arg6[%swap3A_969, %swap3A_970, %swap3A_971] : memref<64x49x128xf32, #tpu.memory_space<vmem>>, vector<1x49x128xf32>
      %swap3A_973 = vector.shape_cast %swap3A_972 : vector<1x49x128xf32> to vector<49x128xf32>
      %swap3A_974 = vector.shape_cast %slice3A : vector<49x128xf32> to vector<1x49x128xf32>
      tpu.vector_store %arg6[%swap3A_969, %swap3A_970, %swap3A_971], %swap3A_974 {strides = array<i32>} : memref<64x49x128xf32, #tpu.memory_space<vmem>>, vector<1x49x128xf32>,
      %slice3A_975 = vector.extract_strided_slice %reshape3A {offsets = [49, 0], sizes = [49, 128], strides = [1, 1]} : vector<98x128xf32> to vector<49x128xf32>
      %swap3A_976 = arith.constant 50 : index
      %swap3A_977 = arith.constant 0 : index
      %swap3A_978 = arith.constant 0 : index
      %swap3A_979 = vector.load %arg7[%swap3A_976, %swap3A_977, %swap3A_978] : memref<64x49x128xf32, #tpu.memory_space<vmem>>, vector<1x49x128xf32>
      %swap3A_980 = vector.shape_cast %swap3A_979 : vector<1x49x128xf32> to vector<49x128xf32>
      %swap3A_981 = vector.shape_cast %slice3A_975 : vector<49x128xf32> to vector<1x49x128xf32>
      tpu.vector_store %arg7[%swap3A_976, %swap3A_977, %swap3A_978], %swap3A_981 {strides = array<i32>} : memref<64x49x128xf32, #tpu.memory_space<vmem>>, vector<1x49x128xf32>,
    } else {
    }
    %get3A_833 = arith.constant 51 : index
    %get3A_834 = memref.load %arg2[%get3A_833] : memref<64xi32, #tpu.memory_space<smem>>
    %ge3A_835 = arith.cmpi sge, %get3A_834, %mul3A_8 : i32
    %add3A_836 = arith.constant 128 : i32
    %add3A_837 = arith.addi %mul3A_8, %add3A_836 : i32
    %lt3A_838 = arith.cmpi slt, %get3A_834, %add3A_837 : i32
    %and3A_839 = arith.andi %ge3A_835, %lt3A_838 : i1
    %convert_element_type3A_840 = arith.extui %and3A_839 : i1 to i32
    %cond3A_841 = arith.constant 0 : i32
    %cond3A_842 = arith.cmpi ne, %convert_element_type3A_840, %cond3A_841 : i32
    scf.if %cond3A_842 {
      %sub3A = arith.subi %get3A_834, %mul3A_8 : i32
      %get3A_963 = arith.constant 0 : index
      %get3A_964 = arith.constant 0 : index
      %get3A_965 = arith.index_cast %sub3A : i32 to index
      %get3A_966 = arith.constant 0 : index
      %get3A_967 = vector.load %arg3[%get3A_963, %get3A_964, %get3A_965, %get3A_966] : memref<1x98x128x128xf32, #tpu.memory_space<vmem>>, vector<1x98x1x128xf32>
      %get3A_968 = vector.shape_cast %get3A_967 : vector<1x98x1x128xf32> to vector<98x1x128xf32>
      %reshape3A = vector.shape_cast %get3A_968 : vector<98x1x128xf32> to vector<98x128xf32>
      %slice3A = vector.extract_strided_slice %reshape3A {offsets = [0, 0], sizes = [49, 128], strides = [1, 1]} : vector<98x128xf32> to vector<49x128xf32>
      %swap3A_969 = arith.constant 51 : index
      %swap3A_970 = arith.constant 0 : index
      %swap3A_971 = arith.constant 0 : index
      %swap3A_972 = vector.load %arg6[%swap3A_969, %swap3A_970, %swap3A_971] : memref<64x49x128xf32, #tpu.memory_space<vmem>>, vector<1x49x128xf32>
      %swap3A_973 = vector.shape_cast %swap3A_972 : vector<1x49x128xf32> to vector<49x128xf32>
      %swap3A_974 = vector.shape_cast %slice3A : vector<49x128xf32> to vector<1x49x128xf32>
      tpu.vector_store %arg6[%swap3A_969, %swap3A_970, %swap3A_971], %swap3A_974 {strides = array<i32>} : memref<64x49x128xf32, #tpu.memory_space<vmem>>, vector<1x49x128xf32>,
      %slice3A_975 = vector.extract_strided_slice %reshape3A {offsets = [49, 0], sizes = [49, 128], strides = [1, 1]} : vector<98x128xf32> to vector<49x128xf32>
      %swap3A_976 = arith.constant 51 : index
      %swap3A_977 = arith.constant 0 : index
      %swap3A_978 = arith.constant 0 : index
      %swap3A_979 = vector.load %arg7[%swap3A_976, %swap3A_977, %swap3A_978] : memref<64x49x128xf32, #tpu.memory_space<vmem>>, vector<1x49x128xf32>
      %swap3A_980 = vector.shape_cast %swap3A_979 : vector<1x49x128xf32> to vector<49x128xf32>
      %swap3A_981 = vector.shape_cast %slice3A_975 : vector<49x128xf32> to vector<1x49x128xf32>
      tpu.vector_store %arg7[%swap3A_976, %swap3A_977, %swap3A_978], %swap3A_981 {strides = array<i32>} : memref<64x49x128xf32, #tpu.memory_space<vmem>>, vector<1x49x128xf32>,
    } else {
    }
    %get3A_843 = arith.constant 52 : index
    %get3A_844 = memref.load %arg2[%get3A_843] : memref<64xi32, #tpu.memory_space<smem>>
    %ge3A_845 = arith.cmpi sge, %get3A_844, %mul3A_8 : i32
    %add3A_846 = arith.constant 128 : i32
    %add3A_847 = arith.addi %mul3A_8, %add3A_846 : i32
    %lt3A_848 = arith.cmpi slt, %get3A_844, %add3A_847 : i32
    %and3A_849 = arith.andi %ge3A_845, %lt3A_848 : i1
    %convert_element_type3A_850 = arith.extui %and3A_849 : i1 to i32
    %cond3A_851 = arith.constant 0 : i32
    %cond3A_852 = arith.cmpi ne, %convert_element_type3A_850, %cond3A_851 : i32
    scf.if %cond3A_852 {
      %sub3A = arith.subi %get3A_844, %mul3A_8 : i32
      %get3A_963 = arith.constant 0 : index
      %get3A_964 = arith.constant 0 : index
      %get3A_965 = arith.index_cast %sub3A : i32 to index
      %get3A_966 = arith.constant 0 : index
      %get3A_967 = vector.load %arg3[%get3A_963, %get3A_964, %get3A_965, %get3A_966] : memref<1x98x128x128xf32, #tpu.memory_space<vmem>>, vector<1x98x1x128xf32>
      %get3A_968 = vector.shape_cast %get3A_967 : vector<1x98x1x128xf32> to vector<98x1x128xf32>
      %reshape3A = vector.shape_cast %get3A_968 : vector<98x1x128xf32> to vector<98x128xf32>
      %slice3A = vector.extract_strided_slice %reshape3A {offsets = [0, 0], sizes = [49, 128], strides = [1, 1]} : vector<98x128xf32> to vector<49x128xf32>
      %swap3A_969 = arith.constant 52 : index
      %swap3A_970 = arith.constant 0 : index
      %swap3A_971 = arith.constant 0 : index
      %swap3A_972 = vector.load %arg6[%swap3A_969, %swap3A_970, %swap3A_971] : memref<64x49x128xf32, #tpu.memory_space<vmem>>, vector<1x49x128xf32>
      %swap3A_973 = vector.shape_cast %swap3A_972 : vector<1x49x128xf32> to vector<49x128xf32>
      %swap3A_974 = vector.shape_cast %slice3A : vector<49x128xf32> to vector<1x49x128xf32>
      tpu.vector_store %arg6[%swap3A_969, %swap3A_970, %swap3A_971], %swap3A_974 {strides = array<i32>} : memref<64x49x128xf32, #tpu.memory_space<vmem>>, vector<1x49x128xf32>,
      %slice3A_975 = vector.extract_strided_slice %reshape3A {offsets = [49, 0], sizes = [49, 128], strides = [1, 1]} : vector<98x128xf32> to vector<49x128xf32>
      %swap3A_976 = arith.constant 52 : index
      %swap3A_977 = arith.constant 0 : index
      %swap3A_978 = arith.constant 0 : index
      %swap3A_979 = vector.load %arg7[%swap3A_976, %swap3A_977, %swap3A_978] : memref<64x49x128xf32, #tpu.memory_space<vmem>>, vector<1x49x128xf32>
      %swap3A_980 = vector.shape_cast %swap3A_979 : vector<1x49x128xf32> to vector<49x128xf32>
      %swap3A_981 = vector.shape_cast %slice3A_975 : vector<49x128xf32> to vector<1x49x128xf32>
      tpu.vector_store %arg7[%swap3A_976, %swap3A_977, %swap3A_978], %swap3A_981 {strides = array<i32>} : memref<64x49x128xf32, #tpu.memory_space<vmem>>, vector<1x49x128xf32>,
    } else {
    }
    %get3A_853 = arith.constant 53 : index
    %get3A_854 = memref.load %arg2[%get3A_853] : memref<64xi32, #tpu.memory_space<smem>>
    %ge3A_855 = arith.cmpi sge, %get3A_854, %mul3A_8 : i32
    %add3A_856 = arith.constant 128 : i32
    %add3A_857 = arith.addi %mul3A_8, %add3A_856 : i32
    %lt3A_858 = arith.cmpi slt, %get3A_854, %add3A_857 : i32
    %and3A_859 = arith.andi %ge3A_855, %lt3A_858 : i1
    %convert_element_type3A_860 = arith.extui %and3A_859 : i1 to i32
    %cond3A_861 = arith.constant 0 : i32
    %cond3A_862 = arith.cmpi ne, %convert_element_type3A_860, %cond3A_861 : i32
    scf.if %cond3A_862 {
      %sub3A = arith.subi %get3A_854, %mul3A_8 : i32
      %get3A_963 = arith.constant 0 : index
      %get3A_964 = arith.constant 0 : index
      %get3A_965 = arith.index_cast %sub3A : i32 to index
      %get3A_966 = arith.constant 0 : index
      %get3A_967 = vector.load %arg3[%get3A_963, %get3A_964, %get3A_965, %get3A_966] : memref<1x98x128x128xf32, #tpu.memory_space<vmem>>, vector<1x98x1x128xf32>
      %get3A_968 = vector.shape_cast %get3A_967 : vector<1x98x1x128xf32> to vector<98x1x128xf32>
      %reshape3A = vector.shape_cast %get3A_968 : vector<98x1x128xf32> to vector<98x128xf32>
      %slice3A = vector.extract_strided_slice %reshape3A {offsets = [0, 0], sizes = [49, 128], strides = [1, 1]} : vector<98x128xf32> to vector<49x128xf32>
      %swap3A_969 = arith.constant 53 : index
      %swap3A_970 = arith.constant 0 : index
      %swap3A_971 = arith.constant 0 : index
      %swap3A_972 = vector.load %arg6[%swap3A_969, %swap3A_970, %swap3A_971] : memref<64x49x128xf32, #tpu.memory_space<vmem>>, vector<1x49x128xf32>
      %swap3A_973 = vector.shape_cast %swap3A_972 : vector<1x49x128xf32> to vector<49x128xf32>
      %swap3A_974 = vector.shape_cast %slice3A : vector<49x128xf32> to vector<1x49x128xf32>
      tpu.vector_store %arg6[%swap3A_969, %swap3A_970, %swap3A_971], %swap3A_974 {strides = array<i32>} : memref<64x49x128xf32, #tpu.memory_space<vmem>>, vector<1x49x128xf32>,
      %slice3A_975 = vector.extract_strided_slice %reshape3A {offsets = [49, 0], sizes = [49, 128], strides = [1, 1]} : vector<98x128xf32> to vector<49x128xf32>
      %swap3A_976 = arith.constant 53 : index
      %swap3A_977 = arith.constant 0 : index
      %swap3A_978 = arith.constant 0 : index
      %swap3A_979 = vector.load %arg7[%swap3A_976, %swap3A_977, %swap3A_978] : memref<64x49x128xf32, #tpu.memory_space<vmem>>, vector<1x49x128xf32>
      %swap3A_980 = vector.shape_cast %swap3A_979 : vector<1x49x128xf32> to vector<49x128xf32>
      %swap3A_981 = vector.shape_cast %slice3A_975 : vector<49x128xf32> to vector<1x49x128xf32>
      tpu.vector_store %arg7[%swap3A_976, %swap3A_977, %swap3A_978], %swap3A_981 {strides = array<i32>} : memref<64x49x128xf32, #tpu.memory_space<vmem>>, vector<1x49x128xf32>,
    } else {
    }
    %get3A_863 = arith.constant 54 : index
    %get3A_864 = memref.load %arg2[%get3A_863] : memref<64xi32, #tpu.memory_space<smem>>
    %ge3A_865 = arith.cmpi sge, %get3A_864, %mul3A_8 : i32
    %add3A_866 = arith.constant 128 : i32
    %add3A_867 = arith.addi %mul3A_8, %add3A_866 : i32
    %lt3A_868 = arith.cmpi slt, %get3A_864, %add3A_867 : i32
    %and3A_869 = arith.andi %ge3A_865, %lt3A_868 : i1
    %convert_element_type3A_870 = arith.extui %and3A_869 : i1 to i32
    %cond3A_871 = arith.constant 0 : i32
    %cond3A_872 = arith.cmpi ne, %convert_element_type3A_870, %cond3A_871 : i32
    scf.if %cond3A_872 {
      %sub3A = arith.subi %get3A_864, %mul3A_8 : i32
      %get3A_963 = arith.constant 0 : index
      %get3A_964 = arith.constant 0 : index
      %get3A_965 = arith.index_cast %sub3A : i32 to index
      %get3A_966 = arith.constant 0 : index
      %get3A_967 = vector.load %arg3[%get3A_963, %get3A_964, %get3A_965, %get3A_966] : memref<1x98x128x128xf32, #tpu.memory_space<vmem>>, vector<1x98x1x128xf32>
      %get3A_968 = vector.shape_cast %get3A_967 : vector<1x98x1x128xf32> to vector<98x1x128xf32>
      %reshape3A = vector.shape_cast %get3A_968 : vector<98x1x128xf32> to vector<98x128xf32>
      %slice3A = vector.extract_strided_slice %reshape3A {offsets = [0, 0], sizes = [49, 128], strides = [1, 1]} : vector<98x128xf32> to vector<49x128xf32>
      %swap3A_969 = arith.constant 54 : index
      %swap3A_970 = arith.constant 0 : index
      %swap3A_971 = arith.constant 0 : index
      %swap3A_972 = vector.load %arg6[%swap3A_969, %swap3A_970, %swap3A_971] : memref<64x49x128xf32, #tpu.memory_space<vmem>>, vector<1x49x128xf32>
      %swap3A_973 = vector.shape_cast %swap3A_972 : vector<1x49x128xf32> to vector<49x128xf32>
      %swap3A_974 = vector.shape_cast %slice3A : vector<49x128xf32> to vector<1x49x128xf32>
      tpu.vector_store %arg6[%swap3A_969, %swap3A_970, %swap3A_971], %swap3A_974 {strides = array<i32>} : memref<64x49x128xf32, #tpu.memory_space<vmem>>, vector<1x49x128xf32>,
      %slice3A_975 = vector.extract_strided_slice %reshape3A {offsets = [49, 0], sizes = [49, 128], strides = [1, 1]} : vector<98x128xf32> to vector<49x128xf32>
      %swap3A_976 = arith.constant 54 : index
      %swap3A_977 = arith.constant 0 : index
      %swap3A_978 = arith.constant 0 : index
      %swap3A_979 = vector.load %arg7[%swap3A_976, %swap3A_977, %swap3A_978] : memref<64x49x128xf32, #tpu.memory_space<vmem>>, vector<1x49x128xf32>
      %swap3A_980 = vector.shape_cast %swap3A_979 : vector<1x49x128xf32> to vector<49x128xf32>
      %swap3A_981 = vector.shape_cast %slice3A_975 : vector<49x128xf32> to vector<1x49x128xf32>
      tpu.vector_store %arg7[%swap3A_976, %swap3A_977, %swap3A_978], %swap3A_981 {strides = array<i32>} : memref<64x49x128xf32, #tpu.memory_space<vmem>>, vector<1x49x128xf32>,
    } else {
    }
    %get3A_873 = arith.constant 55 : index
    %get3A_874 = memref.load %arg2[%get3A_873] : memref<64xi32, #tpu.memory_space<smem>>
    %ge3A_875 = arith.cmpi sge, %get3A_874, %mul3A_8 : i32
    %add3A_876 = arith.constant 128 : i32
    %add3A_877 = arith.addi %mul3A_8, %add3A_876 : i32
    %lt3A_878 = arith.cmpi slt, %get3A_874, %add3A_877 : i32
    %and3A_879 = arith.andi %ge3A_875, %lt3A_878 : i1
    %convert_element_type3A_880 = arith.extui %and3A_879 : i1 to i32
    %cond3A_881 = arith.constant 0 : i32
    %cond3A_882 = arith.cmpi ne, %convert_element_type3A_880, %cond3A_881 : i32
    scf.if %cond3A_882 {
      %sub3A = arith.subi %get3A_874, %mul3A_8 : i32
      %get3A_963 = arith.constant 0 : index
      %get3A_964 = arith.constant 0 : index
      %get3A_965 = arith.index_cast %sub3A : i32 to index
      %get3A_966 = arith.constant 0 : index
      %get3A_967 = vector.load %arg3[%get3A_963, %get3A_964, %get3A_965, %get3A_966] : memref<1x98x128x128xf32, #tpu.memory_space<vmem>>, vector<1x98x1x128xf32>
      %get3A_968 = vector.shape_cast %get3A_967 : vector<1x98x1x128xf32> to vector<98x1x128xf32>
      %reshape3A = vector.shape_cast %get3A_968 : vector<98x1x128xf32> to vector<98x128xf32>
      %slice3A = vector.extract_strided_slice %reshape3A {offsets = [0, 0], sizes = [49, 128], strides = [1, 1]} : vector<98x128xf32> to vector<49x128xf32>
      %swap3A_969 = arith.constant 55 : index
      %swap3A_970 = arith.constant 0 : index
      %swap3A_971 = arith.constant 0 : index
      %swap3A_972 = vector.load %arg6[%swap3A_969, %swap3A_970, %swap3A_971] : memref<64x49x128xf32, #tpu.memory_space<vmem>>, vector<1x49x128xf32>
      %swap3A_973 = vector.shape_cast %swap3A_972 : vector<1x49x128xf32> to vector<49x128xf32>
      %swap3A_974 = vector.shape_cast %slice3A : vector<49x128xf32> to vector<1x49x128xf32>
      tpu.vector_store %arg6[%swap3A_969, %swap3A_970, %swap3A_971], %swap3A_974 {strides = array<i32>} : memref<64x49x128xf32, #tpu.memory_space<vmem>>, vector<1x49x128xf32>,
      %slice3A_975 = vector.extract_strided_slice %reshape3A {offsets = [49, 0], sizes = [49, 128], strides = [1, 1]} : vector<98x128xf32> to vector<49x128xf32>
      %swap3A_976 = arith.constant 55 : index
      %swap3A_977 = arith.constant 0 : index
      %swap3A_978 = arith.constant 0 : index
      %swap3A_979 = vector.load %arg7[%swap3A_976, %swap3A_977, %swap3A_978] : memref<64x49x128xf32, #tpu.memory_space<vmem>>, vector<1x49x128xf32>
      %swap3A_980 = vector.shape_cast %swap3A_979 : vector<1x49x128xf32> to vector<49x128xf32>
      %swap3A_981 = vector.shape_cast %slice3A_975 : vector<49x128xf32> to vector<1x49x128xf32>
      tpu.vector_store %arg7[%swap3A_976, %swap3A_977, %swap3A_978], %swap3A_981 {strides = array<i32>} : memref<64x49x128xf32, #tpu.memory_space<vmem>>, vector<1x49x128xf32>,
    } else {
    }
    %get3A_883 = arith.constant 56 : index
    %get3A_884 = memref.load %arg2[%get3A_883] : memref<64xi32, #tpu.memory_space<smem>>
    %ge3A_885 = arith.cmpi sge, %get3A_884, %mul3A_8 : i32
    %add3A_886 = arith.constant 128 : i32
    %add3A_887 = arith.addi %mul3A_8, %add3A_886 : i32
    %lt3A_888 = arith.cmpi slt, %get3A_884, %add3A_887 : i32
    %and3A_889 = arith.andi %ge3A_885, %lt3A_888 : i1
    %convert_element_type3A_890 = arith.extui %and3A_889 : i1 to i32
    %cond3A_891 = arith.constant 0 : i32
    %cond3A_892 = arith.cmpi ne, %convert_element_type3A_890, %cond3A_891 : i32
    scf.if %cond3A_892 {
      %sub3A = arith.subi %get3A_884, %mul3A_8 : i32
      %get3A_963 = arith.constant 0 : index
      %get3A_964 = arith.constant 0 : index
      %get3A_965 = arith.index_cast %sub3A : i32 to index
      %get3A_966 = arith.constant 0 : index
      %get3A_967 = vector.load %arg3[%get3A_963, %get3A_964, %get3A_965, %get3A_966] : memref<1x98x128x128xf32, #tpu.memory_space<vmem>>, vector<1x98x1x128xf32>
      %get3A_968 = vector.shape_cast %get3A_967 : vector<1x98x1x128xf32> to vector<98x1x128xf32>
      %reshape3A = vector.shape_cast %get3A_968 : vector<98x1x128xf32> to vector<98x128xf32>
      %slice3A = vector.extract_strided_slice %reshape3A {offsets = [0, 0], sizes = [49, 128], strides = [1, 1]} : vector<98x128xf32> to vector<49x128xf32>
      %swap3A_969 = arith.constant 56 : index
      %swap3A_970 = arith.constant 0 : index
      %swap3A_971 = arith.constant 0 : index
      %swap3A_972 = vector.load %arg6[%swap3A_969, %swap3A_970, %swap3A_971] : memref<64x49x128xf32, #tpu.memory_space<vmem>>, vector<1x49x128xf32>
      %swap3A_973 = vector.shape_cast %swap3A_972 : vector<1x49x128xf32> to vector<49x128xf32>
      %swap3A_974 = vector.shape_cast %slice3A : vector<49x128xf32> to vector<1x49x128xf32>
      tpu.vector_store %arg6[%swap3A_969, %swap3A_970, %swap3A_971], %swap3A_974 {strides = array<i32>} : memref<64x49x128xf32, #tpu.memory_space<vmem>>, vector<1x49x128xf32>,
      %slice3A_975 = vector.extract_strided_slice %reshape3A {offsets = [49, 0], sizes = [49, 128], strides = [1, 1]} : vector<98x128xf32> to vector<49x128xf32>
      %swap3A_976 = arith.constant 56 : index
      %swap3A_977 = arith.constant 0 : index
      %swap3A_978 = arith.constant 0 : index
      %swap3A_979 = vector.load %arg7[%swap3A_976, %swap3A_977, %swap3A_978] : memref<64x49x128xf32, #tpu.memory_space<vmem>>, vector<1x49x128xf32>
      %swap3A_980 = vector.shape_cast %swap3A_979 : vector<1x49x128xf32> to vector<49x128xf32>
      %swap3A_981 = vector.shape_cast %slice3A_975 : vector<49x128xf32> to vector<1x49x128xf32>
      tpu.vector_store %arg7[%swap3A_976, %swap3A_977, %swap3A_978], %swap3A_981 {strides = array<i32>} : memref<64x49x128xf32, #tpu.memory_space<vmem>>, vector<1x49x128xf32>,
    } else {
    }
    %get3A_893 = arith.constant 57 : index
    %get3A_894 = memref.load %arg2[%get3A_893] : memref<64xi32, #tpu.memory_space<smem>>
    %ge3A_895 = arith.cmpi sge, %get3A_894, %mul3A_8 : i32
    %add3A_896 = arith.constant 128 : i32
    %add3A_897 = arith.addi %mul3A_8, %add3A_896 : i32
    %lt3A_898 = arith.cmpi slt, %get3A_894, %add3A_897 : i32
    %and3A_899 = arith.andi %ge3A_895, %lt3A_898 : i1
    %convert_element_type3A_900 = arith.extui %and3A_899 : i1 to i32
    %cond3A_901 = arith.constant 0 : i32
    %cond3A_902 = arith.cmpi ne, %convert_element_type3A_900, %cond3A_901 : i32
    scf.if %cond3A_902 {
      %sub3A = arith.subi %get3A_894, %mul3A_8 : i32
      %get3A_963 = arith.constant 0 : index
      %get3A_964 = arith.constant 0 : index
      %get3A_965 = arith.index_cast %sub3A : i32 to index
      %get3A_966 = arith.constant 0 : index
      %get3A_967 = vector.load %arg3[%get3A_963, %get3A_964, %get3A_965, %get3A_966] : memref<1x98x128x128xf32, #tpu.memory_space<vmem>>, vector<1x98x1x128xf32>
      %get3A_968 = vector.shape_cast %get3A_967 : vector<1x98x1x128xf32> to vector<98x1x128xf32>
      %reshape3A = vector.shape_cast %get3A_968 : vector<98x1x128xf32> to vector<98x128xf32>
      %slice3A = vector.extract_strided_slice %reshape3A {offsets = [0, 0], sizes = [49, 128], strides = [1, 1]} : vector<98x128xf32> to vector<49x128xf32>
      %swap3A_969 = arith.constant 57 : index
      %swap3A_970 = arith.constant 0 : index
      %swap3A_971 = arith.constant 0 : index
      %swap3A_972 = vector.load %arg6[%swap3A_969, %swap3A_970, %swap3A_971] : memref<64x49x128xf32, #tpu.memory_space<vmem>>, vector<1x49x128xf32>
      %swap3A_973 = vector.shape_cast %swap3A_972 : vector<1x49x128xf32> to vector<49x128xf32>
      %swap3A_974 = vector.shape_cast %slice3A : vector<49x128xf32> to vector<1x49x128xf32>
      tpu.vector_store %arg6[%swap3A_969, %swap3A_970, %swap3A_971], %swap3A_974 {strides = array<i32>} : memref<64x49x128xf32, #tpu.memory_space<vmem>>, vector<1x49x128xf32>,
      %slice3A_975 = vector.extract_strided_slice %reshape3A {offsets = [49, 0], sizes = [49, 128], strides = [1, 1]} : vector<98x128xf32> to vector<49x128xf32>
      %swap3A_976 = arith.constant 57 : index
      %swap3A_977 = arith.constant 0 : index
      %swap3A_978 = arith.constant 0 : index
      %swap3A_979 = vector.load %arg7[%swap3A_976, %swap3A_977, %swap3A_978] : memref<64x49x128xf32, #tpu.memory_space<vmem>>, vector<1x49x128xf32>
      %swap3A_980 = vector.shape_cast %swap3A_979 : vector<1x49x128xf32> to vector<49x128xf32>
      %swap3A_981 = vector.shape_cast %slice3A_975 : vector<49x128xf32> to vector<1x49x128xf32>
      tpu.vector_store %arg7[%swap3A_976, %swap3A_977, %swap3A_978], %swap3A_981 {strides = array<i32>} : memref<64x49x128xf32, #tpu.memory_space<vmem>>, vector<1x49x128xf32>,
    } else {
    }
    %get3A_903 = arith.constant 58 : index
    %get3A_904 = memref.load %arg2[%get3A_903] : memref<64xi32, #tpu.memory_space<smem>>
    %ge3A_905 = arith.cmpi sge, %get3A_904, %mul3A_8 : i32
    %add3A_906 = arith.constant 128 : i32
    %add3A_907 = arith.addi %mul3A_8, %add3A_906 : i32
    %lt3A_908 = arith.cmpi slt, %get3A_904, %add3A_907 : i32
    %and3A_909 = arith.andi %ge3A_905, %lt3A_908 : i1
    %convert_element_type3A_910 = arith.extui %and3A_909 : i1 to i32
    %cond3A_911 = arith.constant 0 : i32
    %cond3A_912 = arith.cmpi ne, %convert_element_type3A_910, %cond3A_911 : i32
    scf.if %cond3A_912 {
      %sub3A = arith.subi %get3A_904, %mul3A_8 : i32
      %get3A_963 = arith.constant 0 : index
      %get3A_964 = arith.constant 0 : index
      %get3A_965 = arith.index_cast %sub3A : i32 to index
      %get3A_966 = arith.constant 0 : index
      %get3A_967 = vector.load %arg3[%get3A_963, %get3A_964, %get3A_965, %get3A_966] : memref<1x98x128x128xf32, #tpu.memory_space<vmem>>, vector<1x98x1x128xf32>
      %get3A_968 = vector.shape_cast %get3A_967 : vector<1x98x1x128xf32> to vector<98x1x128xf32>
      %reshape3A = vector.shape_cast %get3A_968 : vector<98x1x128xf32> to vector<98x128xf32>
      %slice3A = vector.extract_strided_slice %reshape3A {offsets = [0, 0], sizes = [49, 128], strides = [1, 1]} : vector<98x128xf32> to vector<49x128xf32>
      %swap3A_969 = arith.constant 58 : index
      %swap3A_970 = arith.constant 0 : index
      %swap3A_971 = arith.constant 0 : index
      %swap3A_972 = vector.load %arg6[%swap3A_969, %swap3A_970, %swap3A_971] : memref<64x49x128xf32, #tpu.memory_space<vmem>>, vector<1x49x128xf32>
      %swap3A_973 = vector.shape_cast %swap3A_972 : vector<1x49x128xf32> to vector<49x128xf32>
      %swap3A_974 = vector.shape_cast %slice3A : vector<49x128xf32> to vector<1x49x128xf32>
      tpu.vector_store %arg6[%swap3A_969, %swap3A_970, %swap3A_971], %swap3A_974 {strides = array<i32>} : memref<64x49x128xf32, #tpu.memory_space<vmem>>, vector<1x49x128xf32>,
      %slice3A_975 = vector.extract_strided_slice %reshape3A {offsets = [49, 0], sizes = [49, 128], strides = [1, 1]} : vector<98x128xf32> to vector<49x128xf32>
      %swap3A_976 = arith.constant 58 : index
      %swap3A_977 = arith.constant 0 : index
      %swap3A_978 = arith.constant 0 : index
      %swap3A_979 = vector.load %arg7[%swap3A_976, %swap3A_977, %swap3A_978] : memref<64x49x128xf32, #tpu.memory_space<vmem>>, vector<1x49x128xf32>
      %swap3A_980 = vector.shape_cast %swap3A_979 : vector<1x49x128xf32> to vector<49x128xf32>
      %swap3A_981 = vector.shape_cast %slice3A_975 : vector<49x128xf32> to vector<1x49x128xf32>
      tpu.vector_store %arg7[%swap3A_976, %swap3A_977, %swap3A_978], %swap3A_981 {strides = array<i32>} : memref<64x49x128xf32, #tpu.memory_space<vmem>>, vector<1x49x128xf32>,
    } else {
    }
    %get3A_913 = arith.constant 59 : index
    %get3A_914 = memref.load %arg2[%get3A_913] : memref<64xi32, #tpu.memory_space<smem>>
    %ge3A_915 = arith.cmpi sge, %get3A_914, %mul3A_8 : i32
    %add3A_916 = arith.constant 128 : i32
    %add3A_917 = arith.addi %mul3A_8, %add3A_916 : i32
    %lt3A_918 = arith.cmpi slt, %get3A_914, %add3A_917 : i32
    %and3A_919 = arith.andi %ge3A_915, %lt3A_918 : i1
    %convert_element_type3A_920 = arith.extui %and3A_919 : i1 to i32
    %cond3A_921 = arith.constant 0 : i32
    %cond3A_922 = arith.cmpi ne, %convert_element_type3A_920, %cond3A_921 : i32
    scf.if %cond3A_922 {
      %sub3A = arith.subi %get3A_914, %mul3A_8 : i32
      %get3A_963 = arith.constant 0 : index
      %get3A_964 = arith.constant 0 : index
      %get3A_965 = arith.index_cast %sub3A : i32 to index
      %get3A_966 = arith.constant 0 : index
      %get3A_967 = vector.load %arg3[%get3A_963, %get3A_964, %get3A_965, %get3A_966] : memref<1x98x128x128xf32, #tpu.memory_space<vmem>>, vector<1x98x1x128xf32>
      %get3A_968 = vector.shape_cast %get3A_967 : vector<1x98x1x128xf32> to vector<98x1x128xf32>
      %reshape3A = vector.shape_cast %get3A_968 : vector<98x1x128xf32> to vector<98x128xf32>
      %slice3A = vector.extract_strided_slice %reshape3A {offsets = [0, 0], sizes = [49, 128], strides = [1, 1]} : vector<98x128xf32> to vector<49x128xf32>
      %swap3A_969 = arith.constant 59 : index
      %swap3A_970 = arith.constant 0 : index
      %swap3A_971 = arith.constant 0 : index
      %swap3A_972 = vector.load %arg6[%swap3A_969, %swap3A_970, %swap3A_971] : memref<64x49x128xf32, #tpu.memory_space<vmem>>, vector<1x49x128xf32>
      %swap3A_973 = vector.shape_cast %swap3A_972 : vector<1x49x128xf32> to vector<49x128xf32>
      %swap3A_974 = vector.shape_cast %slice3A : vector<49x128xf32> to vector<1x49x128xf32>
      tpu.vector_store %arg6[%swap3A_969, %swap3A_970, %swap3A_971], %swap3A_974 {strides = array<i32>} : memref<64x49x128xf32, #tpu.memory_space<vmem>>, vector<1x49x128xf32>,
      %slice3A_975 = vector.extract_strided_slice %reshape3A {offsets = [49, 0], sizes = [49, 128], strides = [1, 1]} : vector<98x128xf32> to vector<49x128xf32>
      %swap3A_976 = arith.constant 59 : index
      %swap3A_977 = arith.constant 0 : index
      %swap3A_978 = arith.constant 0 : index
      %swap3A_979 = vector.load %arg7[%swap3A_976, %swap3A_977, %swap3A_978] : memref<64x49x128xf32, #tpu.memory_space<vmem>>, vector<1x49x128xf32>
      %swap3A_980 = vector.shape_cast %swap3A_979 : vector<1x49x128xf32> to vector<49x128xf32>
      %swap3A_981 = vector.shape_cast %slice3A_975 : vector<49x128xf32> to vector<1x49x128xf32>
      tpu.vector_store %arg7[%swap3A_976, %swap3A_977, %swap3A_978], %swap3A_981 {strides = array<i32>} : memref<64x49x128xf32, #tpu.memory_space<vmem>>, vector<1x49x128xf32>,
    } else {
    }
    %get3A_923 = arith.constant 60 : index
    %get3A_924 = memref.load %arg2[%get3A_923] : memref<64xi32, #tpu.memory_space<smem>>
    %ge3A_925 = arith.cmpi sge, %get3A_924, %mul3A_8 : i32
    %add3A_926 = arith.constant 128 : i32
    %add3A_927 = arith.addi %mul3A_8, %add3A_926 : i32
    %lt3A_928 = arith.cmpi slt, %get3A_924, %add3A_927 : i32
    %and3A_929 = arith.andi %ge3A_925, %lt3A_928 : i1
    %convert_element_type3A_930 = arith.extui %and3A_929 : i1 to i32
    %cond3A_931 = arith.constant 0 : i32
    %cond3A_932 = arith.cmpi ne, %convert_element_type3A_930, %cond3A_931 : i32
    scf.if %cond3A_932 {
      %sub3A = arith.subi %get3A_924, %mul3A_8 : i32
      %get3A_963 = arith.constant 0 : index
      %get3A_964 = arith.constant 0 : index
      %get3A_965 = arith.index_cast %sub3A : i32 to index
      %get3A_966 = arith.constant 0 : index
      %get3A_967 = vector.load %arg3[%get3A_963, %get3A_964, %get3A_965, %get3A_966] : memref<1x98x128x128xf32, #tpu.memory_space<vmem>>, vector<1x98x1x128xf32>
      %get3A_968 = vector.shape_cast %get3A_967 : vector<1x98x1x128xf32> to vector<98x1x128xf32>
      %reshape3A = vector.shape_cast %get3A_968 : vector<98x1x128xf32> to vector<98x128xf32>
      %slice3A = vector.extract_strided_slice %reshape3A {offsets = [0, 0], sizes = [49, 128], strides = [1, 1]} : vector<98x128xf32> to vector<49x128xf32>
      %swap3A_969 = arith.constant 60 : index
      %swap3A_970 = arith.constant 0 : index
      %swap3A_971 = arith.constant 0 : index
      %swap3A_972 = vector.load %arg6[%swap3A_969, %swap3A_970, %swap3A_971] : memref<64x49x128xf32, #tpu.memory_space<vmem>>, vector<1x49x128xf32>
      %swap3A_973 = vector.shape_cast %swap3A_972 : vector<1x49x128xf32> to vector<49x128xf32>
      %swap3A_974 = vector.shape_cast %slice3A : vector<49x128xf32> to vector<1x49x128xf32>
      tpu.vector_store %arg6[%swap3A_969, %swap3A_970, %swap3A_971], %swap3A_974 {strides = array<i32>} : memref<64x49x128xf32, #tpu.memory_space<vmem>>, vector<1x49x128xf32>,
      %slice3A_975 = vector.extract_strided_slice %reshape3A {offsets = [49, 0], sizes = [49, 128], strides = [1, 1]} : vector<98x128xf32> to vector<49x128xf32>
      %swap3A_976 = arith.constant 60 : index
      %swap3A_977 = arith.constant 0 : index
      %swap3A_978 = arith.constant 0 : index
      %swap3A_979 = vector.load %arg7[%swap3A_976, %swap3A_977, %swap3A_978] : memref<64x49x128xf32, #tpu.memory_space<vmem>>, vector<1x49x128xf32>
      %swap3A_980 = vector.shape_cast %swap3A_979 : vector<1x49x128xf32> to vector<49x128xf32>
      %swap3A_981 = vector.shape_cast %slice3A_975 : vector<49x128xf32> to vector<1x49x128xf32>
      tpu.vector_store %arg7[%swap3A_976, %swap3A_977, %swap3A_978], %swap3A_981 {strides = array<i32>} : memref<64x49x128xf32, #tpu.memory_space<vmem>>, vector<1x49x128xf32>,
    } else {
    }
    %get3A_933 = arith.constant 61 : index
    %get3A_934 = memref.load %arg2[%get3A_933] : memref<64xi32, #tpu.memory_space<smem>>
    %ge3A_935 = arith.cmpi sge, %get3A_934, %mul3A_8 : i32
    %add3A_936 = arith.constant 128 : i32
    %add3A_937 = arith.addi %mul3A_8, %add3A_936 : i32
    %lt3A_938 = arith.cmpi slt, %get3A_934, %add3A_937 : i32
    %and3A_939 = arith.andi %ge3A_935, %lt3A_938 : i1
    %convert_element_type3A_940 = arith.extui %and3A_939 : i1 to i32
    %cond3A_941 = arith.constant 0 : i32
    %cond3A_942 = arith.cmpi ne, %convert_element_type3A_940, %cond3A_941 : i32
    scf.if %cond3A_942 {
      %sub3A = arith.subi %get3A_934, %mul3A_8 : i32
      %get3A_963 = arith.constant 0 : index
      %get3A_964 = arith.constant 0 : index
      %get3A_965 = arith.index_cast %sub3A : i32 to index
      %get3A_966 = arith.constant 0 : index
      %get3A_967 = vector.load %arg3[%get3A_963, %get3A_964, %get3A_965, %get3A_966] : memref<1x98x128x128xf32, #tpu.memory_space<vmem>>, vector<1x98x1x128xf32>
      %get3A_968 = vector.shape_cast %get3A_967 : vector<1x98x1x128xf32> to vector<98x1x128xf32>
      %reshape3A = vector.shape_cast %get3A_968 : vector<98x1x128xf32> to vector<98x128xf32>
      %slice3A = vector.extract_strided_slice %reshape3A {offsets = [0, 0], sizes = [49, 128], strides = [1, 1]} : vector<98x128xf32> to vector<49x128xf32>
      %swap3A_969 = arith.constant 61 : index
      %swap3A_970 = arith.constant 0 : index
      %swap3A_971 = arith.constant 0 : index
      %swap3A_972 = vector.load %arg6[%swap3A_969, %swap3A_970, %swap3A_971] : memref<64x49x128xf32, #tpu.memory_space<vmem>>, vector<1x49x128xf32>
      %swap3A_973 = vector.shape_cast %swap3A_972 : vector<1x49x128xf32> to vector<49x128xf32>
      %swap3A_974 = vector.shape_cast %slice3A : vector<49x128xf32> to vector<1x49x128xf32>
      tpu.vector_store %arg6[%swap3A_969, %swap3A_970, %swap3A_971], %swap3A_974 {strides = array<i32>} : memref<64x49x128xf32, #tpu.memory_space<vmem>>, vector<1x49x128xf32>,
      %slice3A_975 = vector.extract_strided_slice %reshape3A {offsets = [49, 0], sizes = [49, 128], strides = [1, 1]} : vector<98x128xf32> to vector<49x128xf32>
      %swap3A_976 = arith.constant 61 : index
      %swap3A_977 = arith.constant 0 : index
      %swap3A_978 = arith.constant 0 : index
      %swap3A_979 = vector.load %arg7[%swap3A_976, %swap3A_977, %swap3A_978] : memref<64x49x128xf32, #tpu.memory_space<vmem>>, vector<1x49x128xf32>
      %swap3A_980 = vector.shape_cast %swap3A_979 : vector<1x49x128xf32> to vector<49x128xf32>
      %swap3A_981 = vector.shape_cast %slice3A_975 : vector<49x128xf32> to vector<1x49x128xf32>
      tpu.vector_store %arg7[%swap3A_976, %swap3A_977, %swap3A_978], %swap3A_981 {strides = array<i32>} : memref<64x49x128xf32, #tpu.memory_space<vmem>>, vector<1x49x128xf32>,
    } else {
    }
    %get3A_943 = arith.constant 62 : index
    %get3A_944 = memref.load %arg2[%get3A_943] : memref<64xi32, #tpu.memory_space<smem>>
    %ge3A_945 = arith.cmpi sge, %get3A_944, %mul3A_8 : i32
    %add3A_946 = arith.constant 128 : i32
    %add3A_947 = arith.addi %mul3A_8, %add3A_946 : i32
    %lt3A_948 = arith.cmpi slt, %get3A_944, %add3A_947 : i32
    %and3A_949 = arith.andi %ge3A_945, %lt3A_948 : i1
    %convert_element_type3A_950 = arith.extui %and3A_949 : i1 to i32
    %cond3A_951 = arith.constant 0 : i32
    %cond3A_952 = arith.cmpi ne, %convert_element_type3A_950, %cond3A_951 : i32
    scf.if %cond3A_952 {
      %sub3A = arith.subi %get3A_944, %mul3A_8 : i32
      %get3A_963 = arith.constant 0 : index
      %get3A_964 = arith.constant 0 : index
      %get3A_965 = arith.index_cast %sub3A : i32 to index
      %get3A_966 = arith.constant 0 : index
      %get3A_967 = vector.load %arg3[%get3A_963, %get3A_964, %get3A_965, %get3A_966] : memref<1x98x128x128xf32, #tpu.memory_space<vmem>>, vector<1x98x1x128xf32>
      %get3A_968 = vector.shape_cast %get3A_967 : vector<1x98x1x128xf32> to vector<98x1x128xf32>
      %reshape3A = vector.shape_cast %get3A_968 : vector<98x1x128xf32> to vector<98x128xf32>
      %slice3A = vector.extract_strided_slice %reshape3A {offsets = [0, 0], sizes = [49, 128], strides = [1, 1]} : vector<98x128xf32> to vector<49x128xf32>
      %swap3A_969 = arith.constant 62 : index
      %swap3A_970 = arith.constant 0 : index
      %swap3A_971 = arith.constant 0 : index
      %swap3A_972 = vector.load %arg6[%swap3A_969, %swap3A_970, %swap3A_971] : memref<64x49x128xf32, #tpu.memory_space<vmem>>, vector<1x49x128xf32>
      %swap3A_973 = vector.shape_cast %swap3A_972 : vector<1x49x128xf32> to vector<49x128xf32>
      %swap3A_974 = vector.shape_cast %slice3A : vector<49x128xf32> to vector<1x49x128xf32>
      tpu.vector_store %arg6[%swap3A_969, %swap3A_970, %swap3A_971], %swap3A_974 {strides = array<i32>} : memref<64x49x128xf32, #tpu.memory_space<vmem>>, vector<1x49x128xf32>,
      %slice3A_975 = vector.extract_strided_slice %reshape3A {offsets = [49, 0], sizes = [49, 128], strides = [1, 1]} : vector<98x128xf32> to vector<49x128xf32>
      %swap3A_976 = arith.constant 62 : index
      %swap3A_977 = arith.constant 0 : index
      %swap3A_978 = arith.constant 0 : index
      %swap3A_979 = vector.load %arg7[%swap3A_976, %swap3A_977, %swap3A_978] : memref<64x49x128xf32, #tpu.memory_space<vmem>>, vector<1x49x128xf32>
      %swap3A_980 = vector.shape_cast %swap3A_979 : vector<1x49x128xf32> to vector<49x128xf32>
      %swap3A_981 = vector.shape_cast %slice3A_975 : vector<49x128xf32> to vector<1x49x128xf32>
      tpu.vector_store %arg7[%swap3A_976, %swap3A_977, %swap3A_978], %swap3A_981 {strides = array<i32>} : memref<64x49x128xf32, #tpu.memory_space<vmem>>, vector<1x49x128xf32>,
    } else {
    }
    %get3A_953 = arith.constant 63 : index
    %get3A_954 = memref.load %arg2[%get3A_953] : memref<64xi32, #tpu.memory_space<smem>>
    %ge3A_955 = arith.cmpi sge, %get3A_954, %mul3A_8 : i32
    %add3A_956 = arith.constant 128 : i32
    %add3A_957 = arith.addi %mul3A_8, %add3A_956 : i32
    %lt3A_958 = arith.cmpi slt, %get3A_954, %add3A_957 : i32
    %and3A_959 = arith.andi %ge3A_955, %lt3A_958 : i1
    %convert_element_type3A_960 = arith.extui %and3A_959 : i1 to i32
    %cond3A_961 = arith.constant 0 : i32
    %cond3A_962 = arith.cmpi ne, %convert_element_type3A_960, %cond3A_961 : i32
    scf.if %cond3A_962 {
      %sub3A = arith.subi %get3A_954, %mul3A_8 : i32
      %get3A_963 = arith.constant 0 : index
      %get3A_964 = arith.constant 0 : index
      %get3A_965 = arith.index_cast %sub3A : i32 to index
      %get3A_966 = arith.constant 0 : index
      %get3A_967 = vector.load %arg3[%get3A_963, %get3A_964, %get3A_965, %get3A_966] : memref<1x98x128x128xf32, #tpu.memory_space<vmem>>, vector<1x98x1x128xf32>
      %get3A_968 = vector.shape_cast %get3A_967 : vector<1x98x1x128xf32> to vector<98x1x128xf32>
      %reshape3A = vector.shape_cast %get3A_968 : vector<98x1x128xf32> to vector<98x128xf32>
      %slice3A = vector.extract_strided_slice %reshape3A {offsets = [0, 0], sizes = [49, 128], strides = [1, 1]} : vector<98x128xf32> to vector<49x128xf32>
      %swap3A_969 = arith.constant 63 : index
      %swap3A_970 = arith.constant 0 : index
      %swap3A_971 = arith.constant 0 : index
      %swap3A_972 = vector.load %arg6[%swap3A_969, %swap3A_970, %swap3A_971] : memref<64x49x128xf32, #tpu.memory_space<vmem>>, vector<1x49x128xf32>
      %swap3A_973 = vector.shape_cast %swap3A_972 : vector<1x49x128xf32> to vector<49x128xf32>
      %swap3A_974 = vector.shape_cast %slice3A : vector<49x128xf32> to vector<1x49x128xf32>
      tpu.vector_store %arg6[%swap3A_969, %swap3A_970, %swap3A_971], %swap3A_974 {strides = array<i32>} : memref<64x49x128xf32, #tpu.memory_space<vmem>>, vector<1x49x128xf32>,
      %slice3A_975 = vector.extract_strided_slice %reshape3A {offsets = [49, 0], sizes = [49, 128], strides = [1, 1]} : vector<98x128xf32> to vector<49x128xf32>
      %swap3A_976 = arith.constant 63 : index
      %swap3A_977 = arith.constant 0 : index
      %swap3A_978 = arith.constant 0 : index
      %swap3A_979 = vector.load %arg7[%swap3A_976, %swap3A_977, %swap3A_978] : memref<64x49x128xf32, #tpu.memory_space<vmem>>, vector<1x49x128xf32>
      %swap3A_980 = vector.shape_cast %swap3A_979 : vector<1x49x128xf32> to vector<49x128xf32>
      %swap3A_981 = vector.shape_cast %slice3A_975 : vector<49x128xf32> to vector<1x49x128xf32>
      tpu.vector_store %arg7[%swap3A_976, %swap3A_977, %swap3A_978], %swap3A_981 {strides = array<i32>} : memref<64x49x128xf32, #tpu.memory_space<vmem>>, vector<1x49x128xf32>,
    } else {
    }
    return
  }
  func.func @transform_0(%arg0: i32, %arg1: memref<32xi32, #tpu.memory_space<smem>>, %arg2: memref<64xi32, #tpu.memory_space<smem>>) -> (i32, i32, i32, i32) {
    %c0_i32 = arith.constant 0 : i32
    %c0_i32_0 = arith.constant 0 : i32
    %c0_i32_1 = arith.constant 0 : i32
    %c0_i32_2 = arith.constant 0 : i32
    return %arg0, %c0_i32, %c0_i32_0, %c0_i32_1 : i32, i32, i32, i32
  }
  func.func @transform_1(%arg0: i32, %arg1: memref<32xi32, #tpu.memory_space<smem>>, %arg2: memref<64xi32, #tpu.memory_space<smem>>) -> (i32, i32, i32) {
    %c0_i32 = arith.constant 0 : i32
    %c0_i32_0 = arith.constant 0 : i32
    %c0_i32_1 = arith.constant 0 : i32
    %c0_i32_2 = arith.constant 0 : i32
    return %c0_i32, %c0_i32_0, %c0_i32_1 : i32, i32, i32
  }
  func.func @transform_2(%arg0: i32, %arg1: memref<32xi32, #tpu.memory_space<smem>>, %arg2: memref<64xi32, #tpu.memory_space<smem>>) -> (i32, i32, i32, i32) {
    %c0_i32 = arith.constant 0 : i32
    %c0_i32_0 = arith.constant 0 : i32
    %c0_i32_1 = arith.constant 0 : i32
    %c0_i32_2 = arith.constant 0 : i32
    return %arg0, %c0_i32, %c0_i32_0, %c0_i32_1 : i32, i32, i32, i32
  }
  func.func @transform_3(%arg0: i32, %arg1: memref<32xi32, #tpu.memory_space<smem>>, %arg2: memref<64xi32, #tpu.memory_space<smem>>) -> (i32, i32, i32) {
    %c0_i32 = arith.constant 0 : i32
    %c0_i32_0 = arith.constant 0 : i32
    %c0_i32_1 = arith.constant 0 : i32
    %c0_i32_2 = arith.constant 0 : i32
    return %c0_i32, %c0_i32_0, %c0_i32_1 : i32, i32, i32
  }
  func.func @transform_4(%arg0: i32, %arg1: memref<32xi32, #tpu.memory_space<smem>>, %arg2: memref<64xi32, #tpu.memory_space<smem>>) -> (i32, i32, i32) {
    %c0_i32 = arith.constant 0 : i32
    %c0_i32_0 = arith.constant 0 : i32
    %c0_i32_1 = arith.constant 0 : i32
    %c0_i32_2 = arith.constant 0 : i32
    return %c0_i32, %c0_i32_0, %c0_i32_1 : i32, i32, i32
  }
}

module attributes {stable_mosaic.version = 14 : i64} {
  func.func @_loss_body(%arg0: i32, %arg1: memref<32x49x128xf32, #tpu.memory_space<vmem>>, %arg2: memref<32x49x128xf32, #tpu.memory_space<vmem>>, %arg3: memref<32x49x128xf32, #tpu.memory_space<vmem>>, %arg4: memref<32x49x128xf32, #tpu.memory_space<vmem>>, %arg5: memref<32x49x128xf32, #tpu.memory_space<vmem>>, %arg6: memref<32x49x128xf32, #tpu.memory_space<vmem>>, %arg7: memref<32x1xf32, #tpu.memory_space<vmem>>, %arg8: memref<1x128xf32, #tpu.memory_space<vmem>>, %arg9: memref<1x1xf32, #tpu.memory_space<vmem>>, %arg10: memref<1xf32, #tpu.memory_space<smem>>) attributes {dimension_semantics = [#tpu.dimension_semantics<arbitrary>], iteration_bounds = array<i64: 2>, scalar_prefetch = 0 : i64, scratch_operands = 1 : i64, tpu.core_type = #tpu.core_type<tc>, window_params = [{transform_indices = @transform_0, window_bounds = array<i64: 32, 49, 128>}, {transform_indices = @transform_1, window_bounds = array<i64: 32, 49, 128>}, {transform_indices = @transform_2, window_bounds = array<i64: 32, 49, 128>}, {transform_indices = @transform_3, window_bounds = array<i64: 32, 49, 128>}, {transform_indices = @transform_4, window_bounds = array<i64: 32, 49, 128>}, {transform_indices = @transform_5, window_bounds = array<i64: 32, 49, 128>}, {transform_indices = @transform_6, window_bounds = array<i64: 32, 1>}, {pipeline_mode = #tpu.pipeline_mode<synchronous>, transform_indices = @transform_7, window_bounds = array<i64: 1, 128>}, {pipeline_mode = #tpu.pipeline_mode<synchronous>, transform_indices = @transform_8, window_bounds = array<i64: 1, 1>}]} {
    %eq3A = arith.constant 0 : i32
    %eq3A_0 = arith.cmpi eq, %arg0, %eq3A : i32
    %convert_element_type3A = arith.extui %eq3A_0 : i1 to i32
    %cond3A = arith.constant 0 : i32
    %cond3A_1 = arith.cmpi ne, %convert_element_type3A, %cond3A : i32
    scf.if %cond3A_1 {
      %swap3A_1461 = arith.constant 0.000000e+00 : f32
      %swap3A_1462 = arith.constant 0 : index
      %swap3A_1463 = memref.load %arg10[%swap3A_1462] : memref<1xf32, #tpu.memory_space<smem>>
      memref.store %swap3A_1461, %arg10[%swap3A_1462] : memref<1xf32, #tpu.memory_space<smem>>
    } else {
    }
    %get3A = arith.constant 0 : index
    %get3A_2 = arith.constant 0 : index
    %get3A_3 = vector.load %arg7[%get3A, %get3A_2] : memref<32x1xf32, #tpu.memory_space<vmem>>, vector<32x1xf32>
    %ne3A = arith.constant 0.000000e+00 : f32
    %ne3A_4 = vector.broadcast %ne3A : f32 to vector<32x1xf32>
    %ne3A_5 = arith.cmpf one, %get3A_3, %ne3A_4 : vector<32x1xf32>
    %broadcast_in_dim3A = vector.shape_cast %ne3A_5 : vector<32x1xi1> to vector<32x1x1xi1>
    %get3A_6 = arith.constant 0 : index
    %get3A_7 = arith.constant 0 : index
    %get3A_8 = arith.constant 0 : index
    %get3A_9 = vector.load %arg1[%get3A_6, %get3A_7, %get3A_8] : memref<32x49x128xf32, #tpu.memory_space<vmem>>, vector<32x49x128xf32>
    %get3A_10 = arith.constant 0 : index
    %get3A_11 = arith.constant 0 : index
    %get3A_12 = arith.constant 0 : index
    %get3A_13 = vector.load %arg3[%get3A_10, %get3A_11, %get3A_12] : memref<32x49x128xf32, #tpu.memory_space<vmem>>, vector<32x49x128xf32>
    %broadcast_in_dim3A_14 = vector.shape_cast %broadcast_in_dim3A : vector<32x1x1xi1> to vector<32x1x1xi1>
    %broadcast_in_dim3A_15 = vector.broadcast %broadcast_in_dim3A_14 : vector<32x1x1xi1> to vector<32x49x128xi1>
    %select_n3A = arith.select %broadcast_in_dim3A_15, %get3A_9, %get3A_13 : vector<32x49x128xi1>, vector<32x49x128xf32>
    %get3A_16 = arith.constant 0 : index
    %get3A_17 = arith.constant 0 : index
    %get3A_18 = arith.constant 0 : index
    %get3A_19 = vector.load %arg2[%get3A_16, %get3A_17, %get3A_18] : memref<32x49x128xf32, #tpu.memory_space<vmem>>, vector<32x49x128xf32>
    %get3A_20 = arith.constant 0 : index
    %get3A_21 = arith.constant 0 : index
    %get3A_22 = arith.constant 0 : index
    %get3A_23 = vector.load %arg4[%get3A_20, %get3A_21, %get3A_22] : memref<32x49x128xf32, #tpu.memory_space<vmem>>, vector<32x49x128xf32>
    %broadcast_in_dim3A_24 = vector.shape_cast %broadcast_in_dim3A : vector<32x1x1xi1> to vector<32x1x1xi1>
    %broadcast_in_dim3A_25 = vector.broadcast %broadcast_in_dim3A_24 : vector<32x1x1xi1> to vector<32x49x128xi1>
    %select_n3A_26 = arith.select %broadcast_in_dim3A_25, %get3A_19, %get3A_23 : vector<32x49x128xi1>, vector<32x49x128xf32>
    %get3A_27 = arith.constant 0 : index
    %get3A_28 = arith.constant 0 : index
    %get3A_29 = vector.load %arg8[%get3A_27, %get3A_28] : memref<1x128xf32, #tpu.memory_space<vmem>>, vector<1x128xf32>
    %broadcast_in_dim3A_30 = vector.shape_cast %get3A_29 : vector<1x128xf32> to vector<1x1x128xf32>
    %sub3A = vector.broadcast %broadcast_in_dim3A_30 : vector<1x1x128xf32> to vector<32x49x128xf32>
    %sub3A_31 = arith.subf %select_n3A, %sub3A : vector<32x49x128xf32>
    %div3A = arith.constant 4.000000e-02 : f32
    %div3A_32 = vector.broadcast %div3A : f32 to vector<32x49x128xf32>
    %div3A_33 = arith.divf %sub3A_31, %div3A_32 : vector<32x49x128xf32>
    %reduce_max3A = arith.constant dense<0xFF800000> : vector<32x49xf32>
    %reduce_max3A_34 = vector.multi_reduction <maximumf>, %div3A_33, %reduce_max3A [2] : vector<32x49x128xf32> to vector<32x49xf32>
    %broadcast_in_dim3A_35 = vector.shape_cast %reduce_max3A_34 : vector<32x49xf32> to vector<32x49x1xf32>
    %sub3A_36 = vector.broadcast %broadcast_in_dim3A_35 : vector<32x49x1xf32> to vector<32x49x128xf32>
    %sub3A_37 = arith.subf %div3A_33, %sub3A_36 : vector<32x49x128xf32>
    %exp3A = math.exp %sub3A_37 : vector<32x49x128xf32>
    %reduce_sum3A = arith.constant dense<0.000000e+00> : vector<32x49xf32>
    %reduce_sum3A_38 = vector.multi_reduction <add>, %exp3A, %reduce_sum3A [2] : vector<32x49x128xf32> to vector<32x49xf32>
    %broadcast_in_dim3A_39 = vector.shape_cast %reduce_sum3A_38 : vector<32x49xf32> to vector<32x49x1xf32>
    %div3A_40 = vector.broadcast %broadcast_in_dim3A_39 : vector<32x49x1xf32> to vector<32x49x128xf32>
    %div3A_41 = arith.divf %exp3A, %div3A_40 : vector<32x49x128xf32>
    %mul3A = arith.mulf %select_n3A_26, %select_n3A_26 : vector<32x49x128xf32>
    %reduce_sum3A_42 = arith.constant dense<0.000000e+00> : vector<32x49xf32>
    %reduce_sum3A_43 = vector.multi_reduction <add>, %mul3A, %reduce_sum3A_42 [2] : vector<32x49x128xf32> to vector<32x49xf32>
    %broadcast_in_dim3A_44 = vector.shape_cast %reduce_sum3A_43 : vector<32x49xf32> to vector<32x49x1xf32>
    %sqrt3A = math.sqrt %broadcast_in_dim3A_44 : vector<32x49x1xf32>
    %max3A = arith.constant 9.99999996E-13 : f32
    %max3A_45 = vector.broadcast %max3A : f32 to vector<32x49x1xf32>
    %max3A_46 = arith.maximumf %sqrt3A, %max3A_45 : vector<32x49x1xf32>
    %div3A_47 = vector.broadcast %max3A_46 : vector<32x49x1xf32> to vector<32x49x128xf32>
    %div3A_48 = arith.divf %select_n3A_26, %div3A_47 : vector<32x49x128xf32>
    %get3A_49 = arith.constant 0 : index
    %get3A_50 = arith.constant 0 : index
    %get3A_51 = arith.constant 0 : index
    %get3A_52 = vector.load %arg6[%get3A_49, %get3A_50, %get3A_51] : memref<32x49x128xf32, #tpu.memory_space<vmem>>, vector<32x49x128xf32>
    %mul3A_53 = arith.mulf %get3A_52, %get3A_52 : vector<32x49x128xf32>
    %reduce_sum3A_54 = arith.constant dense<0.000000e+00> : vector<32x49xf32>
    %reduce_sum3A_55 = vector.multi_reduction <add>, %mul3A_53, %reduce_sum3A_54 [2] : vector<32x49x128xf32> to vector<32x49xf32>
    %broadcast_in_dim3A_56 = vector.shape_cast %reduce_sum3A_55 : vector<32x49xf32> to vector<32x49x1xf32>
    %sqrt3A_57 = math.sqrt %broadcast_in_dim3A_56 : vector<32x49x1xf32>
    %max3A_58 = arith.constant 9.99999996E-13 : f32
    %max3A_59 = vector.broadcast %max3A_58 : f32 to vector<32x49x1xf32>
    %max3A_60 = arith.maximumf %sqrt3A_57, %max3A_59 : vector<32x49x1xf32>
    %div3A_61 = vector.broadcast %max3A_60 : vector<32x49x1xf32> to vector<32x49x128xf32>
    %div3A_62 = arith.divf %get3A_52, %div3A_61 : vector<32x49x128xf32>
    %get3A_63 = arith.constant 0 : index
    %get3A_64 = arith.constant 0 : index
    %get3A_65 = arith.constant 0 : index
    %get3A_66 = vector.load %arg5[%get3A_63, %get3A_64, %get3A_65] : memref<32x49x128xf32, #tpu.memory_space<vmem>>, vector<32x49x128xf32>
    %div3A_67 = arith.constant 1.000000e-01 : f32
    %div3A_68 = vector.broadcast %div3A_67 : f32 to vector<32x49x128xf32>
    %div3A_69 = arith.divf %get3A_66, %div3A_68 : vector<32x49x128xf32>
    %reduce_max3A_70 = arith.constant dense<0xFF800000> : vector<32x49xf32>
    %reduce_max3A_71 = vector.multi_reduction <maximumf>, %div3A_69, %reduce_max3A_70 [2] : vector<32x49x128xf32> to vector<32x49xf32>
    %broadcast_in_dim3A_72 = vector.shape_cast %reduce_max3A_71 : vector<32x49xf32> to vector<32x49x1xf32>
    %sub3A_73 = vector.broadcast %broadcast_in_dim3A_72 : vector<32x49x1xf32> to vector<32x49x128xf32>
    %sub3A_74 = arith.subf %div3A_69, %sub3A_73 : vector<32x49x128xf32>
    %exp3A_75 = math.exp %sub3A_74 : vector<32x49x128xf32>
    %reduce_sum3A_76 = arith.constant dense<0.000000e+00> : vector<32x49xf32>
    %reduce_sum3A_77 = vector.multi_reduction <add>, %exp3A_75, %reduce_sum3A_76 [2] : vector<32x49x128xf32> to vector<32x49xf32>
    %broadcast_in_dim3A_78 = vector.shape_cast %reduce_sum3A_77 : vector<32x49xf32> to vector<32x49x1xf32>
    %log3A = math.log %broadcast_in_dim3A_78 : vector<32x49x1xf32>
    %sub3A_79 = vector.broadcast %log3A : vector<32x49x1xf32> to vector<32x49x128xf32>
    %sub3A_80 = arith.subf %sub3A_74, %sub3A_79 : vector<32x49x128xf32>
    %slice3A = vector.extract_strided_slice %div3A_62 {offsets = [0, 0, 0], sizes = [1, 49, 128], strides = [1, 1, 1]} : vector<32x49x128xf32> to vector<1x49x128xf32>
    %squeeze3A = vector.shape_cast %slice3A : vector<1x49x128xf32> to vector<49x128xf32>
    %slice3A_81 = vector.extract_strided_slice %div3A_48 {offsets = [0, 0, 0], sizes = [1, 49, 128], strides = [1, 1, 1]} : vector<32x49x128xf32> to vector<1x49x128xf32>
    %squeeze3A_82 = vector.shape_cast %slice3A_81 : vector<1x49x128xf32> to vector<49x128xf32>
    %dot_general3A = arith.constant dense<0.000000e+00> : vector<49x49xf32>
    %dot_general3A_83 = tpu.matmul %squeeze3A, %squeeze3A_82, %dot_general3A {dimension_numbers = #tpu.dot_dimension_numbers<[1], [1], [0], [0], [0, 0, 1, 0], [], []>, transpose_lhs_hint = false} : vector<49x128xf32>, vector<49x128xf32>, vector<49x49xf32> -> vector<49x49xf32>
    %reduce_max3A_84 = arith.constant dense<0xFF800000> : vector<49xf32>
    %reduce_max3A_85 = vector.multi_reduction <maximumf>, %dot_general3A_83, %reduce_max3A_84 [1] : vector<49x49xf32> to vector<49xf32>
    %broadcast_in_dim3A_86 = vector.shape_cast %reduce_max3A_85 : vector<49xf32> to vector<49x1xf32>
    %iota3A = tpu.iota {dimensions = array<i32: 1>} : vector<49x49xi32>
    %eq3A_87 = vector.broadcast %broadcast_in_dim3A_86 : vector<49x1xf32> to vector<49x49xf32>
    %eq3A_88 = arith.cmpf oeq, %dot_general3A_83, %eq3A_87 : vector<49x49xf32>
    %jit3A = arith.constant 49 : i32
    %broadcast_in_dim3A_89 = vector.broadcast %jit3A : i32 to vector<49x49xi32>
    %select_n3A_90 = arith.select %eq3A_88, %iota3A, %broadcast_in_dim3A_89 : vector<49x49xi1>, vector<49x49xi32>
    %reduce_min3A = arith.constant dense<2147483647> : vector<49xi32>
    %reduce_min3A_91 = vector.multi_reduction <minsi>, %select_n3A_90, %reduce_min3A [1] : vector<49x49xi32> to vector<49xi32>
    %broadcast_in_dim3A_92 = vector.shape_cast %reduce_min3A_91 : vector<49xi32> to vector<49x1xi32>
    %iota3A_93 = tpu.iota {dimensions = array<i32: 1>} : vector<49x49xi32>
    %eq3A_94 = vector.broadcast %broadcast_in_dim3A_92 : vector<49x1xi32> to vector<49x49xi32>
    %eq3A_95 = arith.cmpi eq, %eq3A_94, %iota3A_93 : vector<49x49xi32>
    %convert_element_type3A_96 = arith.extui %eq3A_95 : vector<49x49xi1> to vector<49x49xi32>
    %convert_element_type3A_97 = arith.sitofp %convert_element_type3A_96 : vector<49x49xi32> to vector<49x49xf32>
    %slice3A_98 = vector.extract_strided_slice %div3A_41 {offsets = [0, 0, 0], sizes = [1, 49, 128], strides = [1, 1, 1]} : vector<32x49x128xf32> to vector<1x49x128xf32>
    %squeeze3A_99 = vector.shape_cast %slice3A_98 : vector<1x49x128xf32> to vector<49x128xf32>
    %dot_general3A_100 = arith.constant dense<0.000000e+00> : vector<49x128xf32>
    %dot_general3A_101 = tpu.matmul %convert_element_type3A_97, %squeeze3A_99, %dot_general3A_100 {dimension_numbers = #tpu.dot_dimension_numbers<[1], [0], [0], [1], [0, 0, 1, 1], [], []>, transpose_lhs_hint = false} : vector<49x49xf32>, vector<49x128xf32>, vector<49x128xf32> -> vector<49x128xf32>
    %neg3A = arith.constant 0.000000e+00 : f32
    %neg3A_102 = vector.broadcast %neg3A : f32 to vector<49x128xf32>
    %neg3A_103 = arith.subf %neg3A_102, %dot_general3A_101 : vector<49x128xf32>
    %slice3A_104 = vector.extract_strided_slice %sub3A_80 {offsets = [0, 0, 0], sizes = [1, 49, 128], strides = [1, 1, 1]} : vector<32x49x128xf32> to vector<1x49x128xf32>
    %squeeze3A_105 = vector.shape_cast %slice3A_104 : vector<1x49x128xf32> to vector<49x128xf32>
    %mul3A_106 = arith.mulf %neg3A_103, %squeeze3A_105 : vector<49x128xf32>
    %reduce_sum3A_107 = arith.constant dense<0.000000e+00> : vector<49xf32>
    %reduce_sum3A_108 = vector.multi_reduction <add>, %mul3A_106, %reduce_sum3A_107 [1] : vector<49x128xf32> to vector<49xf32>
    %reduce_sum3A_109 = vector.shape_cast %reduce_sum3A_108 : vector<49xf32> to vector<1x49xf32>
    %reduce_sum3A_110 = arith.constant dense<0.000000e+00> : vector<1xf32>
    %reduce_sum3A_111 = vector.multi_reduction <add>, %reduce_sum3A_109, %reduce_sum3A_110 [1] : vector<1x49xf32> to vector<1xf32>
    %reduce_sum3A_112 = vector.shape_cast %reduce_sum3A_111 : vector<1xf32> to vector<1x1xf32>
    %reduce_sum3A_113 = vector.extract %reduce_sum3A_112[0, 0] : f32 from vector<1x1xf32>
    %div3A_114 = arith.constant 4.900000e+01 : f32
    %div3A_115 = arith.divf %reduce_sum3A_113, %div3A_114 : f32
    %add3A = arith.constant 0.000000e+00 : f32
    %add3A_116 = arith.addf %add3A, %div3A_115 : f32
    %slice3A_117 = vector.extract_strided_slice %div3A_62 {offsets = [1, 0, 0], sizes = [1, 49, 128], strides = [1, 1, 1]} : vector<32x49x128xf32> to vector<1x49x128xf32>
    %squeeze3A_118 = vector.shape_cast %slice3A_117 : vector<1x49x128xf32> to vector<49x128xf32>
    %slice3A_119 = vector.extract_strided_slice %div3A_48 {offsets = [1, 0, 0], sizes = [1, 49, 128], strides = [1, 1, 1]} : vector<32x49x128xf32> to vector<1x49x128xf32>
    %squeeze3A_120 = vector.shape_cast %slice3A_119 : vector<1x49x128xf32> to vector<49x128xf32>
    %dot_general3A_121 = arith.constant dense<0.000000e+00> : vector<49x49xf32>
    %dot_general3A_122 = tpu.matmul %squeeze3A_118, %squeeze3A_120, %dot_general3A_121 {dimension_numbers = #tpu.dot_dimension_numbers<[1], [1], [0], [0], [0, 0, 1, 0], [], []>, transpose_lhs_hint = false} : vector<49x128xf32>, vector<49x128xf32>, vector<49x49xf32> -> vector<49x49xf32>
    %reduce_max3A_123 = arith.constant dense<0xFF800000> : vector<49xf32>
    %reduce_max3A_124 = vector.multi_reduction <maximumf>, %dot_general3A_122, %reduce_max3A_123 [1] : vector<49x49xf32> to vector<49xf32>
    %broadcast_in_dim3A_125 = vector.shape_cast %reduce_max3A_124 : vector<49xf32> to vector<49x1xf32>
    %iota3A_126 = tpu.iota {dimensions = array<i32: 1>} : vector<49x49xi32>
    %eq3A_127 = vector.broadcast %broadcast_in_dim3A_125 : vector<49x1xf32> to vector<49x49xf32>
    %eq3A_128 = arith.cmpf oeq, %dot_general3A_122, %eq3A_127 : vector<49x49xf32>
    %jit3A_129 = arith.constant 49 : i32
    %broadcast_in_dim3A_130 = vector.broadcast %jit3A_129 : i32 to vector<49x49xi32>
    %select_n3A_131 = arith.select %eq3A_128, %iota3A_126, %broadcast_in_dim3A_130 : vector<49x49xi1>, vector<49x49xi32>
    %reduce_min3A_132 = arith.constant dense<2147483647> : vector<49xi32>
    %reduce_min3A_133 = vector.multi_reduction <minsi>, %select_n3A_131, %reduce_min3A_132 [1] : vector<49x49xi32> to vector<49xi32>
    %broadcast_in_dim3A_134 = vector.shape_cast %reduce_min3A_133 : vector<49xi32> to vector<49x1xi32>
    %iota3A_135 = tpu.iota {dimensions = array<i32: 1>} : vector<49x49xi32>
    %eq3A_136 = vector.broadcast %broadcast_in_dim3A_134 : vector<49x1xi32> to vector<49x49xi32>
    %eq3A_137 = arith.cmpi eq, %eq3A_136, %iota3A_135 : vector<49x49xi32>
    %convert_element_type3A_138 = arith.extui %eq3A_137 : vector<49x49xi1> to vector<49x49xi32>
    %convert_element_type3A_139 = arith.sitofp %convert_element_type3A_138 : vector<49x49xi32> to vector<49x49xf32>
    %slice3A_140 = vector.extract_strided_slice %div3A_41 {offsets = [1, 0, 0], sizes = [1, 49, 128], strides = [1, 1, 1]} : vector<32x49x128xf32> to vector<1x49x128xf32>
    %squeeze3A_141 = vector.shape_cast %slice3A_140 : vector<1x49x128xf32> to vector<49x128xf32>
    %dot_general3A_142 = arith.constant dense<0.000000e+00> : vector<49x128xf32>
    %dot_general3A_143 = tpu.matmul %convert_element_type3A_139, %squeeze3A_141, %dot_general3A_142 {dimension_numbers = #tpu.dot_dimension_numbers<[1], [0], [0], [1], [0, 0, 1, 1], [], []>, transpose_lhs_hint = false} : vector<49x49xf32>, vector<49x128xf32>, vector<49x128xf32> -> vector<49x128xf32>
    %neg3A_144 = arith.constant 0.000000e+00 : f32
    %neg3A_145 = vector.broadcast %neg3A_144 : f32 to vector<49x128xf32>
    %neg3A_146 = arith.subf %neg3A_145, %dot_general3A_143 : vector<49x128xf32>
    %slice3A_147 = vector.extract_strided_slice %sub3A_80 {offsets = [1, 0, 0], sizes = [1, 49, 128], strides = [1, 1, 1]} : vector<32x49x128xf32> to vector<1x49x128xf32>
    %squeeze3A_148 = vector.shape_cast %slice3A_147 : vector<1x49x128xf32> to vector<49x128xf32>
    %mul3A_149 = arith.mulf %neg3A_146, %squeeze3A_148 : vector<49x128xf32>
    %reduce_sum3A_150 = arith.constant dense<0.000000e+00> : vector<49xf32>
    %reduce_sum3A_151 = vector.multi_reduction <add>, %mul3A_149, %reduce_sum3A_150 [1] : vector<49x128xf32> to vector<49xf32>
    %reduce_sum3A_152 = vector.shape_cast %reduce_sum3A_151 : vector<49xf32> to vector<1x49xf32>
    %reduce_sum3A_153 = arith.constant dense<0.000000e+00> : vector<1xf32>
    %reduce_sum3A_154 = vector.multi_reduction <add>, %reduce_sum3A_152, %reduce_sum3A_153 [1] : vector<1x49xf32> to vector<1xf32>
    %reduce_sum3A_155 = vector.shape_cast %reduce_sum3A_154 : vector<1xf32> to vector<1x1xf32>
    %reduce_sum3A_156 = vector.extract %reduce_sum3A_155[0, 0] : f32 from vector<1x1xf32>
    %div3A_157 = arith.constant 4.900000e+01 : f32
    %div3A_158 = arith.divf %reduce_sum3A_156, %div3A_157 : f32
    %add3A_159 = arith.addf %add3A_116, %div3A_158 : f32
    %slice3A_160 = vector.extract_strided_slice %div3A_62 {offsets = [2, 0, 0], sizes = [1, 49, 128], strides = [1, 1, 1]} : vector<32x49x128xf32> to vector<1x49x128xf32>
    %squeeze3A_161 = vector.shape_cast %slice3A_160 : vector<1x49x128xf32> to vector<49x128xf32>
    %slice3A_162 = vector.extract_strided_slice %div3A_48 {offsets = [2, 0, 0], sizes = [1, 49, 128], strides = [1, 1, 1]} : vector<32x49x128xf32> to vector<1x49x128xf32>
    %squeeze3A_163 = vector.shape_cast %slice3A_162 : vector<1x49x128xf32> to vector<49x128xf32>
    %dot_general3A_164 = arith.constant dense<0.000000e+00> : vector<49x49xf32>
    %dot_general3A_165 = tpu.matmul %squeeze3A_161, %squeeze3A_163, %dot_general3A_164 {dimension_numbers = #tpu.dot_dimension_numbers<[1], [1], [0], [0], [0, 0, 1, 0], [], []>, transpose_lhs_hint = false} : vector<49x128xf32>, vector<49x128xf32>, vector<49x49xf32> -> vector<49x49xf32>
    %reduce_max3A_166 = arith.constant dense<0xFF800000> : vector<49xf32>
    %reduce_max3A_167 = vector.multi_reduction <maximumf>, %dot_general3A_165, %reduce_max3A_166 [1] : vector<49x49xf32> to vector<49xf32>
    %broadcast_in_dim3A_168 = vector.shape_cast %reduce_max3A_167 : vector<49xf32> to vector<49x1xf32>
    %iota3A_169 = tpu.iota {dimensions = array<i32: 1>} : vector<49x49xi32>
    %eq3A_170 = vector.broadcast %broadcast_in_dim3A_168 : vector<49x1xf32> to vector<49x49xf32>
    %eq3A_171 = arith.cmpf oeq, %dot_general3A_165, %eq3A_170 : vector<49x49xf32>
    %jit3A_172 = arith.constant 49 : i32
    %broadcast_in_dim3A_173 = vector.broadcast %jit3A_172 : i32 to vector<49x49xi32>
    %select_n3A_174 = arith.select %eq3A_171, %iota3A_169, %broadcast_in_dim3A_173 : vector<49x49xi1>, vector<49x49xi32>
    %reduce_min3A_175 = arith.constant dense<2147483647> : vector<49xi32>
    %reduce_min3A_176 = vector.multi_reduction <minsi>, %select_n3A_174, %reduce_min3A_175 [1] : vector<49x49xi32> to vector<49xi32>
    %broadcast_in_dim3A_177 = vector.shape_cast %reduce_min3A_176 : vector<49xi32> to vector<49x1xi32>
    %iota3A_178 = tpu.iota {dimensions = array<i32: 1>} : vector<49x49xi32>
    %eq3A_179 = vector.broadcast %broadcast_in_dim3A_177 : vector<49x1xi32> to vector<49x49xi32>
    %eq3A_180 = arith.cmpi eq, %eq3A_179, %iota3A_178 : vector<49x49xi32>
    %convert_element_type3A_181 = arith.extui %eq3A_180 : vector<49x49xi1> to vector<49x49xi32>
    %convert_element_type3A_182 = arith.sitofp %convert_element_type3A_181 : vector<49x49xi32> to vector<49x49xf32>
    %slice3A_183 = vector.extract_strided_slice %div3A_41 {offsets = [2, 0, 0], sizes = [1, 49, 128], strides = [1, 1, 1]} : vector<32x49x128xf32> to vector<1x49x128xf32>
    %squeeze3A_184 = vector.shape_cast %slice3A_183 : vector<1x49x128xf32> to vector<49x128xf32>
    %dot_general3A_185 = arith.constant dense<0.000000e+00> : vector<49x128xf32>
    %dot_general3A_186 = tpu.matmul %convert_element_type3A_182, %squeeze3A_184, %dot_general3A_185 {dimension_numbers = #tpu.dot_dimension_numbers<[1], [0], [0], [1], [0, 0, 1, 1], [], []>, transpose_lhs_hint = false} : vector<49x49xf32>, vector<49x128xf32>, vector<49x128xf32> -> vector<49x128xf32>
    %neg3A_187 = arith.constant 0.000000e+00 : f32
    %neg3A_188 = vector.broadcast %neg3A_187 : f32 to vector<49x128xf32>
    %neg3A_189 = arith.subf %neg3A_188, %dot_general3A_186 : vector<49x128xf32>
    %slice3A_190 = vector.extract_strided_slice %sub3A_80 {offsets = [2, 0, 0], sizes = [1, 49, 128], strides = [1, 1, 1]} : vector<32x49x128xf32> to vector<1x49x128xf32>
    %squeeze3A_191 = vector.shape_cast %slice3A_190 : vector<1x49x128xf32> to vector<49x128xf32>
    %mul3A_192 = arith.mulf %neg3A_189, %squeeze3A_191 : vector<49x128xf32>
    %reduce_sum3A_193 = arith.constant dense<0.000000e+00> : vector<49xf32>
    %reduce_sum3A_194 = vector.multi_reduction <add>, %mul3A_192, %reduce_sum3A_193 [1] : vector<49x128xf32> to vector<49xf32>
    %reduce_sum3A_195 = vector.shape_cast %reduce_sum3A_194 : vector<49xf32> to vector<1x49xf32>
    %reduce_sum3A_196 = arith.constant dense<0.000000e+00> : vector<1xf32>
    %reduce_sum3A_197 = vector.multi_reduction <add>, %reduce_sum3A_195, %reduce_sum3A_196 [1] : vector<1x49xf32> to vector<1xf32>
    %reduce_sum3A_198 = vector.shape_cast %reduce_sum3A_197 : vector<1xf32> to vector<1x1xf32>
    %reduce_sum3A_199 = vector.extract %reduce_sum3A_198[0, 0] : f32 from vector<1x1xf32>
    %div3A_200 = arith.constant 4.900000e+01 : f32
    %div3A_201 = arith.divf %reduce_sum3A_199, %div3A_200 : f32
    %add3A_202 = arith.addf %add3A_159, %div3A_201 : f32
    %slice3A_203 = vector.extract_strided_slice %div3A_62 {offsets = [3, 0, 0], sizes = [1, 49, 128], strides = [1, 1, 1]} : vector<32x49x128xf32> to vector<1x49x128xf32>
    %squeeze3A_204 = vector.shape_cast %slice3A_203 : vector<1x49x128xf32> to vector<49x128xf32>
    %slice3A_205 = vector.extract_strided_slice %div3A_48 {offsets = [3, 0, 0], sizes = [1, 49, 128], strides = [1, 1, 1]} : vector<32x49x128xf32> to vector<1x49x128xf32>
    %squeeze3A_206 = vector.shape_cast %slice3A_205 : vector<1x49x128xf32> to vector<49x128xf32>
    %dot_general3A_207 = arith.constant dense<0.000000e+00> : vector<49x49xf32>
    %dot_general3A_208 = tpu.matmul %squeeze3A_204, %squeeze3A_206, %dot_general3A_207 {dimension_numbers = #tpu.dot_dimension_numbers<[1], [1], [0], [0], [0, 0, 1, 0], [], []>, transpose_lhs_hint = false} : vector<49x128xf32>, vector<49x128xf32>, vector<49x49xf32> -> vector<49x49xf32>
    %reduce_max3A_209 = arith.constant dense<0xFF800000> : vector<49xf32>
    %reduce_max3A_210 = vector.multi_reduction <maximumf>, %dot_general3A_208, %reduce_max3A_209 [1] : vector<49x49xf32> to vector<49xf32>
    %broadcast_in_dim3A_211 = vector.shape_cast %reduce_max3A_210 : vector<49xf32> to vector<49x1xf32>
    %iota3A_212 = tpu.iota {dimensions = array<i32: 1>} : vector<49x49xi32>
    %eq3A_213 = vector.broadcast %broadcast_in_dim3A_211 : vector<49x1xf32> to vector<49x49xf32>
    %eq3A_214 = arith.cmpf oeq, %dot_general3A_208, %eq3A_213 : vector<49x49xf32>
    %jit3A_215 = arith.constant 49 : i32
    %broadcast_in_dim3A_216 = vector.broadcast %jit3A_215 : i32 to vector<49x49xi32>
    %select_n3A_217 = arith.select %eq3A_214, %iota3A_212, %broadcast_in_dim3A_216 : vector<49x49xi1>, vector<49x49xi32>
    %reduce_min3A_218 = arith.constant dense<2147483647> : vector<49xi32>
    %reduce_min3A_219 = vector.multi_reduction <minsi>, %select_n3A_217, %reduce_min3A_218 [1] : vector<49x49xi32> to vector<49xi32>
    %broadcast_in_dim3A_220 = vector.shape_cast %reduce_min3A_219 : vector<49xi32> to vector<49x1xi32>
    %iota3A_221 = tpu.iota {dimensions = array<i32: 1>} : vector<49x49xi32>
    %eq3A_222 = vector.broadcast %broadcast_in_dim3A_220 : vector<49x1xi32> to vector<49x49xi32>
    %eq3A_223 = arith.cmpi eq, %eq3A_222, %iota3A_221 : vector<49x49xi32>
    %convert_element_type3A_224 = arith.extui %eq3A_223 : vector<49x49xi1> to vector<49x49xi32>
    %convert_element_type3A_225 = arith.sitofp %convert_element_type3A_224 : vector<49x49xi32> to vector<49x49xf32>
    %slice3A_226 = vector.extract_strided_slice %div3A_41 {offsets = [3, 0, 0], sizes = [1, 49, 128], strides = [1, 1, 1]} : vector<32x49x128xf32> to vector<1x49x128xf32>
    %squeeze3A_227 = vector.shape_cast %slice3A_226 : vector<1x49x128xf32> to vector<49x128xf32>
    %dot_general3A_228 = arith.constant dense<0.000000e+00> : vector<49x128xf32>
    %dot_general3A_229 = tpu.matmul %convert_element_type3A_225, %squeeze3A_227, %dot_general3A_228 {dimension_numbers = #tpu.dot_dimension_numbers<[1], [0], [0], [1], [0, 0, 1, 1], [], []>, transpose_lhs_hint = false} : vector<49x49xf32>, vector<49x128xf32>, vector<49x128xf32> -> vector<49x128xf32>
    %neg3A_230 = arith.constant 0.000000e+00 : f32
    %neg3A_231 = vector.broadcast %neg3A_230 : f32 to vector<49x128xf32>
    %neg3A_232 = arith.subf %neg3A_231, %dot_general3A_229 : vector<49x128xf32>
    %slice3A_233 = vector.extract_strided_slice %sub3A_80 {offsets = [3, 0, 0], sizes = [1, 49, 128], strides = [1, 1, 1]} : vector<32x49x128xf32> to vector<1x49x128xf32>
    %squeeze3A_234 = vector.shape_cast %slice3A_233 : vector<1x49x128xf32> to vector<49x128xf32>
    %mul3A_235 = arith.mulf %neg3A_232, %squeeze3A_234 : vector<49x128xf32>
    %reduce_sum3A_236 = arith.constant dense<0.000000e+00> : vector<49xf32>
    %reduce_sum3A_237 = vector.multi_reduction <add>, %mul3A_235, %reduce_sum3A_236 [1] : vector<49x128xf32> to vector<49xf32>
    %reduce_sum3A_238 = vector.shape_cast %reduce_sum3A_237 : vector<49xf32> to vector<1x49xf32>
    %reduce_sum3A_239 = arith.constant dense<0.000000e+00> : vector<1xf32>
    %reduce_sum3A_240 = vector.multi_reduction <add>, %reduce_sum3A_238, %reduce_sum3A_239 [1] : vector<1x49xf32> to vector<1xf32>
    %reduce_sum3A_241 = vector.shape_cast %reduce_sum3A_240 : vector<1xf32> to vector<1x1xf32>
    %reduce_sum3A_242 = vector.extract %reduce_sum3A_241[0, 0] : f32 from vector<1x1xf32>
    %div3A_243 = arith.constant 4.900000e+01 : f32
    %div3A_244 = arith.divf %reduce_sum3A_242, %div3A_243 : f32
    %add3A_245 = arith.addf %add3A_202, %div3A_244 : f32
    %slice3A_246 = vector.extract_strided_slice %div3A_62 {offsets = [4, 0, 0], sizes = [1, 49, 128], strides = [1, 1, 1]} : vector<32x49x128xf32> to vector<1x49x128xf32>
    %squeeze3A_247 = vector.shape_cast %slice3A_246 : vector<1x49x128xf32> to vector<49x128xf32>
    %slice3A_248 = vector.extract_strided_slice %div3A_48 {offsets = [4, 0, 0], sizes = [1, 49, 128], strides = [1, 1, 1]} : vector<32x49x128xf32> to vector<1x49x128xf32>
    %squeeze3A_249 = vector.shape_cast %slice3A_248 : vector<1x49x128xf32> to vector<49x128xf32>
    %dot_general3A_250 = arith.constant dense<0.000000e+00> : vector<49x49xf32>
    %dot_general3A_251 = tpu.matmul %squeeze3A_247, %squeeze3A_249, %dot_general3A_250 {dimension_numbers = #tpu.dot_dimension_numbers<[1], [1], [0], [0], [0, 0, 1, 0], [], []>, transpose_lhs_hint = false} : vector<49x128xf32>, vector<49x128xf32>, vector<49x49xf32> -> vector<49x49xf32>
    %reduce_max3A_252 = arith.constant dense<0xFF800000> : vector<49xf32>
    %reduce_max3A_253 = vector.multi_reduction <maximumf>, %dot_general3A_251, %reduce_max3A_252 [1] : vector<49x49xf32> to vector<49xf32>
    %broadcast_in_dim3A_254 = vector.shape_cast %reduce_max3A_253 : vector<49xf32> to vector<49x1xf32>
    %iota3A_255 = tpu.iota {dimensions = array<i32: 1>} : vector<49x49xi32>
    %eq3A_256 = vector.broadcast %broadcast_in_dim3A_254 : vector<49x1xf32> to vector<49x49xf32>
    %eq3A_257 = arith.cmpf oeq, %dot_general3A_251, %eq3A_256 : vector<49x49xf32>
    %jit3A_258 = arith.constant 49 : i32
    %broadcast_in_dim3A_259 = vector.broadcast %jit3A_258 : i32 to vector<49x49xi32>
    %select_n3A_260 = arith.select %eq3A_257, %iota3A_255, %broadcast_in_dim3A_259 : vector<49x49xi1>, vector<49x49xi32>
    %reduce_min3A_261 = arith.constant dense<2147483647> : vector<49xi32>
    %reduce_min3A_262 = vector.multi_reduction <minsi>, %select_n3A_260, %reduce_min3A_261 [1] : vector<49x49xi32> to vector<49xi32>
    %broadcast_in_dim3A_263 = vector.shape_cast %reduce_min3A_262 : vector<49xi32> to vector<49x1xi32>
    %iota3A_264 = tpu.iota {dimensions = array<i32: 1>} : vector<49x49xi32>
    %eq3A_265 = vector.broadcast %broadcast_in_dim3A_263 : vector<49x1xi32> to vector<49x49xi32>
    %eq3A_266 = arith.cmpi eq, %eq3A_265, %iota3A_264 : vector<49x49xi32>
    %convert_element_type3A_267 = arith.extui %eq3A_266 : vector<49x49xi1> to vector<49x49xi32>
    %convert_element_type3A_268 = arith.sitofp %convert_element_type3A_267 : vector<49x49xi32> to vector<49x49xf32>
    %slice3A_269 = vector.extract_strided_slice %div3A_41 {offsets = [4, 0, 0], sizes = [1, 49, 128], strides = [1, 1, 1]} : vector<32x49x128xf32> to vector<1x49x128xf32>
    %squeeze3A_270 = vector.shape_cast %slice3A_269 : vector<1x49x128xf32> to vector<49x128xf32>
    %dot_general3A_271 = arith.constant dense<0.000000e+00> : vector<49x128xf32>
    %dot_general3A_272 = tpu.matmul %convert_element_type3A_268, %squeeze3A_270, %dot_general3A_271 {dimension_numbers = #tpu.dot_dimension_numbers<[1], [0], [0], [1], [0, 0, 1, 1], [], []>, transpose_lhs_hint = false} : vector<49x49xf32>, vector<49x128xf32>, vector<49x128xf32> -> vector<49x128xf32>
    %neg3A_273 = arith.constant 0.000000e+00 : f32
    %neg3A_274 = vector.broadcast %neg3A_273 : f32 to vector<49x128xf32>
    %neg3A_275 = arith.subf %neg3A_274, %dot_general3A_272 : vector<49x128xf32>
    %slice3A_276 = vector.extract_strided_slice %sub3A_80 {offsets = [4, 0, 0], sizes = [1, 49, 128], strides = [1, 1, 1]} : vector<32x49x128xf32> to vector<1x49x128xf32>
    %squeeze3A_277 = vector.shape_cast %slice3A_276 : vector<1x49x128xf32> to vector<49x128xf32>
    %mul3A_278 = arith.mulf %neg3A_275, %squeeze3A_277 : vector<49x128xf32>
    %reduce_sum3A_279 = arith.constant dense<0.000000e+00> : vector<49xf32>
    %reduce_sum3A_280 = vector.multi_reduction <add>, %mul3A_278, %reduce_sum3A_279 [1] : vector<49x128xf32> to vector<49xf32>
    %reduce_sum3A_281 = vector.shape_cast %reduce_sum3A_280 : vector<49xf32> to vector<1x49xf32>
    %reduce_sum3A_282 = arith.constant dense<0.000000e+00> : vector<1xf32>
    %reduce_sum3A_283 = vector.multi_reduction <add>, %reduce_sum3A_281, %reduce_sum3A_282 [1] : vector<1x49xf32> to vector<1xf32>
    %reduce_sum3A_284 = vector.shape_cast %reduce_sum3A_283 : vector<1xf32> to vector<1x1xf32>
    %reduce_sum3A_285 = vector.extract %reduce_sum3A_284[0, 0] : f32 from vector<1x1xf32>
    %div3A_286 = arith.constant 4.900000e+01 : f32
    %div3A_287 = arith.divf %reduce_sum3A_285, %div3A_286 : f32
    %add3A_288 = arith.addf %add3A_245, %div3A_287 : f32
    %slice3A_289 = vector.extract_strided_slice %div3A_62 {offsets = [5, 0, 0], sizes = [1, 49, 128], strides = [1, 1, 1]} : vector<32x49x128xf32> to vector<1x49x128xf32>
    %squeeze3A_290 = vector.shape_cast %slice3A_289 : vector<1x49x128xf32> to vector<49x128xf32>
    %slice3A_291 = vector.extract_strided_slice %div3A_48 {offsets = [5, 0, 0], sizes = [1, 49, 128], strides = [1, 1, 1]} : vector<32x49x128xf32> to vector<1x49x128xf32>
    %squeeze3A_292 = vector.shape_cast %slice3A_291 : vector<1x49x128xf32> to vector<49x128xf32>
    %dot_general3A_293 = arith.constant dense<0.000000e+00> : vector<49x49xf32>
    %dot_general3A_294 = tpu.matmul %squeeze3A_290, %squeeze3A_292, %dot_general3A_293 {dimension_numbers = #tpu.dot_dimension_numbers<[1], [1], [0], [0], [0, 0, 1, 0], [], []>, transpose_lhs_hint = false} : vector<49x128xf32>, vector<49x128xf32>, vector<49x49xf32> -> vector<49x49xf32>
    %reduce_max3A_295 = arith.constant dense<0xFF800000> : vector<49xf32>
    %reduce_max3A_296 = vector.multi_reduction <maximumf>, %dot_general3A_294, %reduce_max3A_295 [1] : vector<49x49xf32> to vector<49xf32>
    %broadcast_in_dim3A_297 = vector.shape_cast %reduce_max3A_296 : vector<49xf32> to vector<49x1xf32>
    %iota3A_298 = tpu.iota {dimensions = array<i32: 1>} : vector<49x49xi32>
    %eq3A_299 = vector.broadcast %broadcast_in_dim3A_297 : vector<49x1xf32> to vector<49x49xf32>
    %eq3A_300 = arith.cmpf oeq, %dot_general3A_294, %eq3A_299 : vector<49x49xf32>
    %jit3A_301 = arith.constant 49 : i32
    %broadcast_in_dim3A_302 = vector.broadcast %jit3A_301 : i32 to vector<49x49xi32>
    %select_n3A_303 = arith.select %eq3A_300, %iota3A_298, %broadcast_in_dim3A_302 : vector<49x49xi1>, vector<49x49xi32>
    %reduce_min3A_304 = arith.constant dense<2147483647> : vector<49xi32>
    %reduce_min3A_305 = vector.multi_reduction <minsi>, %select_n3A_303, %reduce_min3A_304 [1] : vector<49x49xi32> to vector<49xi32>
    %broadcast_in_dim3A_306 = vector.shape_cast %reduce_min3A_305 : vector<49xi32> to vector<49x1xi32>
    %iota3A_307 = tpu.iota {dimensions = array<i32: 1>} : vector<49x49xi32>
    %eq3A_308 = vector.broadcast %broadcast_in_dim3A_306 : vector<49x1xi32> to vector<49x49xi32>
    %eq3A_309 = arith.cmpi eq, %eq3A_308, %iota3A_307 : vector<49x49xi32>
    %convert_element_type3A_310 = arith.extui %eq3A_309 : vector<49x49xi1> to vector<49x49xi32>
    %convert_element_type3A_311 = arith.sitofp %convert_element_type3A_310 : vector<49x49xi32> to vector<49x49xf32>
    %slice3A_312 = vector.extract_strided_slice %div3A_41 {offsets = [5, 0, 0], sizes = [1, 49, 128], strides = [1, 1, 1]} : vector<32x49x128xf32> to vector<1x49x128xf32>
    %squeeze3A_313 = vector.shape_cast %slice3A_312 : vector<1x49x128xf32> to vector<49x128xf32>
    %dot_general3A_314 = arith.constant dense<0.000000e+00> : vector<49x128xf32>
    %dot_general3A_315 = tpu.matmul %convert_element_type3A_311, %squeeze3A_313, %dot_general3A_314 {dimension_numbers = #tpu.dot_dimension_numbers<[1], [0], [0], [1], [0, 0, 1, 1], [], []>, transpose_lhs_hint = false} : vector<49x49xf32>, vector<49x128xf32>, vector<49x128xf32> -> vector<49x128xf32>
    %neg3A_316 = arith.constant 0.000000e+00 : f32
    %neg3A_317 = vector.broadcast %neg3A_316 : f32 to vector<49x128xf32>
    %neg3A_318 = arith.subf %neg3A_317, %dot_general3A_315 : vector<49x128xf32>
    %slice3A_319 = vector.extract_strided_slice %sub3A_80 {offsets = [5, 0, 0], sizes = [1, 49, 128], strides = [1, 1, 1]} : vector<32x49x128xf32> to vector<1x49x128xf32>
    %squeeze3A_320 = vector.shape_cast %slice3A_319 : vector<1x49x128xf32> to vector<49x128xf32>
    %mul3A_321 = arith.mulf %neg3A_318, %squeeze3A_320 : vector<49x128xf32>
    %reduce_sum3A_322 = arith.constant dense<0.000000e+00> : vector<49xf32>
    %reduce_sum3A_323 = vector.multi_reduction <add>, %mul3A_321, %reduce_sum3A_322 [1] : vector<49x128xf32> to vector<49xf32>
    %reduce_sum3A_324 = vector.shape_cast %reduce_sum3A_323 : vector<49xf32> to vector<1x49xf32>
    %reduce_sum3A_325 = arith.constant dense<0.000000e+00> : vector<1xf32>
    %reduce_sum3A_326 = vector.multi_reduction <add>, %reduce_sum3A_324, %reduce_sum3A_325 [1] : vector<1x49xf32> to vector<1xf32>
    %reduce_sum3A_327 = vector.shape_cast %reduce_sum3A_326 : vector<1xf32> to vector<1x1xf32>
    %reduce_sum3A_328 = vector.extract %reduce_sum3A_327[0, 0] : f32 from vector<1x1xf32>
    %div3A_329 = arith.constant 4.900000e+01 : f32
    %div3A_330 = arith.divf %reduce_sum3A_328, %div3A_329 : f32
    %add3A_331 = arith.addf %add3A_288, %div3A_330 : f32
    %slice3A_332 = vector.extract_strided_slice %div3A_62 {offsets = [6, 0, 0], sizes = [1, 49, 128], strides = [1, 1, 1]} : vector<32x49x128xf32> to vector<1x49x128xf32>
    %squeeze3A_333 = vector.shape_cast %slice3A_332 : vector<1x49x128xf32> to vector<49x128xf32>
    %slice3A_334 = vector.extract_strided_slice %div3A_48 {offsets = [6, 0, 0], sizes = [1, 49, 128], strides = [1, 1, 1]} : vector<32x49x128xf32> to vector<1x49x128xf32>
    %squeeze3A_335 = vector.shape_cast %slice3A_334 : vector<1x49x128xf32> to vector<49x128xf32>
    %dot_general3A_336 = arith.constant dense<0.000000e+00> : vector<49x49xf32>
    %dot_general3A_337 = tpu.matmul %squeeze3A_333, %squeeze3A_335, %dot_general3A_336 {dimension_numbers = #tpu.dot_dimension_numbers<[1], [1], [0], [0], [0, 0, 1, 0], [], []>, transpose_lhs_hint = false} : vector<49x128xf32>, vector<49x128xf32>, vector<49x49xf32> -> vector<49x49xf32>
    %reduce_max3A_338 = arith.constant dense<0xFF800000> : vector<49xf32>
    %reduce_max3A_339 = vector.multi_reduction <maximumf>, %dot_general3A_337, %reduce_max3A_338 [1] : vector<49x49xf32> to vector<49xf32>
    %broadcast_in_dim3A_340 = vector.shape_cast %reduce_max3A_339 : vector<49xf32> to vector<49x1xf32>
    %iota3A_341 = tpu.iota {dimensions = array<i32: 1>} : vector<49x49xi32>
    %eq3A_342 = vector.broadcast %broadcast_in_dim3A_340 : vector<49x1xf32> to vector<49x49xf32>
    %eq3A_343 = arith.cmpf oeq, %dot_general3A_337, %eq3A_342 : vector<49x49xf32>
    %jit3A_344 = arith.constant 49 : i32
    %broadcast_in_dim3A_345 = vector.broadcast %jit3A_344 : i32 to vector<49x49xi32>
    %select_n3A_346 = arith.select %eq3A_343, %iota3A_341, %broadcast_in_dim3A_345 : vector<49x49xi1>, vector<49x49xi32>
    %reduce_min3A_347 = arith.constant dense<2147483647> : vector<49xi32>
    %reduce_min3A_348 = vector.multi_reduction <minsi>, %select_n3A_346, %reduce_min3A_347 [1] : vector<49x49xi32> to vector<49xi32>
    %broadcast_in_dim3A_349 = vector.shape_cast %reduce_min3A_348 : vector<49xi32> to vector<49x1xi32>
    %iota3A_350 = tpu.iota {dimensions = array<i32: 1>} : vector<49x49xi32>
    %eq3A_351 = vector.broadcast %broadcast_in_dim3A_349 : vector<49x1xi32> to vector<49x49xi32>
    %eq3A_352 = arith.cmpi eq, %eq3A_351, %iota3A_350 : vector<49x49xi32>
    %convert_element_type3A_353 = arith.extui %eq3A_352 : vector<49x49xi1> to vector<49x49xi32>
    %convert_element_type3A_354 = arith.sitofp %convert_element_type3A_353 : vector<49x49xi32> to vector<49x49xf32>
    %slice3A_355 = vector.extract_strided_slice %div3A_41 {offsets = [6, 0, 0], sizes = [1, 49, 128], strides = [1, 1, 1]} : vector<32x49x128xf32> to vector<1x49x128xf32>
    %squeeze3A_356 = vector.shape_cast %slice3A_355 : vector<1x49x128xf32> to vector<49x128xf32>
    %dot_general3A_357 = arith.constant dense<0.000000e+00> : vector<49x128xf32>
    %dot_general3A_358 = tpu.matmul %convert_element_type3A_354, %squeeze3A_356, %dot_general3A_357 {dimension_numbers = #tpu.dot_dimension_numbers<[1], [0], [0], [1], [0, 0, 1, 1], [], []>, transpose_lhs_hint = false} : vector<49x49xf32>, vector<49x128xf32>, vector<49x128xf32> -> vector<49x128xf32>
    %neg3A_359 = arith.constant 0.000000e+00 : f32
    %neg3A_360 = vector.broadcast %neg3A_359 : f32 to vector<49x128xf32>
    %neg3A_361 = arith.subf %neg3A_360, %dot_general3A_358 : vector<49x128xf32>
    %slice3A_362 = vector.extract_strided_slice %sub3A_80 {offsets = [6, 0, 0], sizes = [1, 49, 128], strides = [1, 1, 1]} : vector<32x49x128xf32> to vector<1x49x128xf32>
    %squeeze3A_363 = vector.shape_cast %slice3A_362 : vector<1x49x128xf32> to vector<49x128xf32>
    %mul3A_364 = arith.mulf %neg3A_361, %squeeze3A_363 : vector<49x128xf32>
    %reduce_sum3A_365 = arith.constant dense<0.000000e+00> : vector<49xf32>
    %reduce_sum3A_366 = vector.multi_reduction <add>, %mul3A_364, %reduce_sum3A_365 [1] : vector<49x128xf32> to vector<49xf32>
    %reduce_sum3A_367 = vector.shape_cast %reduce_sum3A_366 : vector<49xf32> to vector<1x49xf32>
    %reduce_sum3A_368 = arith.constant dense<0.000000e+00> : vector<1xf32>
    %reduce_sum3A_369 = vector.multi_reduction <add>, %reduce_sum3A_367, %reduce_sum3A_368 [1] : vector<1x49xf32> to vector<1xf32>
    %reduce_sum3A_370 = vector.shape_cast %reduce_sum3A_369 : vector<1xf32> to vector<1x1xf32>
    %reduce_sum3A_371 = vector.extract %reduce_sum3A_370[0, 0] : f32 from vector<1x1xf32>
    %div3A_372 = arith.constant 4.900000e+01 : f32
    %div3A_373 = arith.divf %reduce_sum3A_371, %div3A_372 : f32
    %add3A_374 = arith.addf %add3A_331, %div3A_373 : f32
    %slice3A_375 = vector.extract_strided_slice %div3A_62 {offsets = [7, 0, 0], sizes = [1, 49, 128], strides = [1, 1, 1]} : vector<32x49x128xf32> to vector<1x49x128xf32>
    %squeeze3A_376 = vector.shape_cast %slice3A_375 : vector<1x49x128xf32> to vector<49x128xf32>
    %slice3A_377 = vector.extract_strided_slice %div3A_48 {offsets = [7, 0, 0], sizes = [1, 49, 128], strides = [1, 1, 1]} : vector<32x49x128xf32> to vector<1x49x128xf32>
    %squeeze3A_378 = vector.shape_cast %slice3A_377 : vector<1x49x128xf32> to vector<49x128xf32>
    %dot_general3A_379 = arith.constant dense<0.000000e+00> : vector<49x49xf32>
    %dot_general3A_380 = tpu.matmul %squeeze3A_376, %squeeze3A_378, %dot_general3A_379 {dimension_numbers = #tpu.dot_dimension_numbers<[1], [1], [0], [0], [0, 0, 1, 0], [], []>, transpose_lhs_hint = false} : vector<49x128xf32>, vector<49x128xf32>, vector<49x49xf32> -> vector<49x49xf32>
    %reduce_max3A_381 = arith.constant dense<0xFF800000> : vector<49xf32>
    %reduce_max3A_382 = vector.multi_reduction <maximumf>, %dot_general3A_380, %reduce_max3A_381 [1] : vector<49x49xf32> to vector<49xf32>
    %broadcast_in_dim3A_383 = vector.shape_cast %reduce_max3A_382 : vector<49xf32> to vector<49x1xf32>
    %iota3A_384 = tpu.iota {dimensions = array<i32: 1>} : vector<49x49xi32>
    %eq3A_385 = vector.broadcast %broadcast_in_dim3A_383 : vector<49x1xf32> to vector<49x49xf32>
    %eq3A_386 = arith.cmpf oeq, %dot_general3A_380, %eq3A_385 : vector<49x49xf32>
    %jit3A_387 = arith.constant 49 : i32
    %broadcast_in_dim3A_388 = vector.broadcast %jit3A_387 : i32 to vector<49x49xi32>
    %select_n3A_389 = arith.select %eq3A_386, %iota3A_384, %broadcast_in_dim3A_388 : vector<49x49xi1>, vector<49x49xi32>
    %reduce_min3A_390 = arith.constant dense<2147483647> : vector<49xi32>
    %reduce_min3A_391 = vector.multi_reduction <minsi>, %select_n3A_389, %reduce_min3A_390 [1] : vector<49x49xi32> to vector<49xi32>
    %broadcast_in_dim3A_392 = vector.shape_cast %reduce_min3A_391 : vector<49xi32> to vector<49x1xi32>
    %iota3A_393 = tpu.iota {dimensions = array<i32: 1>} : vector<49x49xi32>
    %eq3A_394 = vector.broadcast %broadcast_in_dim3A_392 : vector<49x1xi32> to vector<49x49xi32>
    %eq3A_395 = arith.cmpi eq, %eq3A_394, %iota3A_393 : vector<49x49xi32>
    %convert_element_type3A_396 = arith.extui %eq3A_395 : vector<49x49xi1> to vector<49x49xi32>
    %convert_element_type3A_397 = arith.sitofp %convert_element_type3A_396 : vector<49x49xi32> to vector<49x49xf32>
    %slice3A_398 = vector.extract_strided_slice %div3A_41 {offsets = [7, 0, 0], sizes = [1, 49, 128], strides = [1, 1, 1]} : vector<32x49x128xf32> to vector<1x49x128xf32>
    %squeeze3A_399 = vector.shape_cast %slice3A_398 : vector<1x49x128xf32> to vector<49x128xf32>
    %dot_general3A_400 = arith.constant dense<0.000000e+00> : vector<49x128xf32>
    %dot_general3A_401 = tpu.matmul %convert_element_type3A_397, %squeeze3A_399, %dot_general3A_400 {dimension_numbers = #tpu.dot_dimension_numbers<[1], [0], [0], [1], [0, 0, 1, 1], [], []>, transpose_lhs_hint = false} : vector<49x49xf32>, vector<49x128xf32>, vector<49x128xf32> -> vector<49x128xf32>
    %neg3A_402 = arith.constant 0.000000e+00 : f32
    %neg3A_403 = vector.broadcast %neg3A_402 : f32 to vector<49x128xf32>
    %neg3A_404 = arith.subf %neg3A_403, %dot_general3A_401 : vector<49x128xf32>
    %slice3A_405 = vector.extract_strided_slice %sub3A_80 {offsets = [7, 0, 0], sizes = [1, 49, 128], strides = [1, 1, 1]} : vector<32x49x128xf32> to vector<1x49x128xf32>
    %squeeze3A_406 = vector.shape_cast %slice3A_405 : vector<1x49x128xf32> to vector<49x128xf32>
    %mul3A_407 = arith.mulf %neg3A_404, %squeeze3A_406 : vector<49x128xf32>
    %reduce_sum3A_408 = arith.constant dense<0.000000e+00> : vector<49xf32>
    %reduce_sum3A_409 = vector.multi_reduction <add>, %mul3A_407, %reduce_sum3A_408 [1] : vector<49x128xf32> to vector<49xf32>
    %reduce_sum3A_410 = vector.shape_cast %reduce_sum3A_409 : vector<49xf32> to vector<1x49xf32>
    %reduce_sum3A_411 = arith.constant dense<0.000000e+00> : vector<1xf32>
    %reduce_sum3A_412 = vector.multi_reduction <add>, %reduce_sum3A_410, %reduce_sum3A_411 [1] : vector<1x49xf32> to vector<1xf32>
    %reduce_sum3A_413 = vector.shape_cast %reduce_sum3A_412 : vector<1xf32> to vector<1x1xf32>
    %reduce_sum3A_414 = vector.extract %reduce_sum3A_413[0, 0] : f32 from vector<1x1xf32>
    %div3A_415 = arith.constant 4.900000e+01 : f32
    %div3A_416 = arith.divf %reduce_sum3A_414, %div3A_415 : f32
    %add3A_417 = arith.addf %add3A_374, %div3A_416 : f32
    %slice3A_418 = vector.extract_strided_slice %div3A_62 {offsets = [8, 0, 0], sizes = [1, 49, 128], strides = [1, 1, 1]} : vector<32x49x128xf32> to vector<1x49x128xf32>
    %squeeze3A_419 = vector.shape_cast %slice3A_418 : vector<1x49x128xf32> to vector<49x128xf32>
    %slice3A_420 = vector.extract_strided_slice %div3A_48 {offsets = [8, 0, 0], sizes = [1, 49, 128], strides = [1, 1, 1]} : vector<32x49x128xf32> to vector<1x49x128xf32>
    %squeeze3A_421 = vector.shape_cast %slice3A_420 : vector<1x49x128xf32> to vector<49x128xf32>
    %dot_general3A_422 = arith.constant dense<0.000000e+00> : vector<49x49xf32>
    %dot_general3A_423 = tpu.matmul %squeeze3A_419, %squeeze3A_421, %dot_general3A_422 {dimension_numbers = #tpu.dot_dimension_numbers<[1], [1], [0], [0], [0, 0, 1, 0], [], []>, transpose_lhs_hint = false} : vector<49x128xf32>, vector<49x128xf32>, vector<49x49xf32> -> vector<49x49xf32>
    %reduce_max3A_424 = arith.constant dense<0xFF800000> : vector<49xf32>
    %reduce_max3A_425 = vector.multi_reduction <maximumf>, %dot_general3A_423, %reduce_max3A_424 [1] : vector<49x49xf32> to vector<49xf32>
    %broadcast_in_dim3A_426 = vector.shape_cast %reduce_max3A_425 : vector<49xf32> to vector<49x1xf32>
    %iota3A_427 = tpu.iota {dimensions = array<i32: 1>} : vector<49x49xi32>
    %eq3A_428 = vector.broadcast %broadcast_in_dim3A_426 : vector<49x1xf32> to vector<49x49xf32>
    %eq3A_429 = arith.cmpf oeq, %dot_general3A_423, %eq3A_428 : vector<49x49xf32>
    %jit3A_430 = arith.constant 49 : i32
    %broadcast_in_dim3A_431 = vector.broadcast %jit3A_430 : i32 to vector<49x49xi32>
    %select_n3A_432 = arith.select %eq3A_429, %iota3A_427, %broadcast_in_dim3A_431 : vector<49x49xi1>, vector<49x49xi32>
    %reduce_min3A_433 = arith.constant dense<2147483647> : vector<49xi32>
    %reduce_min3A_434 = vector.multi_reduction <minsi>, %select_n3A_432, %reduce_min3A_433 [1] : vector<49x49xi32> to vector<49xi32>
    %broadcast_in_dim3A_435 = vector.shape_cast %reduce_min3A_434 : vector<49xi32> to vector<49x1xi32>
    %iota3A_436 = tpu.iota {dimensions = array<i32: 1>} : vector<49x49xi32>
    %eq3A_437 = vector.broadcast %broadcast_in_dim3A_435 : vector<49x1xi32> to vector<49x49xi32>
    %eq3A_438 = arith.cmpi eq, %eq3A_437, %iota3A_436 : vector<49x49xi32>
    %convert_element_type3A_439 = arith.extui %eq3A_438 : vector<49x49xi1> to vector<49x49xi32>
    %convert_element_type3A_440 = arith.sitofp %convert_element_type3A_439 : vector<49x49xi32> to vector<49x49xf32>
    %slice3A_441 = vector.extract_strided_slice %div3A_41 {offsets = [8, 0, 0], sizes = [1, 49, 128], strides = [1, 1, 1]} : vector<32x49x128xf32> to vector<1x49x128xf32>
    %squeeze3A_442 = vector.shape_cast %slice3A_441 : vector<1x49x128xf32> to vector<49x128xf32>
    %dot_general3A_443 = arith.constant dense<0.000000e+00> : vector<49x128xf32>
    %dot_general3A_444 = tpu.matmul %convert_element_type3A_440, %squeeze3A_442, %dot_general3A_443 {dimension_numbers = #tpu.dot_dimension_numbers<[1], [0], [0], [1], [0, 0, 1, 1], [], []>, transpose_lhs_hint = false} : vector<49x49xf32>, vector<49x128xf32>, vector<49x128xf32> -> vector<49x128xf32>
    %neg3A_445 = arith.constant 0.000000e+00 : f32
    %neg3A_446 = vector.broadcast %neg3A_445 : f32 to vector<49x128xf32>
    %neg3A_447 = arith.subf %neg3A_446, %dot_general3A_444 : vector<49x128xf32>
    %slice3A_448 = vector.extract_strided_slice %sub3A_80 {offsets = [8, 0, 0], sizes = [1, 49, 128], strides = [1, 1, 1]} : vector<32x49x128xf32> to vector<1x49x128xf32>
    %squeeze3A_449 = vector.shape_cast %slice3A_448 : vector<1x49x128xf32> to vector<49x128xf32>
    %mul3A_450 = arith.mulf %neg3A_447, %squeeze3A_449 : vector<49x128xf32>
    %reduce_sum3A_451 = arith.constant dense<0.000000e+00> : vector<49xf32>
    %reduce_sum3A_452 = vector.multi_reduction <add>, %mul3A_450, %reduce_sum3A_451 [1] : vector<49x128xf32> to vector<49xf32>
    %reduce_sum3A_453 = vector.shape_cast %reduce_sum3A_452 : vector<49xf32> to vector<1x49xf32>
    %reduce_sum3A_454 = arith.constant dense<0.000000e+00> : vector<1xf32>
    %reduce_sum3A_455 = vector.multi_reduction <add>, %reduce_sum3A_453, %reduce_sum3A_454 [1] : vector<1x49xf32> to vector<1xf32>
    %reduce_sum3A_456 = vector.shape_cast %reduce_sum3A_455 : vector<1xf32> to vector<1x1xf32>
    %reduce_sum3A_457 = vector.extract %reduce_sum3A_456[0, 0] : f32 from vector<1x1xf32>
    %div3A_458 = arith.constant 4.900000e+01 : f32
    %div3A_459 = arith.divf %reduce_sum3A_457, %div3A_458 : f32
    %add3A_460 = arith.addf %add3A_417, %div3A_459 : f32
    %slice3A_461 = vector.extract_strided_slice %div3A_62 {offsets = [9, 0, 0], sizes = [1, 49, 128], strides = [1, 1, 1]} : vector<32x49x128xf32> to vector<1x49x128xf32>
    %squeeze3A_462 = vector.shape_cast %slice3A_461 : vector<1x49x128xf32> to vector<49x128xf32>
    %slice3A_463 = vector.extract_strided_slice %div3A_48 {offsets = [9, 0, 0], sizes = [1, 49, 128], strides = [1, 1, 1]} : vector<32x49x128xf32> to vector<1x49x128xf32>
    %squeeze3A_464 = vector.shape_cast %slice3A_463 : vector<1x49x128xf32> to vector<49x128xf32>
    %dot_general3A_465 = arith.constant dense<0.000000e+00> : vector<49x49xf32>
    %dot_general3A_466 = tpu.matmul %squeeze3A_462, %squeeze3A_464, %dot_general3A_465 {dimension_numbers = #tpu.dot_dimension_numbers<[1], [1], [0], [0], [0, 0, 1, 0], [], []>, transpose_lhs_hint = false} : vector<49x128xf32>, vector<49x128xf32>, vector<49x49xf32> -> vector<49x49xf32>
    %reduce_max3A_467 = arith.constant dense<0xFF800000> : vector<49xf32>
    %reduce_max3A_468 = vector.multi_reduction <maximumf>, %dot_general3A_466, %reduce_max3A_467 [1] : vector<49x49xf32> to vector<49xf32>
    %broadcast_in_dim3A_469 = vector.shape_cast %reduce_max3A_468 : vector<49xf32> to vector<49x1xf32>
    %iota3A_470 = tpu.iota {dimensions = array<i32: 1>} : vector<49x49xi32>
    %eq3A_471 = vector.broadcast %broadcast_in_dim3A_469 : vector<49x1xf32> to vector<49x49xf32>
    %eq3A_472 = arith.cmpf oeq, %dot_general3A_466, %eq3A_471 : vector<49x49xf32>
    %jit3A_473 = arith.constant 49 : i32
    %broadcast_in_dim3A_474 = vector.broadcast %jit3A_473 : i32 to vector<49x49xi32>
    %select_n3A_475 = arith.select %eq3A_472, %iota3A_470, %broadcast_in_dim3A_474 : vector<49x49xi1>, vector<49x49xi32>
    %reduce_min3A_476 = arith.constant dense<2147483647> : vector<49xi32>
    %reduce_min3A_477 = vector.multi_reduction <minsi>, %select_n3A_475, %reduce_min3A_476 [1] : vector<49x49xi32> to vector<49xi32>
    %broadcast_in_dim3A_478 = vector.shape_cast %reduce_min3A_477 : vector<49xi32> to vector<49x1xi32>
    %iota3A_479 = tpu.iota {dimensions = array<i32: 1>} : vector<49x49xi32>
    %eq3A_480 = vector.broadcast %broadcast_in_dim3A_478 : vector<49x1xi32> to vector<49x49xi32>
    %eq3A_481 = arith.cmpi eq, %eq3A_480, %iota3A_479 : vector<49x49xi32>
    %convert_element_type3A_482 = arith.extui %eq3A_481 : vector<49x49xi1> to vector<49x49xi32>
    %convert_element_type3A_483 = arith.sitofp %convert_element_type3A_482 : vector<49x49xi32> to vector<49x49xf32>
    %slice3A_484 = vector.extract_strided_slice %div3A_41 {offsets = [9, 0, 0], sizes = [1, 49, 128], strides = [1, 1, 1]} : vector<32x49x128xf32> to vector<1x49x128xf32>
    %squeeze3A_485 = vector.shape_cast %slice3A_484 : vector<1x49x128xf32> to vector<49x128xf32>
    %dot_general3A_486 = arith.constant dense<0.000000e+00> : vector<49x128xf32>
    %dot_general3A_487 = tpu.matmul %convert_element_type3A_483, %squeeze3A_485, %dot_general3A_486 {dimension_numbers = #tpu.dot_dimension_numbers<[1], [0], [0], [1], [0, 0, 1, 1], [], []>, transpose_lhs_hint = false} : vector<49x49xf32>, vector<49x128xf32>, vector<49x128xf32> -> vector<49x128xf32>
    %neg3A_488 = arith.constant 0.000000e+00 : f32
    %neg3A_489 = vector.broadcast %neg3A_488 : f32 to vector<49x128xf32>
    %neg3A_490 = arith.subf %neg3A_489, %dot_general3A_487 : vector<49x128xf32>
    %slice3A_491 = vector.extract_strided_slice %sub3A_80 {offsets = [9, 0, 0], sizes = [1, 49, 128], strides = [1, 1, 1]} : vector<32x49x128xf32> to vector<1x49x128xf32>
    %squeeze3A_492 = vector.shape_cast %slice3A_491 : vector<1x49x128xf32> to vector<49x128xf32>
    %mul3A_493 = arith.mulf %neg3A_490, %squeeze3A_492 : vector<49x128xf32>
    %reduce_sum3A_494 = arith.constant dense<0.000000e+00> : vector<49xf32>
    %reduce_sum3A_495 = vector.multi_reduction <add>, %mul3A_493, %reduce_sum3A_494 [1] : vector<49x128xf32> to vector<49xf32>
    %reduce_sum3A_496 = vector.shape_cast %reduce_sum3A_495 : vector<49xf32> to vector<1x49xf32>
    %reduce_sum3A_497 = arith.constant dense<0.000000e+00> : vector<1xf32>
    %reduce_sum3A_498 = vector.multi_reduction <add>, %reduce_sum3A_496, %reduce_sum3A_497 [1] : vector<1x49xf32> to vector<1xf32>
    %reduce_sum3A_499 = vector.shape_cast %reduce_sum3A_498 : vector<1xf32> to vector<1x1xf32>
    %reduce_sum3A_500 = vector.extract %reduce_sum3A_499[0, 0] : f32 from vector<1x1xf32>
    %div3A_501 = arith.constant 4.900000e+01 : f32
    %div3A_502 = arith.divf %reduce_sum3A_500, %div3A_501 : f32
    %add3A_503 = arith.addf %add3A_460, %div3A_502 : f32
    %slice3A_504 = vector.extract_strided_slice %div3A_62 {offsets = [10, 0, 0], sizes = [1, 49, 128], strides = [1, 1, 1]} : vector<32x49x128xf32> to vector<1x49x128xf32>
    %squeeze3A_505 = vector.shape_cast %slice3A_504 : vector<1x49x128xf32> to vector<49x128xf32>
    %slice3A_506 = vector.extract_strided_slice %div3A_48 {offsets = [10, 0, 0], sizes = [1, 49, 128], strides = [1, 1, 1]} : vector<32x49x128xf32> to vector<1x49x128xf32>
    %squeeze3A_507 = vector.shape_cast %slice3A_506 : vector<1x49x128xf32> to vector<49x128xf32>
    %dot_general3A_508 = arith.constant dense<0.000000e+00> : vector<49x49xf32>
    %dot_general3A_509 = tpu.matmul %squeeze3A_505, %squeeze3A_507, %dot_general3A_508 {dimension_numbers = #tpu.dot_dimension_numbers<[1], [1], [0], [0], [0, 0, 1, 0], [], []>, transpose_lhs_hint = false} : vector<49x128xf32>, vector<49x128xf32>, vector<49x49xf32> -> vector<49x49xf32>
    %reduce_max3A_510 = arith.constant dense<0xFF800000> : vector<49xf32>
    %reduce_max3A_511 = vector.multi_reduction <maximumf>, %dot_general3A_509, %reduce_max3A_510 [1] : vector<49x49xf32> to vector<49xf32>
    %broadcast_in_dim3A_512 = vector.shape_cast %reduce_max3A_511 : vector<49xf32> to vector<49x1xf32>
    %iota3A_513 = tpu.iota {dimensions = array<i32: 1>} : vector<49x49xi32>
    %eq3A_514 = vector.broadcast %broadcast_in_dim3A_512 : vector<49x1xf32> to vector<49x49xf32>
    %eq3A_515 = arith.cmpf oeq, %dot_general3A_509, %eq3A_514 : vector<49x49xf32>
    %jit3A_516 = arith.constant 49 : i32
    %broadcast_in_dim3A_517 = vector.broadcast %jit3A_516 : i32 to vector<49x49xi32>
    %select_n3A_518 = arith.select %eq3A_515, %iota3A_513, %broadcast_in_dim3A_517 : vector<49x49xi1>, vector<49x49xi32>
    %reduce_min3A_519 = arith.constant dense<2147483647> : vector<49xi32>
    %reduce_min3A_520 = vector.multi_reduction <minsi>, %select_n3A_518, %reduce_min3A_519 [1] : vector<49x49xi32> to vector<49xi32>
    %broadcast_in_dim3A_521 = vector.shape_cast %reduce_min3A_520 : vector<49xi32> to vector<49x1xi32>
    %iota3A_522 = tpu.iota {dimensions = array<i32: 1>} : vector<49x49xi32>
    %eq3A_523 = vector.broadcast %broadcast_in_dim3A_521 : vector<49x1xi32> to vector<49x49xi32>
    %eq3A_524 = arith.cmpi eq, %eq3A_523, %iota3A_522 : vector<49x49xi32>
    %convert_element_type3A_525 = arith.extui %eq3A_524 : vector<49x49xi1> to vector<49x49xi32>
    %convert_element_type3A_526 = arith.sitofp %convert_element_type3A_525 : vector<49x49xi32> to vector<49x49xf32>
    %slice3A_527 = vector.extract_strided_slice %div3A_41 {offsets = [10, 0, 0], sizes = [1, 49, 128], strides = [1, 1, 1]} : vector<32x49x128xf32> to vector<1x49x128xf32>
    %squeeze3A_528 = vector.shape_cast %slice3A_527 : vector<1x49x128xf32> to vector<49x128xf32>
    %dot_general3A_529 = arith.constant dense<0.000000e+00> : vector<49x128xf32>
    %dot_general3A_530 = tpu.matmul %convert_element_type3A_526, %squeeze3A_528, %dot_general3A_529 {dimension_numbers = #tpu.dot_dimension_numbers<[1], [0], [0], [1], [0, 0, 1, 1], [], []>, transpose_lhs_hint = false} : vector<49x49xf32>, vector<49x128xf32>, vector<49x128xf32> -> vector<49x128xf32>
    %neg3A_531 = arith.constant 0.000000e+00 : f32
    %neg3A_532 = vector.broadcast %neg3A_531 : f32 to vector<49x128xf32>
    %neg3A_533 = arith.subf %neg3A_532, %dot_general3A_530 : vector<49x128xf32>
    %slice3A_534 = vector.extract_strided_slice %sub3A_80 {offsets = [10, 0, 0], sizes = [1, 49, 128], strides = [1, 1, 1]} : vector<32x49x128xf32> to vector<1x49x128xf32>
    %squeeze3A_535 = vector.shape_cast %slice3A_534 : vector<1x49x128xf32> to vector<49x128xf32>
    %mul3A_536 = arith.mulf %neg3A_533, %squeeze3A_535 : vector<49x128xf32>
    %reduce_sum3A_537 = arith.constant dense<0.000000e+00> : vector<49xf32>
    %reduce_sum3A_538 = vector.multi_reduction <add>, %mul3A_536, %reduce_sum3A_537 [1] : vector<49x128xf32> to vector<49xf32>
    %reduce_sum3A_539 = vector.shape_cast %reduce_sum3A_538 : vector<49xf32> to vector<1x49xf32>
    %reduce_sum3A_540 = arith.constant dense<0.000000e+00> : vector<1xf32>
    %reduce_sum3A_541 = vector.multi_reduction <add>, %reduce_sum3A_539, %reduce_sum3A_540 [1] : vector<1x49xf32> to vector<1xf32>
    %reduce_sum3A_542 = vector.shape_cast %reduce_sum3A_541 : vector<1xf32> to vector<1x1xf32>
    %reduce_sum3A_543 = vector.extract %reduce_sum3A_542[0, 0] : f32 from vector<1x1xf32>
    %div3A_544 = arith.constant 4.900000e+01 : f32
    %div3A_545 = arith.divf %reduce_sum3A_543, %div3A_544 : f32
    %add3A_546 = arith.addf %add3A_503, %div3A_545 : f32
    %slice3A_547 = vector.extract_strided_slice %div3A_62 {offsets = [11, 0, 0], sizes = [1, 49, 128], strides = [1, 1, 1]} : vector<32x49x128xf32> to vector<1x49x128xf32>
    %squeeze3A_548 = vector.shape_cast %slice3A_547 : vector<1x49x128xf32> to vector<49x128xf32>
    %slice3A_549 = vector.extract_strided_slice %div3A_48 {offsets = [11, 0, 0], sizes = [1, 49, 128], strides = [1, 1, 1]} : vector<32x49x128xf32> to vector<1x49x128xf32>
    %squeeze3A_550 = vector.shape_cast %slice3A_549 : vector<1x49x128xf32> to vector<49x128xf32>
    %dot_general3A_551 = arith.constant dense<0.000000e+00> : vector<49x49xf32>
    %dot_general3A_552 = tpu.matmul %squeeze3A_548, %squeeze3A_550, %dot_general3A_551 {dimension_numbers = #tpu.dot_dimension_numbers<[1], [1], [0], [0], [0, 0, 1, 0], [], []>, transpose_lhs_hint = false} : vector<49x128xf32>, vector<49x128xf32>, vector<49x49xf32> -> vector<49x49xf32>
    %reduce_max3A_553 = arith.constant dense<0xFF800000> : vector<49xf32>
    %reduce_max3A_554 = vector.multi_reduction <maximumf>, %dot_general3A_552, %reduce_max3A_553 [1] : vector<49x49xf32> to vector<49xf32>
    %broadcast_in_dim3A_555 = vector.shape_cast %reduce_max3A_554 : vector<49xf32> to vector<49x1xf32>
    %iota3A_556 = tpu.iota {dimensions = array<i32: 1>} : vector<49x49xi32>
    %eq3A_557 = vector.broadcast %broadcast_in_dim3A_555 : vector<49x1xf32> to vector<49x49xf32>
    %eq3A_558 = arith.cmpf oeq, %dot_general3A_552, %eq3A_557 : vector<49x49xf32>
    %jit3A_559 = arith.constant 49 : i32
    %broadcast_in_dim3A_560 = vector.broadcast %jit3A_559 : i32 to vector<49x49xi32>
    %select_n3A_561 = arith.select %eq3A_558, %iota3A_556, %broadcast_in_dim3A_560 : vector<49x49xi1>, vector<49x49xi32>
    %reduce_min3A_562 = arith.constant dense<2147483647> : vector<49xi32>
    %reduce_min3A_563 = vector.multi_reduction <minsi>, %select_n3A_561, %reduce_min3A_562 [1] : vector<49x49xi32> to vector<49xi32>
    %broadcast_in_dim3A_564 = vector.shape_cast %reduce_min3A_563 : vector<49xi32> to vector<49x1xi32>
    %iota3A_565 = tpu.iota {dimensions = array<i32: 1>} : vector<49x49xi32>
    %eq3A_566 = vector.broadcast %broadcast_in_dim3A_564 : vector<49x1xi32> to vector<49x49xi32>
    %eq3A_567 = arith.cmpi eq, %eq3A_566, %iota3A_565 : vector<49x49xi32>
    %convert_element_type3A_568 = arith.extui %eq3A_567 : vector<49x49xi1> to vector<49x49xi32>
    %convert_element_type3A_569 = arith.sitofp %convert_element_type3A_568 : vector<49x49xi32> to vector<49x49xf32>
    %slice3A_570 = vector.extract_strided_slice %div3A_41 {offsets = [11, 0, 0], sizes = [1, 49, 128], strides = [1, 1, 1]} : vector<32x49x128xf32> to vector<1x49x128xf32>
    %squeeze3A_571 = vector.shape_cast %slice3A_570 : vector<1x49x128xf32> to vector<49x128xf32>
    %dot_general3A_572 = arith.constant dense<0.000000e+00> : vector<49x128xf32>
    %dot_general3A_573 = tpu.matmul %convert_element_type3A_569, %squeeze3A_571, %dot_general3A_572 {dimension_numbers = #tpu.dot_dimension_numbers<[1], [0], [0], [1], [0, 0, 1, 1], [], []>, transpose_lhs_hint = false} : vector<49x49xf32>, vector<49x128xf32>, vector<49x128xf32> -> vector<49x128xf32>
    %neg3A_574 = arith.constant 0.000000e+00 : f32
    %neg3A_575 = vector.broadcast %neg3A_574 : f32 to vector<49x128xf32>
    %neg3A_576 = arith.subf %neg3A_575, %dot_general3A_573 : vector<49x128xf32>
    %slice3A_577 = vector.extract_strided_slice %sub3A_80 {offsets = [11, 0, 0], sizes = [1, 49, 128], strides = [1, 1, 1]} : vector<32x49x128xf32> to vector<1x49x128xf32>
    %squeeze3A_578 = vector.shape_cast %slice3A_577 : vector<1x49x128xf32> to vector<49x128xf32>
    %mul3A_579 = arith.mulf %neg3A_576, %squeeze3A_578 : vector<49x128xf32>
    %reduce_sum3A_580 = arith.constant dense<0.000000e+00> : vector<49xf32>
    %reduce_sum3A_581 = vector.multi_reduction <add>, %mul3A_579, %reduce_sum3A_580 [1] : vector<49x128xf32> to vector<49xf32>
    %reduce_sum3A_582 = vector.shape_cast %reduce_sum3A_581 : vector<49xf32> to vector<1x49xf32>
    %reduce_sum3A_583 = arith.constant dense<0.000000e+00> : vector<1xf32>
    %reduce_sum3A_584 = vector.multi_reduction <add>, %reduce_sum3A_582, %reduce_sum3A_583 [1] : vector<1x49xf32> to vector<1xf32>
    %reduce_sum3A_585 = vector.shape_cast %reduce_sum3A_584 : vector<1xf32> to vector<1x1xf32>
    %reduce_sum3A_586 = vector.extract %reduce_sum3A_585[0, 0] : f32 from vector<1x1xf32>
    %div3A_587 = arith.constant 4.900000e+01 : f32
    %div3A_588 = arith.divf %reduce_sum3A_586, %div3A_587 : f32
    %add3A_589 = arith.addf %add3A_546, %div3A_588 : f32
    %slice3A_590 = vector.extract_strided_slice %div3A_62 {offsets = [12, 0, 0], sizes = [1, 49, 128], strides = [1, 1, 1]} : vector<32x49x128xf32> to vector<1x49x128xf32>
    %squeeze3A_591 = vector.shape_cast %slice3A_590 : vector<1x49x128xf32> to vector<49x128xf32>
    %slice3A_592 = vector.extract_strided_slice %div3A_48 {offsets = [12, 0, 0], sizes = [1, 49, 128], strides = [1, 1, 1]} : vector<32x49x128xf32> to vector<1x49x128xf32>
    %squeeze3A_593 = vector.shape_cast %slice3A_592 : vector<1x49x128xf32> to vector<49x128xf32>
    %dot_general3A_594 = arith.constant dense<0.000000e+00> : vector<49x49xf32>
    %dot_general3A_595 = tpu.matmul %squeeze3A_591, %squeeze3A_593, %dot_general3A_594 {dimension_numbers = #tpu.dot_dimension_numbers<[1], [1], [0], [0], [0, 0, 1, 0], [], []>, transpose_lhs_hint = false} : vector<49x128xf32>, vector<49x128xf32>, vector<49x49xf32> -> vector<49x49xf32>
    %reduce_max3A_596 = arith.constant dense<0xFF800000> : vector<49xf32>
    %reduce_max3A_597 = vector.multi_reduction <maximumf>, %dot_general3A_595, %reduce_max3A_596 [1] : vector<49x49xf32> to vector<49xf32>
    %broadcast_in_dim3A_598 = vector.shape_cast %reduce_max3A_597 : vector<49xf32> to vector<49x1xf32>
    %iota3A_599 = tpu.iota {dimensions = array<i32: 1>} : vector<49x49xi32>
    %eq3A_600 = vector.broadcast %broadcast_in_dim3A_598 : vector<49x1xf32> to vector<49x49xf32>
    %eq3A_601 = arith.cmpf oeq, %dot_general3A_595, %eq3A_600 : vector<49x49xf32>
    %jit3A_602 = arith.constant 49 : i32
    %broadcast_in_dim3A_603 = vector.broadcast %jit3A_602 : i32 to vector<49x49xi32>
    %select_n3A_604 = arith.select %eq3A_601, %iota3A_599, %broadcast_in_dim3A_603 : vector<49x49xi1>, vector<49x49xi32>
    %reduce_min3A_605 = arith.constant dense<2147483647> : vector<49xi32>
    %reduce_min3A_606 = vector.multi_reduction <minsi>, %select_n3A_604, %reduce_min3A_605 [1] : vector<49x49xi32> to vector<49xi32>
    %broadcast_in_dim3A_607 = vector.shape_cast %reduce_min3A_606 : vector<49xi32> to vector<49x1xi32>
    %iota3A_608 = tpu.iota {dimensions = array<i32: 1>} : vector<49x49xi32>
    %eq3A_609 = vector.broadcast %broadcast_in_dim3A_607 : vector<49x1xi32> to vector<49x49xi32>
    %eq3A_610 = arith.cmpi eq, %eq3A_609, %iota3A_608 : vector<49x49xi32>
    %convert_element_type3A_611 = arith.extui %eq3A_610 : vector<49x49xi1> to vector<49x49xi32>
    %convert_element_type3A_612 = arith.sitofp %convert_element_type3A_611 : vector<49x49xi32> to vector<49x49xf32>
    %slice3A_613 = vector.extract_strided_slice %div3A_41 {offsets = [12, 0, 0], sizes = [1, 49, 128], strides = [1, 1, 1]} : vector<32x49x128xf32> to vector<1x49x128xf32>
    %squeeze3A_614 = vector.shape_cast %slice3A_613 : vector<1x49x128xf32> to vector<49x128xf32>
    %dot_general3A_615 = arith.constant dense<0.000000e+00> : vector<49x128xf32>
    %dot_general3A_616 = tpu.matmul %convert_element_type3A_612, %squeeze3A_614, %dot_general3A_615 {dimension_numbers = #tpu.dot_dimension_numbers<[1], [0], [0], [1], [0, 0, 1, 1], [], []>, transpose_lhs_hint = false} : vector<49x49xf32>, vector<49x128xf32>, vector<49x128xf32> -> vector<49x128xf32>
    %neg3A_617 = arith.constant 0.000000e+00 : f32
    %neg3A_618 = vector.broadcast %neg3A_617 : f32 to vector<49x128xf32>
    %neg3A_619 = arith.subf %neg3A_618, %dot_general3A_616 : vector<49x128xf32>
    %slice3A_620 = vector.extract_strided_slice %sub3A_80 {offsets = [12, 0, 0], sizes = [1, 49, 128], strides = [1, 1, 1]} : vector<32x49x128xf32> to vector<1x49x128xf32>
    %squeeze3A_621 = vector.shape_cast %slice3A_620 : vector<1x49x128xf32> to vector<49x128xf32>
    %mul3A_622 = arith.mulf %neg3A_619, %squeeze3A_621 : vector<49x128xf32>
    %reduce_sum3A_623 = arith.constant dense<0.000000e+00> : vector<49xf32>
    %reduce_sum3A_624 = vector.multi_reduction <add>, %mul3A_622, %reduce_sum3A_623 [1] : vector<49x128xf32> to vector<49xf32>
    %reduce_sum3A_625 = vector.shape_cast %reduce_sum3A_624 : vector<49xf32> to vector<1x49xf32>
    %reduce_sum3A_626 = arith.constant dense<0.000000e+00> : vector<1xf32>
    %reduce_sum3A_627 = vector.multi_reduction <add>, %reduce_sum3A_625, %reduce_sum3A_626 [1] : vector<1x49xf32> to vector<1xf32>
    %reduce_sum3A_628 = vector.shape_cast %reduce_sum3A_627 : vector<1xf32> to vector<1x1xf32>
    %reduce_sum3A_629 = vector.extract %reduce_sum3A_628[0, 0] : f32 from vector<1x1xf32>
    %div3A_630 = arith.constant 4.900000e+01 : f32
    %div3A_631 = arith.divf %reduce_sum3A_629, %div3A_630 : f32
    %add3A_632 = arith.addf %add3A_589, %div3A_631 : f32
    %slice3A_633 = vector.extract_strided_slice %div3A_62 {offsets = [13, 0, 0], sizes = [1, 49, 128], strides = [1, 1, 1]} : vector<32x49x128xf32> to vector<1x49x128xf32>
    %squeeze3A_634 = vector.shape_cast %slice3A_633 : vector<1x49x128xf32> to vector<49x128xf32>
    %slice3A_635 = vector.extract_strided_slice %div3A_48 {offsets = [13, 0, 0], sizes = [1, 49, 128], strides = [1, 1, 1]} : vector<32x49x128xf32> to vector<1x49x128xf32>
    %squeeze3A_636 = vector.shape_cast %slice3A_635 : vector<1x49x128xf32> to vector<49x128xf32>
    %dot_general3A_637 = arith.constant dense<0.000000e+00> : vector<49x49xf32>
    %dot_general3A_638 = tpu.matmul %squeeze3A_634, %squeeze3A_636, %dot_general3A_637 {dimension_numbers = #tpu.dot_dimension_numbers<[1], [1], [0], [0], [0, 0, 1, 0], [], []>, transpose_lhs_hint = false} : vector<49x128xf32>, vector<49x128xf32>, vector<49x49xf32> -> vector<49x49xf32>
    %reduce_max3A_639 = arith.constant dense<0xFF800000> : vector<49xf32>
    %reduce_max3A_640 = vector.multi_reduction <maximumf>, %dot_general3A_638, %reduce_max3A_639 [1] : vector<49x49xf32> to vector<49xf32>
    %broadcast_in_dim3A_641 = vector.shape_cast %reduce_max3A_640 : vector<49xf32> to vector<49x1xf32>
    %iota3A_642 = tpu.iota {dimensions = array<i32: 1>} : vector<49x49xi32>
    %eq3A_643 = vector.broadcast %broadcast_in_dim3A_641 : vector<49x1xf32> to vector<49x49xf32>
    %eq3A_644 = arith.cmpf oeq, %dot_general3A_638, %eq3A_643 : vector<49x49xf32>
    %jit3A_645 = arith.constant 49 : i32
    %broadcast_in_dim3A_646 = vector.broadcast %jit3A_645 : i32 to vector<49x49xi32>
    %select_n3A_647 = arith.select %eq3A_644, %iota3A_642, %broadcast_in_dim3A_646 : vector<49x49xi1>, vector<49x49xi32>
    %reduce_min3A_648 = arith.constant dense<2147483647> : vector<49xi32>
    %reduce_min3A_649 = vector.multi_reduction <minsi>, %select_n3A_647, %reduce_min3A_648 [1] : vector<49x49xi32> to vector<49xi32>
    %broadcast_in_dim3A_650 = vector.shape_cast %reduce_min3A_649 : vector<49xi32> to vector<49x1xi32>
    %iota3A_651 = tpu.iota {dimensions = array<i32: 1>} : vector<49x49xi32>
    %eq3A_652 = vector.broadcast %broadcast_in_dim3A_650 : vector<49x1xi32> to vector<49x49xi32>
    %eq3A_653 = arith.cmpi eq, %eq3A_652, %iota3A_651 : vector<49x49xi32>
    %convert_element_type3A_654 = arith.extui %eq3A_653 : vector<49x49xi1> to vector<49x49xi32>
    %convert_element_type3A_655 = arith.sitofp %convert_element_type3A_654 : vector<49x49xi32> to vector<49x49xf32>
    %slice3A_656 = vector.extract_strided_slice %div3A_41 {offsets = [13, 0, 0], sizes = [1, 49, 128], strides = [1, 1, 1]} : vector<32x49x128xf32> to vector<1x49x128xf32>
    %squeeze3A_657 = vector.shape_cast %slice3A_656 : vector<1x49x128xf32> to vector<49x128xf32>
    %dot_general3A_658 = arith.constant dense<0.000000e+00> : vector<49x128xf32>
    %dot_general3A_659 = tpu.matmul %convert_element_type3A_655, %squeeze3A_657, %dot_general3A_658 {dimension_numbers = #tpu.dot_dimension_numbers<[1], [0], [0], [1], [0, 0, 1, 1], [], []>, transpose_lhs_hint = false} : vector<49x49xf32>, vector<49x128xf32>, vector<49x128xf32> -> vector<49x128xf32>
    %neg3A_660 = arith.constant 0.000000e+00 : f32
    %neg3A_661 = vector.broadcast %neg3A_660 : f32 to vector<49x128xf32>
    %neg3A_662 = arith.subf %neg3A_661, %dot_general3A_659 : vector<49x128xf32>
    %slice3A_663 = vector.extract_strided_slice %sub3A_80 {offsets = [13, 0, 0], sizes = [1, 49, 128], strides = [1, 1, 1]} : vector<32x49x128xf32> to vector<1x49x128xf32>
    %squeeze3A_664 = vector.shape_cast %slice3A_663 : vector<1x49x128xf32> to vector<49x128xf32>
    %mul3A_665 = arith.mulf %neg3A_662, %squeeze3A_664 : vector<49x128xf32>
    %reduce_sum3A_666 = arith.constant dense<0.000000e+00> : vector<49xf32>
    %reduce_sum3A_667 = vector.multi_reduction <add>, %mul3A_665, %reduce_sum3A_666 [1] : vector<49x128xf32> to vector<49xf32>
    %reduce_sum3A_668 = vector.shape_cast %reduce_sum3A_667 : vector<49xf32> to vector<1x49xf32>
    %reduce_sum3A_669 = arith.constant dense<0.000000e+00> : vector<1xf32>
    %reduce_sum3A_670 = vector.multi_reduction <add>, %reduce_sum3A_668, %reduce_sum3A_669 [1] : vector<1x49xf32> to vector<1xf32>
    %reduce_sum3A_671 = vector.shape_cast %reduce_sum3A_670 : vector<1xf32> to vector<1x1xf32>
    %reduce_sum3A_672 = vector.extract %reduce_sum3A_671[0, 0] : f32 from vector<1x1xf32>
    %div3A_673 = arith.constant 4.900000e+01 : f32
    %div3A_674 = arith.divf %reduce_sum3A_672, %div3A_673 : f32
    %add3A_675 = arith.addf %add3A_632, %div3A_674 : f32
    %slice3A_676 = vector.extract_strided_slice %div3A_62 {offsets = [14, 0, 0], sizes = [1, 49, 128], strides = [1, 1, 1]} : vector<32x49x128xf32> to vector<1x49x128xf32>
    %squeeze3A_677 = vector.shape_cast %slice3A_676 : vector<1x49x128xf32> to vector<49x128xf32>
    %slice3A_678 = vector.extract_strided_slice %div3A_48 {offsets = [14, 0, 0], sizes = [1, 49, 128], strides = [1, 1, 1]} : vector<32x49x128xf32> to vector<1x49x128xf32>
    %squeeze3A_679 = vector.shape_cast %slice3A_678 : vector<1x49x128xf32> to vector<49x128xf32>
    %dot_general3A_680 = arith.constant dense<0.000000e+00> : vector<49x49xf32>
    %dot_general3A_681 = tpu.matmul %squeeze3A_677, %squeeze3A_679, %dot_general3A_680 {dimension_numbers = #tpu.dot_dimension_numbers<[1], [1], [0], [0], [0, 0, 1, 0], [], []>, transpose_lhs_hint = false} : vector<49x128xf32>, vector<49x128xf32>, vector<49x49xf32> -> vector<49x49xf32>
    %reduce_max3A_682 = arith.constant dense<0xFF800000> : vector<49xf32>
    %reduce_max3A_683 = vector.multi_reduction <maximumf>, %dot_general3A_681, %reduce_max3A_682 [1] : vector<49x49xf32> to vector<49xf32>
    %broadcast_in_dim3A_684 = vector.shape_cast %reduce_max3A_683 : vector<49xf32> to vector<49x1xf32>
    %iota3A_685 = tpu.iota {dimensions = array<i32: 1>} : vector<49x49xi32>
    %eq3A_686 = vector.broadcast %broadcast_in_dim3A_684 : vector<49x1xf32> to vector<49x49xf32>
    %eq3A_687 = arith.cmpf oeq, %dot_general3A_681, %eq3A_686 : vector<49x49xf32>
    %jit3A_688 = arith.constant 49 : i32
    %broadcast_in_dim3A_689 = vector.broadcast %jit3A_688 : i32 to vector<49x49xi32>
    %select_n3A_690 = arith.select %eq3A_687, %iota3A_685, %broadcast_in_dim3A_689 : vector<49x49xi1>, vector<49x49xi32>
    %reduce_min3A_691 = arith.constant dense<2147483647> : vector<49xi32>
    %reduce_min3A_692 = vector.multi_reduction <minsi>, %select_n3A_690, %reduce_min3A_691 [1] : vector<49x49xi32> to vector<49xi32>
    %broadcast_in_dim3A_693 = vector.shape_cast %reduce_min3A_692 : vector<49xi32> to vector<49x1xi32>
    %iota3A_694 = tpu.iota {dimensions = array<i32: 1>} : vector<49x49xi32>
    %eq3A_695 = vector.broadcast %broadcast_in_dim3A_693 : vector<49x1xi32> to vector<49x49xi32>
    %eq3A_696 = arith.cmpi eq, %eq3A_695, %iota3A_694 : vector<49x49xi32>
    %convert_element_type3A_697 = arith.extui %eq3A_696 : vector<49x49xi1> to vector<49x49xi32>
    %convert_element_type3A_698 = arith.sitofp %convert_element_type3A_697 : vector<49x49xi32> to vector<49x49xf32>
    %slice3A_699 = vector.extract_strided_slice %div3A_41 {offsets = [14, 0, 0], sizes = [1, 49, 128], strides = [1, 1, 1]} : vector<32x49x128xf32> to vector<1x49x128xf32>
    %squeeze3A_700 = vector.shape_cast %slice3A_699 : vector<1x49x128xf32> to vector<49x128xf32>
    %dot_general3A_701 = arith.constant dense<0.000000e+00> : vector<49x128xf32>
    %dot_general3A_702 = tpu.matmul %convert_element_type3A_698, %squeeze3A_700, %dot_general3A_701 {dimension_numbers = #tpu.dot_dimension_numbers<[1], [0], [0], [1], [0, 0, 1, 1], [], []>, transpose_lhs_hint = false} : vector<49x49xf32>, vector<49x128xf32>, vector<49x128xf32> -> vector<49x128xf32>
    %neg3A_703 = arith.constant 0.000000e+00 : f32
    %neg3A_704 = vector.broadcast %neg3A_703 : f32 to vector<49x128xf32>
    %neg3A_705 = arith.subf %neg3A_704, %dot_general3A_702 : vector<49x128xf32>
    %slice3A_706 = vector.extract_strided_slice %sub3A_80 {offsets = [14, 0, 0], sizes = [1, 49, 128], strides = [1, 1, 1]} : vector<32x49x128xf32> to vector<1x49x128xf32>
    %squeeze3A_707 = vector.shape_cast %slice3A_706 : vector<1x49x128xf32> to vector<49x128xf32>
    %mul3A_708 = arith.mulf %neg3A_705, %squeeze3A_707 : vector<49x128xf32>
    %reduce_sum3A_709 = arith.constant dense<0.000000e+00> : vector<49xf32>
    %reduce_sum3A_710 = vector.multi_reduction <add>, %mul3A_708, %reduce_sum3A_709 [1] : vector<49x128xf32> to vector<49xf32>
    %reduce_sum3A_711 = vector.shape_cast %reduce_sum3A_710 : vector<49xf32> to vector<1x49xf32>
    %reduce_sum3A_712 = arith.constant dense<0.000000e+00> : vector<1xf32>
    %reduce_sum3A_713 = vector.multi_reduction <add>, %reduce_sum3A_711, %reduce_sum3A_712 [1] : vector<1x49xf32> to vector<1xf32>
    %reduce_sum3A_714 = vector.shape_cast %reduce_sum3A_713 : vector<1xf32> to vector<1x1xf32>
    %reduce_sum3A_715 = vector.extract %reduce_sum3A_714[0, 0] : f32 from vector<1x1xf32>
    %div3A_716 = arith.constant 4.900000e+01 : f32
    %div3A_717 = arith.divf %reduce_sum3A_715, %div3A_716 : f32
    %add3A_718 = arith.addf %add3A_675, %div3A_717 : f32
    %slice3A_719 = vector.extract_strided_slice %div3A_62 {offsets = [15, 0, 0], sizes = [1, 49, 128], strides = [1, 1, 1]} : vector<32x49x128xf32> to vector<1x49x128xf32>
    %squeeze3A_720 = vector.shape_cast %slice3A_719 : vector<1x49x128xf32> to vector<49x128xf32>
    %slice3A_721 = vector.extract_strided_slice %div3A_48 {offsets = [15, 0, 0], sizes = [1, 49, 128], strides = [1, 1, 1]} : vector<32x49x128xf32> to vector<1x49x128xf32>
    %squeeze3A_722 = vector.shape_cast %slice3A_721 : vector<1x49x128xf32> to vector<49x128xf32>
    %dot_general3A_723 = arith.constant dense<0.000000e+00> : vector<49x49xf32>
    %dot_general3A_724 = tpu.matmul %squeeze3A_720, %squeeze3A_722, %dot_general3A_723 {dimension_numbers = #tpu.dot_dimension_numbers<[1], [1], [0], [0], [0, 0, 1, 0], [], []>, transpose_lhs_hint = false} : vector<49x128xf32>, vector<49x128xf32>, vector<49x49xf32> -> vector<49x49xf32>
    %reduce_max3A_725 = arith.constant dense<0xFF800000> : vector<49xf32>
    %reduce_max3A_726 = vector.multi_reduction <maximumf>, %dot_general3A_724, %reduce_max3A_725 [1] : vector<49x49xf32> to vector<49xf32>
    %broadcast_in_dim3A_727 = vector.shape_cast %reduce_max3A_726 : vector<49xf32> to vector<49x1xf32>
    %iota3A_728 = tpu.iota {dimensions = array<i32: 1>} : vector<49x49xi32>
    %eq3A_729 = vector.broadcast %broadcast_in_dim3A_727 : vector<49x1xf32> to vector<49x49xf32>
    %eq3A_730 = arith.cmpf oeq, %dot_general3A_724, %eq3A_729 : vector<49x49xf32>
    %jit3A_731 = arith.constant 49 : i32
    %broadcast_in_dim3A_732 = vector.broadcast %jit3A_731 : i32 to vector<49x49xi32>
    %select_n3A_733 = arith.select %eq3A_730, %iota3A_728, %broadcast_in_dim3A_732 : vector<49x49xi1>, vector<49x49xi32>
    %reduce_min3A_734 = arith.constant dense<2147483647> : vector<49xi32>
    %reduce_min3A_735 = vector.multi_reduction <minsi>, %select_n3A_733, %reduce_min3A_734 [1] : vector<49x49xi32> to vector<49xi32>
    %broadcast_in_dim3A_736 = vector.shape_cast %reduce_min3A_735 : vector<49xi32> to vector<49x1xi32>
    %iota3A_737 = tpu.iota {dimensions = array<i32: 1>} : vector<49x49xi32>
    %eq3A_738 = vector.broadcast %broadcast_in_dim3A_736 : vector<49x1xi32> to vector<49x49xi32>
    %eq3A_739 = arith.cmpi eq, %eq3A_738, %iota3A_737 : vector<49x49xi32>
    %convert_element_type3A_740 = arith.extui %eq3A_739 : vector<49x49xi1> to vector<49x49xi32>
    %convert_element_type3A_741 = arith.sitofp %convert_element_type3A_740 : vector<49x49xi32> to vector<49x49xf32>
    %slice3A_742 = vector.extract_strided_slice %div3A_41 {offsets = [15, 0, 0], sizes = [1, 49, 128], strides = [1, 1, 1]} : vector<32x49x128xf32> to vector<1x49x128xf32>
    %squeeze3A_743 = vector.shape_cast %slice3A_742 : vector<1x49x128xf32> to vector<49x128xf32>
    %dot_general3A_744 = arith.constant dense<0.000000e+00> : vector<49x128xf32>
    %dot_general3A_745 = tpu.matmul %convert_element_type3A_741, %squeeze3A_743, %dot_general3A_744 {dimension_numbers = #tpu.dot_dimension_numbers<[1], [0], [0], [1], [0, 0, 1, 1], [], []>, transpose_lhs_hint = false} : vector<49x49xf32>, vector<49x128xf32>, vector<49x128xf32> -> vector<49x128xf32>
    %neg3A_746 = arith.constant 0.000000e+00 : f32
    %neg3A_747 = vector.broadcast %neg3A_746 : f32 to vector<49x128xf32>
    %neg3A_748 = arith.subf %neg3A_747, %dot_general3A_745 : vector<49x128xf32>
    %slice3A_749 = vector.extract_strided_slice %sub3A_80 {offsets = [15, 0, 0], sizes = [1, 49, 128], strides = [1, 1, 1]} : vector<32x49x128xf32> to vector<1x49x128xf32>
    %squeeze3A_750 = vector.shape_cast %slice3A_749 : vector<1x49x128xf32> to vector<49x128xf32>
    %mul3A_751 = arith.mulf %neg3A_748, %squeeze3A_750 : vector<49x128xf32>
    %reduce_sum3A_752 = arith.constant dense<0.000000e+00> : vector<49xf32>
    %reduce_sum3A_753 = vector.multi_reduction <add>, %mul3A_751, %reduce_sum3A_752 [1] : vector<49x128xf32> to vector<49xf32>
    %reduce_sum3A_754 = vector.shape_cast %reduce_sum3A_753 : vector<49xf32> to vector<1x49xf32>
    %reduce_sum3A_755 = arith.constant dense<0.000000e+00> : vector<1xf32>
    %reduce_sum3A_756 = vector.multi_reduction <add>, %reduce_sum3A_754, %reduce_sum3A_755 [1] : vector<1x49xf32> to vector<1xf32>
    %reduce_sum3A_757 = vector.shape_cast %reduce_sum3A_756 : vector<1xf32> to vector<1x1xf32>
    %reduce_sum3A_758 = vector.extract %reduce_sum3A_757[0, 0] : f32 from vector<1x1xf32>
    %div3A_759 = arith.constant 4.900000e+01 : f32
    %div3A_760 = arith.divf %reduce_sum3A_758, %div3A_759 : f32
    %add3A_761 = arith.addf %add3A_718, %div3A_760 : f32
    %slice3A_762 = vector.extract_strided_slice %div3A_62 {offsets = [16, 0, 0], sizes = [1, 49, 128], strides = [1, 1, 1]} : vector<32x49x128xf32> to vector<1x49x128xf32>
    %squeeze3A_763 = vector.shape_cast %slice3A_762 : vector<1x49x128xf32> to vector<49x128xf32>
    %slice3A_764 = vector.extract_strided_slice %div3A_48 {offsets = [16, 0, 0], sizes = [1, 49, 128], strides = [1, 1, 1]} : vector<32x49x128xf32> to vector<1x49x128xf32>
    %squeeze3A_765 = vector.shape_cast %slice3A_764 : vector<1x49x128xf32> to vector<49x128xf32>
    %dot_general3A_766 = arith.constant dense<0.000000e+00> : vector<49x49xf32>
    %dot_general3A_767 = tpu.matmul %squeeze3A_763, %squeeze3A_765, %dot_general3A_766 {dimension_numbers = #tpu.dot_dimension_numbers<[1], [1], [0], [0], [0, 0, 1, 0], [], []>, transpose_lhs_hint = false} : vector<49x128xf32>, vector<49x128xf32>, vector<49x49xf32> -> vector<49x49xf32>
    %reduce_max3A_768 = arith.constant dense<0xFF800000> : vector<49xf32>
    %reduce_max3A_769 = vector.multi_reduction <maximumf>, %dot_general3A_767, %reduce_max3A_768 [1] : vector<49x49xf32> to vector<49xf32>
    %broadcast_in_dim3A_770 = vector.shape_cast %reduce_max3A_769 : vector<49xf32> to vector<49x1xf32>
    %iota3A_771 = tpu.iota {dimensions = array<i32: 1>} : vector<49x49xi32>
    %eq3A_772 = vector.broadcast %broadcast_in_dim3A_770 : vector<49x1xf32> to vector<49x49xf32>
    %eq3A_773 = arith.cmpf oeq, %dot_general3A_767, %eq3A_772 : vector<49x49xf32>
    %jit3A_774 = arith.constant 49 : i32
    %broadcast_in_dim3A_775 = vector.broadcast %jit3A_774 : i32 to vector<49x49xi32>
    %select_n3A_776 = arith.select %eq3A_773, %iota3A_771, %broadcast_in_dim3A_775 : vector<49x49xi1>, vector<49x49xi32>
    %reduce_min3A_777 = arith.constant dense<2147483647> : vector<49xi32>
    %reduce_min3A_778 = vector.multi_reduction <minsi>, %select_n3A_776, %reduce_min3A_777 [1] : vector<49x49xi32> to vector<49xi32>
    %broadcast_in_dim3A_779 = vector.shape_cast %reduce_min3A_778 : vector<49xi32> to vector<49x1xi32>
    %iota3A_780 = tpu.iota {dimensions = array<i32: 1>} : vector<49x49xi32>
    %eq3A_781 = vector.broadcast %broadcast_in_dim3A_779 : vector<49x1xi32> to vector<49x49xi32>
    %eq3A_782 = arith.cmpi eq, %eq3A_781, %iota3A_780 : vector<49x49xi32>
    %convert_element_type3A_783 = arith.extui %eq3A_782 : vector<49x49xi1> to vector<49x49xi32>
    %convert_element_type3A_784 = arith.sitofp %convert_element_type3A_783 : vector<49x49xi32> to vector<49x49xf32>
    %slice3A_785 = vector.extract_strided_slice %div3A_41 {offsets = [16, 0, 0], sizes = [1, 49, 128], strides = [1, 1, 1]} : vector<32x49x128xf32> to vector<1x49x128xf32>
    %squeeze3A_786 = vector.shape_cast %slice3A_785 : vector<1x49x128xf32> to vector<49x128xf32>
    %dot_general3A_787 = arith.constant dense<0.000000e+00> : vector<49x128xf32>
    %dot_general3A_788 = tpu.matmul %convert_element_type3A_784, %squeeze3A_786, %dot_general3A_787 {dimension_numbers = #tpu.dot_dimension_numbers<[1], [0], [0], [1], [0, 0, 1, 1], [], []>, transpose_lhs_hint = false} : vector<49x49xf32>, vector<49x128xf32>, vector<49x128xf32> -> vector<49x128xf32>
    %neg3A_789 = arith.constant 0.000000e+00 : f32
    %neg3A_790 = vector.broadcast %neg3A_789 : f32 to vector<49x128xf32>
    %neg3A_791 = arith.subf %neg3A_790, %dot_general3A_788 : vector<49x128xf32>
    %slice3A_792 = vector.extract_strided_slice %sub3A_80 {offsets = [16, 0, 0], sizes = [1, 49, 128], strides = [1, 1, 1]} : vector<32x49x128xf32> to vector<1x49x128xf32>
    %squeeze3A_793 = vector.shape_cast %slice3A_792 : vector<1x49x128xf32> to vector<49x128xf32>
    %mul3A_794 = arith.mulf %neg3A_791, %squeeze3A_793 : vector<49x128xf32>
    %reduce_sum3A_795 = arith.constant dense<0.000000e+00> : vector<49xf32>
    %reduce_sum3A_796 = vector.multi_reduction <add>, %mul3A_794, %reduce_sum3A_795 [1] : vector<49x128xf32> to vector<49xf32>
    %reduce_sum3A_797 = vector.shape_cast %reduce_sum3A_796 : vector<49xf32> to vector<1x49xf32>
    %reduce_sum3A_798 = arith.constant dense<0.000000e+00> : vector<1xf32>
    %reduce_sum3A_799 = vector.multi_reduction <add>, %reduce_sum3A_797, %reduce_sum3A_798 [1] : vector<1x49xf32> to vector<1xf32>
    %reduce_sum3A_800 = vector.shape_cast %reduce_sum3A_799 : vector<1xf32> to vector<1x1xf32>
    %reduce_sum3A_801 = vector.extract %reduce_sum3A_800[0, 0] : f32 from vector<1x1xf32>
    %div3A_802 = arith.constant 4.900000e+01 : f32
    %div3A_803 = arith.divf %reduce_sum3A_801, %div3A_802 : f32
    %add3A_804 = arith.addf %add3A_761, %div3A_803 : f32
    %slice3A_805 = vector.extract_strided_slice %div3A_62 {offsets = [17, 0, 0], sizes = [1, 49, 128], strides = [1, 1, 1]} : vector<32x49x128xf32> to vector<1x49x128xf32>
    %squeeze3A_806 = vector.shape_cast %slice3A_805 : vector<1x49x128xf32> to vector<49x128xf32>
    %slice3A_807 = vector.extract_strided_slice %div3A_48 {offsets = [17, 0, 0], sizes = [1, 49, 128], strides = [1, 1, 1]} : vector<32x49x128xf32> to vector<1x49x128xf32>
    %squeeze3A_808 = vector.shape_cast %slice3A_807 : vector<1x49x128xf32> to vector<49x128xf32>
    %dot_general3A_809 = arith.constant dense<0.000000e+00> : vector<49x49xf32>
    %dot_general3A_810 = tpu.matmul %squeeze3A_806, %squeeze3A_808, %dot_general3A_809 {dimension_numbers = #tpu.dot_dimension_numbers<[1], [1], [0], [0], [0, 0, 1, 0], [], []>, transpose_lhs_hint = false} : vector<49x128xf32>, vector<49x128xf32>, vector<49x49xf32> -> vector<49x49xf32>
    %reduce_max3A_811 = arith.constant dense<0xFF800000> : vector<49xf32>
    %reduce_max3A_812 = vector.multi_reduction <maximumf>, %dot_general3A_810, %reduce_max3A_811 [1] : vector<49x49xf32> to vector<49xf32>
    %broadcast_in_dim3A_813 = vector.shape_cast %reduce_max3A_812 : vector<49xf32> to vector<49x1xf32>
    %iota3A_814 = tpu.iota {dimensions = array<i32: 1>} : vector<49x49xi32>
    %eq3A_815 = vector.broadcast %broadcast_in_dim3A_813 : vector<49x1xf32> to vector<49x49xf32>
    %eq3A_816 = arith.cmpf oeq, %dot_general3A_810, %eq3A_815 : vector<49x49xf32>
    %jit3A_817 = arith.constant 49 : i32
    %broadcast_in_dim3A_818 = vector.broadcast %jit3A_817 : i32 to vector<49x49xi32>
    %select_n3A_819 = arith.select %eq3A_816, %iota3A_814, %broadcast_in_dim3A_818 : vector<49x49xi1>, vector<49x49xi32>
    %reduce_min3A_820 = arith.constant dense<2147483647> : vector<49xi32>
    %reduce_min3A_821 = vector.multi_reduction <minsi>, %select_n3A_819, %reduce_min3A_820 [1] : vector<49x49xi32> to vector<49xi32>
    %broadcast_in_dim3A_822 = vector.shape_cast %reduce_min3A_821 : vector<49xi32> to vector<49x1xi32>
    %iota3A_823 = tpu.iota {dimensions = array<i32: 1>} : vector<49x49xi32>
    %eq3A_824 = vector.broadcast %broadcast_in_dim3A_822 : vector<49x1xi32> to vector<49x49xi32>
    %eq3A_825 = arith.cmpi eq, %eq3A_824, %iota3A_823 : vector<49x49xi32>
    %convert_element_type3A_826 = arith.extui %eq3A_825 : vector<49x49xi1> to vector<49x49xi32>
    %convert_element_type3A_827 = arith.sitofp %convert_element_type3A_826 : vector<49x49xi32> to vector<49x49xf32>
    %slice3A_828 = vector.extract_strided_slice %div3A_41 {offsets = [17, 0, 0], sizes = [1, 49, 128], strides = [1, 1, 1]} : vector<32x49x128xf32> to vector<1x49x128xf32>
    %squeeze3A_829 = vector.shape_cast %slice3A_828 : vector<1x49x128xf32> to vector<49x128xf32>
    %dot_general3A_830 = arith.constant dense<0.000000e+00> : vector<49x128xf32>
    %dot_general3A_831 = tpu.matmul %convert_element_type3A_827, %squeeze3A_829, %dot_general3A_830 {dimension_numbers = #tpu.dot_dimension_numbers<[1], [0], [0], [1], [0, 0, 1, 1], [], []>, transpose_lhs_hint = false} : vector<49x49xf32>, vector<49x128xf32>, vector<49x128xf32> -> vector<49x128xf32>
    %neg3A_832 = arith.constant 0.000000e+00 : f32
    %neg3A_833 = vector.broadcast %neg3A_832 : f32 to vector<49x128xf32>
    %neg3A_834 = arith.subf %neg3A_833, %dot_general3A_831 : vector<49x128xf32>
    %slice3A_835 = vector.extract_strided_slice %sub3A_80 {offsets = [17, 0, 0], sizes = [1, 49, 128], strides = [1, 1, 1]} : vector<32x49x128xf32> to vector<1x49x128xf32>
    %squeeze3A_836 = vector.shape_cast %slice3A_835 : vector<1x49x128xf32> to vector<49x128xf32>
    %mul3A_837 = arith.mulf %neg3A_834, %squeeze3A_836 : vector<49x128xf32>
    %reduce_sum3A_838 = arith.constant dense<0.000000e+00> : vector<49xf32>
    %reduce_sum3A_839 = vector.multi_reduction <add>, %mul3A_837, %reduce_sum3A_838 [1] : vector<49x128xf32> to vector<49xf32>
    %reduce_sum3A_840 = vector.shape_cast %reduce_sum3A_839 : vector<49xf32> to vector<1x49xf32>
    %reduce_sum3A_841 = arith.constant dense<0.000000e+00> : vector<1xf32>
    %reduce_sum3A_842 = vector.multi_reduction <add>, %reduce_sum3A_840, %reduce_sum3A_841 [1] : vector<1x49xf32> to vector<1xf32>
    %reduce_sum3A_843 = vector.shape_cast %reduce_sum3A_842 : vector<1xf32> to vector<1x1xf32>
    %reduce_sum3A_844 = vector.extract %reduce_sum3A_843[0, 0] : f32 from vector<1x1xf32>
    %div3A_845 = arith.constant 4.900000e+01 : f32
    %div3A_846 = arith.divf %reduce_sum3A_844, %div3A_845 : f32
    %add3A_847 = arith.addf %add3A_804, %div3A_846 : f32
    %slice3A_848 = vector.extract_strided_slice %div3A_62 {offsets = [18, 0, 0], sizes = [1, 49, 128], strides = [1, 1, 1]} : vector<32x49x128xf32> to vector<1x49x128xf32>
    %squeeze3A_849 = vector.shape_cast %slice3A_848 : vector<1x49x128xf32> to vector<49x128xf32>
    %slice3A_850 = vector.extract_strided_slice %div3A_48 {offsets = [18, 0, 0], sizes = [1, 49, 128], strides = [1, 1, 1]} : vector<32x49x128xf32> to vector<1x49x128xf32>
    %squeeze3A_851 = vector.shape_cast %slice3A_850 : vector<1x49x128xf32> to vector<49x128xf32>
    %dot_general3A_852 = arith.constant dense<0.000000e+00> : vector<49x49xf32>
    %dot_general3A_853 = tpu.matmul %squeeze3A_849, %squeeze3A_851, %dot_general3A_852 {dimension_numbers = #tpu.dot_dimension_numbers<[1], [1], [0], [0], [0, 0, 1, 0], [], []>, transpose_lhs_hint = false} : vector<49x128xf32>, vector<49x128xf32>, vector<49x49xf32> -> vector<49x49xf32>
    %reduce_max3A_854 = arith.constant dense<0xFF800000> : vector<49xf32>
    %reduce_max3A_855 = vector.multi_reduction <maximumf>, %dot_general3A_853, %reduce_max3A_854 [1] : vector<49x49xf32> to vector<49xf32>
    %broadcast_in_dim3A_856 = vector.shape_cast %reduce_max3A_855 : vector<49xf32> to vector<49x1xf32>
    %iota3A_857 = tpu.iota {dimensions = array<i32: 1>} : vector<49x49xi32>
    %eq3A_858 = vector.broadcast %broadcast_in_dim3A_856 : vector<49x1xf32> to vector<49x49xf32>
    %eq3A_859 = arith.cmpf oeq, %dot_general3A_853, %eq3A_858 : vector<49x49xf32>
    %jit3A_860 = arith.constant 49 : i32
    %broadcast_in_dim3A_861 = vector.broadcast %jit3A_860 : i32 to vector<49x49xi32>
    %select_n3A_862 = arith.select %eq3A_859, %iota3A_857, %broadcast_in_dim3A_861 : vector<49x49xi1>, vector<49x49xi32>
    %reduce_min3A_863 = arith.constant dense<2147483647> : vector<49xi32>
    %reduce_min3A_864 = vector.multi_reduction <minsi>, %select_n3A_862, %reduce_min3A_863 [1] : vector<49x49xi32> to vector<49xi32>
    %broadcast_in_dim3A_865 = vector.shape_cast %reduce_min3A_864 : vector<49xi32> to vector<49x1xi32>
    %iota3A_866 = tpu.iota {dimensions = array<i32: 1>} : vector<49x49xi32>
    %eq3A_867 = vector.broadcast %broadcast_in_dim3A_865 : vector<49x1xi32> to vector<49x49xi32>
    %eq3A_868 = arith.cmpi eq, %eq3A_867, %iota3A_866 : vector<49x49xi32>
    %convert_element_type3A_869 = arith.extui %eq3A_868 : vector<49x49xi1> to vector<49x49xi32>
    %convert_element_type3A_870 = arith.sitofp %convert_element_type3A_869 : vector<49x49xi32> to vector<49x49xf32>
    %slice3A_871 = vector.extract_strided_slice %div3A_41 {offsets = [18, 0, 0], sizes = [1, 49, 128], strides = [1, 1, 1]} : vector<32x49x128xf32> to vector<1x49x128xf32>
    %squeeze3A_872 = vector.shape_cast %slice3A_871 : vector<1x49x128xf32> to vector<49x128xf32>
    %dot_general3A_873 = arith.constant dense<0.000000e+00> : vector<49x128xf32>
    %dot_general3A_874 = tpu.matmul %convert_element_type3A_870, %squeeze3A_872, %dot_general3A_873 {dimension_numbers = #tpu.dot_dimension_numbers<[1], [0], [0], [1], [0, 0, 1, 1], [], []>, transpose_lhs_hint = false} : vector<49x49xf32>, vector<49x128xf32>, vector<49x128xf32> -> vector<49x128xf32>
    %neg3A_875 = arith.constant 0.000000e+00 : f32
    %neg3A_876 = vector.broadcast %neg3A_875 : f32 to vector<49x128xf32>
    %neg3A_877 = arith.subf %neg3A_876, %dot_general3A_874 : vector<49x128xf32>
    %slice3A_878 = vector.extract_strided_slice %sub3A_80 {offsets = [18, 0, 0], sizes = [1, 49, 128], strides = [1, 1, 1]} : vector<32x49x128xf32> to vector<1x49x128xf32>
    %squeeze3A_879 = vector.shape_cast %slice3A_878 : vector<1x49x128xf32> to vector<49x128xf32>
    %mul3A_880 = arith.mulf %neg3A_877, %squeeze3A_879 : vector<49x128xf32>
    %reduce_sum3A_881 = arith.constant dense<0.000000e+00> : vector<49xf32>
    %reduce_sum3A_882 = vector.multi_reduction <add>, %mul3A_880, %reduce_sum3A_881 [1] : vector<49x128xf32> to vector<49xf32>
    %reduce_sum3A_883 = vector.shape_cast %reduce_sum3A_882 : vector<49xf32> to vector<1x49xf32>
    %reduce_sum3A_884 = arith.constant dense<0.000000e+00> : vector<1xf32>
    %reduce_sum3A_885 = vector.multi_reduction <add>, %reduce_sum3A_883, %reduce_sum3A_884 [1] : vector<1x49xf32> to vector<1xf32>
    %reduce_sum3A_886 = vector.shape_cast %reduce_sum3A_885 : vector<1xf32> to vector<1x1xf32>
    %reduce_sum3A_887 = vector.extract %reduce_sum3A_886[0, 0] : f32 from vector<1x1xf32>
    %div3A_888 = arith.constant 4.900000e+01 : f32
    %div3A_889 = arith.divf %reduce_sum3A_887, %div3A_888 : f32
    %add3A_890 = arith.addf %add3A_847, %div3A_889 : f32
    %slice3A_891 = vector.extract_strided_slice %div3A_62 {offsets = [19, 0, 0], sizes = [1, 49, 128], strides = [1, 1, 1]} : vector<32x49x128xf32> to vector<1x49x128xf32>
    %squeeze3A_892 = vector.shape_cast %slice3A_891 : vector<1x49x128xf32> to vector<49x128xf32>
    %slice3A_893 = vector.extract_strided_slice %div3A_48 {offsets = [19, 0, 0], sizes = [1, 49, 128], strides = [1, 1, 1]} : vector<32x49x128xf32> to vector<1x49x128xf32>
    %squeeze3A_894 = vector.shape_cast %slice3A_893 : vector<1x49x128xf32> to vector<49x128xf32>
    %dot_general3A_895 = arith.constant dense<0.000000e+00> : vector<49x49xf32>
    %dot_general3A_896 = tpu.matmul %squeeze3A_892, %squeeze3A_894, %dot_general3A_895 {dimension_numbers = #tpu.dot_dimension_numbers<[1], [1], [0], [0], [0, 0, 1, 0], [], []>, transpose_lhs_hint = false} : vector<49x128xf32>, vector<49x128xf32>, vector<49x49xf32> -> vector<49x49xf32>
    %reduce_max3A_897 = arith.constant dense<0xFF800000> : vector<49xf32>
    %reduce_max3A_898 = vector.multi_reduction <maximumf>, %dot_general3A_896, %reduce_max3A_897 [1] : vector<49x49xf32> to vector<49xf32>
    %broadcast_in_dim3A_899 = vector.shape_cast %reduce_max3A_898 : vector<49xf32> to vector<49x1xf32>
    %iota3A_900 = tpu.iota {dimensions = array<i32: 1>} : vector<49x49xi32>
    %eq3A_901 = vector.broadcast %broadcast_in_dim3A_899 : vector<49x1xf32> to vector<49x49xf32>
    %eq3A_902 = arith.cmpf oeq, %dot_general3A_896, %eq3A_901 : vector<49x49xf32>
    %jit3A_903 = arith.constant 49 : i32
    %broadcast_in_dim3A_904 = vector.broadcast %jit3A_903 : i32 to vector<49x49xi32>
    %select_n3A_905 = arith.select %eq3A_902, %iota3A_900, %broadcast_in_dim3A_904 : vector<49x49xi1>, vector<49x49xi32>
    %reduce_min3A_906 = arith.constant dense<2147483647> : vector<49xi32>
    %reduce_min3A_907 = vector.multi_reduction <minsi>, %select_n3A_905, %reduce_min3A_906 [1] : vector<49x49xi32> to vector<49xi32>
    %broadcast_in_dim3A_908 = vector.shape_cast %reduce_min3A_907 : vector<49xi32> to vector<49x1xi32>
    %iota3A_909 = tpu.iota {dimensions = array<i32: 1>} : vector<49x49xi32>
    %eq3A_910 = vector.broadcast %broadcast_in_dim3A_908 : vector<49x1xi32> to vector<49x49xi32>
    %eq3A_911 = arith.cmpi eq, %eq3A_910, %iota3A_909 : vector<49x49xi32>
    %convert_element_type3A_912 = arith.extui %eq3A_911 : vector<49x49xi1> to vector<49x49xi32>
    %convert_element_type3A_913 = arith.sitofp %convert_element_type3A_912 : vector<49x49xi32> to vector<49x49xf32>
    %slice3A_914 = vector.extract_strided_slice %div3A_41 {offsets = [19, 0, 0], sizes = [1, 49, 128], strides = [1, 1, 1]} : vector<32x49x128xf32> to vector<1x49x128xf32>
    %squeeze3A_915 = vector.shape_cast %slice3A_914 : vector<1x49x128xf32> to vector<49x128xf32>
    %dot_general3A_916 = arith.constant dense<0.000000e+00> : vector<49x128xf32>
    %dot_general3A_917 = tpu.matmul %convert_element_type3A_913, %squeeze3A_915, %dot_general3A_916 {dimension_numbers = #tpu.dot_dimension_numbers<[1], [0], [0], [1], [0, 0, 1, 1], [], []>, transpose_lhs_hint = false} : vector<49x49xf32>, vector<49x128xf32>, vector<49x128xf32> -> vector<49x128xf32>
    %neg3A_918 = arith.constant 0.000000e+00 : f32
    %neg3A_919 = vector.broadcast %neg3A_918 : f32 to vector<49x128xf32>
    %neg3A_920 = arith.subf %neg3A_919, %dot_general3A_917 : vector<49x128xf32>
    %slice3A_921 = vector.extract_strided_slice %sub3A_80 {offsets = [19, 0, 0], sizes = [1, 49, 128], strides = [1, 1, 1]} : vector<32x49x128xf32> to vector<1x49x128xf32>
    %squeeze3A_922 = vector.shape_cast %slice3A_921 : vector<1x49x128xf32> to vector<49x128xf32>
    %mul3A_923 = arith.mulf %neg3A_920, %squeeze3A_922 : vector<49x128xf32>
    %reduce_sum3A_924 = arith.constant dense<0.000000e+00> : vector<49xf32>
    %reduce_sum3A_925 = vector.multi_reduction <add>, %mul3A_923, %reduce_sum3A_924 [1] : vector<49x128xf32> to vector<49xf32>
    %reduce_sum3A_926 = vector.shape_cast %reduce_sum3A_925 : vector<49xf32> to vector<1x49xf32>
    %reduce_sum3A_927 = arith.constant dense<0.000000e+00> : vector<1xf32>
    %reduce_sum3A_928 = vector.multi_reduction <add>, %reduce_sum3A_926, %reduce_sum3A_927 [1] : vector<1x49xf32> to vector<1xf32>
    %reduce_sum3A_929 = vector.shape_cast %reduce_sum3A_928 : vector<1xf32> to vector<1x1xf32>
    %reduce_sum3A_930 = vector.extract %reduce_sum3A_929[0, 0] : f32 from vector<1x1xf32>
    %div3A_931 = arith.constant 4.900000e+01 : f32
    %div3A_932 = arith.divf %reduce_sum3A_930, %div3A_931 : f32
    %add3A_933 = arith.addf %add3A_890, %div3A_932 : f32
    %slice3A_934 = vector.extract_strided_slice %div3A_62 {offsets = [20, 0, 0], sizes = [1, 49, 128], strides = [1, 1, 1]} : vector<32x49x128xf32> to vector<1x49x128xf32>
    %squeeze3A_935 = vector.shape_cast %slice3A_934 : vector<1x49x128xf32> to vector<49x128xf32>
    %slice3A_936 = vector.extract_strided_slice %div3A_48 {offsets = [20, 0, 0], sizes = [1, 49, 128], strides = [1, 1, 1]} : vector<32x49x128xf32> to vector<1x49x128xf32>
    %squeeze3A_937 = vector.shape_cast %slice3A_936 : vector<1x49x128xf32> to vector<49x128xf32>
    %dot_general3A_938 = arith.constant dense<0.000000e+00> : vector<49x49xf32>
    %dot_general3A_939 = tpu.matmul %squeeze3A_935, %squeeze3A_937, %dot_general3A_938 {dimension_numbers = #tpu.dot_dimension_numbers<[1], [1], [0], [0], [0, 0, 1, 0], [], []>, transpose_lhs_hint = false} : vector<49x128xf32>, vector<49x128xf32>, vector<49x49xf32> -> vector<49x49xf32>
    %reduce_max3A_940 = arith.constant dense<0xFF800000> : vector<49xf32>
    %reduce_max3A_941 = vector.multi_reduction <maximumf>, %dot_general3A_939, %reduce_max3A_940 [1] : vector<49x49xf32> to vector<49xf32>
    %broadcast_in_dim3A_942 = vector.shape_cast %reduce_max3A_941 : vector<49xf32> to vector<49x1xf32>
    %iota3A_943 = tpu.iota {dimensions = array<i32: 1>} : vector<49x49xi32>
    %eq3A_944 = vector.broadcast %broadcast_in_dim3A_942 : vector<49x1xf32> to vector<49x49xf32>
    %eq3A_945 = arith.cmpf oeq, %dot_general3A_939, %eq3A_944 : vector<49x49xf32>
    %jit3A_946 = arith.constant 49 : i32
    %broadcast_in_dim3A_947 = vector.broadcast %jit3A_946 : i32 to vector<49x49xi32>
    %select_n3A_948 = arith.select %eq3A_945, %iota3A_943, %broadcast_in_dim3A_947 : vector<49x49xi1>, vector<49x49xi32>
    %reduce_min3A_949 = arith.constant dense<2147483647> : vector<49xi32>
    %reduce_min3A_950 = vector.multi_reduction <minsi>, %select_n3A_948, %reduce_min3A_949 [1] : vector<49x49xi32> to vector<49xi32>
    %broadcast_in_dim3A_951 = vector.shape_cast %reduce_min3A_950 : vector<49xi32> to vector<49x1xi32>
    %iota3A_952 = tpu.iota {dimensions = array<i32: 1>} : vector<49x49xi32>
    %eq3A_953 = vector.broadcast %broadcast_in_dim3A_951 : vector<49x1xi32> to vector<49x49xi32>
    %eq3A_954 = arith.cmpi eq, %eq3A_953, %iota3A_952 : vector<49x49xi32>
    %convert_element_type3A_955 = arith.extui %eq3A_954 : vector<49x49xi1> to vector<49x49xi32>
    %convert_element_type3A_956 = arith.sitofp %convert_element_type3A_955 : vector<49x49xi32> to vector<49x49xf32>
    %slice3A_957 = vector.extract_strided_slice %div3A_41 {offsets = [20, 0, 0], sizes = [1, 49, 128], strides = [1, 1, 1]} : vector<32x49x128xf32> to vector<1x49x128xf32>
    %squeeze3A_958 = vector.shape_cast %slice3A_957 : vector<1x49x128xf32> to vector<49x128xf32>
    %dot_general3A_959 = arith.constant dense<0.000000e+00> : vector<49x128xf32>
    %dot_general3A_960 = tpu.matmul %convert_element_type3A_956, %squeeze3A_958, %dot_general3A_959 {dimension_numbers = #tpu.dot_dimension_numbers<[1], [0], [0], [1], [0, 0, 1, 1], [], []>, transpose_lhs_hint = false} : vector<49x49xf32>, vector<49x128xf32>, vector<49x128xf32> -> vector<49x128xf32>
    %neg3A_961 = arith.constant 0.000000e+00 : f32
    %neg3A_962 = vector.broadcast %neg3A_961 : f32 to vector<49x128xf32>
    %neg3A_963 = arith.subf %neg3A_962, %dot_general3A_960 : vector<49x128xf32>
    %slice3A_964 = vector.extract_strided_slice %sub3A_80 {offsets = [20, 0, 0], sizes = [1, 49, 128], strides = [1, 1, 1]} : vector<32x49x128xf32> to vector<1x49x128xf32>
    %squeeze3A_965 = vector.shape_cast %slice3A_964 : vector<1x49x128xf32> to vector<49x128xf32>
    %mul3A_966 = arith.mulf %neg3A_963, %squeeze3A_965 : vector<49x128xf32>
    %reduce_sum3A_967 = arith.constant dense<0.000000e+00> : vector<49xf32>
    %reduce_sum3A_968 = vector.multi_reduction <add>, %mul3A_966, %reduce_sum3A_967 [1] : vector<49x128xf32> to vector<49xf32>
    %reduce_sum3A_969 = vector.shape_cast %reduce_sum3A_968 : vector<49xf32> to vector<1x49xf32>
    %reduce_sum3A_970 = arith.constant dense<0.000000e+00> : vector<1xf32>
    %reduce_sum3A_971 = vector.multi_reduction <add>, %reduce_sum3A_969, %reduce_sum3A_970 [1] : vector<1x49xf32> to vector<1xf32>
    %reduce_sum3A_972 = vector.shape_cast %reduce_sum3A_971 : vector<1xf32> to vector<1x1xf32>
    %reduce_sum3A_973 = vector.extract %reduce_sum3A_972[0, 0] : f32 from vector<1x1xf32>
    %div3A_974 = arith.constant 4.900000e+01 : f32
    %div3A_975 = arith.divf %reduce_sum3A_973, %div3A_974 : f32
    %add3A_976 = arith.addf %add3A_933, %div3A_975 : f32
    %slice3A_977 = vector.extract_strided_slice %div3A_62 {offsets = [21, 0, 0], sizes = [1, 49, 128], strides = [1, 1, 1]} : vector<32x49x128xf32> to vector<1x49x128xf32>
    %squeeze3A_978 = vector.shape_cast %slice3A_977 : vector<1x49x128xf32> to vector<49x128xf32>
    %slice3A_979 = vector.extract_strided_slice %div3A_48 {offsets = [21, 0, 0], sizes = [1, 49, 128], strides = [1, 1, 1]} : vector<32x49x128xf32> to vector<1x49x128xf32>
    %squeeze3A_980 = vector.shape_cast %slice3A_979 : vector<1x49x128xf32> to vector<49x128xf32>
    %dot_general3A_981 = arith.constant dense<0.000000e+00> : vector<49x49xf32>
    %dot_general3A_982 = tpu.matmul %squeeze3A_978, %squeeze3A_980, %dot_general3A_981 {dimension_numbers = #tpu.dot_dimension_numbers<[1], [1], [0], [0], [0, 0, 1, 0], [], []>, transpose_lhs_hint = false} : vector<49x128xf32>, vector<49x128xf32>, vector<49x49xf32> -> vector<49x49xf32>
    %reduce_max3A_983 = arith.constant dense<0xFF800000> : vector<49xf32>
    %reduce_max3A_984 = vector.multi_reduction <maximumf>, %dot_general3A_982, %reduce_max3A_983 [1] : vector<49x49xf32> to vector<49xf32>
    %broadcast_in_dim3A_985 = vector.shape_cast %reduce_max3A_984 : vector<49xf32> to vector<49x1xf32>
    %iota3A_986 = tpu.iota {dimensions = array<i32: 1>} : vector<49x49xi32>
    %eq3A_987 = vector.broadcast %broadcast_in_dim3A_985 : vector<49x1xf32> to vector<49x49xf32>
    %eq3A_988 = arith.cmpf oeq, %dot_general3A_982, %eq3A_987 : vector<49x49xf32>
    %jit3A_989 = arith.constant 49 : i32
    %broadcast_in_dim3A_990 = vector.broadcast %jit3A_989 : i32 to vector<49x49xi32>
    %select_n3A_991 = arith.select %eq3A_988, %iota3A_986, %broadcast_in_dim3A_990 : vector<49x49xi1>, vector<49x49xi32>
    %reduce_min3A_992 = arith.constant dense<2147483647> : vector<49xi32>
    %reduce_min3A_993 = vector.multi_reduction <minsi>, %select_n3A_991, %reduce_min3A_992 [1] : vector<49x49xi32> to vector<49xi32>
    %broadcast_in_dim3A_994 = vector.shape_cast %reduce_min3A_993 : vector<49xi32> to vector<49x1xi32>
    %iota3A_995 = tpu.iota {dimensions = array<i32: 1>} : vector<49x49xi32>
    %eq3A_996 = vector.broadcast %broadcast_in_dim3A_994 : vector<49x1xi32> to vector<49x49xi32>
    %eq3A_997 = arith.cmpi eq, %eq3A_996, %iota3A_995 : vector<49x49xi32>
    %convert_element_type3A_998 = arith.extui %eq3A_997 : vector<49x49xi1> to vector<49x49xi32>
    %convert_element_type3A_999 = arith.sitofp %convert_element_type3A_998 : vector<49x49xi32> to vector<49x49xf32>
    %slice3A_1000 = vector.extract_strided_slice %div3A_41 {offsets = [21, 0, 0], sizes = [1, 49, 128], strides = [1, 1, 1]} : vector<32x49x128xf32> to vector<1x49x128xf32>
    %squeeze3A_1001 = vector.shape_cast %slice3A_1000 : vector<1x49x128xf32> to vector<49x128xf32>
    %dot_general3A_1002 = arith.constant dense<0.000000e+00> : vector<49x128xf32>
    %dot_general3A_1003 = tpu.matmul %convert_element_type3A_999, %squeeze3A_1001, %dot_general3A_1002 {dimension_numbers = #tpu.dot_dimension_numbers<[1], [0], [0], [1], [0, 0, 1, 1], [], []>, transpose_lhs_hint = false} : vector<49x49xf32>, vector<49x128xf32>, vector<49x128xf32> -> vector<49x128xf32>
    %neg3A_1004 = arith.constant 0.000000e+00 : f32
    %neg3A_1005 = vector.broadcast %neg3A_1004 : f32 to vector<49x128xf32>
    %neg3A_1006 = arith.subf %neg3A_1005, %dot_general3A_1003 : vector<49x128xf32>
    %slice3A_1007 = vector.extract_strided_slice %sub3A_80 {offsets = [21, 0, 0], sizes = [1, 49, 128], strides = [1, 1, 1]} : vector<32x49x128xf32> to vector<1x49x128xf32>
    %squeeze3A_1008 = vector.shape_cast %slice3A_1007 : vector<1x49x128xf32> to vector<49x128xf32>
    %mul3A_1009 = arith.mulf %neg3A_1006, %squeeze3A_1008 : vector<49x128xf32>
    %reduce_sum3A_1010 = arith.constant dense<0.000000e+00> : vector<49xf32>
    %reduce_sum3A_1011 = vector.multi_reduction <add>, %mul3A_1009, %reduce_sum3A_1010 [1] : vector<49x128xf32> to vector<49xf32>
    %reduce_sum3A_1012 = vector.shape_cast %reduce_sum3A_1011 : vector<49xf32> to vector<1x49xf32>
    %reduce_sum3A_1013 = arith.constant dense<0.000000e+00> : vector<1xf32>
    %reduce_sum3A_1014 = vector.multi_reduction <add>, %reduce_sum3A_1012, %reduce_sum3A_1013 [1] : vector<1x49xf32> to vector<1xf32>
    %reduce_sum3A_1015 = vector.shape_cast %reduce_sum3A_1014 : vector<1xf32> to vector<1x1xf32>
    %reduce_sum3A_1016 = vector.extract %reduce_sum3A_1015[0, 0] : f32 from vector<1x1xf32>
    %div3A_1017 = arith.constant 4.900000e+01 : f32
    %div3A_1018 = arith.divf %reduce_sum3A_1016, %div3A_1017 : f32
    %add3A_1019 = arith.addf %add3A_976, %div3A_1018 : f32
    %slice3A_1020 = vector.extract_strided_slice %div3A_62 {offsets = [22, 0, 0], sizes = [1, 49, 128], strides = [1, 1, 1]} : vector<32x49x128xf32> to vector<1x49x128xf32>
    %squeeze3A_1021 = vector.shape_cast %slice3A_1020 : vector<1x49x128xf32> to vector<49x128xf32>
    %slice3A_1022 = vector.extract_strided_slice %div3A_48 {offsets = [22, 0, 0], sizes = [1, 49, 128], strides = [1, 1, 1]} : vector<32x49x128xf32> to vector<1x49x128xf32>
    %squeeze3A_1023 = vector.shape_cast %slice3A_1022 : vector<1x49x128xf32> to vector<49x128xf32>
    %dot_general3A_1024 = arith.constant dense<0.000000e+00> : vector<49x49xf32>
    %dot_general3A_1025 = tpu.matmul %squeeze3A_1021, %squeeze3A_1023, %dot_general3A_1024 {dimension_numbers = #tpu.dot_dimension_numbers<[1], [1], [0], [0], [0, 0, 1, 0], [], []>, transpose_lhs_hint = false} : vector<49x128xf32>, vector<49x128xf32>, vector<49x49xf32> -> vector<49x49xf32>
    %reduce_max3A_1026 = arith.constant dense<0xFF800000> : vector<49xf32>
    %reduce_max3A_1027 = vector.multi_reduction <maximumf>, %dot_general3A_1025, %reduce_max3A_1026 [1] : vector<49x49xf32> to vector<49xf32>
    %broadcast_in_dim3A_1028 = vector.shape_cast %reduce_max3A_1027 : vector<49xf32> to vector<49x1xf32>
    %iota3A_1029 = tpu.iota {dimensions = array<i32: 1>} : vector<49x49xi32>
    %eq3A_1030 = vector.broadcast %broadcast_in_dim3A_1028 : vector<49x1xf32> to vector<49x49xf32>
    %eq3A_1031 = arith.cmpf oeq, %dot_general3A_1025, %eq3A_1030 : vector<49x49xf32>
    %jit3A_1032 = arith.constant 49 : i32
    %broadcast_in_dim3A_1033 = vector.broadcast %jit3A_1032 : i32 to vector<49x49xi32>
    %select_n3A_1034 = arith.select %eq3A_1031, %iota3A_1029, %broadcast_in_dim3A_1033 : vector<49x49xi1>, vector<49x49xi32>
    %reduce_min3A_1035 = arith.constant dense<2147483647> : vector<49xi32>
    %reduce_min3A_1036 = vector.multi_reduction <minsi>, %select_n3A_1034, %reduce_min3A_1035 [1] : vector<49x49xi32> to vector<49xi32>
    %broadcast_in_dim3A_1037 = vector.shape_cast %reduce_min3A_1036 : vector<49xi32> to vector<49x1xi32>
    %iota3A_1038 = tpu.iota {dimensions = array<i32: 1>} : vector<49x49xi32>
    %eq3A_1039 = vector.broadcast %broadcast_in_dim3A_1037 : vector<49x1xi32> to vector<49x49xi32>
    %eq3A_1040 = arith.cmpi eq, %eq3A_1039, %iota3A_1038 : vector<49x49xi32>
    %convert_element_type3A_1041 = arith.extui %eq3A_1040 : vector<49x49xi1> to vector<49x49xi32>
    %convert_element_type3A_1042 = arith.sitofp %convert_element_type3A_1041 : vector<49x49xi32> to vector<49x49xf32>
    %slice3A_1043 = vector.extract_strided_slice %div3A_41 {offsets = [22, 0, 0], sizes = [1, 49, 128], strides = [1, 1, 1]} : vector<32x49x128xf32> to vector<1x49x128xf32>
    %squeeze3A_1044 = vector.shape_cast %slice3A_1043 : vector<1x49x128xf32> to vector<49x128xf32>
    %dot_general3A_1045 = arith.constant dense<0.000000e+00> : vector<49x128xf32>
    %dot_general3A_1046 = tpu.matmul %convert_element_type3A_1042, %squeeze3A_1044, %dot_general3A_1045 {dimension_numbers = #tpu.dot_dimension_numbers<[1], [0], [0], [1], [0, 0, 1, 1], [], []>, transpose_lhs_hint = false} : vector<49x49xf32>, vector<49x128xf32>, vector<49x128xf32> -> vector<49x128xf32>
    %neg3A_1047 = arith.constant 0.000000e+00 : f32
    %neg3A_1048 = vector.broadcast %neg3A_1047 : f32 to vector<49x128xf32>
    %neg3A_1049 = arith.subf %neg3A_1048, %dot_general3A_1046 : vector<49x128xf32>
    %slice3A_1050 = vector.extract_strided_slice %sub3A_80 {offsets = [22, 0, 0], sizes = [1, 49, 128], strides = [1, 1, 1]} : vector<32x49x128xf32> to vector<1x49x128xf32>
    %squeeze3A_1051 = vector.shape_cast %slice3A_1050 : vector<1x49x128xf32> to vector<49x128xf32>
    %mul3A_1052 = arith.mulf %neg3A_1049, %squeeze3A_1051 : vector<49x128xf32>
    %reduce_sum3A_1053 = arith.constant dense<0.000000e+00> : vector<49xf32>
    %reduce_sum3A_1054 = vector.multi_reduction <add>, %mul3A_1052, %reduce_sum3A_1053 [1] : vector<49x128xf32> to vector<49xf32>
    %reduce_sum3A_1055 = vector.shape_cast %reduce_sum3A_1054 : vector<49xf32> to vector<1x49xf32>
    %reduce_sum3A_1056 = arith.constant dense<0.000000e+00> : vector<1xf32>
    %reduce_sum3A_1057 = vector.multi_reduction <add>, %reduce_sum3A_1055, %reduce_sum3A_1056 [1] : vector<1x49xf32> to vector<1xf32>
    %reduce_sum3A_1058 = vector.shape_cast %reduce_sum3A_1057 : vector<1xf32> to vector<1x1xf32>
    %reduce_sum3A_1059 = vector.extract %reduce_sum3A_1058[0, 0] : f32 from vector<1x1xf32>
    %div3A_1060 = arith.constant 4.900000e+01 : f32
    %div3A_1061 = arith.divf %reduce_sum3A_1059, %div3A_1060 : f32
    %add3A_1062 = arith.addf %add3A_1019, %div3A_1061 : f32
    %slice3A_1063 = vector.extract_strided_slice %div3A_62 {offsets = [23, 0, 0], sizes = [1, 49, 128], strides = [1, 1, 1]} : vector<32x49x128xf32> to vector<1x49x128xf32>
    %squeeze3A_1064 = vector.shape_cast %slice3A_1063 : vector<1x49x128xf32> to vector<49x128xf32>
    %slice3A_1065 = vector.extract_strided_slice %div3A_48 {offsets = [23, 0, 0], sizes = [1, 49, 128], strides = [1, 1, 1]} : vector<32x49x128xf32> to vector<1x49x128xf32>
    %squeeze3A_1066 = vector.shape_cast %slice3A_1065 : vector<1x49x128xf32> to vector<49x128xf32>
    %dot_general3A_1067 = arith.constant dense<0.000000e+00> : vector<49x49xf32>
    %dot_general3A_1068 = tpu.matmul %squeeze3A_1064, %squeeze3A_1066, %dot_general3A_1067 {dimension_numbers = #tpu.dot_dimension_numbers<[1], [1], [0], [0], [0, 0, 1, 0], [], []>, transpose_lhs_hint = false} : vector<49x128xf32>, vector<49x128xf32>, vector<49x49xf32> -> vector<49x49xf32>
    %reduce_max3A_1069 = arith.constant dense<0xFF800000> : vector<49xf32>
    %reduce_max3A_1070 = vector.multi_reduction <maximumf>, %dot_general3A_1068, %reduce_max3A_1069 [1] : vector<49x49xf32> to vector<49xf32>
    %broadcast_in_dim3A_1071 = vector.shape_cast %reduce_max3A_1070 : vector<49xf32> to vector<49x1xf32>
    %iota3A_1072 = tpu.iota {dimensions = array<i32: 1>} : vector<49x49xi32>
    %eq3A_1073 = vector.broadcast %broadcast_in_dim3A_1071 : vector<49x1xf32> to vector<49x49xf32>
    %eq3A_1074 = arith.cmpf oeq, %dot_general3A_1068, %eq3A_1073 : vector<49x49xf32>
    %jit3A_1075 = arith.constant 49 : i32
    %broadcast_in_dim3A_1076 = vector.broadcast %jit3A_1075 : i32 to vector<49x49xi32>
    %select_n3A_1077 = arith.select %eq3A_1074, %iota3A_1072, %broadcast_in_dim3A_1076 : vector<49x49xi1>, vector<49x49xi32>
    %reduce_min3A_1078 = arith.constant dense<2147483647> : vector<49xi32>
    %reduce_min3A_1079 = vector.multi_reduction <minsi>, %select_n3A_1077, %reduce_min3A_1078 [1] : vector<49x49xi32> to vector<49xi32>
    %broadcast_in_dim3A_1080 = vector.shape_cast %reduce_min3A_1079 : vector<49xi32> to vector<49x1xi32>
    %iota3A_1081 = tpu.iota {dimensions = array<i32: 1>} : vector<49x49xi32>
    %eq3A_1082 = vector.broadcast %broadcast_in_dim3A_1080 : vector<49x1xi32> to vector<49x49xi32>
    %eq3A_1083 = arith.cmpi eq, %eq3A_1082, %iota3A_1081 : vector<49x49xi32>
    %convert_element_type3A_1084 = arith.extui %eq3A_1083 : vector<49x49xi1> to vector<49x49xi32>
    %convert_element_type3A_1085 = arith.sitofp %convert_element_type3A_1084 : vector<49x49xi32> to vector<49x49xf32>
    %slice3A_1086 = vector.extract_strided_slice %div3A_41 {offsets = [23, 0, 0], sizes = [1, 49, 128], strides = [1, 1, 1]} : vector<32x49x128xf32> to vector<1x49x128xf32>
    %squeeze3A_1087 = vector.shape_cast %slice3A_1086 : vector<1x49x128xf32> to vector<49x128xf32>
    %dot_general3A_1088 = arith.constant dense<0.000000e+00> : vector<49x128xf32>
    %dot_general3A_1089 = tpu.matmul %convert_element_type3A_1085, %squeeze3A_1087, %dot_general3A_1088 {dimension_numbers = #tpu.dot_dimension_numbers<[1], [0], [0], [1], [0, 0, 1, 1], [], []>, transpose_lhs_hint = false} : vector<49x49xf32>, vector<49x128xf32>, vector<49x128xf32> -> vector<49x128xf32>
    %neg3A_1090 = arith.constant 0.000000e+00 : f32
    %neg3A_1091 = vector.broadcast %neg3A_1090 : f32 to vector<49x128xf32>
    %neg3A_1092 = arith.subf %neg3A_1091, %dot_general3A_1089 : vector<49x128xf32>
    %slice3A_1093 = vector.extract_strided_slice %sub3A_80 {offsets = [23, 0, 0], sizes = [1, 49, 128], strides = [1, 1, 1]} : vector<32x49x128xf32> to vector<1x49x128xf32>
    %squeeze3A_1094 = vector.shape_cast %slice3A_1093 : vector<1x49x128xf32> to vector<49x128xf32>
    %mul3A_1095 = arith.mulf %neg3A_1092, %squeeze3A_1094 : vector<49x128xf32>
    %reduce_sum3A_1096 = arith.constant dense<0.000000e+00> : vector<49xf32>
    %reduce_sum3A_1097 = vector.multi_reduction <add>, %mul3A_1095, %reduce_sum3A_1096 [1] : vector<49x128xf32> to vector<49xf32>
    %reduce_sum3A_1098 = vector.shape_cast %reduce_sum3A_1097 : vector<49xf32> to vector<1x49xf32>
    %reduce_sum3A_1099 = arith.constant dense<0.000000e+00> : vector<1xf32>
    %reduce_sum3A_1100 = vector.multi_reduction <add>, %reduce_sum3A_1098, %reduce_sum3A_1099 [1] : vector<1x49xf32> to vector<1xf32>
    %reduce_sum3A_1101 = vector.shape_cast %reduce_sum3A_1100 : vector<1xf32> to vector<1x1xf32>
    %reduce_sum3A_1102 = vector.extract %reduce_sum3A_1101[0, 0] : f32 from vector<1x1xf32>
    %div3A_1103 = arith.constant 4.900000e+01 : f32
    %div3A_1104 = arith.divf %reduce_sum3A_1102, %div3A_1103 : f32
    %add3A_1105 = arith.addf %add3A_1062, %div3A_1104 : f32
    %slice3A_1106 = vector.extract_strided_slice %div3A_62 {offsets = [24, 0, 0], sizes = [1, 49, 128], strides = [1, 1, 1]} : vector<32x49x128xf32> to vector<1x49x128xf32>
    %squeeze3A_1107 = vector.shape_cast %slice3A_1106 : vector<1x49x128xf32> to vector<49x128xf32>
    %slice3A_1108 = vector.extract_strided_slice %div3A_48 {offsets = [24, 0, 0], sizes = [1, 49, 128], strides = [1, 1, 1]} : vector<32x49x128xf32> to vector<1x49x128xf32>
    %squeeze3A_1109 = vector.shape_cast %slice3A_1108 : vector<1x49x128xf32> to vector<49x128xf32>
    %dot_general3A_1110 = arith.constant dense<0.000000e+00> : vector<49x49xf32>
    %dot_general3A_1111 = tpu.matmul %squeeze3A_1107, %squeeze3A_1109, %dot_general3A_1110 {dimension_numbers = #tpu.dot_dimension_numbers<[1], [1], [0], [0], [0, 0, 1, 0], [], []>, transpose_lhs_hint = false} : vector<49x128xf32>, vector<49x128xf32>, vector<49x49xf32> -> vector<49x49xf32>
    %reduce_max3A_1112 = arith.constant dense<0xFF800000> : vector<49xf32>
    %reduce_max3A_1113 = vector.multi_reduction <maximumf>, %dot_general3A_1111, %reduce_max3A_1112 [1] : vector<49x49xf32> to vector<49xf32>
    %broadcast_in_dim3A_1114 = vector.shape_cast %reduce_max3A_1113 : vector<49xf32> to vector<49x1xf32>
    %iota3A_1115 = tpu.iota {dimensions = array<i32: 1>} : vector<49x49xi32>
    %eq3A_1116 = vector.broadcast %broadcast_in_dim3A_1114 : vector<49x1xf32> to vector<49x49xf32>
    %eq3A_1117 = arith.cmpf oeq, %dot_general3A_1111, %eq3A_1116 : vector<49x49xf32>
    %jit3A_1118 = arith.constant 49 : i32
    %broadcast_in_dim3A_1119 = vector.broadcast %jit3A_1118 : i32 to vector<49x49xi32>
    %select_n3A_1120 = arith.select %eq3A_1117, %iota3A_1115, %broadcast_in_dim3A_1119 : vector<49x49xi1>, vector<49x49xi32>
    %reduce_min3A_1121 = arith.constant dense<2147483647> : vector<49xi32>
    %reduce_min3A_1122 = vector.multi_reduction <minsi>, %select_n3A_1120, %reduce_min3A_1121 [1] : vector<49x49xi32> to vector<49xi32>
    %broadcast_in_dim3A_1123 = vector.shape_cast %reduce_min3A_1122 : vector<49xi32> to vector<49x1xi32>
    %iota3A_1124 = tpu.iota {dimensions = array<i32: 1>} : vector<49x49xi32>
    %eq3A_1125 = vector.broadcast %broadcast_in_dim3A_1123 : vector<49x1xi32> to vector<49x49xi32>
    %eq3A_1126 = arith.cmpi eq, %eq3A_1125, %iota3A_1124 : vector<49x49xi32>
    %convert_element_type3A_1127 = arith.extui %eq3A_1126 : vector<49x49xi1> to vector<49x49xi32>
    %convert_element_type3A_1128 = arith.sitofp %convert_element_type3A_1127 : vector<49x49xi32> to vector<49x49xf32>
    %slice3A_1129 = vector.extract_strided_slice %div3A_41 {offsets = [24, 0, 0], sizes = [1, 49, 128], strides = [1, 1, 1]} : vector<32x49x128xf32> to vector<1x49x128xf32>
    %squeeze3A_1130 = vector.shape_cast %slice3A_1129 : vector<1x49x128xf32> to vector<49x128xf32>
    %dot_general3A_1131 = arith.constant dense<0.000000e+00> : vector<49x128xf32>
    %dot_general3A_1132 = tpu.matmul %convert_element_type3A_1128, %squeeze3A_1130, %dot_general3A_1131 {dimension_numbers = #tpu.dot_dimension_numbers<[1], [0], [0], [1], [0, 0, 1, 1], [], []>, transpose_lhs_hint = false} : vector<49x49xf32>, vector<49x128xf32>, vector<49x128xf32> -> vector<49x128xf32>
    %neg3A_1133 = arith.constant 0.000000e+00 : f32
    %neg3A_1134 = vector.broadcast %neg3A_1133 : f32 to vector<49x128xf32>
    %neg3A_1135 = arith.subf %neg3A_1134, %dot_general3A_1132 : vector<49x128xf32>
    %slice3A_1136 = vector.extract_strided_slice %sub3A_80 {offsets = [24, 0, 0], sizes = [1, 49, 128], strides = [1, 1, 1]} : vector<32x49x128xf32> to vector<1x49x128xf32>
    %squeeze3A_1137 = vector.shape_cast %slice3A_1136 : vector<1x49x128xf32> to vector<49x128xf32>
    %mul3A_1138 = arith.mulf %neg3A_1135, %squeeze3A_1137 : vector<49x128xf32>
    %reduce_sum3A_1139 = arith.constant dense<0.000000e+00> : vector<49xf32>
    %reduce_sum3A_1140 = vector.multi_reduction <add>, %mul3A_1138, %reduce_sum3A_1139 [1] : vector<49x128xf32> to vector<49xf32>
    %reduce_sum3A_1141 = vector.shape_cast %reduce_sum3A_1140 : vector<49xf32> to vector<1x49xf32>
    %reduce_sum3A_1142 = arith.constant dense<0.000000e+00> : vector<1xf32>
    %reduce_sum3A_1143 = vector.multi_reduction <add>, %reduce_sum3A_1141, %reduce_sum3A_1142 [1] : vector<1x49xf32> to vector<1xf32>
    %reduce_sum3A_1144 = vector.shape_cast %reduce_sum3A_1143 : vector<1xf32> to vector<1x1xf32>
    %reduce_sum3A_1145 = vector.extract %reduce_sum3A_1144[0, 0] : f32 from vector<1x1xf32>
    %div3A_1146 = arith.constant 4.900000e+01 : f32
    %div3A_1147 = arith.divf %reduce_sum3A_1145, %div3A_1146 : f32
    %add3A_1148 = arith.addf %add3A_1105, %div3A_1147 : f32
    %slice3A_1149 = vector.extract_strided_slice %div3A_62 {offsets = [25, 0, 0], sizes = [1, 49, 128], strides = [1, 1, 1]} : vector<32x49x128xf32> to vector<1x49x128xf32>
    %squeeze3A_1150 = vector.shape_cast %slice3A_1149 : vector<1x49x128xf32> to vector<49x128xf32>
    %slice3A_1151 = vector.extract_strided_slice %div3A_48 {offsets = [25, 0, 0], sizes = [1, 49, 128], strides = [1, 1, 1]} : vector<32x49x128xf32> to vector<1x49x128xf32>
    %squeeze3A_1152 = vector.shape_cast %slice3A_1151 : vector<1x49x128xf32> to vector<49x128xf32>
    %dot_general3A_1153 = arith.constant dense<0.000000e+00> : vector<49x49xf32>
    %dot_general3A_1154 = tpu.matmul %squeeze3A_1150, %squeeze3A_1152, %dot_general3A_1153 {dimension_numbers = #tpu.dot_dimension_numbers<[1], [1], [0], [0], [0, 0, 1, 0], [], []>, transpose_lhs_hint = false} : vector<49x128xf32>, vector<49x128xf32>, vector<49x49xf32> -> vector<49x49xf32>
    %reduce_max3A_1155 = arith.constant dense<0xFF800000> : vector<49xf32>
    %reduce_max3A_1156 = vector.multi_reduction <maximumf>, %dot_general3A_1154, %reduce_max3A_1155 [1] : vector<49x49xf32> to vector<49xf32>
    %broadcast_in_dim3A_1157 = vector.shape_cast %reduce_max3A_1156 : vector<49xf32> to vector<49x1xf32>
    %iota3A_1158 = tpu.iota {dimensions = array<i32: 1>} : vector<49x49xi32>
    %eq3A_1159 = vector.broadcast %broadcast_in_dim3A_1157 : vector<49x1xf32> to vector<49x49xf32>
    %eq3A_1160 = arith.cmpf oeq, %dot_general3A_1154, %eq3A_1159 : vector<49x49xf32>
    %jit3A_1161 = arith.constant 49 : i32
    %broadcast_in_dim3A_1162 = vector.broadcast %jit3A_1161 : i32 to vector<49x49xi32>
    %select_n3A_1163 = arith.select %eq3A_1160, %iota3A_1158, %broadcast_in_dim3A_1162 : vector<49x49xi1>, vector<49x49xi32>
    %reduce_min3A_1164 = arith.constant dense<2147483647> : vector<49xi32>
    %reduce_min3A_1165 = vector.multi_reduction <minsi>, %select_n3A_1163, %reduce_min3A_1164 [1] : vector<49x49xi32> to vector<49xi32>
    %broadcast_in_dim3A_1166 = vector.shape_cast %reduce_min3A_1165 : vector<49xi32> to vector<49x1xi32>
    %iota3A_1167 = tpu.iota {dimensions = array<i32: 1>} : vector<49x49xi32>
    %eq3A_1168 = vector.broadcast %broadcast_in_dim3A_1166 : vector<49x1xi32> to vector<49x49xi32>
    %eq3A_1169 = arith.cmpi eq, %eq3A_1168, %iota3A_1167 : vector<49x49xi32>
    %convert_element_type3A_1170 = arith.extui %eq3A_1169 : vector<49x49xi1> to vector<49x49xi32>
    %convert_element_type3A_1171 = arith.sitofp %convert_element_type3A_1170 : vector<49x49xi32> to vector<49x49xf32>
    %slice3A_1172 = vector.extract_strided_slice %div3A_41 {offsets = [25, 0, 0], sizes = [1, 49, 128], strides = [1, 1, 1]} : vector<32x49x128xf32> to vector<1x49x128xf32>
    %squeeze3A_1173 = vector.shape_cast %slice3A_1172 : vector<1x49x128xf32> to vector<49x128xf32>
    %dot_general3A_1174 = arith.constant dense<0.000000e+00> : vector<49x128xf32>
    %dot_general3A_1175 = tpu.matmul %convert_element_type3A_1171, %squeeze3A_1173, %dot_general3A_1174 {dimension_numbers = #tpu.dot_dimension_numbers<[1], [0], [0], [1], [0, 0, 1, 1], [], []>, transpose_lhs_hint = false} : vector<49x49xf32>, vector<49x128xf32>, vector<49x128xf32> -> vector<49x128xf32>
    %neg3A_1176 = arith.constant 0.000000e+00 : f32
    %neg3A_1177 = vector.broadcast %neg3A_1176 : f32 to vector<49x128xf32>
    %neg3A_1178 = arith.subf %neg3A_1177, %dot_general3A_1175 : vector<49x128xf32>
    %slice3A_1179 = vector.extract_strided_slice %sub3A_80 {offsets = [25, 0, 0], sizes = [1, 49, 128], strides = [1, 1, 1]} : vector<32x49x128xf32> to vector<1x49x128xf32>
    %squeeze3A_1180 = vector.shape_cast %slice3A_1179 : vector<1x49x128xf32> to vector<49x128xf32>
    %mul3A_1181 = arith.mulf %neg3A_1178, %squeeze3A_1180 : vector<49x128xf32>
    %reduce_sum3A_1182 = arith.constant dense<0.000000e+00> : vector<49xf32>
    %reduce_sum3A_1183 = vector.multi_reduction <add>, %mul3A_1181, %reduce_sum3A_1182 [1] : vector<49x128xf32> to vector<49xf32>
    %reduce_sum3A_1184 = vector.shape_cast %reduce_sum3A_1183 : vector<49xf32> to vector<1x49xf32>
    %reduce_sum3A_1185 = arith.constant dense<0.000000e+00> : vector<1xf32>
    %reduce_sum3A_1186 = vector.multi_reduction <add>, %reduce_sum3A_1184, %reduce_sum3A_1185 [1] : vector<1x49xf32> to vector<1xf32>
    %reduce_sum3A_1187 = vector.shape_cast %reduce_sum3A_1186 : vector<1xf32> to vector<1x1xf32>
    %reduce_sum3A_1188 = vector.extract %reduce_sum3A_1187[0, 0] : f32 from vector<1x1xf32>
    %div3A_1189 = arith.constant 4.900000e+01 : f32
    %div3A_1190 = arith.divf %reduce_sum3A_1188, %div3A_1189 : f32
    %add3A_1191 = arith.addf %add3A_1148, %div3A_1190 : f32
    %slice3A_1192 = vector.extract_strided_slice %div3A_62 {offsets = [26, 0, 0], sizes = [1, 49, 128], strides = [1, 1, 1]} : vector<32x49x128xf32> to vector<1x49x128xf32>
    %squeeze3A_1193 = vector.shape_cast %slice3A_1192 : vector<1x49x128xf32> to vector<49x128xf32>
    %slice3A_1194 = vector.extract_strided_slice %div3A_48 {offsets = [26, 0, 0], sizes = [1, 49, 128], strides = [1, 1, 1]} : vector<32x49x128xf32> to vector<1x49x128xf32>
    %squeeze3A_1195 = vector.shape_cast %slice3A_1194 : vector<1x49x128xf32> to vector<49x128xf32>
    %dot_general3A_1196 = arith.constant dense<0.000000e+00> : vector<49x49xf32>
    %dot_general3A_1197 = tpu.matmul %squeeze3A_1193, %squeeze3A_1195, %dot_general3A_1196 {dimension_numbers = #tpu.dot_dimension_numbers<[1], [1], [0], [0], [0, 0, 1, 0], [], []>, transpose_lhs_hint = false} : vector<49x128xf32>, vector<49x128xf32>, vector<49x49xf32> -> vector<49x49xf32>
    %reduce_max3A_1198 = arith.constant dense<0xFF800000> : vector<49xf32>
    %reduce_max3A_1199 = vector.multi_reduction <maximumf>, %dot_general3A_1197, %reduce_max3A_1198 [1] : vector<49x49xf32> to vector<49xf32>
    %broadcast_in_dim3A_1200 = vector.shape_cast %reduce_max3A_1199 : vector<49xf32> to vector<49x1xf32>
    %iota3A_1201 = tpu.iota {dimensions = array<i32: 1>} : vector<49x49xi32>
    %eq3A_1202 = vector.broadcast %broadcast_in_dim3A_1200 : vector<49x1xf32> to vector<49x49xf32>
    %eq3A_1203 = arith.cmpf oeq, %dot_general3A_1197, %eq3A_1202 : vector<49x49xf32>
    %jit3A_1204 = arith.constant 49 : i32
    %broadcast_in_dim3A_1205 = vector.broadcast %jit3A_1204 : i32 to vector<49x49xi32>
    %select_n3A_1206 = arith.select %eq3A_1203, %iota3A_1201, %broadcast_in_dim3A_1205 : vector<49x49xi1>, vector<49x49xi32>
    %reduce_min3A_1207 = arith.constant dense<2147483647> : vector<49xi32>
    %reduce_min3A_1208 = vector.multi_reduction <minsi>, %select_n3A_1206, %reduce_min3A_1207 [1] : vector<49x49xi32> to vector<49xi32>
    %broadcast_in_dim3A_1209 = vector.shape_cast %reduce_min3A_1208 : vector<49xi32> to vector<49x1xi32>
    %iota3A_1210 = tpu.iota {dimensions = array<i32: 1>} : vector<49x49xi32>
    %eq3A_1211 = vector.broadcast %broadcast_in_dim3A_1209 : vector<49x1xi32> to vector<49x49xi32>
    %eq3A_1212 = arith.cmpi eq, %eq3A_1211, %iota3A_1210 : vector<49x49xi32>
    %convert_element_type3A_1213 = arith.extui %eq3A_1212 : vector<49x49xi1> to vector<49x49xi32>
    %convert_element_type3A_1214 = arith.sitofp %convert_element_type3A_1213 : vector<49x49xi32> to vector<49x49xf32>
    %slice3A_1215 = vector.extract_strided_slice %div3A_41 {offsets = [26, 0, 0], sizes = [1, 49, 128], strides = [1, 1, 1]} : vector<32x49x128xf32> to vector<1x49x128xf32>
    %squeeze3A_1216 = vector.shape_cast %slice3A_1215 : vector<1x49x128xf32> to vector<49x128xf32>
    %dot_general3A_1217 = arith.constant dense<0.000000e+00> : vector<49x128xf32>
    %dot_general3A_1218 = tpu.matmul %convert_element_type3A_1214, %squeeze3A_1216, %dot_general3A_1217 {dimension_numbers = #tpu.dot_dimension_numbers<[1], [0], [0], [1], [0, 0, 1, 1], [], []>, transpose_lhs_hint = false} : vector<49x49xf32>, vector<49x128xf32>, vector<49x128xf32> -> vector<49x128xf32>
    %neg3A_1219 = arith.constant 0.000000e+00 : f32
    %neg3A_1220 = vector.broadcast %neg3A_1219 : f32 to vector<49x128xf32>
    %neg3A_1221 = arith.subf %neg3A_1220, %dot_general3A_1218 : vector<49x128xf32>
    %slice3A_1222 = vector.extract_strided_slice %sub3A_80 {offsets = [26, 0, 0], sizes = [1, 49, 128], strides = [1, 1, 1]} : vector<32x49x128xf32> to vector<1x49x128xf32>
    %squeeze3A_1223 = vector.shape_cast %slice3A_1222 : vector<1x49x128xf32> to vector<49x128xf32>
    %mul3A_1224 = arith.mulf %neg3A_1221, %squeeze3A_1223 : vector<49x128xf32>
    %reduce_sum3A_1225 = arith.constant dense<0.000000e+00> : vector<49xf32>
    %reduce_sum3A_1226 = vector.multi_reduction <add>, %mul3A_1224, %reduce_sum3A_1225 [1] : vector<49x128xf32> to vector<49xf32>
    %reduce_sum3A_1227 = vector.shape_cast %reduce_sum3A_1226 : vector<49xf32> to vector<1x49xf32>
    %reduce_sum3A_1228 = arith.constant dense<0.000000e+00> : vector<1xf32>
    %reduce_sum3A_1229 = vector.multi_reduction <add>, %reduce_sum3A_1227, %reduce_sum3A_1228 [1] : vector<1x49xf32> to vector<1xf32>
    %reduce_sum3A_1230 = vector.shape_cast %reduce_sum3A_1229 : vector<1xf32> to vector<1x1xf32>
    %reduce_sum3A_1231 = vector.extract %reduce_sum3A_1230[0, 0] : f32 from vector<1x1xf32>
    %div3A_1232 = arith.constant 4.900000e+01 : f32
    %div3A_1233 = arith.divf %reduce_sum3A_1231, %div3A_1232 : f32
    %add3A_1234 = arith.addf %add3A_1191, %div3A_1233 : f32
    %slice3A_1235 = vector.extract_strided_slice %div3A_62 {offsets = [27, 0, 0], sizes = [1, 49, 128], strides = [1, 1, 1]} : vector<32x49x128xf32> to vector<1x49x128xf32>
    %squeeze3A_1236 = vector.shape_cast %slice3A_1235 : vector<1x49x128xf32> to vector<49x128xf32>
    %slice3A_1237 = vector.extract_strided_slice %div3A_48 {offsets = [27, 0, 0], sizes = [1, 49, 128], strides = [1, 1, 1]} : vector<32x49x128xf32> to vector<1x49x128xf32>
    %squeeze3A_1238 = vector.shape_cast %slice3A_1237 : vector<1x49x128xf32> to vector<49x128xf32>
    %dot_general3A_1239 = arith.constant dense<0.000000e+00> : vector<49x49xf32>
    %dot_general3A_1240 = tpu.matmul %squeeze3A_1236, %squeeze3A_1238, %dot_general3A_1239 {dimension_numbers = #tpu.dot_dimension_numbers<[1], [1], [0], [0], [0, 0, 1, 0], [], []>, transpose_lhs_hint = false} : vector<49x128xf32>, vector<49x128xf32>, vector<49x49xf32> -> vector<49x49xf32>
    %reduce_max3A_1241 = arith.constant dense<0xFF800000> : vector<49xf32>
    %reduce_max3A_1242 = vector.multi_reduction <maximumf>, %dot_general3A_1240, %reduce_max3A_1241 [1] : vector<49x49xf32> to vector<49xf32>
    %broadcast_in_dim3A_1243 = vector.shape_cast %reduce_max3A_1242 : vector<49xf32> to vector<49x1xf32>
    %iota3A_1244 = tpu.iota {dimensions = array<i32: 1>} : vector<49x49xi32>
    %eq3A_1245 = vector.broadcast %broadcast_in_dim3A_1243 : vector<49x1xf32> to vector<49x49xf32>
    %eq3A_1246 = arith.cmpf oeq, %dot_general3A_1240, %eq3A_1245 : vector<49x49xf32>
    %jit3A_1247 = arith.constant 49 : i32
    %broadcast_in_dim3A_1248 = vector.broadcast %jit3A_1247 : i32 to vector<49x49xi32>
    %select_n3A_1249 = arith.select %eq3A_1246, %iota3A_1244, %broadcast_in_dim3A_1248 : vector<49x49xi1>, vector<49x49xi32>
    %reduce_min3A_1250 = arith.constant dense<2147483647> : vector<49xi32>
    %reduce_min3A_1251 = vector.multi_reduction <minsi>, %select_n3A_1249, %reduce_min3A_1250 [1] : vector<49x49xi32> to vector<49xi32>
    %broadcast_in_dim3A_1252 = vector.shape_cast %reduce_min3A_1251 : vector<49xi32> to vector<49x1xi32>
    %iota3A_1253 = tpu.iota {dimensions = array<i32: 1>} : vector<49x49xi32>
    %eq3A_1254 = vector.broadcast %broadcast_in_dim3A_1252 : vector<49x1xi32> to vector<49x49xi32>
    %eq3A_1255 = arith.cmpi eq, %eq3A_1254, %iota3A_1253 : vector<49x49xi32>
    %convert_element_type3A_1256 = arith.extui %eq3A_1255 : vector<49x49xi1> to vector<49x49xi32>
    %convert_element_type3A_1257 = arith.sitofp %convert_element_type3A_1256 : vector<49x49xi32> to vector<49x49xf32>
    %slice3A_1258 = vector.extract_strided_slice %div3A_41 {offsets = [27, 0, 0], sizes = [1, 49, 128], strides = [1, 1, 1]} : vector<32x49x128xf32> to vector<1x49x128xf32>
    %squeeze3A_1259 = vector.shape_cast %slice3A_1258 : vector<1x49x128xf32> to vector<49x128xf32>
    %dot_general3A_1260 = arith.constant dense<0.000000e+00> : vector<49x128xf32>
    %dot_general3A_1261 = tpu.matmul %convert_element_type3A_1257, %squeeze3A_1259, %dot_general3A_1260 {dimension_numbers = #tpu.dot_dimension_numbers<[1], [0], [0], [1], [0, 0, 1, 1], [], []>, transpose_lhs_hint = false} : vector<49x49xf32>, vector<49x128xf32>, vector<49x128xf32> -> vector<49x128xf32>
    %neg3A_1262 = arith.constant 0.000000e+00 : f32
    %neg3A_1263 = vector.broadcast %neg3A_1262 : f32 to vector<49x128xf32>
    %neg3A_1264 = arith.subf %neg3A_1263, %dot_general3A_1261 : vector<49x128xf32>
    %slice3A_1265 = vector.extract_strided_slice %sub3A_80 {offsets = [27, 0, 0], sizes = [1, 49, 128], strides = [1, 1, 1]} : vector<32x49x128xf32> to vector<1x49x128xf32>
    %squeeze3A_1266 = vector.shape_cast %slice3A_1265 : vector<1x49x128xf32> to vector<49x128xf32>
    %mul3A_1267 = arith.mulf %neg3A_1264, %squeeze3A_1266 : vector<49x128xf32>
    %reduce_sum3A_1268 = arith.constant dense<0.000000e+00> : vector<49xf32>
    %reduce_sum3A_1269 = vector.multi_reduction <add>, %mul3A_1267, %reduce_sum3A_1268 [1] : vector<49x128xf32> to vector<49xf32>
    %reduce_sum3A_1270 = vector.shape_cast %reduce_sum3A_1269 : vector<49xf32> to vector<1x49xf32>
    %reduce_sum3A_1271 = arith.constant dense<0.000000e+00> : vector<1xf32>
    %reduce_sum3A_1272 = vector.multi_reduction <add>, %reduce_sum3A_1270, %reduce_sum3A_1271 [1] : vector<1x49xf32> to vector<1xf32>
    %reduce_sum3A_1273 = vector.shape_cast %reduce_sum3A_1272 : vector<1xf32> to vector<1x1xf32>
    %reduce_sum3A_1274 = vector.extract %reduce_sum3A_1273[0, 0] : f32 from vector<1x1xf32>
    %div3A_1275 = arith.constant 4.900000e+01 : f32
    %div3A_1276 = arith.divf %reduce_sum3A_1274, %div3A_1275 : f32
    %add3A_1277 = arith.addf %add3A_1234, %div3A_1276 : f32
    %slice3A_1278 = vector.extract_strided_slice %div3A_62 {offsets = [28, 0, 0], sizes = [1, 49, 128], strides = [1, 1, 1]} : vector<32x49x128xf32> to vector<1x49x128xf32>
    %squeeze3A_1279 = vector.shape_cast %slice3A_1278 : vector<1x49x128xf32> to vector<49x128xf32>
    %slice3A_1280 = vector.extract_strided_slice %div3A_48 {offsets = [28, 0, 0], sizes = [1, 49, 128], strides = [1, 1, 1]} : vector<32x49x128xf32> to vector<1x49x128xf32>
    %squeeze3A_1281 = vector.shape_cast %slice3A_1280 : vector<1x49x128xf32> to vector<49x128xf32>
    %dot_general3A_1282 = arith.constant dense<0.000000e+00> : vector<49x49xf32>
    %dot_general3A_1283 = tpu.matmul %squeeze3A_1279, %squeeze3A_1281, %dot_general3A_1282 {dimension_numbers = #tpu.dot_dimension_numbers<[1], [1], [0], [0], [0, 0, 1, 0], [], []>, transpose_lhs_hint = false} : vector<49x128xf32>, vector<49x128xf32>, vector<49x49xf32> -> vector<49x49xf32>
    %reduce_max3A_1284 = arith.constant dense<0xFF800000> : vector<49xf32>
    %reduce_max3A_1285 = vector.multi_reduction <maximumf>, %dot_general3A_1283, %reduce_max3A_1284 [1] : vector<49x49xf32> to vector<49xf32>
    %broadcast_in_dim3A_1286 = vector.shape_cast %reduce_max3A_1285 : vector<49xf32> to vector<49x1xf32>
    %iota3A_1287 = tpu.iota {dimensions = array<i32: 1>} : vector<49x49xi32>
    %eq3A_1288 = vector.broadcast %broadcast_in_dim3A_1286 : vector<49x1xf32> to vector<49x49xf32>
    %eq3A_1289 = arith.cmpf oeq, %dot_general3A_1283, %eq3A_1288 : vector<49x49xf32>
    %jit3A_1290 = arith.constant 49 : i32
    %broadcast_in_dim3A_1291 = vector.broadcast %jit3A_1290 : i32 to vector<49x49xi32>
    %select_n3A_1292 = arith.select %eq3A_1289, %iota3A_1287, %broadcast_in_dim3A_1291 : vector<49x49xi1>, vector<49x49xi32>
    %reduce_min3A_1293 = arith.constant dense<2147483647> : vector<49xi32>
    %reduce_min3A_1294 = vector.multi_reduction <minsi>, %select_n3A_1292, %reduce_min3A_1293 [1] : vector<49x49xi32> to vector<49xi32>
    %broadcast_in_dim3A_1295 = vector.shape_cast %reduce_min3A_1294 : vector<49xi32> to vector<49x1xi32>
    %iota3A_1296 = tpu.iota {dimensions = array<i32: 1>} : vector<49x49xi32>
    %eq3A_1297 = vector.broadcast %broadcast_in_dim3A_1295 : vector<49x1xi32> to vector<49x49xi32>
    %eq3A_1298 = arith.cmpi eq, %eq3A_1297, %iota3A_1296 : vector<49x49xi32>
    %convert_element_type3A_1299 = arith.extui %eq3A_1298 : vector<49x49xi1> to vector<49x49xi32>
    %convert_element_type3A_1300 = arith.sitofp %convert_element_type3A_1299 : vector<49x49xi32> to vector<49x49xf32>
    %slice3A_1301 = vector.extract_strided_slice %div3A_41 {offsets = [28, 0, 0], sizes = [1, 49, 128], strides = [1, 1, 1]} : vector<32x49x128xf32> to vector<1x49x128xf32>
    %squeeze3A_1302 = vector.shape_cast %slice3A_1301 : vector<1x49x128xf32> to vector<49x128xf32>
    %dot_general3A_1303 = arith.constant dense<0.000000e+00> : vector<49x128xf32>
    %dot_general3A_1304 = tpu.matmul %convert_element_type3A_1300, %squeeze3A_1302, %dot_general3A_1303 {dimension_numbers = #tpu.dot_dimension_numbers<[1], [0], [0], [1], [0, 0, 1, 1], [], []>, transpose_lhs_hint = false} : vector<49x49xf32>, vector<49x128xf32>, vector<49x128xf32> -> vector<49x128xf32>
    %neg3A_1305 = arith.constant 0.000000e+00 : f32
    %neg3A_1306 = vector.broadcast %neg3A_1305 : f32 to vector<49x128xf32>
    %neg3A_1307 = arith.subf %neg3A_1306, %dot_general3A_1304 : vector<49x128xf32>
    %slice3A_1308 = vector.extract_strided_slice %sub3A_80 {offsets = [28, 0, 0], sizes = [1, 49, 128], strides = [1, 1, 1]} : vector<32x49x128xf32> to vector<1x49x128xf32>
    %squeeze3A_1309 = vector.shape_cast %slice3A_1308 : vector<1x49x128xf32> to vector<49x128xf32>
    %mul3A_1310 = arith.mulf %neg3A_1307, %squeeze3A_1309 : vector<49x128xf32>
    %reduce_sum3A_1311 = arith.constant dense<0.000000e+00> : vector<49xf32>
    %reduce_sum3A_1312 = vector.multi_reduction <add>, %mul3A_1310, %reduce_sum3A_1311 [1] : vector<49x128xf32> to vector<49xf32>
    %reduce_sum3A_1313 = vector.shape_cast %reduce_sum3A_1312 : vector<49xf32> to vector<1x49xf32>
    %reduce_sum3A_1314 = arith.constant dense<0.000000e+00> : vector<1xf32>
    %reduce_sum3A_1315 = vector.multi_reduction <add>, %reduce_sum3A_1313, %reduce_sum3A_1314 [1] : vector<1x49xf32> to vector<1xf32>
    %reduce_sum3A_1316 = vector.shape_cast %reduce_sum3A_1315 : vector<1xf32> to vector<1x1xf32>
    %reduce_sum3A_1317 = vector.extract %reduce_sum3A_1316[0, 0] : f32 from vector<1x1xf32>
    %div3A_1318 = arith.constant 4.900000e+01 : f32
    %div3A_1319 = arith.divf %reduce_sum3A_1317, %div3A_1318 : f32
    %add3A_1320 = arith.addf %add3A_1277, %div3A_1319 : f32
    %slice3A_1321 = vector.extract_strided_slice %div3A_62 {offsets = [29, 0, 0], sizes = [1, 49, 128], strides = [1, 1, 1]} : vector<32x49x128xf32> to vector<1x49x128xf32>
    %squeeze3A_1322 = vector.shape_cast %slice3A_1321 : vector<1x49x128xf32> to vector<49x128xf32>
    %slice3A_1323 = vector.extract_strided_slice %div3A_48 {offsets = [29, 0, 0], sizes = [1, 49, 128], strides = [1, 1, 1]} : vector<32x49x128xf32> to vector<1x49x128xf32>
    %squeeze3A_1324 = vector.shape_cast %slice3A_1323 : vector<1x49x128xf32> to vector<49x128xf32>
    %dot_general3A_1325 = arith.constant dense<0.000000e+00> : vector<49x49xf32>
    %dot_general3A_1326 = tpu.matmul %squeeze3A_1322, %squeeze3A_1324, %dot_general3A_1325 {dimension_numbers = #tpu.dot_dimension_numbers<[1], [1], [0], [0], [0, 0, 1, 0], [], []>, transpose_lhs_hint = false} : vector<49x128xf32>, vector<49x128xf32>, vector<49x49xf32> -> vector<49x49xf32>
    %reduce_max3A_1327 = arith.constant dense<0xFF800000> : vector<49xf32>
    %reduce_max3A_1328 = vector.multi_reduction <maximumf>, %dot_general3A_1326, %reduce_max3A_1327 [1] : vector<49x49xf32> to vector<49xf32>
    %broadcast_in_dim3A_1329 = vector.shape_cast %reduce_max3A_1328 : vector<49xf32> to vector<49x1xf32>
    %iota3A_1330 = tpu.iota {dimensions = array<i32: 1>} : vector<49x49xi32>
    %eq3A_1331 = vector.broadcast %broadcast_in_dim3A_1329 : vector<49x1xf32> to vector<49x49xf32>
    %eq3A_1332 = arith.cmpf oeq, %dot_general3A_1326, %eq3A_1331 : vector<49x49xf32>
    %jit3A_1333 = arith.constant 49 : i32
    %broadcast_in_dim3A_1334 = vector.broadcast %jit3A_1333 : i32 to vector<49x49xi32>
    %select_n3A_1335 = arith.select %eq3A_1332, %iota3A_1330, %broadcast_in_dim3A_1334 : vector<49x49xi1>, vector<49x49xi32>
    %reduce_min3A_1336 = arith.constant dense<2147483647> : vector<49xi32>
    %reduce_min3A_1337 = vector.multi_reduction <minsi>, %select_n3A_1335, %reduce_min3A_1336 [1] : vector<49x49xi32> to vector<49xi32>
    %broadcast_in_dim3A_1338 = vector.shape_cast %reduce_min3A_1337 : vector<49xi32> to vector<49x1xi32>
    %iota3A_1339 = tpu.iota {dimensions = array<i32: 1>} : vector<49x49xi32>
    %eq3A_1340 = vector.broadcast %broadcast_in_dim3A_1338 : vector<49x1xi32> to vector<49x49xi32>
    %eq3A_1341 = arith.cmpi eq, %eq3A_1340, %iota3A_1339 : vector<49x49xi32>
    %convert_element_type3A_1342 = arith.extui %eq3A_1341 : vector<49x49xi1> to vector<49x49xi32>
    %convert_element_type3A_1343 = arith.sitofp %convert_element_type3A_1342 : vector<49x49xi32> to vector<49x49xf32>
    %slice3A_1344 = vector.extract_strided_slice %div3A_41 {offsets = [29, 0, 0], sizes = [1, 49, 128], strides = [1, 1, 1]} : vector<32x49x128xf32> to vector<1x49x128xf32>
    %squeeze3A_1345 = vector.shape_cast %slice3A_1344 : vector<1x49x128xf32> to vector<49x128xf32>
    %dot_general3A_1346 = arith.constant dense<0.000000e+00> : vector<49x128xf32>
    %dot_general3A_1347 = tpu.matmul %convert_element_type3A_1343, %squeeze3A_1345, %dot_general3A_1346 {dimension_numbers = #tpu.dot_dimension_numbers<[1], [0], [0], [1], [0, 0, 1, 1], [], []>, transpose_lhs_hint = false} : vector<49x49xf32>, vector<49x128xf32>, vector<49x128xf32> -> vector<49x128xf32>
    %neg3A_1348 = arith.constant 0.000000e+00 : f32
    %neg3A_1349 = vector.broadcast %neg3A_1348 : f32 to vector<49x128xf32>
    %neg3A_1350 = arith.subf %neg3A_1349, %dot_general3A_1347 : vector<49x128xf32>
    %slice3A_1351 = vector.extract_strided_slice %sub3A_80 {offsets = [29, 0, 0], sizes = [1, 49, 128], strides = [1, 1, 1]} : vector<32x49x128xf32> to vector<1x49x128xf32>
    %squeeze3A_1352 = vector.shape_cast %slice3A_1351 : vector<1x49x128xf32> to vector<49x128xf32>
    %mul3A_1353 = arith.mulf %neg3A_1350, %squeeze3A_1352 : vector<49x128xf32>
    %reduce_sum3A_1354 = arith.constant dense<0.000000e+00> : vector<49xf32>
    %reduce_sum3A_1355 = vector.multi_reduction <add>, %mul3A_1353, %reduce_sum3A_1354 [1] : vector<49x128xf32> to vector<49xf32>
    %reduce_sum3A_1356 = vector.shape_cast %reduce_sum3A_1355 : vector<49xf32> to vector<1x49xf32>
    %reduce_sum3A_1357 = arith.constant dense<0.000000e+00> : vector<1xf32>
    %reduce_sum3A_1358 = vector.multi_reduction <add>, %reduce_sum3A_1356, %reduce_sum3A_1357 [1] : vector<1x49xf32> to vector<1xf32>
    %reduce_sum3A_1359 = vector.shape_cast %reduce_sum3A_1358 : vector<1xf32> to vector<1x1xf32>
    %reduce_sum3A_1360 = vector.extract %reduce_sum3A_1359[0, 0] : f32 from vector<1x1xf32>
    %div3A_1361 = arith.constant 4.900000e+01 : f32
    %div3A_1362 = arith.divf %reduce_sum3A_1360, %div3A_1361 : f32
    %add3A_1363 = arith.addf %add3A_1320, %div3A_1362 : f32
    %slice3A_1364 = vector.extract_strided_slice %div3A_62 {offsets = [30, 0, 0], sizes = [1, 49, 128], strides = [1, 1, 1]} : vector<32x49x128xf32> to vector<1x49x128xf32>
    %squeeze3A_1365 = vector.shape_cast %slice3A_1364 : vector<1x49x128xf32> to vector<49x128xf32>
    %slice3A_1366 = vector.extract_strided_slice %div3A_48 {offsets = [30, 0, 0], sizes = [1, 49, 128], strides = [1, 1, 1]} : vector<32x49x128xf32> to vector<1x49x128xf32>
    %squeeze3A_1367 = vector.shape_cast %slice3A_1366 : vector<1x49x128xf32> to vector<49x128xf32>
    %dot_general3A_1368 = arith.constant dense<0.000000e+00> : vector<49x49xf32>
    %dot_general3A_1369 = tpu.matmul %squeeze3A_1365, %squeeze3A_1367, %dot_general3A_1368 {dimension_numbers = #tpu.dot_dimension_numbers<[1], [1], [0], [0], [0, 0, 1, 0], [], []>, transpose_lhs_hint = false} : vector<49x128xf32>, vector<49x128xf32>, vector<49x49xf32> -> vector<49x49xf32>
    %reduce_max3A_1370 = arith.constant dense<0xFF800000> : vector<49xf32>
    %reduce_max3A_1371 = vector.multi_reduction <maximumf>, %dot_general3A_1369, %reduce_max3A_1370 [1] : vector<49x49xf32> to vector<49xf32>
    %broadcast_in_dim3A_1372 = vector.shape_cast %reduce_max3A_1371 : vector<49xf32> to vector<49x1xf32>
    %iota3A_1373 = tpu.iota {dimensions = array<i32: 1>} : vector<49x49xi32>
    %eq3A_1374 = vector.broadcast %broadcast_in_dim3A_1372 : vector<49x1xf32> to vector<49x49xf32>
    %eq3A_1375 = arith.cmpf oeq, %dot_general3A_1369, %eq3A_1374 : vector<49x49xf32>
    %jit3A_1376 = arith.constant 49 : i32
    %broadcast_in_dim3A_1377 = vector.broadcast %jit3A_1376 : i32 to vector<49x49xi32>
    %select_n3A_1378 = arith.select %eq3A_1375, %iota3A_1373, %broadcast_in_dim3A_1377 : vector<49x49xi1>, vector<49x49xi32>
    %reduce_min3A_1379 = arith.constant dense<2147483647> : vector<49xi32>
    %reduce_min3A_1380 = vector.multi_reduction <minsi>, %select_n3A_1378, %reduce_min3A_1379 [1] : vector<49x49xi32> to vector<49xi32>
    %broadcast_in_dim3A_1381 = vector.shape_cast %reduce_min3A_1380 : vector<49xi32> to vector<49x1xi32>
    %iota3A_1382 = tpu.iota {dimensions = array<i32: 1>} : vector<49x49xi32>
    %eq3A_1383 = vector.broadcast %broadcast_in_dim3A_1381 : vector<49x1xi32> to vector<49x49xi32>
    %eq3A_1384 = arith.cmpi eq, %eq3A_1383, %iota3A_1382 : vector<49x49xi32>
    %convert_element_type3A_1385 = arith.extui %eq3A_1384 : vector<49x49xi1> to vector<49x49xi32>
    %convert_element_type3A_1386 = arith.sitofp %convert_element_type3A_1385 : vector<49x49xi32> to vector<49x49xf32>
    %slice3A_1387 = vector.extract_strided_slice %div3A_41 {offsets = [30, 0, 0], sizes = [1, 49, 128], strides = [1, 1, 1]} : vector<32x49x128xf32> to vector<1x49x128xf32>
    %squeeze3A_1388 = vector.shape_cast %slice3A_1387 : vector<1x49x128xf32> to vector<49x128xf32>
    %dot_general3A_1389 = arith.constant dense<0.000000e+00> : vector<49x128xf32>
    %dot_general3A_1390 = tpu.matmul %convert_element_type3A_1386, %squeeze3A_1388, %dot_general3A_1389 {dimension_numbers = #tpu.dot_dimension_numbers<[1], [0], [0], [1], [0, 0, 1, 1], [], []>, transpose_lhs_hint = false} : vector<49x49xf32>, vector<49x128xf32>, vector<49x128xf32> -> vector<49x128xf32>
    %neg3A_1391 = arith.constant 0.000000e+00 : f32
    %neg3A_1392 = vector.broadcast %neg3A_1391 : f32 to vector<49x128xf32>
    %neg3A_1393 = arith.subf %neg3A_1392, %dot_general3A_1390 : vector<49x128xf32>
    %slice3A_1394 = vector.extract_strided_slice %sub3A_80 {offsets = [30, 0, 0], sizes = [1, 49, 128], strides = [1, 1, 1]} : vector<32x49x128xf32> to vector<1x49x128xf32>
    %squeeze3A_1395 = vector.shape_cast %slice3A_1394 : vector<1x49x128xf32> to vector<49x128xf32>
    %mul3A_1396 = arith.mulf %neg3A_1393, %squeeze3A_1395 : vector<49x128xf32>
    %reduce_sum3A_1397 = arith.constant dense<0.000000e+00> : vector<49xf32>
    %reduce_sum3A_1398 = vector.multi_reduction <add>, %mul3A_1396, %reduce_sum3A_1397 [1] : vector<49x128xf32> to vector<49xf32>
    %reduce_sum3A_1399 = vector.shape_cast %reduce_sum3A_1398 : vector<49xf32> to vector<1x49xf32>
    %reduce_sum3A_1400 = arith.constant dense<0.000000e+00> : vector<1xf32>
    %reduce_sum3A_1401 = vector.multi_reduction <add>, %reduce_sum3A_1399, %reduce_sum3A_1400 [1] : vector<1x49xf32> to vector<1xf32>
    %reduce_sum3A_1402 = vector.shape_cast %reduce_sum3A_1401 : vector<1xf32> to vector<1x1xf32>
    %reduce_sum3A_1403 = vector.extract %reduce_sum3A_1402[0, 0] : f32 from vector<1x1xf32>
    %div3A_1404 = arith.constant 4.900000e+01 : f32
    %div3A_1405 = arith.divf %reduce_sum3A_1403, %div3A_1404 : f32
    %add3A_1406 = arith.addf %add3A_1363, %div3A_1405 : f32
    %slice3A_1407 = vector.extract_strided_slice %div3A_62 {offsets = [31, 0, 0], sizes = [1, 49, 128], strides = [1, 1, 1]} : vector<32x49x128xf32> to vector<1x49x128xf32>
    %squeeze3A_1408 = vector.shape_cast %slice3A_1407 : vector<1x49x128xf32> to vector<49x128xf32>
    %slice3A_1409 = vector.extract_strided_slice %div3A_48 {offsets = [31, 0, 0], sizes = [1, 49, 128], strides = [1, 1, 1]} : vector<32x49x128xf32> to vector<1x49x128xf32>
    %squeeze3A_1410 = vector.shape_cast %slice3A_1409 : vector<1x49x128xf32> to vector<49x128xf32>
    %dot_general3A_1411 = arith.constant dense<0.000000e+00> : vector<49x49xf32>
    %dot_general3A_1412 = tpu.matmul %squeeze3A_1408, %squeeze3A_1410, %dot_general3A_1411 {dimension_numbers = #tpu.dot_dimension_numbers<[1], [1], [0], [0], [0, 0, 1, 0], [], []>, transpose_lhs_hint = false} : vector<49x128xf32>, vector<49x128xf32>, vector<49x49xf32> -> vector<49x49xf32>
    %reduce_max3A_1413 = arith.constant dense<0xFF800000> : vector<49xf32>
    %reduce_max3A_1414 = vector.multi_reduction <maximumf>, %dot_general3A_1412, %reduce_max3A_1413 [1] : vector<49x49xf32> to vector<49xf32>
    %broadcast_in_dim3A_1415 = vector.shape_cast %reduce_max3A_1414 : vector<49xf32> to vector<49x1xf32>
    %iota3A_1416 = tpu.iota {dimensions = array<i32: 1>} : vector<49x49xi32>
    %eq3A_1417 = vector.broadcast %broadcast_in_dim3A_1415 : vector<49x1xf32> to vector<49x49xf32>
    %eq3A_1418 = arith.cmpf oeq, %dot_general3A_1412, %eq3A_1417 : vector<49x49xf32>
    %jit3A_1419 = arith.constant 49 : i32
    %broadcast_in_dim3A_1420 = vector.broadcast %jit3A_1419 : i32 to vector<49x49xi32>
    %select_n3A_1421 = arith.select %eq3A_1418, %iota3A_1416, %broadcast_in_dim3A_1420 : vector<49x49xi1>, vector<49x49xi32>
    %reduce_min3A_1422 = arith.constant dense<2147483647> : vector<49xi32>
    %reduce_min3A_1423 = vector.multi_reduction <minsi>, %select_n3A_1421, %reduce_min3A_1422 [1] : vector<49x49xi32> to vector<49xi32>
    %broadcast_in_dim3A_1424 = vector.shape_cast %reduce_min3A_1423 : vector<49xi32> to vector<49x1xi32>
    %iota3A_1425 = tpu.iota {dimensions = array<i32: 1>} : vector<49x49xi32>
    %eq3A_1426 = vector.broadcast %broadcast_in_dim3A_1424 : vector<49x1xi32> to vector<49x49xi32>
    %eq3A_1427 = arith.cmpi eq, %eq3A_1426, %iota3A_1425 : vector<49x49xi32>
    %convert_element_type3A_1428 = arith.extui %eq3A_1427 : vector<49x49xi1> to vector<49x49xi32>
    %convert_element_type3A_1429 = arith.sitofp %convert_element_type3A_1428 : vector<49x49xi32> to vector<49x49xf32>
    %slice3A_1430 = vector.extract_strided_slice %div3A_41 {offsets = [31, 0, 0], sizes = [1, 49, 128], strides = [1, 1, 1]} : vector<32x49x128xf32> to vector<1x49x128xf32>
    %squeeze3A_1431 = vector.shape_cast %slice3A_1430 : vector<1x49x128xf32> to vector<49x128xf32>
    %dot_general3A_1432 = arith.constant dense<0.000000e+00> : vector<49x128xf32>
    %dot_general3A_1433 = tpu.matmul %convert_element_type3A_1429, %squeeze3A_1431, %dot_general3A_1432 {dimension_numbers = #tpu.dot_dimension_numbers<[1], [0], [0], [1], [0, 0, 1, 1], [], []>, transpose_lhs_hint = false} : vector<49x49xf32>, vector<49x128xf32>, vector<49x128xf32> -> vector<49x128xf32>
    %neg3A_1434 = arith.constant 0.000000e+00 : f32
    %neg3A_1435 = vector.broadcast %neg3A_1434 : f32 to vector<49x128xf32>
    %neg3A_1436 = arith.subf %neg3A_1435, %dot_general3A_1433 : vector<49x128xf32>
    %slice3A_1437 = vector.extract_strided_slice %sub3A_80 {offsets = [31, 0, 0], sizes = [1, 49, 128], strides = [1, 1, 1]} : vector<32x49x128xf32> to vector<1x49x128xf32>
    %squeeze3A_1438 = vector.shape_cast %slice3A_1437 : vector<1x49x128xf32> to vector<49x128xf32>
    %mul3A_1439 = arith.mulf %neg3A_1436, %squeeze3A_1438 : vector<49x128xf32>
    %reduce_sum3A_1440 = arith.constant dense<0.000000e+00> : vector<49xf32>
    %reduce_sum3A_1441 = vector.multi_reduction <add>, %mul3A_1439, %reduce_sum3A_1440 [1] : vector<49x128xf32> to vector<49xf32>
    %reduce_sum3A_1442 = vector.shape_cast %reduce_sum3A_1441 : vector<49xf32> to vector<1x49xf32>
    %reduce_sum3A_1443 = arith.constant dense<0.000000e+00> : vector<1xf32>
    %reduce_sum3A_1444 = vector.multi_reduction <add>, %reduce_sum3A_1442, %reduce_sum3A_1443 [1] : vector<1x49xf32> to vector<1xf32>
    %reduce_sum3A_1445 = vector.shape_cast %reduce_sum3A_1444 : vector<1xf32> to vector<1x1xf32>
    %reduce_sum3A_1446 = vector.extract %reduce_sum3A_1445[0, 0] : f32 from vector<1x1xf32>
    %div3A_1447 = arith.constant 4.900000e+01 : f32
    %div3A_1448 = arith.divf %reduce_sum3A_1446, %div3A_1447 : f32
    %add3A_1449 = arith.addf %add3A_1406, %div3A_1448 : f32
    %get3A_1450 = arith.constant 0 : index
    %get3A_1451 = memref.load %arg10[%get3A_1450] : memref<1xf32, #tpu.memory_space<smem>>
    %mul3A_1452 = arith.constant 5.000000e-01 : f32
    %mul3A_1453 = arith.mulf %mul3A_1452, %add3A_1449 : f32
    %add3A_1454 = arith.addf %get3A_1451, %mul3A_1453 : f32
    %swap3A = arith.constant 0 : index
    %swap3A_1455 = memref.load %arg10[%swap3A] : memref<1xf32, #tpu.memory_space<smem>>
    memref.store %add3A_1454, %arg10[%swap3A] : memref<1xf32, #tpu.memory_space<smem>>
    %eq3A_1456 = arith.constant 1 : i32
    %eq3A_1457 = arith.cmpi eq, %arg0, %eq3A_1456 : i32
    %convert_element_type3A_1458 = arith.extui %eq3A_1457 : i1 to i32
    %cond3A_1459 = arith.constant 0 : i32
    %cond3A_1460 = arith.cmpi ne, %convert_element_type3A_1458, %cond3A_1459 : i32
    scf.if %cond3A_1460 {
      %get3A_1461 = arith.constant 0 : index
      %get3A_1462 = memref.load %arg10[%get3A_1461] : memref<1xf32, #tpu.memory_space<smem>>
      %div3A_1463 = arith.constant 6.400000e+01 : f32
      %div3A_1464 = arith.divf %get3A_1462, %div3A_1463 : f32
      %broadcast_in_dim3A_1465 = vector.broadcast %div3A_1464 : f32 to vector<1x1xf32>
      %swap3A_1466 = arith.constant 0 : index
      %swap3A_1467 = arith.constant 0 : index
      %swap3A_1468 = vector.load %arg9[%swap3A_1466, %swap3A_1467] : memref<1x1xf32, #tpu.memory_space<vmem>>, vector<1x1xf32>
      tpu.vector_store %arg9[%swap3A_1466, %swap3A_1467], %broadcast_in_dim3A_1465 {strides = array<i32>} : memref<1x1xf32, #tpu.memory_space<vmem>>, vector<1x1xf32>,
    } else {
    }
    return
  }
  func.func @transform_0(%arg0: i32) -> (i32, i32, i32) {
    %c0_i32 = arith.constant 0 : i32
    %c0_i32_0 = arith.constant 0 : i32
    %c0_i32_1 = arith.constant 0 : i32
    return %arg0, %c0_i32, %c0_i32_0 : i32, i32, i32
  }
  func.func @transform_1(%arg0: i32) -> (i32, i32, i32) {
    %c0_i32 = arith.constant 0 : i32
    %c0_i32_0 = arith.constant 0 : i32
    %c0_i32_1 = arith.constant 0 : i32
    return %arg0, %c0_i32, %c0_i32_0 : i32, i32, i32
  }
  func.func @transform_2(%arg0: i32) -> (i32, i32, i32) {
    %c0_i32 = arith.constant 0 : i32
    %c0_i32_0 = arith.constant 0 : i32
    %c0_i32_1 = arith.constant 0 : i32
    return %arg0, %c0_i32, %c0_i32_0 : i32, i32, i32
  }
  func.func @transform_3(%arg0: i32) -> (i32, i32, i32) {
    %c0_i32 = arith.constant 0 : i32
    %c0_i32_0 = arith.constant 0 : i32
    %c0_i32_1 = arith.constant 0 : i32
    return %arg0, %c0_i32, %c0_i32_0 : i32, i32, i32
  }
  func.func @transform_4(%arg0: i32) -> (i32, i32, i32) {
    %sub3A = arith.constant 1 : i32
    %sub3A_0 = arith.subi %sub3A, %arg0 : i32
    %c0_i32 = arith.constant 0 : i32
    %c0_i32_1 = arith.constant 0 : i32
    %c0_i32_2 = arith.constant 0 : i32
    return %sub3A_0, %c0_i32, %c0_i32_1 : i32, i32, i32
  }
  func.func @transform_5(%arg0: i32) -> (i32, i32, i32) {
    %sub3A = arith.constant 1 : i32
    %sub3A_0 = arith.subi %sub3A, %arg0 : i32
    %c0_i32 = arith.constant 0 : i32
    %c0_i32_1 = arith.constant 0 : i32
    %c0_i32_2 = arith.constant 0 : i32
    return %sub3A_0, %c0_i32, %c0_i32_1 : i32, i32, i32
  }
  func.func @transform_6(%arg0: i32) -> (i32, i32) {
    %c0_i32 = arith.constant 0 : i32
    %c0_i32_0 = arith.constant 0 : i32
    return %arg0, %c0_i32 : i32, i32
  }
  func.func @transform_7(%arg0: i32) -> (i32, i32) {
    %c0_i32 = arith.constant 0 : i32
    %c0_i32_0 = arith.constant 0 : i32
    %c0_i32_1 = arith.constant 0 : i32
    return %c0_i32, %c0_i32_0 : i32, i32
  }
  func.func @transform_8(%arg0: i32) -> (i32, i32) {
    %c0_i32 = arith.constant 0 : i32
    %c0_i32_0 = arith.constant 0 : i32
    %c0_i32_1 = arith.constant 0 : i32
    return %c0_i32, %c0_i32_0 : i32, i32
  }
}

</mosaic_0001>

<sc_bundles>
// kernel: kernel.8.cloned.1.call-start
scs
__scs_entry_jumppad:
0x0: {  	(pc) =	sbr.rel $0x88, $3  }
0x1: {  	(tag) =	ssettag $0x0;
	lr =	simm.s32 $0x1  }
0x2: {  	[smem:$0x3F97] =	sst lr;
	_ =	strace $0xD0000000  }
0x3: {  	_ = 	snop  }
0x4: {  	_ = 	snop  }
0x5: {  	_ = 	snop  }
0x6: {  	_ = 	snop  }
0x7: {  	_ = 	snop  }
__scs_overlays_trampoline_lowered:
0x8: {  	[smem:$0x3FA6] =	sst s0  }
0x9: {  	[smem:$0x3FA7] =	sst s1  }
0xa: {  	[smem:$0x3FA8] =	sst s2  }
0xb: {  	[smem:$0x3FA9] =	sst s3  }
0xc: {  	[smem:$0x3FAA] =	sst s4  }
0xd: {  	[smem:$0x3FAB] =	sst s5  }
0xe: {  	[smem:$0x3FAC] =	sst s6  }
0xf: {  	[smem:$0x3FAD] =	sst s7  }
0x10: {  	[smem:$0x3FAE] =	sst s8  }
0x11: {  	[smem:$0x3FAF] =	sst s9;
	s0 =	simm.s32 @!p0 $0x0  }
0x12: {  	s1 =	sld [smem:$0x3F95];
	s0 =	simm.s32 @p0 $0x1  }
0x13: {  	[smem:$0x3FB0] =	sst s0;
	s0 =	simm.s32 @!p1 $0x0  }
0x14: {  	s2 =	sld [smem:$0x3F94];
	s0 =	simm.s32 @p1 $0x1  }
0x15: {  	[smem:$0x3FB1] =	sst s0;
	s0 =	simm.s32 @!p2 $0x0  }
0x16: {  	s3 =	sld [smem:$0x3FDB];
	s0 =	simm.s32 @p2 $0x1  }
0x17: {  	s4 =	simm.s32 $0x1BF5;
	[smem:$0x3FB3] =	sst s0  }
0x18: {  	s0 =	sld [smem:$0x3F96];
	_ =	swait.ge [sflag:s4], $0x0  }
0x19: {  	s7 =	sld [smem:$0x3F97]  }
0x1a: {  	s8 =	sadd.s32 $0xFFFFE003, lr  }
0x1b: {  	s9 =	sadd.s32 $0xFFFFFEF7, lr;
	s5 =	simm.s32 $0xFFFFFFFF;
	p2 =	slt.u32 s8, $0xFFFFF086  }
0x1c: {  	p1 =	slt.u32 s9, $0xF7A;
	s5 =	simm.s32 @!p2 $0x0  }
0x1d: {  	s5 =	simm.s32 @p1 $0x1;
	p0 =	seq.s32 s7, s2  }
0x1e: {  	s7 =	smul.u32 @!p0 $0xF7A, s2;
	p2 =	seq.s32 @!p0 s5, $0x0  }
0x1f: {  	s9 =	smul.u32 $0xF7A, s1;
	s8 =	simm.s32 @!p0 $0x1BF5;
	p2 =	por !p2, p0  }
0x20: {  	[sflag:s8] =	ssyncset.s32 @!p0 $0xFFFFF086;
	s6 =	sadd.s32 @!p0 s3, s7;
	s7 =	simm.s32 @!p0 $0x108  }
0x21: {  	s3 =	sadd.s32 s3, s9;
	s6 =	sadd.s32 @!p0 $0x88, s6;
	s7 =	simm.s32 @p2 $0x1082  }
0x22: {  	[simem:s7], [sflag:s8] =	dma.local @!p0 [hbm:s6], $0xF7A  }
0x23: {  	s9 =	sor.u32 $0xD0000000, s2;
	s6 =	simm.s32 $0x108;
	_ =	swait.ge @!p0 [sflag:s8], $0x0  }
0x24: {  	s3 =	sadd.s32 $0x88, s3;
	s6 =	simm.s32 @!p1 $0x1082;
	[sflag:s4] =	ssyncset.s32 $0xFFFFF086  }
0x25: {  	[simem:s6], [sflag:s4] =	dma.local [hbm:s3], $0xF7A  }
0x26: {  	[smem:$0x3F97] =	sst s1;
	(tag) =	ssettag s2;
	_ =	strace s9  }
0x27: {  	s1 =	sld [smem:$0x3FA7]  }
0x28: {  	s2 =	sld [smem:$0x3FA8]  }
0x29: {  	s4 =	sld [smem:$0x3FAA]  }
0x2a: {  	p0 =	seq.s32 s5, $0x0;
	s5 =	sld [smem:$0x3FAB]  }
0x2b: {  	s6 =	sld [smem:$0x3FAC]  }
0x2c: {  	s7 =	sld [smem:$0x3FAD]  }
0x2d: {  	s3 =	simm.s32 $0x108;
	s8 =	sld [smem:$0x3FAE]  }
0x2e: {  	s3 =	simm.s32 @!p0 $0x1082;
	s9 =	sld [smem:$0x3FAF]  }
0x2f: {  	lr =	sadd.s32 s0, s3;
	s0 =	sld [smem:$0x3FA6]  }
0x30: {  	s3 =	sld [smem:$0x3FA9]  }
0x31: {  	[smem:$0x3FB2] =	sst s10  }
0x32: {  	s10 =	sld [smem:$0x3FB0];
	_ =	sdelay $0x3  }
0x33: {  	p0 =	seq.s32 s10, $0x1;
	s10 =	sld [smem:$0x3FB2];
	_ =	sdelay $0x3  }
0x34: {  	[smem:$0x3FB2] =	sst s10  }
0x35: {  	s10 =	sld [smem:$0x3FB1];
	_ =	sdelay $0x3  }
0x36: {  	p1 =	seq.s32 s10, $0x1;
	s10 =	sld [smem:$0x3FB2];
	_ =	sdelay $0x3  }
0x37: {  	[smem:$0x3FB2] =	sst s10  }
0x38: {  	s10 =	sld [smem:$0x3FB3]  }
0x39: {  	_ = 	snop;
	(pc) =	sbr.ind lr, $3  }
0x3a: {  	_ = 	snop  }
0x3b: {  	_ = 	snop  }
0x3c: {  	p2 =	seq.s32 s10, $0x1;
	s10 =	sld [smem:$0x3FB2]  }
0x3d: {  	_ =	shalt  }
0x3e: {  	_ =	shalt  }
0x3f: {  	_ =	shalt  }
0x40: {  	_ =	shalt  }
0x41: {  	_ =	shalt  }
0x42: {  	_ =	shalt  }
0x43: {  	_ =	shalt  }
0x44: {  	_ =	shalt  }
0x45: {  	_ =	shalt  }
0x46: {  	_ =	shalt  }
0x47: {  	_ =	shalt  }
0x48: {  	_ =	shalt  }
0x49: {  	_ =	shalt  }
0x4a: {  	_ =	shalt  }
0x4b: {  	_ =	shalt  }
0x4c: {  	_ =	shalt  }
0x4d: {  	_ =	shalt  }
0x4e: {  	_ =	shalt  }
0x4f: {  	_ =	shalt  }
0x50: {  	_ =	shalt  }
0x51: {  	_ =	shalt  }
0x52: {  	_ =	shalt  }
0x53: {  	_ =	shalt  }
0x54: {  	_ =	shalt  }
0x55: {  	_ =	shalt  }
0x56: {  	_ =	shalt  }
0x57: {  	_ =	shalt  }
0x58: {  	_ =	shalt  }
0x59: {  	_ =	shalt  }
0x5a: {  	_ =	shalt  }
0x5b: {  	_ =	shalt  }
0x5c: {  	_ =	shalt  }
0x5d: {  	_ =	shalt  }
0x5e: {  	_ =	shalt  }
0x5f: {  	_ =	shalt  }
0x60: {  	_ =	shalt  }
0x61: {  	_ =	shalt  }
0x62: {  	_ =	shalt  }
0x63: {  	_ =	shalt  }
0x64: {  	_ =	shalt  }
0x65: {  	_ =	shalt  }
0x66: {  	_ =	shalt  }
0x67: {  	_ =	shalt  }
0x68: {  	_ =	shalt  }
0x69: {  	_ =	shalt  }
0x6a: {  	_ =	shalt  }
0x6b: {  	_ =	shalt  }
0x6c: {  	_ =	shalt  }
0x6d: {  	_ =	shalt  }
0x6e: {  	_ =	shalt  }
0x6f: {  	_ =	shalt  }
0x70: {  	_ =	shalt  }
0x71: {  	_ =	shalt  }
0x72: {  	_ =	shalt  }
0x73: {  	_ =	shalt  }
0x74: {  	_ =	shalt  }
0x75: {  	_ =	shalt  }
0x76: {  	_ =	shalt  }
0x77: {  	_ =	shalt  }
0x78: {  	_ =	shalt  }
0x79: {  	_ =	shalt  }
0x7a: {  	_ =	shalt  }
0x7b: {  	_ =	shalt  }
0x7c: {  	_ =	shalt  }
0x7d: {  	_ =	shalt  }
0x7e: {  	_ =	shalt  }
0x7f: {  	_ =	shalt  }
0x80: {  	_ =	shalt  }
0x81: {  	_ =	shalt  }
0x82: {  	_ =	shalt  }
0x83: {  	_ =	shalt  }
0x84: {  	_ =	shalt  }
0x85: {  	_ =	shalt  }
0x86: {  	_ =	shalt  }
0x87: {  	_ =	shalt  }
.Lfunc_end0:
.L_simem_size_0:
called_computation_lowered:
.L_overlay_start_0:
0x88: {  	s2 =	sld [smem:$0x3FD9]  }
0x89: {  	s3 =	sld [smem:$0x3FFE];
	_ =	sdelay $0x1  }
0x8a: {  	s1 =	srdreg.scid  }
0x8b: {  	s0 =	sand.u32 $0x1, s1  }
0x8c: {  	s14 =	sshll.u32 s0, $0xA;
	s2 =	sadd.s32 s3, s2  }
0x8d: {  	s2 =	sadd.s32 s2, s14  }
0x8e: {  	[smem:$0x3FBE] =	sst s2  }
0x8f: {  	_ = 	snop  }
0x90: {  	s2 =	sld [smem:$0x3FD0];
	_ =	sdelay $0x2  }
0x91: {  	s4 =	simm.s32 $0xA;
	s5 =	simm.s32 $0x10;
	s15 =	sld [smem:$0x3FC3]  }
0x92: {  	[smem:s5], [sflag:s4] =	dma.local [hbm:s2], $0x1  }
0x93: {  	_ =	swait.eq [sflag:s4], $0x1  }
0x94: {  	[sflag:s4] =	ssyncset.done $0x0  }
0x95: {  	[sflag:s4] =	ssyncadd.s32 $0xFFFFFFFF  }
0x96: {  	s16 =	sld [smem:$0x11];
	(tm) =	ssettm $0x1  }
0x97: {  	s17 =	sld [smem:$0x3FFB];
	_ =	sdelay $0x3  }
0x98: {  	_ =	strace s17  }
0x99: {  	s4 =	sld [smem:$0x3FFC];
	_ =	sdelay $0x3  }
0x9a: {  	_ =	strace s4  }
0x9b: {  	s4 =	sld [smem:$0x3FFD];
	_ =	sdelay $0x3  }
0x9c: {  	_ =	strace s4  }
0x9d: {  	_ =	strace $0x8FFFFFFF  }
0x9e: {  	s18 =	sld [smem:$0x3FDB];
	_ =	sdelay $0x1  }
0x9f: {  	s19 =	simm.s32 $_scs_section_size  }
0xa0: {  	s6 =	simm.s32 $_size__tile_overlayer_lowered;
	s7 =	simm.s32 $_tile_overlayer_lowered  }
0xa1: {  	s22 =	simm.s32 $0x1BFF;
	s21 =	sshll.u32 s7, $0x1;
	s4 =	sadd.s32 s19, s18  }
0xa2: {  	s8 =	simm.s32 $0x0;
	s20 =	sshll.u32 s6, $0x1;
	s6 =	sadd.s32 s21, s4  }
0xa3: {  	[timem:s8], [sflag:s22] =	dma.local [hbm:s6], s20  }
0xa4: {  	_ =	swait.ge [sflag:s22], s20  }
0xa5: {  	s5 =	ssub.s32 $0x0, s20;
	[sflag:s22] =	ssyncset.done $0x0  }
0xa6: {  	[sflag:s22] =	ssyncadd.s32 s5;
	_ =	sdelay $0x1  }
0xa7: {  	s23 =	simm.s32 $0x1B8B  }
0xa8: {  	_ =	swait.ge [sflag:s23], $0x1  }
0xa9: {  	[sflag:s23] =	ssyncset.done $0x0  }
0xaa: {  	s25 =	simm.s32 $0x1B8E;
	s24 =	sld [smem:$0x3FFE];
	[sflag:s23] =	ssyncadd.s32 $0xFFFFFFFF  }
0xab: {  	s26 =	simm.s32 $execute0_lowered;
	[smem:$0x3FD2] =	sst s25  }
0xac: {  	s6 =	sshll.u32 s26, $0x1;
	_ =	strace $0x80000046;
	[dreg:$0x1] =	wrdreg $0xFFFFFFFF  }
0xad: {  	s28 =	simm.s32 $_size_execute0_lowered;
	s4 =	sadd.s32 s4, s6;
	[dreg:$0x0] =	wrdreg $0x0  }
0xae: {  	s6 =	sshll.u32 s28, $0x1;
	[dreg:$0x2] =	wrdreg s4  }
0xaf: {  	[dreg:$0x3] =	wrdreg s6  }
0xb0: {  	[dreg:$0x4] =	wrdreg $0xC0  }
0xb1: {  	_ =	task [dreg:s8], $0x5FFFF  }
0xb2: {  	[dreg:$0x1] =	wrdreg $0xFFFFFFFF  }
0xb3: {  	[dreg:$0x0] =	wrdreg $0x60  }
0xb4: {  	[dreg:$0x2] =	wrdreg s15  }
0xb5: {  	[dreg:$0x3] =	wrdreg s24  }
0xb6: {  	[dreg:$0x4] =	wrdreg s16  }
0xb7: {  	[dreg:$0x5] =	wrdreg $0x9  }
0xb8: {  	_ =	task.clear_ibuf [dreg:s8], $0x6FFFF;
	_ =	strace $0x90000046  }
0xb9: {  	s29 =	simm.s32 $0x9;
	_ =	strace $0x80000048  }
0xba: {  	_ =	swait.ge [sflag:s29], $0x1  }
0xbb: {  	[sflag:s29] =	ssyncadd.s32 $0xFFFFFFFF  }
0xbc: {  	_ =	strace $0x90000048  }
0xbd: {  	_ =	sfence  }
0xbe: {  	s30 =	sld [smem:$0x0];
	_ =	sdelay $0x2  }
0xbf: {  	s31 =	sshll.u32 s1, $0xD;
	s1 =	sshrl.u32 s1, $0x2  }
0xc0: {  	s3 =	sand.u32 $0x4000, s31;
	s1 =	sadd.s32 s1, s30  }
0xc1: {  	s0 =	sor.u32 s3, s0;
	s1 =	sshll.u32 s1, $0x11  }
0xc2: {  	s0 =	sor.u32 s1, s0  }
0xc3: {  	s0 =	sadd.s32 $0x8F2B, s0  }
0xc4: {  	[sflag:s0] =	ssyncadd.remote.s32 $0x1  }
0xc5: {  	_ =	sfence.sel $0xFFFF  }
0xc6: {  	[dreg:$0x0] =	wrdreg $0xFFFFFFFF;
	(pc) =	sbr.abs _section_cstart, $3  }
0xc7: {  	[dreg:$0x1] =	wrdreg $0xFFFFFFFF  }
0xc8: {  	_ =	task.clear_ibuf [dreg:s8], $0x2FFFF;
	_ =	strace $0x9FFFFFFF  }
0xc9: {  	(tm) =	ssettm $0x7FFFFFFF  }
tec
execute0_lowered:
.L_overlay_start_1:
0x0: {  	(tag) =	ssettag $0x1  }
0x1: {  	s0 =	rddreg [dreg:$0x0]  }
0x2: {  	s1 =	rddreg [dreg:$0x1]  }
0x3: {  	s2 =	rddreg [dreg:$0x2];
	s3 =	srdreg.scid  }
0x4: {  	s4 =	rddreg [dreg:$0x3];
	s3 =	sand.u32 $0x1, s3  }
0x5: {  	s5 =	simm.s32 $0x0;
	s6 =	stileid.u32;
	p1 =	seq.s32 s3, $0x1  }
0x6: {  	[smem:$0x7FF] =	sst s5;
	s3 =	sshll.u32 @!p1 s6, $0xC  }
0x7: {  	_ =	strace $0x80000047;
	s5 =	simm.s32 @!p1 $0x0;
	s0 =	sadd.s32 @!p1 s0, s3  }
0x8: {  	[tilespmem:s5], [sflag:$0x2] =	stream.linear.gather @!p1 [hbm4b:s0+s5], $0x8000, $0x38;
	[tilespmem:$0x9080] =	vst v63  }
0x9: {  	s0 =	simm.s32 @!p1 $0x2  }
0xa: {  	_ =	swait.ge @!p1 [sflag:s0], $0x8000  }
0xb: {  	[sflag:s0] =	ssyncset.done @!p1 $0x0  }
0xc: {  	s3 =	sadd.s32 @!p1 s2, s3;
	[sflag:s0] =	ssyncadd.s32 @!p1 $0xFFFF8000  }
0xd: {  	[hbm4b:s3+s5] =	stream.linear.scatter @!p1 [tilespmem:s5], [sflag:$0x2], $0x8000, $0x38;
	[tilespmem:$0x9080] =	vst v63  }
0xe: {  	_ =	swait.ge @!p1 [sflag:s0], $0x8000  }
0xf: {  	p0 =	sne.s32 @!p1 s6, $0x0;
	[sflag:s0] =	ssyncset.done @!p1 $0x0  }
0x10: {  	p0 =	por p0, p1;
	s3 =	sadd.s32 $0x1600, s1;
	[sflag:s0] =	ssyncadd.s32 @!p1 $0xFFFF8000  }
0x11: {  	s5 =	simm.s32 @!p0 $0x8000;
	s0 =	simm.s32 @!p0 $0x0;
	[bflag:$0x0] =	sbarrier.arrive @!p1 $0xFFFF  }
0x12: {  	[tilespmem:s5], [sflag:$0x2] =	stream.linear.gather @!p0 [hbm4b:s3+s0], $0x80, $0x38;
	[tilespmem:$0x9080] =	vst v63  }
0x13: {  	s3 =	simm.s32 @!p0 $0x2  }
0x14: {  	_ =	swait.ge @!p0 [sflag:s3], $0x80  }
0x15: {  	[sflag:s3] =	ssyncset.done @!p0 $0x0  }
0x16: {  	s7 =	simm.s32 @!p0 $0x8080;
	s1 =	sadd.s32 $0x1400, s1;
	[sflag:s3] =	ssyncadd.s32 @!p0 $0xFFFFFF80  }
0x17: {  	[tilespmem:s7], [sflag:$0x2] =	stream.linear.gather @!p0 [hbm4b:s1+s0], $0x1000, $0x38;
	[tilespmem:$0x9080] =	vst v63  }
0x18: {  	_ =	swait.ge @!p0 [sflag:s3], $0x1000  }
0x19: {  	[sflag:s3] =	ssyncset.done @!p0 $0x0  }
0x1a: {  	s0 =	simm.s32 @!p0 $0x20;
	[sflag:s3] =	ssyncadd.s32 @!p0 $0xFFFFF000  }
0x1b: {  	[hbm4b:s2+s0] =	stream.indirect.scatter @!p0 [tilespmem:s7], [sflag:$0x1], $0x80, s5, s0, $0xb8;
	[tilespmem:$0x9080] =	vst v63  }
0x1c: {  	s0 =	simm.s32 @!p0 $0x1  }
0x1d: {  	_ =	swait.ge @!p0 [sflag:s0], $0x1000  }
0x1e: {  	[sflag:s0] =	ssyncset.done @!p0 $0x0  }
0x1f: {  	[sflag:s0] =	ssyncadd.s32 @!p0 $0xFFFFF000  }
0x20: {  	_ =	sfence.sel $0x180000  }
0x21: {  	[bflag:$0x0] =	sbarrier.arrive $0xFFFF  }
0x22: {  	p0 =	sne.s32 s6, $0x0;
	_ =	strace $0x90000047  }
0x23: {  	s0 =	sadd.s32 @!p0 $0x100000, s4;
	[bflag:$0x2] =	sbarrier.arrive $0xFFFF  }
0x24: {  	[sflag:s0] =	ssyncadd.tile.s32 @!p0 $0x1;
	_ =	shalt  }
.Lfunc_end2:
_tile_overlayer_lowered:
.L_overlay_start_2:
0x25: {  	(tag) =	ssettag $0x2  }
0x26: {  	s0 =	rddreg [dreg:$0x0];
	s2 =	stileid.u32  }
0x27: {  	s1 =	rddreg [dreg:$0x1];
	p0 =	sne.s32 s2, $0x0  }
0x28: {  	s3 =	rddreg [dreg:$0x2];
	[bflag:$0x3] =	sbarrier.arrive $0xFFFF;
	s2 =	simm.s32 @!p0 $0x1C02  }
0x29: {  	[timem:s3], [sflag:s2] =	dma.local @!p0 [hbm:s0], s1  }
0x2a: {  	s0 =	simm.s32 @!p0 $0x2  }
0x2b: {  	_ =	swait.ge @!p0 [sflag:s0], s1  }
0x2c: {  	s1 =	ssub.s32 @!p0 $0x0, s1;
	[sflag:s0] =	ssyncset.done @!p0 $0x0  }
0x2d: {  	[sflag:s0] =	ssyncadd.s32 @!p0 s1  }
0x2e: {  	[bflag:$0x3] =	sbarrier.arrive $0xFFFF  }
0x2f: {  	_ =	shalt  }

</sc_bundles>
